<compile_context>
chip_gen: v7x
topology: tpu7x:2x2x1
jax: 0.10.2.dev20260603
libtpu: 0.0.44.dev20260713+nightly
codegen_flags: <defaults>
</compile_context>

<pallas_src>
import functools

import jax
import jax.numpy as jnp
from jax import lax
from jax.experimental import pallas as pl
from jax.experimental.pallas import tpu as pltpu
from jax.experimental.pallas import tpu_sc as plsc

D = 16
G = 8
FS = 8
NC = 2
NS = 16
NW = NC * NS
EPR = 128
U = 10
NZC = 32


def _feat_body(xp_ref, wj_ref, s_ref, o_ref, *, nj, nk):
    xp = xp_ref[...]
    sdot = jnp.dot(xp * xp, s_ref[...],
                   preferred_element_type=jnp.float32)
    w = wj_ref[...]
    m = jnp.dot(xp, w[0:G * FS], preferred_element_type=jnp.float32)
    for j in range(1, nj):
        m = jnp.minimum(
            m, jnp.dot(xp, w[j * G * FS:(j + 1) * G * FS],
                       preferred_element_type=jnp.float32))
    fd = m + sdot
    lane = lax.broadcasted_iota(jnp.int32, (1, 128), 1) % D
    o_ref[...] = jnp.where(lane == nk, 1.0,
                           jnp.where(lane < nk, fd, 0.0))


def _sc_body(edges_hbm, table_hbm, zeros_hbm, out_hbm,
             src_v, dst_v, rows_v, zbuf_v, agg_sh, gsem, ssem, isem,
             *, n_rows, s_rpt):
    c = lax.axis_index("c")
    s = lax.axis_index("s")
    wid = c * NS + s

    pltpu.sync_copy(zeros_hbm, zbuf_v)
    my0 = s * s_rpt

    def _zero(k, _):
        zch = s_rpt // NZC
        pltpu.sync_copy(zbuf_v, agg_sh.at[pl.ds(my0 + k * zch, zch)])
        return 0

    lax.fori_loop(0, NZC, _zero, 0)
    plsc.subcore_barrier()

    total_chunks = n_rows // U
    base_c = total_chunks // NW
    rem_c = total_chunks % NW
    n_chunks = base_c + jnp.where(wid < rem_c, 1, 0)
    start = (wid * base_c + jnp.minimum(wid, rem_c)) * U

    NB = 10
    A = 8

    def _idx_start(g, par):
        r0 = start + g * U
        pltpu.async_copy(edges_hbm.at[0, pl.ds(r0, U)], src_v.at[par], isem)
        pltpu.async_copy(edges_hbm.at[1, pl.ds(r0, U)], dst_v.at[par], isem)

    def _idx_wait(g, par):
        r0 = start + g * U
        pltpu.make_async_copy(
            edges_hbm.at[0, pl.ds(r0, U)], src_v.at[par], isem).wait()
        pltpu.make_async_copy(
            edges_hbm.at[1, pl.ds(r0, U)], dst_v.at[par], isem).wait()

    def _sca_wait_one(par):
        pltpu.make_async_copy(
            rows_v.at[0], agg_sh.at[dst_v.at[par, 0]], ssem).wait()

    @pl.when(n_chunks > 0)
    def _prologue():
        _idx_start(0, 0)

    def _chunk_body(g, par, first):
        _idx_wait(g, par)

        @pl.when(g + 1 < n_chunks)
        def _prefetch():
            _idx_start(g + 1, 1 - par)

        gat = {}
        for k in range(A):
            gat[k] = pltpu.async_copy(
                table_hbm.at[src_v.at[par, k]],
                rows_v.at[k % NB], gsem)
        for j in range(U):
            if not (first and j < NB - A):
                _sca_wait_one(par)
            if j + A < U:
                gat[j + A] = pltpu.async_copy(
                    table_hbm.at[src_v.at[par, j + A]],
                    rows_v.at[(j + A) % NB], gsem)
            gat[j].wait()
            pltpu.async_copy(
                rows_v.at[j % NB], agg_sh.at[dst_v.at[par, j]],
                ssem, add=True)

    @pl.when(n_chunks > 0)
    def _chunk0():
        _chunk_body(0, 0, True)

    def _chunk(g, _):
        _chunk_body(g, lax.rem(g, 2), False)
        return 0

    lax.fori_loop(1, n_chunks, _chunk, 0)

    def _drain(k, _):
        _sca_wait_one(0)
        return 0

    lax.fori_loop(0, jnp.minimum(NB - A, n_chunks * U), _drain, 0)

    def _tail(t, _):
        r = total_chunks * U + t
        pltpu.sync_copy(edges_hbm.at[0, pl.ds(r, 1)],
                        src_v.at[0].at[pl.ds(0, 1)])
        pltpu.sync_copy(edges_hbm.at[1, pl.ds(r, 1)],
                        dst_v.at[0].at[pl.ds(0, 1)])
        pltpu.async_copy(table_hbm.at[src_v.at[0, 0]],
                         rows_v.at[0], gsem).wait()
        pltpu.sync_copy(rows_v.at[0], agg_sh.at[dst_v.at[0, 0]], add=True)
        return 0

    n_tail = jnp.where(wid == NW - 1, n_rows - total_chunks * U, 0)
    lax.fori_loop(0, n_tail, _tail, 0)
    plsc.subcore_barrier()

    def _emit(k, _):
        zch = s_rpt // NZC
        r = my0 + k * zch
        pltpu.sync_copy(agg_sh.at[pl.ds(r, zch)], zbuf_v)
        pltpu.sync_copy(zbuf_v, out_hbm.at[c, pl.ds(r, zch)])
        return 0

    lax.fori_loop(0, NZC, _emit, 0)


def _final_body(tab_ref, p_ref, sel_ref, wtb_ref, st_ref, bp_ref, o_ref):
    a = p_ref[0] + p_ref[1]
    degb = jnp.dot(a, sel_ref[...],
                   preferred_element_type=jnp.float32)
    inv = 1.0 / jnp.maximum(degb, 1.0)
    h = 0.5 * (tab_ref[...] + a * inv) + st_ref[...]
    o = (jnp.dot(h, wtb_ref[...], preferred_element_type=jnp.float32)
         + bp_ref[...])
    o_ref[...] = o[0:o_ref.shape[0]]


def kernel(x, edge_index, templates, templates_features, W, b):
    n, f = x.shape
    e = edge_index.shape[1]
    nk, nj = templates_features.shape[0], templates_features.shape[1]
    nc = W.shape[0]
    s_rpt = NZC * -(-(n // NS + 1) // NZC)
    n_pad = NS * s_rpt
    npk = n_pad // G

    xg = jnp.concatenate([x, jnp.zeros((n_pad - n, f), x.dtype)])
    xpp = jnp.concatenate(
        [xg.reshape(npk, G, f),
         jnp.ones((npk, G, 1), jnp.float32),
         jnp.zeros((npk, G, FS - f - 1), jnp.float32)],
        axis=2).reshape(npk, G * FS)

    tf = templates_features
    tsq = jnp.sum(tf * tf, axis=2)
    w_small = jnp.zeros((nj, FS, D), jnp.float32)
    w_small = w_small.at[:, 0:f, 0:nk].set(-2.0 * jnp.transpose(tf, (1, 2, 0)))
    w_small = w_small.at[:, f, 0:nk].set(tsq.T - 1.0)
    eye = jnp.eye(G, dtype=jnp.float32)
    wj_big = jnp.stack(
        [jnp.kron(eye, w_small[j]) for j in range(nj)]
    ).reshape(nj * G * FS, G * D)
    s_big = jnp.kron(eye, jnp.ones((FS, D), jnp.float32))

    ow = 4
    sel_small = jnp.zeros((D, D), jnp.float32).at[nk, :].set(1.0)
    sel_big = jnp.kron(eye, sel_small)
    wt_small = jnp.zeros((D, ow), jnp.float32).at[0:nk, 0:nc].set(W.T)
    wt_big = jnp.kron(eye, wt_small)
    struct = jnp.mean(templates, axis=(1, 2))
    st_p = jnp.tile(jnp.pad(struct, (0, D - nk)), G).reshape(1, G * D)
    b_p = jnp.tile(jnp.pad(b, (0, ow - nc)), G).reshape(1, G * ow)

    blk = 3200
    grid1 = pl.cdiv(npk, blk)
    table_pk = pl.pallas_call(
        functools.partial(_feat_body, nj=nj, nk=nk),
        grid=(grid1,),
        in_specs=[
            pl.BlockSpec((blk, G * FS), lambda i: (i, 0)),
            pl.BlockSpec(wj_big.shape, lambda i: (0, 0)),
            pl.BlockSpec(s_big.shape, lambda i: (0, 0)),
        ],
        out_specs=pl.BlockSpec((blk, G * D), lambda i: (i, 0)),
        out_shape=jax.ShapeDtypeStruct((npk, G * D), jnp.float32),
    )(xpp, wj_big, s_big)
    table = table_pk.reshape(npk * G, D)

    if e % EPR:
        pad = EPR - e % EPR
        edge_index = jnp.concatenate(
            [edge_index,
             jnp.concatenate([jnp.zeros((1, pad), jnp.int32),
                              jnp.full((1, pad), n, jnp.int32)])], axis=1)
    n_rows = edge_index.shape[1] // EPR
    e3 = edge_index.reshape(2, n_rows, EPR)
    zeros_h = jnp.zeros((s_rpt // NZC, D), jnp.float32)

    mesh = plsc.VectorSubcoreMesh(core_axis_name="c", subcore_axis_name="s")
    parts = pl.kernel(
        functools.partial(_sc_body, n_rows=n_rows, s_rpt=s_rpt),
        out_type=jax.ShapeDtypeStruct((NC, n_pad, D), jnp.float32),
        mesh=mesh,
        scratch_types=[
            pltpu.VMEM((2, U, EPR), jnp.int32),
            pltpu.VMEM((2, U, EPR), jnp.int32),
            pltpu.VMEM((10, EPR, D), jnp.float32),
            pltpu.VMEM((s_rpt // NZC, D), jnp.float32),
            pltpu.VMEM_SHARED((n_pad, D), jnp.float32),
            pltpu.SemaphoreType.DMA,
            pltpu.SemaphoreType.DMA,
            pltpu.SemaphoreType.DMA,
        ],
        compiler_params=pltpu.CompilerParams(use_tc_tiling_on_sc=False),
    )(e3, table, zeros_h)
    parts_pk = parts.reshape(NC, npk, G * D)

    npo = n // G if n % G == 0 else npk
    out_pk = pl.pallas_call(
        _final_body,
        grid=(1,),
        in_specs=[
            pl.BlockSpec((npk, G * D), lambda i: (0, 0)),
            pl.BlockSpec((NC, npk, G * D), lambda i: (0, 0, 0)),
            pl.BlockSpec(sel_big.shape, lambda i: (0, 0)),
            pl.BlockSpec(wt_big.shape, lambda i: (0, 0)),
            pl.BlockSpec((1, G * D), lambda i: (0, 0)),
            pl.BlockSpec((1, G * ow), lambda i: (0, 0)),
        ],
        out_specs=pl.BlockSpec((npo, G * ow), lambda i: (0, 0)),
        out_shape=jax.ShapeDtypeStruct((npo, G * ow), jnp.float32),
    )(table_pk, parts_pk, sel_big, wt_big, st_p, b_p)

    return out_pk.reshape(npo * G, ow)[:n, :nc]

# --- scband reference (transcript-rebuilt; emitter-appended) ---
"""Pipeline reference for scband-ot-gnn-layer-10977936409019 (READ-ONLY COPY).

The authoritative reference and input builder live on the scoring server;
editing this copy changes nothing except your own understanding.
"""

import jax, jax.numpy as jnp
import numpy as np

N_NODES = 100000
N_EDGES = 1600000
N_FEATURES = 3
N_TEMPLATES = 10
N_T_NODES = 5
N_CLASSES = 3


def setup_inputs(seed: int = 0) -> dict:
    key = jax.random.key(seed)
    k1, k2, k3, k4, k5, k6 = jax.random.split(key, 6)
    x = jax.random.normal(k1, (N_NODES, N_FEATURES), dtype=jnp.float32)
    edge_index = jax.random.randint(k2, (2, N_EDGES), 0, N_NODES, dtype=jnp.int32)
    # learned params (match torch init: uniform_ for templates, kaiming-ish for Linear)
    templates = jax.random.uniform(k3, (N_TEMPLATES, N_T_NODES, N_T_NODES), dtype=jnp.float32)
    templates_features = jax.random.uniform(k4, (N_TEMPLATES, N_T_NODES, N_FEATURES), dtype=jnp.float32)
    lim = 1.0 / np.sqrt(N_TEMPLATES)
    W = jax.random.uniform(k5, (N_CLASSES, N_TEMPLATES), minval=-lim, maxval=lim, dtype=jnp.float32)
    b = jax.random.uniform(k6, (N_CLASSES,), minval=-lim, maxval=lim, dtype=jnp.float32)
    return {"x": x, "edge_index": edge_index, "templates": templates,
            "templates_features": templates_features, "W": W, "b": b}


def _distance_to_template(x, edge_index, templates_features, templates):
    # Simplified local TFGW: per-node cost to each template node's features,
    # min over template nodes (Wasserstein with Dirac source mass),
    # averaged over the 1-hop in-neighborhood via scatter-mean,
    # plus a structure bias derived from template adjacency.
    src = edge_index[0]
    dst = edge_index[1]
    # pairwise squared distances node feature <-> template node features: [N, K, J]
    diff = x[:, None, None, :] - templates_features[None, :, :, :]
    M = jnp.sum(diff * diff, axis=-1)
    feat_dist = jnp.min(M, axis=-1)  # [N, K]
    # gather per-edge source distances, scatter-mean onto destinations
    nbr = jnp.take(feat_dist, src, axis=0)  # [E, K]
    agg = jax.ops.segment_sum(nbr, dst, num_segments=x.shape[0])
    deg = jax.ops.segment_sum(jnp.ones((src.shape[0],), dtype=x.dtype), dst,
                              num_segments=x.shape[0])
    neigh_mean = agg / jnp.clip(deg, 1.0)[:, None]
    # structure term: mean template edge weight per template
    struct = jnp.mean(templates, axis=(1, 2))  # [K]
    return 0.5 * (feat_dist + neigh_mean) + struct[None, :]


def reference(x, edge_index, templates, templates_features, W, b):
    h = _distance_to_template(x, edge_index, templates_features, templates)  # [N, K]
    out = h @ W.T + b  # [N, n_classes]
    return out

if __name__ == "__main__":
    import jax
    _d = setup_inputs()
    print(jax.jit(kernel)(*tuple(_d.values())))

</pallas_src>

<mosaic_0001>
#map = affine_map<(d0, d1) -> (0, 0, 0)>
#map1 = affine_map<(d0, d1) -> (0, 0)>
module attributes {stable_mosaic.version = 14 : i64} {
  func.func @_sc_body(%arg0: i32, %arg1: i32, %arg2: memref<2x12500x128xi32, #tpu.memory_space<hbm>>, %arg3: memref<100352x16xf32, #tpu.memory_space<hbm>>, %arg4: memref<196x16xf32, #tpu.memory_space<hbm>>, %arg5: memref<2x100352x16xf32, #tpu.memory_space<hbm>>, %arg6: memref<2x10x128xi32, #tpu.memory_space<vmem>>, %arg7: memref<2x10x128xi32, #tpu.memory_space<vmem>>, %arg8: memref<10x128x16xf32, #tpu.memory_space<vmem>>, %arg9: memref<196x16xf32, #tpu.memory_space<vmem>>, %arg10: memref<100352x16xf32, #tpu.memory_space<vmem_shared>>, %arg11: memref<!tpu.dma_semaphore, #tpu.memory_space<semaphore_mem>>, %arg12: memref<!tpu.dma_semaphore, #tpu.memory_space<semaphore_mem>>, %arg13: memref<!tpu.dma_semaphore, #tpu.memory_space<semaphore_mem>>) attributes {dimension_semantics = [#tpu.dimension_semantics<core_parallel>, #tpu.dimension_semantics<subcore_parallel>], iteration_bounds = array<i64: 2, 16>, scalar_prefetch = 0 : i64, scratch_operands = 8 : i64, tpu.core_type = #tpu.core_type<sc_vector_subcore>, window_params = [{transform_indices = #map}, {transform_indices = #map1}, {transform_indices = #map1}, {transform_indices = #map}]} {
    %mul3A = arith.constant 16 : i32
    %mul3A_0 = arith.muli %arg0, %mul3A : i32
    %add3A = arith.addi %mul3A_0, %arg1 : i32
    "tpu.region"() ({
      %run_scoped3A = tpu.sem_alloc : memref<!tpu.dma_semaphore, #tpu.memory_space<semaphore_mem>>
      tpu.enqueue_dma source(%arg4 : memref<196x16xf32, #tpu.memory_space<hbm>>) target(%arg9 : memref<196x16xf32, #tpu.memory_space<vmem>>) target_semaphore(%run_scoped3A : memref<!tpu.dma_semaphore, #tpu.memory_space<semaphore_mem>>)
      tpu.wait_dma2 semaphore(%run_scoped3A : memref<!tpu.dma_semaphore, #tpu.memory_space<semaphore_mem>>) src(%arg4 : memref<196x16xf32, #tpu.memory_space<hbm>>) dst(%arg9 : memref<196x16xf32, #tpu.memory_space<vmem>>)
      tpu.yield
    }) : () -> ()
    %mul3A_1 = arith.constant 6272 : i32
    %mul3A_2 = arith.muli %arg1, %mul3A_1 : i32
    %scan3A = arith.constant 0 : i32
    %scan3A_3 = arith.constant 0 : i32
    %scan3A_4 = arith.constant 32 : i32
    %scan3A_5 = arith.addi %scan3A_3, %scan3A_4 : i32
    %scan3A_6 = arith.constant 1 : i32
    %scan3A_7 = scf.for %scan3A_77 = %scan3A_3 to %scan3A_5 step %scan3A_6 iter_args(%scan3A_78 = %scan3A) -> (i32)  : i32 {
      %mul3A_79 = arith.constant 196 : i32
      %mul3A_80 = arith.muli %scan3A_77, %mul3A_79 : i32
      %add3A_81 = arith.addi %mul3A_2, %mul3A_80 : i32
      "tpu.region"() ({
        %run_scoped3A = tpu.sem_alloc : memref<!tpu.dma_semaphore, #tpu.memory_space<semaphore_mem>>
        %dma_start3A = arith.constant 0 : i32
        %dma_start3A_83 = tpu.memref_slice %arg10[%add3A_81, %dma_start3A] : memref<100352x16xf32, #tpu.memory_space<vmem_shared>> -> memref<196x16xf32, #tpu.memory_space<vmem_shared>>
        %dma_start3A_84 = arith.constant 0 : i32
        %dma_start3A_85 = tpu.memref_slice %arg10[%add3A_81, %dma_start3A_84] : memref<100352x16xf32, #tpu.memory_space<vmem_shared>> -> memref<196x16xf32, #tpu.memory_space<vmem_shared>>
        tpu.enqueue_dma source(%arg9 : memref<196x16xf32, #tpu.memory_space<vmem>>) target(%dma_start3A_85 : memref<196x16xf32, #tpu.memory_space<vmem_shared>>) target_semaphore(%run_scoped3A : memref<!tpu.dma_semaphore, #tpu.memory_space<semaphore_mem>>)
        %dma_wait3A = arith.constant 0 : i32
        %dma_wait3A_86 = tpu.memref_slice %arg10[%add3A_81, %dma_wait3A] : memref<100352x16xf32, #tpu.memory_space<vmem_shared>> -> memref<196x16xf32, #tpu.memory_space<vmem_shared>>
        %dma_wait3A_87 = arith.constant 0 : i32
        %dma_wait3A_88 = tpu.memref_slice %arg10[%add3A_81, %dma_wait3A_87] : memref<100352x16xf32, #tpu.memory_space<vmem_shared>> -> memref<196x16xf32, #tpu.memory_space<vmem_shared>>
        tpu.wait_dma2 semaphore(%run_scoped3A : memref<!tpu.dma_semaphore, #tpu.memory_space<semaphore_mem>>) src(%arg9 : memref<196x16xf32, #tpu.memory_space<vmem>>) dst(%dma_wait3A_88 : memref<196x16xf32, #tpu.memory_space<vmem_shared>>)
        tpu.yield
      }) : () -> ()
      %scan3A_82 = arith.constant 0 : i32
      scf.yield %scan3A_82 : i32
    }
    %scan3A_8 = arith.constant 32 : i32
    %barrier3A = arith.constant 0 : index
    tpu.barrier barrier_id(%barrier3A)
    %lt3A = arith.constant 2 : i32
    %lt3A_9 = arith.cmpi slt, %add3A, %lt3A : i32
    %jit3A = arith.constant 1 : i32
    %jit3A_10 = arith.constant 0 : i32
    %select_n3A = arith.select %lt3A_9, %jit3A, %jit3A_10 : i32
    %add3A_11 = arith.constant 39 : i32
    %add3A_12 = arith.addi %add3A_11, %select_n3A : i32
    %mul3A_13 = arith.constant 39 : i32
    %mul3A_14 = arith.muli %add3A, %mul3A_13 : i32
    %min3A = arith.constant 2 : i32
    %min3A_15 = arith.minsi %add3A, %min3A : i32
    %add3A_16 = arith.addi %mul3A_14, %min3A_15 : i32
    %mul3A_17 = arith.constant 10 : i32
    %mul3A_18 = arith.muli %add3A_16, %mul3A_17 : i32
    %gt3A = arith.constant 0 : i32
    %gt3A_19 = arith.cmpi sgt, %add3A_12, %gt3A : i32
    %convert_element_type3A = arith.extui %gt3A_19 : i1 to i32
    %cond3A = arith.constant 0 : i32
    %cond3A_20 = arith.cmpi ne, %convert_element_type3A, %cond3A : i32
    scf.if %cond3A_20 {
      %add3A_77 = arith.constant 0 : i32
      %add3A_78 = arith.addi %mul3A_18, %add3A_77 : i32
      %dma_start3A = arith.constant 0 : i32
      %dma_start3A_79 = arith.constant 0 : i32
      %dma_start3A_80 = arith.constant 0 : i32
      %dma_start3A_81 = arith.constant 0 : i32
      %dma_start3A_82 = tpu.memref_slice %arg6[%dma_start3A_79, %dma_start3A_80, %dma_start3A_81] : memref<2x10x128xi32, #tpu.memory_space<vmem>> -> memref<1x10x128xi32, #tpu.memory_space<vmem>>
      %dma_start3A_83 = tpu.memref_squeeze %dma_start3A_82 : memref<1x10x128xi32, #tpu.memory_space<vmem>> -> memref<10x128xi32, #tpu.memory_space<vmem>>
      %dma_start3A_84 = arith.constant 0 : i32
      %dma_start3A_85 = tpu.memref_slice %arg2[%dma_start3A, %add3A_78, %dma_start3A_84] : memref<2x12500x128xi32, #tpu.memory_space<hbm>> -> memref<1x10x128xi32, #tpu.memory_space<hbm>>
      %dma_start3A_86 = tpu.memref_squeeze %dma_start3A_85 : memref<1x10x128xi32, #tpu.memory_space<hbm>> -> memref<10x128xi32, #tpu.memory_space<hbm>>
      %dma_start3A_87 = arith.constant 0 : i32
      %dma_start3A_88 = arith.constant 0 : i32
      %dma_start3A_89 = tpu.memref_slice %arg6[%dma_start3A_79, %dma_start3A_87, %dma_start3A_88] : memref<2x10x128xi32, #tpu.memory_space<vmem>> -> memref<1x10x128xi32, #tpu.memory_space<vmem>>
      %dma_start3A_90 = tpu.memref_squeeze %dma_start3A_89 : memref<1x10x128xi32, #tpu.memory_space<vmem>> -> memref<10x128xi32, #tpu.memory_space<vmem>>
      %dma_start3A_91 = arith.constant 0 : i32
      %dma_start3A_92 = tpu.memref_slice %arg2[%dma_start3A, %add3A_78, %dma_start3A_91] : memref<2x12500x128xi32, #tpu.memory_space<hbm>> -> memref<1x10x128xi32, #tpu.memory_space<hbm>>
      %dma_start3A_93 = tpu.memref_squeeze %dma_start3A_92 : memref<1x10x128xi32, #tpu.memory_space<hbm>> -> memref<10x128xi32, #tpu.memory_space<hbm>>
      tpu.enqueue_dma source(%dma_start3A_93 : memref<10x128xi32, #tpu.memory_space<hbm>>) target(%dma_start3A_90 : memref<10x128xi32, #tpu.memory_space<vmem>>) target_semaphore(%arg13 : memref<!tpu.dma_semaphore, #tpu.memory_space<semaphore_mem>>)
      %dma_start3A_94 = arith.constant 1 : i32
      %dma_start3A_95 = arith.constant 0 : i32
      %dma_start3A_96 = arith.constant 0 : i32
      %dma_start3A_97 = arith.constant 0 : i32
      %dma_start3A_98 = tpu.memref_slice %arg7[%dma_start3A_95, %dma_start3A_96, %dma_start3A_97] : memref<2x10x128xi32, #tpu.memory_space<vmem>> -> memref<1x10x128xi32, #tpu.memory_space<vmem>>
      %dma_start3A_99 = tpu.memref_squeeze %dma_start3A_98 : memref<1x10x128xi32, #tpu.memory_space<vmem>> -> memref<10x128xi32, #tpu.memory_space<vmem>>
      %dma_start3A_100 = arith.constant 0 : i32
      %dma_start3A_101 = tpu.memref_slice %arg2[%dma_start3A_94, %add3A_78, %dma_start3A_100] : memref<2x12500x128xi32, #tpu.memory_space<hbm>> -> memref<1x10x128xi32, #tpu.memory_space<hbm>>
      %dma_start3A_102 = tpu.memref_squeeze %dma_start3A_101 : memref<1x10x128xi32, #tpu.memory_space<hbm>> -> memref<10x128xi32, #tpu.memory_space<hbm>>
      %dma_start3A_103 = arith.constant 0 : i32
      %dma_start3A_104 = arith.constant 0 : i32
      %dma_start3A_105 = tpu.memref_slice %arg7[%dma_start3A_95, %dma_start3A_103, %dma_start3A_104] : memref<2x10x128xi32, #tpu.memory_space<vmem>> -> memref<1x10x128xi32, #tpu.memory_space<vmem>>
      %dma_start3A_106 = tpu.memref_squeeze %dma_start3A_105 : memref<1x10x128xi32, #tpu.memory_space<vmem>> -> memref<10x128xi32, #tpu.memory_space<vmem>>
      %dma_start3A_107 = arith.constant 0 : i32
      %dma_start3A_108 = tpu.memref_slice %arg2[%dma_start3A_94, %add3A_78, %dma_start3A_107] : memref<2x12500x128xi32, #tpu.memory_space<hbm>> -> memref<1x10x128xi32, #tpu.memory_space<hbm>>
      %dma_start3A_109 = tpu.memref_squeeze %dma_start3A_108 : memref<1x10x128xi32, #tpu.memory_space<hbm>> -> memref<10x128xi32, #tpu.memory_space<hbm>>
      tpu.enqueue_dma source(%dma_start3A_109 : memref<10x128xi32, #tpu.memory_space<hbm>>) target(%dma_start3A_106 : memref<10x128xi32, #tpu.memory_space<vmem>>) target_semaphore(%arg13 : memref<!tpu.dma_semaphore, #tpu.memory_space<semaphore_mem>>)
    } else {
    }
    %gt3A_21 = arith.constant 0 : i32
    %gt3A_22 = arith.cmpi sgt, %add3A_12, %gt3A_21 : i32
    %convert_element_type3A_23 = arith.extui %gt3A_22 : i1 to i32
    %cond3A_24 = arith.constant 0 : i32
    %cond3A_25 = arith.cmpi ne, %convert_element_type3A_23, %cond3A_24 : i32
    scf.if %cond3A_25 {
      %add3A_77 = arith.constant 0 : i32
      %add3A_78 = arith.addi %mul3A_18, %add3A_77 : i32
      %dma_wait3A = arith.constant 0 : i32
      %dma_wait3A_79 = arith.constant 0 : i32
      %dma_wait3A_80 = arith.constant 0 : i32
      %dma_wait3A_81 = arith.constant 0 : i32
      %dma_wait3A_82 = tpu.memref_slice %arg6[%dma_wait3A_79, %dma_wait3A_80, %dma_wait3A_81] : memref<2x10x128xi32, #tpu.memory_space<vmem>> -> memref<1x10x128xi32, #tpu.memory_space<vmem>>
      %dma_wait3A_83 = tpu.memref_squeeze %dma_wait3A_82 : memref<1x10x128xi32, #tpu.memory_space<vmem>> -> memref<10x128xi32, #tpu.memory_space<vmem>>
      %dma_wait3A_84 = arith.constant 0 : i32
      %dma_wait3A_85 = tpu.memref_slice %arg2[%dma_wait3A, %add3A_78, %dma_wait3A_84] : memref<2x12500x128xi32, #tpu.memory_space<hbm>> -> memref<1x10x128xi32, #tpu.memory_space<hbm>>
      %dma_wait3A_86 = tpu.memref_squeeze %dma_wait3A_85 : memref<1x10x128xi32, #tpu.memory_space<hbm>> -> memref<10x128xi32, #tpu.memory_space<hbm>>
      %dma_wait3A_87 = arith.constant 0 : i32
      %dma_wait3A_88 = arith.constant 0 : i32
      %dma_wait3A_89 = tpu.memref_slice %arg6[%dma_wait3A_79, %dma_wait3A_87, %dma_wait3A_88] : memref<2x10x128xi32, #tpu.memory_space<vmem>> -> memref<1x10x128xi32, #tpu.memory_space<vmem>>
      %dma_wait3A_90 = tpu.memref_squeeze %dma_wait3A_89 : memref<1x10x128xi32, #tpu.memory_space<vmem>> -> memref<10x128xi32, #tpu.memory_space<vmem>>
      %dma_wait3A_91 = arith.constant 0 : i32
      %dma_wait3A_92 = tpu.memref_slice %arg2[%dma_wait3A, %add3A_78, %dma_wait3A_91] : memref<2x12500x128xi32, #tpu.memory_space<hbm>> -> memref<1x10x128xi32, #tpu.memory_space<hbm>>
      %dma_wait3A_93 = tpu.memref_squeeze %dma_wait3A_92 : memref<1x10x128xi32, #tpu.memory_space<hbm>> -> memref<10x128xi32, #tpu.memory_space<hbm>>
      tpu.wait_dma2 semaphore(%arg13 : memref<!tpu.dma_semaphore, #tpu.memory_space<semaphore_mem>>) src(%dma_wait3A_93 : memref<10x128xi32, #tpu.memory_space<hbm>>) dst(%dma_wait3A_90 : memref<10x128xi32, #tpu.memory_space<vmem>>)
      %dma_wait3A_94 = arith.constant 1 : i32
      %dma_wait3A_95 = arith.constant 0 : i32
      %dma_wait3A_96 = arith.constant 0 : i32
      %dma_wait3A_97 = arith.constant 0 : i32
      %dma_wait3A_98 = tpu.memref_slice %arg7[%dma_wait3A_95, %dma_wait3A_96, %dma_wait3A_97] : memref<2x10x128xi32, #tpu.memory_space<vmem>> -> memref<1x10x128xi32, #tpu.memory_space<vmem>>
      %dma_wait3A_99 = tpu.memref_squeeze %dma_wait3A_98 : memref<1x10x128xi32, #tpu.memory_space<vmem>> -> memref<10x128xi32, #tpu.memory_space<vmem>>
      %dma_wait3A_100 = arith.constant 0 : i32
      %dma_wait3A_101 = tpu.memref_slice %arg2[%dma_wait3A_94, %add3A_78, %dma_wait3A_100] : memref<2x12500x128xi32, #tpu.memory_space<hbm>> -> memref<1x10x128xi32, #tpu.memory_space<hbm>>
      %dma_wait3A_102 = tpu.memref_squeeze %dma_wait3A_101 : memref<1x10x128xi32, #tpu.memory_space<hbm>> -> memref<10x128xi32, #tpu.memory_space<hbm>>
      %dma_wait3A_103 = arith.constant 0 : i32
      %dma_wait3A_104 = arith.constant 0 : i32
      %dma_wait3A_105 = tpu.memref_slice %arg7[%dma_wait3A_95, %dma_wait3A_103, %dma_wait3A_104] : memref<2x10x128xi32, #tpu.memory_space<vmem>> -> memref<1x10x128xi32, #tpu.memory_space<vmem>>
      %dma_wait3A_106 = tpu.memref_squeeze %dma_wait3A_105 : memref<1x10x128xi32, #tpu.memory_space<vmem>> -> memref<10x128xi32, #tpu.memory_space<vmem>>
      %dma_wait3A_107 = arith.constant 0 : i32
      %dma_wait3A_108 = tpu.memref_slice %arg2[%dma_wait3A_94, %add3A_78, %dma_wait3A_107] : memref<2x12500x128xi32, #tpu.memory_space<hbm>> -> memref<1x10x128xi32, #tpu.memory_space<hbm>>
      %dma_wait3A_109 = tpu.memref_squeeze %dma_wait3A_108 : memref<1x10x128xi32, #tpu.memory_space<hbm>> -> memref<10x128xi32, #tpu.memory_space<hbm>>
      tpu.wait_dma2 semaphore(%arg13 : memref<!tpu.dma_semaphore, #tpu.memory_space<semaphore_mem>>) src(%dma_wait3A_109 : memref<10x128xi32, #tpu.memory_space<hbm>>) dst(%dma_wait3A_106 : memref<10x128xi32, #tpu.memory_space<vmem>>)
      %gt3A_110 = arith.constant 1 : i32
      %gt3A_111 = arith.cmpi sgt, %add3A_12, %gt3A_110 : i32
      %convert_element_type3A_112 = arith.extui %gt3A_111 : i1 to i32
      %cond3A_113 = arith.constant 0 : i32
      %cond3A_114 = arith.cmpi ne, %convert_element_type3A_112, %cond3A_113 : i32
      scf.if %cond3A_114 {
        %add3A_608 = arith.constant 10 : i32
        %add3A_609 = arith.addi %mul3A_18, %add3A_608 : i32
        %dma_start3A_610 = arith.constant 0 : i32
        %dma_start3A_611 = arith.constant 1 : i32
        %dma_start3A_612 = arith.constant 0 : i32
        %dma_start3A_613 = arith.constant 0 : i32
        %dma_start3A_614 = tpu.memref_slice %arg6[%dma_start3A_611, %dma_start3A_612, %dma_start3A_613] : memref<2x10x128xi32, #tpu.memory_space<vmem>> -> memref<1x10x128xi32, #tpu.memory_space<vmem>>
        %dma_start3A_615 = tpu.memref_squeeze %dma_start3A_614 : memref<1x10x128xi32, #tpu.memory_space<vmem>> -> memref<10x128xi32, #tpu.memory_space<vmem>>
        %dma_start3A_616 = arith.constant 0 : i32
        %dma_start3A_617 = tpu.memref_slice %arg2[%dma_start3A_610, %add3A_609, %dma_start3A_616] : memref<2x12500x128xi32, #tpu.memory_space<hbm>> -> memref<1x10x128xi32, #tpu.memory_space<hbm>>
        %dma_start3A_618 = tpu.memref_squeeze %dma_start3A_617 : memref<1x10x128xi32, #tpu.memory_space<hbm>> -> memref<10x128xi32, #tpu.memory_space<hbm>>
        %dma_start3A_619 = arith.constant 0 : i32
        %dma_start3A_620 = arith.constant 0 : i32
        %dma_start3A_621 = tpu.memref_slice %arg6[%dma_start3A_611, %dma_start3A_619, %dma_start3A_620] : memref<2x10x128xi32, #tpu.memory_space<vmem>> -> memref<1x10x128xi32, #tpu.memory_space<vmem>>
        %dma_start3A_622 = tpu.memref_squeeze %dma_start3A_621 : memref<1x10x128xi32, #tpu.memory_space<vmem>> -> memref<10x128xi32, #tpu.memory_space<vmem>>
        %dma_start3A_623 = arith.constant 0 : i32
        %dma_start3A_624 = tpu.memref_slice %arg2[%dma_start3A_610, %add3A_609, %dma_start3A_623] : memref<2x12500x128xi32, #tpu.memory_space<hbm>> -> memref<1x10x128xi32, #tpu.memory_space<hbm>>
        %dma_start3A_625 = tpu.memref_squeeze %dma_start3A_624 : memref<1x10x128xi32, #tpu.memory_space<hbm>> -> memref<10x128xi32, #tpu.memory_space<hbm>>
        tpu.enqueue_dma source(%dma_start3A_625 : memref<10x128xi32, #tpu.memory_space<hbm>>) target(%dma_start3A_622 : memref<10x128xi32, #tpu.memory_space<vmem>>) target_semaphore(%arg13 : memref<!tpu.dma_semaphore, #tpu.memory_space<semaphore_mem>>)
        %dma_start3A_626 = arith.constant 1 : i32
        %dma_start3A_627 = arith.constant 1 : i32
        %dma_start3A_628 = arith.constant 0 : i32
        %dma_start3A_629 = arith.constant 0 : i32
        %dma_start3A_630 = tpu.memref_slice %arg7[%dma_start3A_627, %dma_start3A_628, %dma_start3A_629] : memref<2x10x128xi32, #tpu.memory_space<vmem>> -> memref<1x10x128xi32, #tpu.memory_space<vmem>>
        %dma_start3A_631 = tpu.memref_squeeze %dma_start3A_630 : memref<1x10x128xi32, #tpu.memory_space<vmem>> -> memref<10x128xi32, #tpu.memory_space<vmem>>
        %dma_start3A_632 = arith.constant 0 : i32
        %dma_start3A_633 = tpu.memref_slice %arg2[%dma_start3A_626, %add3A_609, %dma_start3A_632] : memref<2x12500x128xi32, #tpu.memory_space<hbm>> -> memref<1x10x128xi32, #tpu.memory_space<hbm>>
        %dma_start3A_634 = tpu.memref_squeeze %dma_start3A_633 : memref<1x10x128xi32, #tpu.memory_space<hbm>> -> memref<10x128xi32, #tpu.memory_space<hbm>>
        %dma_start3A_635 = arith.constant 0 : i32
        %dma_start3A_636 = arith.constant 0 : i32
        %dma_start3A_637 = tpu.memref_slice %arg7[%dma_start3A_627, %dma_start3A_635, %dma_start3A_636] : memref<2x10x128xi32, #tpu.memory_space<vmem>> -> memref<1x10x128xi32, #tpu.memory_space<vmem>>
        %dma_start3A_638 = tpu.memref_squeeze %dma_start3A_637 : memref<1x10x128xi32, #tpu.memory_space<vmem>> -> memref<10x128xi32, #tpu.memory_space<vmem>>
        %dma_start3A_639 = arith.constant 0 : i32
        %dma_start3A_640 = tpu.memref_slice %arg2[%dma_start3A_626, %add3A_609, %dma_start3A_639] : memref<2x12500x128xi32, #tpu.memory_space<hbm>> -> memref<1x10x128xi32, #tpu.memory_space<hbm>>
        %dma_start3A_641 = tpu.memref_squeeze %dma_start3A_640 : memref<1x10x128xi32, #tpu.memory_space<hbm>> -> memref<10x128xi32, #tpu.memory_space<hbm>>
        tpu.enqueue_dma source(%dma_start3A_641 : memref<10x128xi32, #tpu.memory_space<hbm>>) target(%dma_start3A_638 : memref<10x128xi32, #tpu.memory_space<vmem>>) target_semaphore(%arg13 : memref<!tpu.dma_semaphore, #tpu.memory_space<semaphore_mem>>)
      } else {
      }
      %dma_start3A = arith.constant 0 : i32
      %dma_start3A_115 = arith.constant 0 : i32
      %dma_start3A_116 = arith.constant 0 : i32
      %dma_start3A_117 = arith.constant 0 : i32
      %dma_start3A_118 = arith.constant 0 : i32
      %dma_start3A_119 = tpu.memref_slice %arg8[%dma_start3A_116, %dma_start3A_117, %dma_start3A_118] : memref<10x128x16xf32, #tpu.memory_space<vmem>> -> memref<1x128x16xf32, #tpu.memory_space<vmem>>
      %dma_start3A_120 = tpu.memref_squeeze %dma_start3A_119 : memref<1x128x16xf32, #tpu.memory_space<vmem>> -> memref<128x16xf32, #tpu.memory_space<vmem>>
      %dma_start3A_121 = arith.constant 0 : i32
      %dma_start3A_122 = tpu.memref_slice %arg6[%dma_start3A, %dma_start3A_115, %dma_start3A_121] : memref<2x10x128xi32, #tpu.memory_space<vmem>> -> memref<1x1x128xi32, #tpu.memory_space<vmem>>
      %dma_start3A_123 = tpu.memref_squeeze %dma_start3A_122 : memref<1x1x128xi32, #tpu.memory_space<vmem>> -> memref<128xi32, #tpu.memory_space<vmem>>
      %dma_start3A_124 = arith.constant 0 : i32
      %dma_start3A_125 = arith.constant 0 : i32
      %dma_start3A_126 = tpu.memref_slice %arg3[%dma_start3A_124, %dma_start3A_125] : memref<100352x16xf32, #tpu.memory_space<hbm>> -> memref<100352x16xf32, #tpu.memory_space<hbm>>
      tpu.enqueue_indirect_dma source(%dma_start3A_126 : memref<100352x16xf32, #tpu.memory_space<hbm>>) target(%dma_start3A_120 : memref<128x16xf32, #tpu.memory_space<vmem>>) offsets(%dma_start3A_123 : memref<128xi32, #tpu.memory_space<vmem>>) semaphore(%arg11 : memref<!tpu.dma_semaphore, #tpu.memory_space<semaphore_mem>>)
      %dma_start3A_127 = arith.constant 0 : i32
      %dma_start3A_128 = arith.constant 1 : i32
      %dma_start3A_129 = arith.constant 1 : i32
      %dma_start3A_130 = arith.constant 0 : i32
      %dma_start3A_131 = arith.constant 0 : i32
      %dma_start3A_132 = tpu.memref_slice %arg8[%dma_start3A_129, %dma_start3A_130, %dma_start3A_131] : memref<10x128x16xf32, #tpu.memory_space<vmem>> -> memref<1x128x16xf32, #tpu.memory_space<vmem>>
      %dma_start3A_133 = tpu.memref_squeeze %dma_start3A_132 : memref<1x128x16xf32, #tpu.memory_space<vmem>> -> memref<128x16xf32, #tpu.memory_space<vmem>>
      %dma_start3A_134 = arith.constant 0 : i32
      %dma_start3A_135 = tpu.memref_slice %arg6[%dma_start3A_127, %dma_start3A_128, %dma_start3A_134] : memref<2x10x128xi32, #tpu.memory_space<vmem>> -> memref<1x1x128xi32, #tpu.memory_space<vmem>>
      %dma_start3A_136 = tpu.memref_squeeze %dma_start3A_135 : memref<1x1x128xi32, #tpu.memory_space<vmem>> -> memref<128xi32, #tpu.memory_space<vmem>>
      %dma_start3A_137 = arith.constant 0 : i32
      %dma_start3A_138 = arith.constant 0 : i32
      %dma_start3A_139 = tpu.memref_slice %arg3[%dma_start3A_137, %dma_start3A_138] : memref<100352x16xf32, #tpu.memory_space<hbm>> -> memref<100352x16xf32, #tpu.memory_space<hbm>>
      tpu.enqueue_indirect_dma source(%dma_start3A_139 : memref<100352x16xf32, #tpu.memory_space<hbm>>) target(%dma_start3A_133 : memref<128x16xf32, #tpu.memory_space<vmem>>) offsets(%dma_start3A_136 : memref<128xi32, #tpu.memory_space<vmem>>) semaphore(%arg11 : memref<!tpu.dma_semaphore, #tpu.memory_space<semaphore_mem>>)
      %dma_start3A_140 = arith.constant 0 : i32
      %dma_start3A_141 = arith.constant 2 : i32
      %dma_start3A_142 = arith.constant 2 : i32
      %dma_start3A_143 = arith.constant 0 : i32
      %dma_start3A_144 = arith.constant 0 : i32
      %dma_start3A_145 = tpu.memref_slice %arg8[%dma_start3A_142, %dma_start3A_143, %dma_start3A_144] : memref<10x128x16xf32, #tpu.memory_space<vmem>> -> memref<1x128x16xf32, #tpu.memory_space<vmem>>
      %dma_start3A_146 = tpu.memref_squeeze %dma_start3A_145 : memref<1x128x16xf32, #tpu.memory_space<vmem>> -> memref<128x16xf32, #tpu.memory_space<vmem>>
      %dma_start3A_147 = arith.constant 0 : i32
      %dma_start3A_148 = tpu.memref_slice %arg6[%dma_start3A_140, %dma_start3A_141, %dma_start3A_147] : memref<2x10x128xi32, #tpu.memory_space<vmem>> -> memref<1x1x128xi32, #tpu.memory_space<vmem>>
      %dma_start3A_149 = tpu.memref_squeeze %dma_start3A_148 : memref<1x1x128xi32, #tpu.memory_space<vmem>> -> memref<128xi32, #tpu.memory_space<vmem>>
      %dma_start3A_150 = arith.constant 0 : i32
      %dma_start3A_151 = arith.constant 0 : i32
      %dma_start3A_152 = tpu.memref_slice %arg3[%dma_start3A_150, %dma_start3A_151] : memref<100352x16xf32, #tpu.memory_space<hbm>> -> memref<100352x16xf32, #tpu.memory_space<hbm>>
      tpu.enqueue_indirect_dma source(%dma_start3A_152 : memref<100352x16xf32, #tpu.memory_space<hbm>>) target(%dma_start3A_146 : memref<128x16xf32, #tpu.memory_space<vmem>>) offsets(%dma_start3A_149 : memref<128xi32, #tpu.memory_space<vmem>>) semaphore(%arg11 : memref<!tpu.dma_semaphore, #tpu.memory_space<semaphore_mem>>)
      %dma_start3A_153 = arith.constant 0 : i32
      %dma_start3A_154 = arith.constant 3 : i32
      %dma_start3A_155 = arith.constant 3 : i32
      %dma_start3A_156 = arith.constant 0 : i32
      %dma_start3A_157 = arith.constant 0 : i32
      %dma_start3A_158 = tpu.memref_slice %arg8[%dma_start3A_155, %dma_start3A_156, %dma_start3A_157] : memref<10x128x16xf32, #tpu.memory_space<vmem>> -> memref<1x128x16xf32, #tpu.memory_space<vmem>>
      %dma_start3A_159 = tpu.memref_squeeze %dma_start3A_158 : memref<1x128x16xf32, #tpu.memory_space<vmem>> -> memref<128x16xf32, #tpu.memory_space<vmem>>
      %dma_start3A_160 = arith.constant 0 : i32
      %dma_start3A_161 = tpu.memref_slice %arg6[%dma_start3A_153, %dma_start3A_154, %dma_start3A_160] : memref<2x10x128xi32, #tpu.memory_space<vmem>> -> memref<1x1x128xi32, #tpu.memory_space<vmem>>
      %dma_start3A_162 = tpu.memref_squeeze %dma_start3A_161 : memref<1x1x128xi32, #tpu.memory_space<vmem>> -> memref<128xi32, #tpu.memory_space<vmem>>
      %dma_start3A_163 = arith.constant 0 : i32
      %dma_start3A_164 = arith.constant 0 : i32
      %dma_start3A_165 = tpu.memref_slice %arg3[%dma_start3A_163, %dma_start3A_164] : memref<100352x16xf32, #tpu.memory_space<hbm>> -> memref<100352x16xf32, #tpu.memory_space<hbm>>
      tpu.enqueue_indirect_dma source(%dma_start3A_165 : memref<100352x16xf32, #tpu.memory_space<hbm>>) target(%dma_start3A_159 : memref<128x16xf32, #tpu.memory_space<vmem>>) offsets(%dma_start3A_162 : memref<128xi32, #tpu.memory_space<vmem>>) semaphore(%arg11 : memref<!tpu.dma_semaphore, #tpu.memory_space<semaphore_mem>>)
      %dma_start3A_166 = arith.constant 0 : i32
      %dma_start3A_167 = arith.constant 4 : i32
      %dma_start3A_168 = arith.constant 4 : i32
      %dma_start3A_169 = arith.constant 0 : i32
      %dma_start3A_170 = arith.constant 0 : i32
      %dma_start3A_171 = tpu.memref_slice %arg8[%dma_start3A_168, %dma_start3A_169, %dma_start3A_170] : memref<10x128x16xf32, #tpu.memory_space<vmem>> -> memref<1x128x16xf32, #tpu.memory_space<vmem>>
      %dma_start3A_172 = tpu.memref_squeeze %dma_start3A_171 : memref<1x128x16xf32, #tpu.memory_space<vmem>> -> memref<128x16xf32, #tpu.memory_space<vmem>>
      %dma_start3A_173 = arith.constant 0 : i32
      %dma_start3A_174 = tpu.memref_slice %arg6[%dma_start3A_166, %dma_start3A_167, %dma_start3A_173] : memref<2x10x128xi32, #tpu.memory_space<vmem>> -> memref<1x1x128xi32, #tpu.memory_space<vmem>>
      %dma_start3A_175 = tpu.memref_squeeze %dma_start3A_174 : memref<1x1x128xi32, #tpu.memory_space<vmem>> -> memref<128xi32, #tpu.memory_space<vmem>>
      %dma_start3A_176 = arith.constant 0 : i32
      %dma_start3A_177 = arith.constant 0 : i32
      %dma_start3A_178 = tpu.memref_slice %arg3[%dma_start3A_176, %dma_start3A_177] : memref<100352x16xf32, #tpu.memory_space<hbm>> -> memref<100352x16xf32, #tpu.memory_space<hbm>>
      tpu.enqueue_indirect_dma source(%dma_start3A_178 : memref<100352x16xf32, #tpu.memory_space<hbm>>) target(%dma_start3A_172 : memref<128x16xf32, #tpu.memory_space<vmem>>) offsets(%dma_start3A_175 : memref<128xi32, #tpu.memory_space<vmem>>) semaphore(%arg11 : memref<!tpu.dma_semaphore, #tpu.memory_space<semaphore_mem>>)
      %dma_start3A_179 = arith.constant 0 : i32
      %dma_start3A_180 = arith.constant 5 : i32
      %dma_start3A_181 = arith.constant 5 : i32
      %dma_start3A_182 = arith.constant 0 : i32
      %dma_start3A_183 = arith.constant 0 : i32
      %dma_start3A_184 = tpu.memref_slice %arg8[%dma_start3A_181, %dma_start3A_182, %dma_start3A_183] : memref<10x128x16xf32, #tpu.memory_space<vmem>> -> memref<1x128x16xf32, #tpu.memory_space<vmem>>
      %dma_start3A_185 = tpu.memref_squeeze %dma_start3A_184 : memref<1x128x16xf32, #tpu.memory_space<vmem>> -> memref<128x16xf32, #tpu.memory_space<vmem>>
      %dma_start3A_186 = arith.constant 0 : i32
      %dma_start3A_187 = tpu.memref_slice %arg6[%dma_start3A_179, %dma_start3A_180, %dma_start3A_186] : memref<2x10x128xi32, #tpu.memory_space<vmem>> -> memref<1x1x128xi32, #tpu.memory_space<vmem>>
      %dma_start3A_188 = tpu.memref_squeeze %dma_start3A_187 : memref<1x1x128xi32, #tpu.memory_space<vmem>> -> memref<128xi32, #tpu.memory_space<vmem>>
      %dma_start3A_189 = arith.constant 0 : i32
      %dma_start3A_190 = arith.constant 0 : i32
      %dma_start3A_191 = tpu.memref_slice %arg3[%dma_start3A_189, %dma_start3A_190] : memref<100352x16xf32, #tpu.memory_space<hbm>> -> memref<100352x16xf32, #tpu.memory_space<hbm>>
      tpu.enqueue_indirect_dma source(%dma_start3A_191 : memref<100352x16xf32, #tpu.memory_space<hbm>>) target(%dma_start3A_185 : memref<128x16xf32, #tpu.memory_space<vmem>>) offsets(%dma_start3A_188 : memref<128xi32, #tpu.memory_space<vmem>>) semaphore(%arg11 : memref<!tpu.dma_semaphore, #tpu.memory_space<semaphore_mem>>)
      %dma_start3A_192 = arith.constant 0 : i32
      %dma_start3A_193 = arith.constant 6 : i32
      %dma_start3A_194 = arith.constant 6 : i32
      %dma_start3A_195 = arith.constant 0 : i32
      %dma_start3A_196 = arith.constant 0 : i32
      %dma_start3A_197 = tpu.memref_slice %arg8[%dma_start3A_194, %dma_start3A_195, %dma_start3A_196] : memref<10x128x16xf32, #tpu.memory_space<vmem>> -> memref<1x128x16xf32, #tpu.memory_space<vmem>>
      %dma_start3A_198 = tpu.memref_squeeze %dma_start3A_197 : memref<1x128x16xf32, #tpu.memory_space<vmem>> -> memref<128x16xf32, #tpu.memory_space<vmem>>
      %dma_start3A_199 = arith.constant 0 : i32
      %dma_start3A_200 = tpu.memref_slice %arg6[%dma_start3A_192, %dma_start3A_193, %dma_start3A_199] : memref<2x10x128xi32, #tpu.memory_space<vmem>> -> memref<1x1x128xi32, #tpu.memory_space<vmem>>
      %dma_start3A_201 = tpu.memref_squeeze %dma_start3A_200 : memref<1x1x128xi32, #tpu.memory_space<vmem>> -> memref<128xi32, #tpu.memory_space<vmem>>
      %dma_start3A_202 = arith.constant 0 : i32
      %dma_start3A_203 = arith.constant 0 : i32
      %dma_start3A_204 = tpu.memref_slice %arg3[%dma_start3A_202, %dma_start3A_203] : memref<100352x16xf32, #tpu.memory_space<hbm>> -> memref<100352x16xf32, #tpu.memory_space<hbm>>
      tpu.enqueue_indirect_dma source(%dma_start3A_204 : memref<100352x16xf32, #tpu.memory_space<hbm>>) target(%dma_start3A_198 : memref<128x16xf32, #tpu.memory_space<vmem>>) offsets(%dma_start3A_201 : memref<128xi32, #tpu.memory_space<vmem>>) semaphore(%arg11 : memref<!tpu.dma_semaphore, #tpu.memory_space<semaphore_mem>>)
      %dma_start3A_205 = arith.constant 0 : i32
      %dma_start3A_206 = arith.constant 7 : i32
      %dma_start3A_207 = arith.constant 7 : i32
      %dma_start3A_208 = arith.constant 0 : i32
      %dma_start3A_209 = arith.constant 0 : i32
      %dma_start3A_210 = tpu.memref_slice %arg8[%dma_start3A_207, %dma_start3A_208, %dma_start3A_209] : memref<10x128x16xf32, #tpu.memory_space<vmem>> -> memref<1x128x16xf32, #tpu.memory_space<vmem>>
      %dma_start3A_211 = tpu.memref_squeeze %dma_start3A_210 : memref<1x128x16xf32, #tpu.memory_space<vmem>> -> memref<128x16xf32, #tpu.memory_space<vmem>>
      %dma_start3A_212 = arith.constant 0 : i32
      %dma_start3A_213 = tpu.memref_slice %arg6[%dma_start3A_205, %dma_start3A_206, %dma_start3A_212] : memref<2x10x128xi32, #tpu.memory_space<vmem>> -> memref<1x1x128xi32, #tpu.memory_space<vmem>>
      %dma_start3A_214 = tpu.memref_squeeze %dma_start3A_213 : memref<1x1x128xi32, #tpu.memory_space<vmem>> -> memref<128xi32, #tpu.memory_space<vmem>>
      %dma_start3A_215 = arith.constant 0 : i32
      %dma_start3A_216 = arith.constant 0 : i32
      %dma_start3A_217 = tpu.memref_slice %arg3[%dma_start3A_215, %dma_start3A_216] : memref<100352x16xf32, #tpu.memory_space<hbm>> -> memref<100352x16xf32, #tpu.memory_space<hbm>>
      tpu.enqueue_indirect_dma source(%dma_start3A_217 : memref<100352x16xf32, #tpu.memory_space<hbm>>) target(%dma_start3A_211 : memref<128x16xf32, #tpu.memory_space<vmem>>) offsets(%dma_start3A_214 : memref<128xi32, #tpu.memory_space<vmem>>) semaphore(%arg11 : memref<!tpu.dma_semaphore, #tpu.memory_space<semaphore_mem>>)
      %dma_start3A_218 = arith.constant 0 : i32
      %dma_start3A_219 = arith.constant 8 : i32
      %dma_start3A_220 = arith.constant 8 : i32
      %dma_start3A_221 = arith.constant 0 : i32
      %dma_start3A_222 = arith.constant 0 : i32
      %dma_start3A_223 = tpu.memref_slice %arg8[%dma_start3A_220, %dma_start3A_221, %dma_start3A_222] : memref<10x128x16xf32, #tpu.memory_space<vmem>> -> memref<1x128x16xf32, #tpu.memory_space<vmem>>
      %dma_start3A_224 = tpu.memref_squeeze %dma_start3A_223 : memref<1x128x16xf32, #tpu.memory_space<vmem>> -> memref<128x16xf32, #tpu.memory_space<vmem>>
      %dma_start3A_225 = arith.constant 0 : i32
      %dma_start3A_226 = tpu.memref_slice %arg6[%dma_start3A_218, %dma_start3A_219, %dma_start3A_225] : memref<2x10x128xi32, #tpu.memory_space<vmem>> -> memref<1x1x128xi32, #tpu.memory_space<vmem>>
      %dma_start3A_227 = tpu.memref_squeeze %dma_start3A_226 : memref<1x1x128xi32, #tpu.memory_space<vmem>> -> memref<128xi32, #tpu.memory_space<vmem>>
      %dma_start3A_228 = arith.constant 0 : i32
      %dma_start3A_229 = arith.constant 0 : i32
      %dma_start3A_230 = tpu.memref_slice %arg3[%dma_start3A_228, %dma_start3A_229] : memref<100352x16xf32, #tpu.memory_space<hbm>> -> memref<100352x16xf32, #tpu.memory_space<hbm>>
      tpu.enqueue_indirect_dma source(%dma_start3A_230 : memref<100352x16xf32, #tpu.memory_space<hbm>>) target(%dma_start3A_224 : memref<128x16xf32, #tpu.memory_space<vmem>>) offsets(%dma_start3A_227 : memref<128xi32, #tpu.memory_space<vmem>>) semaphore(%arg11 : memref<!tpu.dma_semaphore, #tpu.memory_space<semaphore_mem>>)
      %dma_wait3A_231 = arith.constant 0 : i32
      %dma_wait3A_232 = arith.constant 0 : i32
      %dma_wait3A_233 = arith.constant 0 : i32
      %dma_wait3A_234 = arith.constant 0 : i32
      %dma_wait3A_235 = arith.constant 0 : i32
      %dma_wait3A_236 = tpu.memref_slice %arg8[%dma_wait3A_233, %dma_wait3A_234, %dma_wait3A_235] : memref<10x128x16xf32, #tpu.memory_space<vmem>> -> memref<1x128x16xf32, #tpu.memory_space<vmem>>
      %dma_wait3A_237 = tpu.memref_squeeze %dma_wait3A_236 : memref<1x128x16xf32, #tpu.memory_space<vmem>> -> memref<128x16xf32, #tpu.memory_space<vmem>>
      %dma_wait3A_238 = arith.constant 0 : i32
      %dma_wait3A_239 = tpu.memref_slice %arg6[%dma_wait3A_231, %dma_wait3A_232, %dma_wait3A_238] : memref<2x10x128xi32, #tpu.memory_space<vmem>> -> memref<1x1x128xi32, #tpu.memory_space<vmem>>
      %dma_wait3A_240 = tpu.memref_squeeze %dma_wait3A_239 : memref<1x1x128xi32, #tpu.memory_space<vmem>> -> memref<128xi32, #tpu.memory_space<vmem>>
      %dma_wait3A_241 = arith.constant 0 : i32
      %dma_wait3A_242 = arith.constant 0 : i32
      %dma_wait3A_243 = tpu.memref_slice %arg3[%dma_wait3A_241, %dma_wait3A_242] : memref<100352x16xf32, #tpu.memory_space<hbm>> -> memref<100352x16xf32, #tpu.memory_space<hbm>>
      tpu.wait_indirect_dma semaphore(%arg11 : memref<!tpu.dma_semaphore, #tpu.memory_space<semaphore_mem>>) src(%dma_wait3A_243 : memref<100352x16xf32, #tpu.memory_space<hbm>>) dst(%dma_wait3A_237 : memref<128x16xf32, #tpu.memory_space<vmem>>)
      %dma_start3A_244 = arith.constant 0 : i32
      %dma_start3A_245 = arith.constant 0 : i32
      %dma_start3A_246 = arith.constant 0 : i32
      %dma_start3A_247 = arith.constant 0 : i32
      %dma_start3A_248 = arith.constant 0 : i32
      %dma_start3A_249 = tpu.memref_slice %arg8[%dma_start3A_244, %dma_start3A_247, %dma_start3A_248] : memref<10x128x16xf32, #tpu.memory_space<vmem>> -> memref<1x128x16xf32, #tpu.memory_space<vmem>>
      %dma_start3A_250 = tpu.memref_squeeze %dma_start3A_249 : memref<1x128x16xf32, #tpu.memory_space<vmem>> -> memref<128x16xf32, #tpu.memory_space<vmem>>
      %dma_start3A_251 = arith.constant 0 : i32
      %dma_start3A_252 = tpu.memref_slice %arg7[%dma_start3A_245, %dma_start3A_246, %dma_start3A_251] : memref<2x10x128xi32, #tpu.memory_space<vmem>> -> memref<1x1x128xi32, #tpu.memory_space<vmem>>
      %dma_start3A_253 = tpu.memref_squeeze %dma_start3A_252 : memref<1x1x128xi32, #tpu.memory_space<vmem>> -> memref<128xi32, #tpu.memory_space<vmem>>
      %dma_start3A_254 = arith.constant 0 : i32
      %dma_start3A_255 = arith.constant 0 : i32
      %dma_start3A_256 = tpu.memref_slice %arg10[%dma_start3A_254, %dma_start3A_255] : memref<100352x16xf32, #tpu.memory_space<vmem_shared>> -> memref<100352x16xf32, #tpu.memory_space<vmem_shared>>
      tpu.enqueue_indirect_dma source(%dma_start3A_250 : memref<128x16xf32, #tpu.memory_space<vmem>>) target(%dma_start3A_256 : memref<100352x16xf32, #tpu.memory_space<vmem_shared>>) offsets(%dma_start3A_253 : memref<128xi32, #tpu.memory_space<vmem>>) semaphore(%arg12 : memref<!tpu.dma_semaphore, #tpu.memory_space<semaphore_mem>>) {add = true}
      %dma_start3A_257 = arith.constant 0 : i32
      %dma_start3A_258 = arith.constant 9 : i32
      %dma_start3A_259 = arith.constant 9 : i32
      %dma_start3A_260 = arith.constant 0 : i32
      %dma_start3A_261 = arith.constant 0 : i32
      %dma_start3A_262 = tpu.memref_slice %arg8[%dma_start3A_259, %dma_start3A_260, %dma_start3A_261] : memref<10x128x16xf32, #tpu.memory_space<vmem>> -> memref<1x128x16xf32, #tpu.memory_space<vmem>>
      %dma_start3A_263 = tpu.memref_squeeze %dma_start3A_262 : memref<1x128x16xf32, #tpu.memory_space<vmem>> -> memref<128x16xf32, #tpu.memory_space<vmem>>
      %dma_start3A_264 = arith.constant 0 : i32
      %dma_start3A_265 = tpu.memref_slice %arg6[%dma_start3A_257, %dma_start3A_258, %dma_start3A_264] : memref<2x10x128xi32, #tpu.memory_space<vmem>> -> memref<1x1x128xi32, #tpu.memory_space<vmem>>
      %dma_start3A_266 = tpu.memref_squeeze %dma_start3A_265 : memref<1x1x128xi32, #tpu.memory_space<vmem>> -> memref<128xi32, #tpu.memory_space<vmem>>
      %dma_start3A_267 = arith.constant 0 : i32
      %dma_start3A_268 = arith.constant 0 : i32
      %dma_start3A_269 = tpu.memref_slice %arg3[%dma_start3A_267, %dma_start3A_268] : memref<100352x16xf32, #tpu.memory_space<hbm>> -> memref<100352x16xf32, #tpu.memory_space<hbm>>
      tpu.enqueue_indirect_dma source(%dma_start3A_269 : memref<100352x16xf32, #tpu.memory_space<hbm>>) target(%dma_start3A_263 : memref<128x16xf32, #tpu.memory_space<vmem>>) offsets(%dma_start3A_266 : memref<128xi32, #tpu.memory_space<vmem>>) semaphore(%arg11 : memref<!tpu.dma_semaphore, #tpu.memory_space<semaphore_mem>>)
      %dma_wait3A_270 = arith.constant 0 : i32
      %dma_wait3A_271 = arith.constant 1 : i32
      %dma_wait3A_272 = arith.constant 1 : i32
      %dma_wait3A_273 = arith.constant 0 : i32
      %dma_wait3A_274 = arith.constant 0 : i32
      %dma_wait3A_275 = tpu.memref_slice %arg8[%dma_wait3A_272, %dma_wait3A_273, %dma_wait3A_274] : memref<10x128x16xf32, #tpu.memory_space<vmem>> -> memref<1x128x16xf32, #tpu.memory_space<vmem>>
      %dma_wait3A_276 = tpu.memref_squeeze %dma_wait3A_275 : memref<1x128x16xf32, #tpu.memory_space<vmem>> -> memref<128x16xf32, #tpu.memory_space<vmem>>
      %dma_wait3A_277 = arith.constant 0 : i32
      %dma_wait3A_278 = tpu.memref_slice %arg6[%dma_wait3A_270, %dma_wait3A_271, %dma_wait3A_277] : memref<2x10x128xi32, #tpu.memory_space<vmem>> -> memref<1x1x128xi32, #tpu.memory_space<vmem>>
      %dma_wait3A_279 = tpu.memref_squeeze %dma_wait3A_278 : memref<1x1x128xi32, #tpu.memory_space<vmem>> -> memref<128xi32, #tpu.memory_space<vmem>>
      %dma_wait3A_280 = arith.constant 0 : i32
      %dma_wait3A_281 = arith.constant 0 : i32
      %dma_wait3A_282 = tpu.memref_slice %arg3[%dma_wait3A_280, %dma_wait3A_281] : memref<100352x16xf32, #tpu.memory_space<hbm>> -> memref<100352x16xf32, #tpu.memory_space<hbm>>
      tpu.wait_indirect_dma semaphore(%arg11 : memref<!tpu.dma_semaphore, #tpu.memory_space<semaphore_mem>>) src(%dma_wait3A_282 : memref<100352x16xf32, #tpu.memory_space<hbm>>) dst(%dma_wait3A_276 : memref<128x16xf32, #tpu.memory_space<vmem>>)
      %dma_start3A_283 = arith.constant 1 : i32
      %dma_start3A_284 = arith.constant 0 : i32
      %dma_start3A_285 = arith.constant 1 : i32
      %dma_start3A_286 = arith.constant 0 : i32
      %dma_start3A_287 = arith.constant 0 : i32
      %dma_start3A_288 = tpu.memref_slice %arg8[%dma_start3A_283, %dma_start3A_286, %dma_start3A_287] : memref<10x128x16xf32, #tpu.memory_space<vmem>> -> memref<1x128x16xf32, #tpu.memory_space<vmem>>
      %dma_start3A_289 = tpu.memref_squeeze %dma_start3A_288 : memref<1x128x16xf32, #tpu.memory_space<vmem>> -> memref<128x16xf32, #tpu.memory_space<vmem>>
      %dma_start3A_290 = arith.constant 0 : i32
      %dma_start3A_291 = tpu.memref_slice %arg7[%dma_start3A_284, %dma_start3A_285, %dma_start3A_290] : memref<2x10x128xi32, #tpu.memory_space<vmem>> -> memref<1x1x128xi32, #tpu.memory_space<vmem>>
      %dma_start3A_292 = tpu.memref_squeeze %dma_start3A_291 : memref<1x1x128xi32, #tpu.memory_space<vmem>> -> memref<128xi32, #tpu.memory_space<vmem>>
      %dma_start3A_293 = arith.constant 0 : i32
      %dma_start3A_294 = arith.constant 0 : i32
      %dma_start3A_295 = tpu.memref_slice %arg10[%dma_start3A_293, %dma_start3A_294] : memref<100352x16xf32, #tpu.memory_space<vmem_shared>> -> memref<100352x16xf32, #tpu.memory_space<vmem_shared>>
      tpu.enqueue_indirect_dma source(%dma_start3A_289 : memref<128x16xf32, #tpu.memory_space<vmem>>) target(%dma_start3A_295 : memref<100352x16xf32, #tpu.memory_space<vmem_shared>>) offsets(%dma_start3A_292 : memref<128xi32, #tpu.memory_space<vmem>>) semaphore(%arg12 : memref<!tpu.dma_semaphore, #tpu.memory_space<semaphore_mem>>) {add = true}
      %dma_wait3A_296 = arith.constant 0 : i32
      %dma_wait3A_297 = arith.constant 0 : i32
      %dma_wait3A_298 = arith.constant 0 : i32
      %dma_wait3A_299 = arith.constant 0 : i32
      %dma_wait3A_300 = arith.constant 0 : i32
      %dma_wait3A_301 = tpu.memref_slice %arg8[%dma_wait3A_296, %dma_wait3A_299, %dma_wait3A_300] : memref<10x128x16xf32, #tpu.memory_space<vmem>> -> memref<1x128x16xf32, #tpu.memory_space<vmem>>
      %dma_wait3A_302 = tpu.memref_squeeze %dma_wait3A_301 : memref<1x128x16xf32, #tpu.memory_space<vmem>> -> memref<128x16xf32, #tpu.memory_space<vmem>>
      %dma_wait3A_303 = arith.constant 0 : i32
      %dma_wait3A_304 = tpu.memref_slice %arg7[%dma_wait3A_297, %dma_wait3A_298, %dma_wait3A_303] : memref<2x10x128xi32, #tpu.memory_space<vmem>> -> memref<1x1x128xi32, #tpu.memory_space<vmem>>
      %dma_wait3A_305 = tpu.memref_squeeze %dma_wait3A_304 : memref<1x1x128xi32, #tpu.memory_space<vmem>> -> memref<128xi32, #tpu.memory_space<vmem>>
      %dma_wait3A_306 = arith.constant 0 : i32
      %dma_wait3A_307 = arith.constant 0 : i32
      %dma_wait3A_308 = tpu.memref_slice %arg10[%dma_wait3A_306, %dma_wait3A_307] : memref<100352x16xf32, #tpu.memory_space<vmem_shared>> -> memref<100352x16xf32, #tpu.memory_space<vmem_shared>>
      tpu.wait_indirect_dma semaphore(%arg12 : memref<!tpu.dma_semaphore, #tpu.memory_space<semaphore_mem>>) src(%dma_wait3A_302 : memref<128x16xf32, #tpu.memory_space<vmem>>) dst(%dma_wait3A_308 : memref<100352x16xf32, #tpu.memory_space<vmem_shared>>)
      %dma_wait3A_309 = arith.constant 0 : i32
      %dma_wait3A_310 = arith.constant 2 : i32
      %dma_wait3A_311 = arith.constant 2 : i32
      %dma_wait3A_312 = arith.constant 0 : i32
      %dma_wait3A_313 = arith.constant 0 : i32
      %dma_wait3A_314 = tpu.memref_slice %arg8[%dma_wait3A_311, %dma_wait3A_312, %dma_wait3A_313] : memref<10x128x16xf32, #tpu.memory_space<vmem>> -> memref<1x128x16xf32, #tpu.memory_space<vmem>>
      %dma_wait3A_315 = tpu.memref_squeeze %dma_wait3A_314 : memref<1x128x16xf32, #tpu.memory_space<vmem>> -> memref<128x16xf32, #tpu.memory_space<vmem>>
      %dma_wait3A_316 = arith.constant 0 : i32
      %dma_wait3A_317 = tpu.memref_slice %arg6[%dma_wait3A_309, %dma_wait3A_310, %dma_wait3A_316] : memref<2x10x128xi32, #tpu.memory_space<vmem>> -> memref<1x1x128xi32, #tpu.memory_space<vmem>>
      %dma_wait3A_318 = tpu.memref_squeeze %dma_wait3A_317 : memref<1x1x128xi32, #tpu.memory_space<vmem>> -> memref<128xi32, #tpu.memory_space<vmem>>
      %dma_wait3A_319 = arith.constant 0 : i32
      %dma_wait3A_320 = arith.constant 0 : i32
      %dma_wait3A_321 = tpu.memref_slice %arg3[%dma_wait3A_319, %dma_wait3A_320] : memref<100352x16xf32, #tpu.memory_space<hbm>> -> memref<100352x16xf32, #tpu.memory_space<hbm>>
      tpu.wait_indirect_dma semaphore(%arg11 : memref<!tpu.dma_semaphore, #tpu.memory_space<semaphore_mem>>) src(%dma_wait3A_321 : memref<100352x16xf32, #tpu.memory_space<hbm>>) dst(%dma_wait3A_315 : memref<128x16xf32, #tpu.memory_space<vmem>>)
      %dma_start3A_322 = arith.constant 2 : i32
      %dma_start3A_323 = arith.constant 0 : i32
      %dma_start3A_324 = arith.constant 2 : i32
      %dma_start3A_325 = arith.constant 0 : i32
      %dma_start3A_326 = arith.constant 0 : i32
      %dma_start3A_327 = tpu.memref_slice %arg8[%dma_start3A_322, %dma_start3A_325, %dma_start3A_326] : memref<10x128x16xf32, #tpu.memory_space<vmem>> -> memref<1x128x16xf32, #tpu.memory_space<vmem>>
      %dma_start3A_328 = tpu.memref_squeeze %dma_start3A_327 : memref<1x128x16xf32, #tpu.memory_space<vmem>> -> memref<128x16xf32, #tpu.memory_space<vmem>>
      %dma_start3A_329 = arith.constant 0 : i32
      %dma_start3A_330 = tpu.memref_slice %arg7[%dma_start3A_323, %dma_start3A_324, %dma_start3A_329] : memref<2x10x128xi32, #tpu.memory_space<vmem>> -> memref<1x1x128xi32, #tpu.memory_space<vmem>>
      %dma_start3A_331 = tpu.memref_squeeze %dma_start3A_330 : memref<1x1x128xi32, #tpu.memory_space<vmem>> -> memref<128xi32, #tpu.memory_space<vmem>>
      %dma_start3A_332 = arith.constant 0 : i32
      %dma_start3A_333 = arith.constant 0 : i32
      %dma_start3A_334 = tpu.memref_slice %arg10[%dma_start3A_332, %dma_start3A_333] : memref<100352x16xf32, #tpu.memory_space<vmem_shared>> -> memref<100352x16xf32, #tpu.memory_space<vmem_shared>>
      tpu.enqueue_indirect_dma source(%dma_start3A_328 : memref<128x16xf32, #tpu.memory_space<vmem>>) target(%dma_start3A_334 : memref<100352x16xf32, #tpu.memory_space<vmem_shared>>) offsets(%dma_start3A_331 : memref<128xi32, #tpu.memory_space<vmem>>) semaphore(%arg12 : memref<!tpu.dma_semaphore, #tpu.memory_space<semaphore_mem>>) {add = true}
      %dma_wait3A_335 = arith.constant 0 : i32
      %dma_wait3A_336 = arith.constant 0 : i32
      %dma_wait3A_337 = arith.constant 0 : i32
      %dma_wait3A_338 = arith.constant 0 : i32
      %dma_wait3A_339 = arith.constant 0 : i32
      %dma_wait3A_340 = tpu.memref_slice %arg8[%dma_wait3A_335, %dma_wait3A_338, %dma_wait3A_339] : memref<10x128x16xf32, #tpu.memory_space<vmem>> -> memref<1x128x16xf32, #tpu.memory_space<vmem>>
      %dma_wait3A_341 = tpu.memref_squeeze %dma_wait3A_340 : memref<1x128x16xf32, #tpu.memory_space<vmem>> -> memref<128x16xf32, #tpu.memory_space<vmem>>
      %dma_wait3A_342 = arith.constant 0 : i32
      %dma_wait3A_343 = tpu.memref_slice %arg7[%dma_wait3A_336, %dma_wait3A_337, %dma_wait3A_342] : memref<2x10x128xi32, #tpu.memory_space<vmem>> -> memref<1x1x128xi32, #tpu.memory_space<vmem>>
      %dma_wait3A_344 = tpu.memref_squeeze %dma_wait3A_343 : memref<1x1x128xi32, #tpu.memory_space<vmem>> -> memref<128xi32, #tpu.memory_space<vmem>>
      %dma_wait3A_345 = arith.constant 0 : i32
      %dma_wait3A_346 = arith.constant 0 : i32
      %dma_wait3A_347 = tpu.memref_slice %arg10[%dma_wait3A_345, %dma_wait3A_346] : memref<100352x16xf32, #tpu.memory_space<vmem_shared>> -> memref<100352x16xf32, #tpu.memory_space<vmem_shared>>
      tpu.wait_indirect_dma semaphore(%arg12 : memref<!tpu.dma_semaphore, #tpu.memory_space<semaphore_mem>>) src(%dma_wait3A_341 : memref<128x16xf32, #tpu.memory_space<vmem>>) dst(%dma_wait3A_347 : memref<100352x16xf32, #tpu.memory_space<vmem_shared>>)
      %dma_wait3A_348 = arith.constant 0 : i32
      %dma_wait3A_349 = arith.constant 3 : i32
      %dma_wait3A_350 = arith.constant 3 : i32
      %dma_wait3A_351 = arith.constant 0 : i32
      %dma_wait3A_352 = arith.constant 0 : i32
      %dma_wait3A_353 = tpu.memref_slice %arg8[%dma_wait3A_350, %dma_wait3A_351, %dma_wait3A_352] : memref<10x128x16xf32, #tpu.memory_space<vmem>> -> memref<1x128x16xf32, #tpu.memory_space<vmem>>
      %dma_wait3A_354 = tpu.memref_squeeze %dma_wait3A_353 : memref<1x128x16xf32, #tpu.memory_space<vmem>> -> memref<128x16xf32, #tpu.memory_space<vmem>>
      %dma_wait3A_355 = arith.constant 0 : i32
      %dma_wait3A_356 = tpu.memref_slice %arg6[%dma_wait3A_348, %dma_wait3A_349, %dma_wait3A_355] : memref<2x10x128xi32, #tpu.memory_space<vmem>> -> memref<1x1x128xi32, #tpu.memory_space<vmem>>
      %dma_wait3A_357 = tpu.memref_squeeze %dma_wait3A_356 : memref<1x1x128xi32, #tpu.memory_space<vmem>> -> memref<128xi32, #tpu.memory_space<vmem>>
      %dma_wait3A_358 = arith.constant 0 : i32
      %dma_wait3A_359 = arith.constant 0 : i32
      %dma_wait3A_360 = tpu.memref_slice %arg3[%dma_wait3A_358, %dma_wait3A_359] : memref<100352x16xf32, #tpu.memory_space<hbm>> -> memref<100352x16xf32, #tpu.memory_space<hbm>>
      tpu.wait_indirect_dma semaphore(%arg11 : memref<!tpu.dma_semaphore, #tpu.memory_space<semaphore_mem>>) src(%dma_wait3A_360 : memref<100352x16xf32, #tpu.memory_space<hbm>>) dst(%dma_wait3A_354 : memref<128x16xf32, #tpu.memory_space<vmem>>)
      %dma_start3A_361 = arith.constant 3 : i32
      %dma_start3A_362 = arith.constant 0 : i32
      %dma_start3A_363 = arith.constant 3 : i32
      %dma_start3A_364 = arith.constant 0 : i32
      %dma_start3A_365 = arith.constant 0 : i32
      %dma_start3A_366 = tpu.memref_slice %arg8[%dma_start3A_361, %dma_start3A_364, %dma_start3A_365] : memref<10x128x16xf32, #tpu.memory_space<vmem>> -> memref<1x128x16xf32, #tpu.memory_space<vmem>>
      %dma_start3A_367 = tpu.memref_squeeze %dma_start3A_366 : memref<1x128x16xf32, #tpu.memory_space<vmem>> -> memref<128x16xf32, #tpu.memory_space<vmem>>
      %dma_start3A_368 = arith.constant 0 : i32
      %dma_start3A_369 = tpu.memref_slice %arg7[%dma_start3A_362, %dma_start3A_363, %dma_start3A_368] : memref<2x10x128xi32, #tpu.memory_space<vmem>> -> memref<1x1x128xi32, #tpu.memory_space<vmem>>
      %dma_start3A_370 = tpu.memref_squeeze %dma_start3A_369 : memref<1x1x128xi32, #tpu.memory_space<vmem>> -> memref<128xi32, #tpu.memory_space<vmem>>
      %dma_start3A_371 = arith.constant 0 : i32
      %dma_start3A_372 = arith.constant 0 : i32
      %dma_start3A_373 = tpu.memref_slice %arg10[%dma_start3A_371, %dma_start3A_372] : memref<100352x16xf32, #tpu.memory_space<vmem_shared>> -> memref<100352x16xf32, #tpu.memory_space<vmem_shared>>
      tpu.enqueue_indirect_dma source(%dma_start3A_367 : memref<128x16xf32, #tpu.memory_space<vmem>>) target(%dma_start3A_373 : memref<100352x16xf32, #tpu.memory_space<vmem_shared>>) offsets(%dma_start3A_370 : memref<128xi32, #tpu.memory_space<vmem>>) semaphore(%arg12 : memref<!tpu.dma_semaphore, #tpu.memory_space<semaphore_mem>>) {add = true}
      %dma_wait3A_374 = arith.constant 0 : i32
      %dma_wait3A_375 = arith.constant 0 : i32
      %dma_wait3A_376 = arith.constant 0 : i32
      %dma_wait3A_377 = arith.constant 0 : i32
      %dma_wait3A_378 = arith.constant 0 : i32
      %dma_wait3A_379 = tpu.memref_slice %arg8[%dma_wait3A_374, %dma_wait3A_377, %dma_wait3A_378] : memref<10x128x16xf32, #tpu.memory_space<vmem>> -> memref<1x128x16xf32, #tpu.memory_space<vmem>>
      %dma_wait3A_380 = tpu.memref_squeeze %dma_wait3A_379 : memref<1x128x16xf32, #tpu.memory_space<vmem>> -> memref<128x16xf32, #tpu.memory_space<vmem>>
      %dma_wait3A_381 = arith.constant 0 : i32
      %dma_wait3A_382 = tpu.memref_slice %arg7[%dma_wait3A_375, %dma_wait3A_376, %dma_wait3A_381] : memref<2x10x128xi32, #tpu.memory_space<vmem>> -> memref<1x1x128xi32, #tpu.memory_space<vmem>>
      %dma_wait3A_383 = tpu.memref_squeeze %dma_wait3A_382 : memref<1x1x128xi32, #tpu.memory_space<vmem>> -> memref<128xi32, #tpu.memory_space<vmem>>
      %dma_wait3A_384 = arith.constant 0 : i32
      %dma_wait3A_385 = arith.constant 0 : i32
      %dma_wait3A_386 = tpu.memref_slice %arg10[%dma_wait3A_384, %dma_wait3A_385] : memref<100352x16xf32, #tpu.memory_space<vmem_shared>> -> memref<100352x16xf32, #tpu.memory_space<vmem_shared>>
      tpu.wait_indirect_dma semaphore(%arg12 : memref<!tpu.dma_semaphore, #tpu.memory_space<semaphore_mem>>) src(%dma_wait3A_380 : memref<128x16xf32, #tpu.memory_space<vmem>>) dst(%dma_wait3A_386 : memref<100352x16xf32, #tpu.memory_space<vmem_shared>>)
      %dma_wait3A_387 = arith.constant 0 : i32
      %dma_wait3A_388 = arith.constant 4 : i32
      %dma_wait3A_389 = arith.constant 4 : i32
      %dma_wait3A_390 = arith.constant 0 : i32
      %dma_wait3A_391 = arith.constant 0 : i32
      %dma_wait3A_392 = tpu.memref_slice %arg8[%dma_wait3A_389, %dma_wait3A_390, %dma_wait3A_391] : memref<10x128x16xf32, #tpu.memory_space<vmem>> -> memref<1x128x16xf32, #tpu.memory_space<vmem>>
      %dma_wait3A_393 = tpu.memref_squeeze %dma_wait3A_392 : memref<1x128x16xf32, #tpu.memory_space<vmem>> -> memref<128x16xf32, #tpu.memory_space<vmem>>
      %dma_wait3A_394 = arith.constant 0 : i32
      %dma_wait3A_395 = tpu.memref_slice %arg6[%dma_wait3A_387, %dma_wait3A_388, %dma_wait3A_394] : memref<2x10x128xi32, #tpu.memory_space<vmem>> -> memref<1x1x128xi32, #tpu.memory_space<vmem>>
      %dma_wait3A_396 = tpu.memref_squeeze %dma_wait3A_395 : memref<1x1x128xi32, #tpu.memory_space<vmem>> -> memref<128xi32, #tpu.memory_space<vmem>>
      %dma_wait3A_397 = arith.constant 0 : i32
      %dma_wait3A_398 = arith.constant 0 : i32
      %dma_wait3A_399 = tpu.memref_slice %arg3[%dma_wait3A_397, %dma_wait3A_398] : memref<100352x16xf32, #tpu.memory_space<hbm>> -> memref<100352x16xf32, #tpu.memory_space<hbm>>
      tpu.wait_indirect_dma semaphore(%arg11 : memref<!tpu.dma_semaphore, #tpu.memory_space<semaphore_mem>>) src(%dma_wait3A_399 : memref<100352x16xf32, #tpu.memory_space<hbm>>) dst(%dma_wait3A_393 : memref<128x16xf32, #tpu.memory_space<vmem>>)
      %dma_start3A_400 = arith.constant 4 : i32
      %dma_start3A_401 = arith.constant 0 : i32
      %dma_start3A_402 = arith.constant 4 : i32
      %dma_start3A_403 = arith.constant 0 : i32
      %dma_start3A_404 = arith.constant 0 : i32
      %dma_start3A_405 = tpu.memref_slice %arg8[%dma_start3A_400, %dma_start3A_403, %dma_start3A_404] : memref<10x128x16xf32, #tpu.memory_space<vmem>> -> memref<1x128x16xf32, #tpu.memory_space<vmem>>
      %dma_start3A_406 = tpu.memref_squeeze %dma_start3A_405 : memref<1x128x16xf32, #tpu.memory_space<vmem>> -> memref<128x16xf32, #tpu.memory_space<vmem>>
      %dma_start3A_407 = arith.constant 0 : i32
      %dma_start3A_408 = tpu.memref_slice %arg7[%dma_start3A_401, %dma_start3A_402, %dma_start3A_407] : memref<2x10x128xi32, #tpu.memory_space<vmem>> -> memref<1x1x128xi32, #tpu.memory_space<vmem>>
      %dma_start3A_409 = tpu.memref_squeeze %dma_start3A_408 : memref<1x1x128xi32, #tpu.memory_space<vmem>> -> memref<128xi32, #tpu.memory_space<vmem>>
      %dma_start3A_410 = arith.constant 0 : i32
      %dma_start3A_411 = arith.constant 0 : i32
      %dma_start3A_412 = tpu.memref_slice %arg10[%dma_start3A_410, %dma_start3A_411] : memref<100352x16xf32, #tpu.memory_space<vmem_shared>> -> memref<100352x16xf32, #tpu.memory_space<vmem_shared>>
      tpu.enqueue_indirect_dma source(%dma_start3A_406 : memref<128x16xf32, #tpu.memory_space<vmem>>) target(%dma_start3A_412 : memref<100352x16xf32, #tpu.memory_space<vmem_shared>>) offsets(%dma_start3A_409 : memref<128xi32, #tpu.memory_space<vmem>>) semaphore(%arg12 : memref<!tpu.dma_semaphore, #tpu.memory_space<semaphore_mem>>) {add = true}
      %dma_wait3A_413 = arith.constant 0 : i32
      %dma_wait3A_414 = arith.constant 0 : i32
      %dma_wait3A_415 = arith.constant 0 : i32
      %dma_wait3A_416 = arith.constant 0 : i32
      %dma_wait3A_417 = arith.constant 0 : i32
      %dma_wait3A_418 = tpu.memref_slice %arg8[%dma_wait3A_413, %dma_wait3A_416, %dma_wait3A_417] : memref<10x128x16xf32, #tpu.memory_space<vmem>> -> memref<1x128x16xf32, #tpu.memory_space<vmem>>
      %dma_wait3A_419 = tpu.memref_squeeze %dma_wait3A_418 : memref<1x128x16xf32, #tpu.memory_space<vmem>> -> memref<128x16xf32, #tpu.memory_space<vmem>>
      %dma_wait3A_420 = arith.constant 0 : i32
      %dma_wait3A_421 = tpu.memref_slice %arg7[%dma_wait3A_414, %dma_wait3A_415, %dma_wait3A_420] : memref<2x10x128xi32, #tpu.memory_space<vmem>> -> memref<1x1x128xi32, #tpu.memory_space<vmem>>
      %dma_wait3A_422 = tpu.memref_squeeze %dma_wait3A_421 : memref<1x1x128xi32, #tpu.memory_space<vmem>> -> memref<128xi32, #tpu.memory_space<vmem>>
      %dma_wait3A_423 = arith.constant 0 : i32
      %dma_wait3A_424 = arith.constant 0 : i32
      %dma_wait3A_425 = tpu.memref_slice %arg10[%dma_wait3A_423, %dma_wait3A_424] : memref<100352x16xf32, #tpu.memory_space<vmem_shared>> -> memref<100352x16xf32, #tpu.memory_space<vmem_shared>>
      tpu.wait_indirect_dma semaphore(%arg12 : memref<!tpu.dma_semaphore, #tpu.memory_space<semaphore_mem>>) src(%dma_wait3A_419 : memref<128x16xf32, #tpu.memory_space<vmem>>) dst(%dma_wait3A_425 : memref<100352x16xf32, #tpu.memory_space<vmem_shared>>)
      %dma_wait3A_426 = arith.constant 0 : i32
      %dma_wait3A_427 = arith.constant 5 : i32
      %dma_wait3A_428 = arith.constant 5 : i32
      %dma_wait3A_429 = arith.constant 0 : i32
      %dma_wait3A_430 = arith.constant 0 : i32
      %dma_wait3A_431 = tpu.memref_slice %arg8[%dma_wait3A_428, %dma_wait3A_429, %dma_wait3A_430] : memref<10x128x16xf32, #tpu.memory_space<vmem>> -> memref<1x128x16xf32, #tpu.memory_space<vmem>>
      %dma_wait3A_432 = tpu.memref_squeeze %dma_wait3A_431 : memref<1x128x16xf32, #tpu.memory_space<vmem>> -> memref<128x16xf32, #tpu.memory_space<vmem>>
      %dma_wait3A_433 = arith.constant 0 : i32
      %dma_wait3A_434 = tpu.memref_slice %arg6[%dma_wait3A_426, %dma_wait3A_427, %dma_wait3A_433] : memref<2x10x128xi32, #tpu.memory_space<vmem>> -> memref<1x1x128xi32, #tpu.memory_space<vmem>>
      %dma_wait3A_435 = tpu.memref_squeeze %dma_wait3A_434 : memref<1x1x128xi32, #tpu.memory_space<vmem>> -> memref<128xi32, #tpu.memory_space<vmem>>
      %dma_wait3A_436 = arith.constant 0 : i32
      %dma_wait3A_437 = arith.constant 0 : i32
      %dma_wait3A_438 = tpu.memref_slice %arg3[%dma_wait3A_436, %dma_wait3A_437] : memref<100352x16xf32, #tpu.memory_space<hbm>> -> memref<100352x16xf32, #tpu.memory_space<hbm>>
      tpu.wait_indirect_dma semaphore(%arg11 : memref<!tpu.dma_semaphore, #tpu.memory_space<semaphore_mem>>) src(%dma_wait3A_438 : memref<100352x16xf32, #tpu.memory_space<hbm>>) dst(%dma_wait3A_432 : memref<128x16xf32, #tpu.memory_space<vmem>>)
      %dma_start3A_439 = arith.constant 5 : i32
      %dma_start3A_440 = arith.constant 0 : i32
      %dma_start3A_441 = arith.constant 5 : i32
      %dma_start3A_442 = arith.constant 0 : i32
      %dma_start3A_443 = arith.constant 0 : i32
      %dma_start3A_444 = tpu.memref_slice %arg8[%dma_start3A_439, %dma_start3A_442, %dma_start3A_443] : memref<10x128x16xf32, #tpu.memory_space<vmem>> -> memref<1x128x16xf32, #tpu.memory_space<vmem>>
      %dma_start3A_445 = tpu.memref_squeeze %dma_start3A_444 : memref<1x128x16xf32, #tpu.memory_space<vmem>> -> memref<128x16xf32, #tpu.memory_space<vmem>>
      %dma_start3A_446 = arith.constant 0 : i32
      %dma_start3A_447 = tpu.memref_slice %arg7[%dma_start3A_440, %dma_start3A_441, %dma_start3A_446] : memref<2x10x128xi32, #tpu.memory_space<vmem>> -> memref<1x1x128xi32, #tpu.memory_space<vmem>>
      %dma_start3A_448 = tpu.memref_squeeze %dma_start3A_447 : memref<1x1x128xi32, #tpu.memory_space<vmem>> -> memref<128xi32, #tpu.memory_space<vmem>>
      %dma_start3A_449 = arith.constant 0 : i32
      %dma_start3A_450 = arith.constant 0 : i32
      %dma_start3A_451 = tpu.memref_slice %arg10[%dma_start3A_449, %dma_start3A_450] : memref<100352x16xf32, #tpu.memory_space<vmem_shared>> -> memref<100352x16xf32, #tpu.memory_space<vmem_shared>>
      tpu.enqueue_indirect_dma source(%dma_start3A_445 : memref<128x16xf32, #tpu.memory_space<vmem>>) target(%dma_start3A_451 : memref<100352x16xf32, #tpu.memory_space<vmem_shared>>) offsets(%dma_start3A_448 : memref<128xi32, #tpu.memory_space<vmem>>) semaphore(%arg12 : memref<!tpu.dma_semaphore, #tpu.memory_space<semaphore_mem>>) {add = true}
      %dma_wait3A_452 = arith.constant 0 : i32
      %dma_wait3A_453 = arith.constant 0 : i32
      %dma_wait3A_454 = arith.constant 0 : i32
      %dma_wait3A_455 = arith.constant 0 : i32
      %dma_wait3A_456 = arith.constant 0 : i32
      %dma_wait3A_457 = tpu.memref_slice %arg8[%dma_wait3A_452, %dma_wait3A_455, %dma_wait3A_456] : memref<10x128x16xf32, #tpu.memory_space<vmem>> -> memref<1x128x16xf32, #tpu.memory_space<vmem>>
      %dma_wait3A_458 = tpu.memref_squeeze %dma_wait3A_457 : memref<1x128x16xf32, #tpu.memory_space<vmem>> -> memref<128x16xf32, #tpu.memory_space<vmem>>
      %dma_wait3A_459 = arith.constant 0 : i32
      %dma_wait3A_460 = tpu.memref_slice %arg7[%dma_wait3A_453, %dma_wait3A_454, %dma_wait3A_459] : memref<2x10x128xi32, #tpu.memory_space<vmem>> -> memref<1x1x128xi32, #tpu.memory_space<vmem>>
      %dma_wait3A_461 = tpu.memref_squeeze %dma_wait3A_460 : memref<1x1x128xi32, #tpu.memory_space<vmem>> -> memref<128xi32, #tpu.memory_space<vmem>>
      %dma_wait3A_462 = arith.constant 0 : i32
      %dma_wait3A_463 = arith.constant 0 : i32
      %dma_wait3A_464 = tpu.memref_slice %arg10[%dma_wait3A_462, %dma_wait3A_463] : memref<100352x16xf32, #tpu.memory_space<vmem_shared>> -> memref<100352x16xf32, #tpu.memory_space<vmem_shared>>
      tpu.wait_indirect_dma semaphore(%arg12 : memref<!tpu.dma_semaphore, #tpu.memory_space<semaphore_mem>>) src(%dma_wait3A_458 : memref<128x16xf32, #tpu.memory_space<vmem>>) dst(%dma_wait3A_464 : memref<100352x16xf32, #tpu.memory_space<vmem_shared>>)
      %dma_wait3A_465 = arith.constant 0 : i32
      %dma_wait3A_466 = arith.constant 6 : i32
      %dma_wait3A_467 = arith.constant 6 : i32
      %dma_wait3A_468 = arith.constant 0 : i32
      %dma_wait3A_469 = arith.constant 0 : i32
      %dma_wait3A_470 = tpu.memref_slice %arg8[%dma_wait3A_467, %dma_wait3A_468, %dma_wait3A_469] : memref<10x128x16xf32, #tpu.memory_space<vmem>> -> memref<1x128x16xf32, #tpu.memory_space<vmem>>
      %dma_wait3A_471 = tpu.memref_squeeze %dma_wait3A_470 : memref<1x128x16xf32, #tpu.memory_space<vmem>> -> memref<128x16xf32, #tpu.memory_space<vmem>>
      %dma_wait3A_472 = arith.constant 0 : i32
      %dma_wait3A_473 = tpu.memref_slice %arg6[%dma_wait3A_465, %dma_wait3A_466, %dma_wait3A_472] : memref<2x10x128xi32, #tpu.memory_space<vmem>> -> memref<1x1x128xi32, #tpu.memory_space<vmem>>
      %dma_wait3A_474 = tpu.memref_squeeze %dma_wait3A_473 : memref<1x1x128xi32, #tpu.memory_space<vmem>> -> memref<128xi32, #tpu.memory_space<vmem>>
      %dma_wait3A_475 = arith.constant 0 : i32
      %dma_wait3A_476 = arith.constant 0 : i32
      %dma_wait3A_477 = tpu.memref_slice %arg3[%dma_wait3A_475, %dma_wait3A_476] : memref<100352x16xf32, #tpu.memory_space<hbm>> -> memref<100352x16xf32, #tpu.memory_space<hbm>>
      tpu.wait_indirect_dma semaphore(%arg11 : memref<!tpu.dma_semaphore, #tpu.memory_space<semaphore_mem>>) src(%dma_wait3A_477 : memref<100352x16xf32, #tpu.memory_space<hbm>>) dst(%dma_wait3A_471 : memref<128x16xf32, #tpu.memory_space<vmem>>)
      %dma_start3A_478 = arith.constant 6 : i32
      %dma_start3A_479 = arith.constant 0 : i32
      %dma_start3A_480 = arith.constant 6 : i32
      %dma_start3A_481 = arith.constant 0 : i32
      %dma_start3A_482 = arith.constant 0 : i32
      %dma_start3A_483 = tpu.memref_slice %arg8[%dma_start3A_478, %dma_start3A_481, %dma_start3A_482] : memref<10x128x16xf32, #tpu.memory_space<vmem>> -> memref<1x128x16xf32, #tpu.memory_space<vmem>>
      %dma_start3A_484 = tpu.memref_squeeze %dma_start3A_483 : memref<1x128x16xf32, #tpu.memory_space<vmem>> -> memref<128x16xf32, #tpu.memory_space<vmem>>
      %dma_start3A_485 = arith.constant 0 : i32
      %dma_start3A_486 = tpu.memref_slice %arg7[%dma_start3A_479, %dma_start3A_480, %dma_start3A_485] : memref<2x10x128xi32, #tpu.memory_space<vmem>> -> memref<1x1x128xi32, #tpu.memory_space<vmem>>
      %dma_start3A_487 = tpu.memref_squeeze %dma_start3A_486 : memref<1x1x128xi32, #tpu.memory_space<vmem>> -> memref<128xi32, #tpu.memory_space<vmem>>
      %dma_start3A_488 = arith.constant 0 : i32
      %dma_start3A_489 = arith.constant 0 : i32
      %dma_start3A_490 = tpu.memref_slice %arg10[%dma_start3A_488, %dma_start3A_489] : memref<100352x16xf32, #tpu.memory_space<vmem_shared>> -> memref<100352x16xf32, #tpu.memory_space<vmem_shared>>
      tpu.enqueue_indirect_dma source(%dma_start3A_484 : memref<128x16xf32, #tpu.memory_space<vmem>>) target(%dma_start3A_490 : memref<100352x16xf32, #tpu.memory_space<vmem_shared>>) offsets(%dma_start3A_487 : memref<128xi32, #tpu.memory_space<vmem>>) semaphore(%arg12 : memref<!tpu.dma_semaphore, #tpu.memory_space<semaphore_mem>>) {add = true}
      %dma_wait3A_491 = arith.constant 0 : i32
      %dma_wait3A_492 = arith.constant 0 : i32
      %dma_wait3A_493 = arith.constant 0 : i32
      %dma_wait3A_494 = arith.constant 0 : i32
      %dma_wait3A_495 = arith.constant 0 : i32
      %dma_wait3A_496 = tpu.memref_slice %arg8[%dma_wait3A_491, %dma_wait3A_494, %dma_wait3A_495] : memref<10x128x16xf32, #tpu.memory_space<vmem>> -> memref<1x128x16xf32, #tpu.memory_space<vmem>>
      %dma_wait3A_497 = tpu.memref_squeeze %dma_wait3A_496 : memref<1x128x16xf32, #tpu.memory_space<vmem>> -> memref<128x16xf32, #tpu.memory_space<vmem>>
      %dma_wait3A_498 = arith.constant 0 : i32
      %dma_wait3A_499 = tpu.memref_slice %arg7[%dma_wait3A_492, %dma_wait3A_493, %dma_wait3A_498] : memref<2x10x128xi32, #tpu.memory_space<vmem>> -> memref<1x1x128xi32, #tpu.memory_space<vmem>>
      %dma_wait3A_500 = tpu.memref_squeeze %dma_wait3A_499 : memref<1x1x128xi32, #tpu.memory_space<vmem>> -> memref<128xi32, #tpu.memory_space<vmem>>
      %dma_wait3A_501 = arith.constant 0 : i32
      %dma_wait3A_502 = arith.constant 0 : i32
      %dma_wait3A_503 = tpu.memref_slice %arg10[%dma_wait3A_501, %dma_wait3A_502] : memref<100352x16xf32, #tpu.memory_space<vmem_shared>> -> memref<100352x16xf32, #tpu.memory_space<vmem_shared>>
      tpu.wait_indirect_dma semaphore(%arg12 : memref<!tpu.dma_semaphore, #tpu.memory_space<semaphore_mem>>) src(%dma_wait3A_497 : memref<128x16xf32, #tpu.memory_space<vmem>>) dst(%dma_wait3A_503 : memref<100352x16xf32, #tpu.memory_space<vmem_shared>>)
      %dma_wait3A_504 = arith.constant 0 : i32
      %dma_wait3A_505 = arith.constant 7 : i32
      %dma_wait3A_506 = arith.constant 7 : i32
      %dma_wait3A_507 = arith.constant 0 : i32
      %dma_wait3A_508 = arith.constant 0 : i32
      %dma_wait3A_509 = tpu.memref_slice %arg8[%dma_wait3A_506, %dma_wait3A_507, %dma_wait3A_508] : memref<10x128x16xf32, #tpu.memory_space<vmem>> -> memref<1x128x16xf32, #tpu.memory_space<vmem>>
      %dma_wait3A_510 = tpu.memref_squeeze %dma_wait3A_509 : memref<1x128x16xf32, #tpu.memory_space<vmem>> -> memref<128x16xf32, #tpu.memory_space<vmem>>
      %dma_wait3A_511 = arith.constant 0 : i32
      %dma_wait3A_512 = tpu.memref_slice %arg6[%dma_wait3A_504, %dma_wait3A_505, %dma_wait3A_511] : memref<2x10x128xi32, #tpu.memory_space<vmem>> -> memref<1x1x128xi32, #tpu.memory_space<vmem>>
      %dma_wait3A_513 = tpu.memref_squeeze %dma_wait3A_512 : memref<1x1x128xi32, #tpu.memory_space<vmem>> -> memref<128xi32, #tpu.memory_space<vmem>>
      %dma_wait3A_514 = arith.constant 0 : i32
      %dma_wait3A_515 = arith.constant 0 : i32
      %dma_wait3A_516 = tpu.memref_slice %arg3[%dma_wait3A_514, %dma_wait3A_515] : memref<100352x16xf32, #tpu.memory_space<hbm>> -> memref<100352x16xf32, #tpu.memory_space<hbm>>
      tpu.wait_indirect_dma semaphore(%arg11 : memref<!tpu.dma_semaphore, #tpu.memory_space<semaphore_mem>>) src(%dma_wait3A_516 : memref<100352x16xf32, #tpu.memory_space<hbm>>) dst(%dma_wait3A_510 : memref<128x16xf32, #tpu.memory_space<vmem>>)
      %dma_start3A_517 = arith.constant 7 : i32
      %dma_start3A_518 = arith.constant 0 : i32
      %dma_start3A_519 = arith.constant 7 : i32
      %dma_start3A_520 = arith.constant 0 : i32
      %dma_start3A_521 = arith.constant 0 : i32
      %dma_start3A_522 = tpu.memref_slice %arg8[%dma_start3A_517, %dma_start3A_520, %dma_start3A_521] : memref<10x128x16xf32, #tpu.memory_space<vmem>> -> memref<1x128x16xf32, #tpu.memory_space<vmem>>
      %dma_start3A_523 = tpu.memref_squeeze %dma_start3A_522 : memref<1x128x16xf32, #tpu.memory_space<vmem>> -> memref<128x16xf32, #tpu.memory_space<vmem>>
      %dma_start3A_524 = arith.constant 0 : i32
      %dma_start3A_525 = tpu.memref_slice %arg7[%dma_start3A_518, %dma_start3A_519, %dma_start3A_524] : memref<2x10x128xi32, #tpu.memory_space<vmem>> -> memref<1x1x128xi32, #tpu.memory_space<vmem>>
      %dma_start3A_526 = tpu.memref_squeeze %dma_start3A_525 : memref<1x1x128xi32, #tpu.memory_space<vmem>> -> memref<128xi32, #tpu.memory_space<vmem>>
      %dma_start3A_527 = arith.constant 0 : i32
      %dma_start3A_528 = arith.constant 0 : i32
      %dma_start3A_529 = tpu.memref_slice %arg10[%dma_start3A_527, %dma_start3A_528] : memref<100352x16xf32, #tpu.memory_space<vmem_shared>> -> memref<100352x16xf32, #tpu.memory_space<vmem_shared>>
      tpu.enqueue_indirect_dma source(%dma_start3A_523 : memref<128x16xf32, #tpu.memory_space<vmem>>) target(%dma_start3A_529 : memref<100352x16xf32, #tpu.memory_space<vmem_shared>>) offsets(%dma_start3A_526 : memref<128xi32, #tpu.memory_space<vmem>>) semaphore(%arg12 : memref<!tpu.dma_semaphore, #tpu.memory_space<semaphore_mem>>) {add = true}
      %dma_wait3A_530 = arith.constant 0 : i32
      %dma_wait3A_531 = arith.constant 0 : i32
      %dma_wait3A_532 = arith.constant 0 : i32
      %dma_wait3A_533 = arith.constant 0 : i32
      %dma_wait3A_534 = arith.constant 0 : i32
      %dma_wait3A_535 = tpu.memref_slice %arg8[%dma_wait3A_530, %dma_wait3A_533, %dma_wait3A_534] : memref<10x128x16xf32, #tpu.memory_space<vmem>> -> memref<1x128x16xf32, #tpu.memory_space<vmem>>
      %dma_wait3A_536 = tpu.memref_squeeze %dma_wait3A_535 : memref<1x128x16xf32, #tpu.memory_space<vmem>> -> memref<128x16xf32, #tpu.memory_space<vmem>>
      %dma_wait3A_537 = arith.constant 0 : i32
      %dma_wait3A_538 = tpu.memref_slice %arg7[%dma_wait3A_531, %dma_wait3A_532, %dma_wait3A_537] : memref<2x10x128xi32, #tpu.memory_space<vmem>> -> memref<1x1x128xi32, #tpu.memory_space<vmem>>
      %dma_wait3A_539 = tpu.memref_squeeze %dma_wait3A_538 : memref<1x1x128xi32, #tpu.memory_space<vmem>> -> memref<128xi32, #tpu.memory_space<vmem>>
      %dma_wait3A_540 = arith.constant 0 : i32
      %dma_wait3A_541 = arith.constant 0 : i32
      %dma_wait3A_542 = tpu.memref_slice %arg10[%dma_wait3A_540, %dma_wait3A_541] : memref<100352x16xf32, #tpu.memory_space<vmem_shared>> -> memref<100352x16xf32, #tpu.memory_space<vmem_shared>>
      tpu.wait_indirect_dma semaphore(%arg12 : memref<!tpu.dma_semaphore, #tpu.memory_space<semaphore_mem>>) src(%dma_wait3A_536 : memref<128x16xf32, #tpu.memory_space<vmem>>) dst(%dma_wait3A_542 : memref<100352x16xf32, #tpu.memory_space<vmem_shared>>)
      %dma_wait3A_543 = arith.constant 0 : i32
      %dma_wait3A_544 = arith.constant 8 : i32
      %dma_wait3A_545 = arith.constant 8 : i32
      %dma_wait3A_546 = arith.constant 0 : i32
      %dma_wait3A_547 = arith.constant 0 : i32
      %dma_wait3A_548 = tpu.memref_slice %arg8[%dma_wait3A_545, %dma_wait3A_546, %dma_wait3A_547] : memref<10x128x16xf32, #tpu.memory_space<vmem>> -> memref<1x128x16xf32, #tpu.memory_space<vmem>>
      %dma_wait3A_549 = tpu.memref_squeeze %dma_wait3A_548 : memref<1x128x16xf32, #tpu.memory_space<vmem>> -> memref<128x16xf32, #tpu.memory_space<vmem>>
      %dma_wait3A_550 = arith.constant 0 : i32
      %dma_wait3A_551 = tpu.memref_slice %arg6[%dma_wait3A_543, %dma_wait3A_544, %dma_wait3A_550] : memref<2x10x128xi32, #tpu.memory_space<vmem>> -> memref<1x1x128xi32, #tpu.memory_space<vmem>>
      %dma_wait3A_552 = tpu.memref_squeeze %dma_wait3A_551 : memref<1x1x128xi32, #tpu.memory_space<vmem>> -> memref<128xi32, #tpu.memory_space<vmem>>
      %dma_wait3A_553 = arith.constant 0 : i32
      %dma_wait3A_554 = arith.constant 0 : i32
      %dma_wait3A_555 = tpu.memref_slice %arg3[%dma_wait3A_553, %dma_wait3A_554] : memref<100352x16xf32, #tpu.memory_space<hbm>> -> memref<100352x16xf32, #tpu.memory_space<hbm>>
      tpu.wait_indirect_dma semaphore(%arg11 : memref<!tpu.dma_semaphore, #tpu.memory_space<semaphore_mem>>) src(%dma_wait3A_555 : memref<100352x16xf32, #tpu.memory_space<hbm>>) dst(%dma_wait3A_549 : memref<128x16xf32, #tpu.memory_space<vmem>>)
      %dma_start3A_556 = arith.constant 8 : i32
      %dma_start3A_557 = arith.constant 0 : i32
      %dma_start3A_558 = arith.constant 8 : i32
      %dma_start3A_559 = arith.constant 0 : i32
      %dma_start3A_560 = arith.constant 0 : i32
      %dma_start3A_561 = tpu.memref_slice %arg8[%dma_start3A_556, %dma_start3A_559, %dma_start3A_560] : memref<10x128x16xf32, #tpu.memory_space<vmem>> -> memref<1x128x16xf32, #tpu.memory_space<vmem>>
      %dma_start3A_562 = tpu.memref_squeeze %dma_start3A_561 : memref<1x128x16xf32, #tpu.memory_space<vmem>> -> memref<128x16xf32, #tpu.memory_space<vmem>>
      %dma_start3A_563 = arith.constant 0 : i32
      %dma_start3A_564 = tpu.memref_slice %arg7[%dma_start3A_557, %dma_start3A_558, %dma_start3A_563] : memref<2x10x128xi32, #tpu.memory_space<vmem>> -> memref<1x1x128xi32, #tpu.memory_space<vmem>>
      %dma_start3A_565 = tpu.memref_squeeze %dma_start3A_564 : memref<1x1x128xi32, #tpu.memory_space<vmem>> -> memref<128xi32, #tpu.memory_space<vmem>>
      %dma_start3A_566 = arith.constant 0 : i32
      %dma_start3A_567 = arith.constant 0 : i32
      %dma_start3A_568 = tpu.memref_slice %arg10[%dma_start3A_566, %dma_start3A_567] : memref<100352x16xf32, #tpu.memory_space<vmem_shared>> -> memref<100352x16xf32, #tpu.memory_space<vmem_shared>>
      tpu.enqueue_indirect_dma source(%dma_start3A_562 : memref<128x16xf32, #tpu.memory_space<vmem>>) target(%dma_start3A_568 : memref<100352x16xf32, #tpu.memory_space<vmem_shared>>) offsets(%dma_start3A_565 : memref<128xi32, #tpu.memory_space<vmem>>) semaphore(%arg12 : memref<!tpu.dma_semaphore, #tpu.memory_space<semaphore_mem>>) {add = true}
      %dma_wait3A_569 = arith.constant 0 : i32
      %dma_wait3A_570 = arith.constant 0 : i32
      %dma_wait3A_571 = arith.constant 0 : i32
      %dma_wait3A_572 = arith.constant 0 : i32
      %dma_wait3A_573 = arith.constant 0 : i32
      %dma_wait3A_574 = tpu.memref_slice %arg8[%dma_wait3A_569, %dma_wait3A_572, %dma_wait3A_573] : memref<10x128x16xf32, #tpu.memory_space<vmem>> -> memref<1x128x16xf32, #tpu.memory_space<vmem>>
      %dma_wait3A_575 = tpu.memref_squeeze %dma_wait3A_574 : memref<1x128x16xf32, #tpu.memory_space<vmem>> -> memref<128x16xf32, #tpu.memory_space<vmem>>
      %dma_wait3A_576 = arith.constant 0 : i32
      %dma_wait3A_577 = tpu.memref_slice %arg7[%dma_wait3A_570, %dma_wait3A_571, %dma_wait3A_576] : memref<2x10x128xi32, #tpu.memory_space<vmem>> -> memref<1x1x128xi32, #tpu.memory_space<vmem>>
      %dma_wait3A_578 = tpu.memref_squeeze %dma_wait3A_577 : memref<1x1x128xi32, #tpu.memory_space<vmem>> -> memref<128xi32, #tpu.memory_space<vmem>>
      %dma_wait3A_579 = arith.constant 0 : i32
      %dma_wait3A_580 = arith.constant 0 : i32
      %dma_wait3A_581 = tpu.memref_slice %arg10[%dma_wait3A_579, %dma_wait3A_580] : memref<100352x16xf32, #tpu.memory_space<vmem_shared>> -> memref<100352x16xf32, #tpu.memory_space<vmem_shared>>
      tpu.wait_indirect_dma semaphore(%arg12 : memref<!tpu.dma_semaphore, #tpu.memory_space<semaphore_mem>>) src(%dma_wait3A_575 : memref<128x16xf32, #tpu.memory_space<vmem>>) dst(%dma_wait3A_581 : memref<100352x16xf32, #tpu.memory_space<vmem_shared>>)
      %dma_wait3A_582 = arith.constant 0 : i32
      %dma_wait3A_583 = arith.constant 9 : i32
      %dma_wait3A_584 = arith.constant 9 : i32
      %dma_wait3A_585 = arith.constant 0 : i32
      %dma_wait3A_586 = arith.constant 0 : i32
      %dma_wait3A_587 = tpu.memref_slice %arg8[%dma_wait3A_584, %dma_wait3A_585, %dma_wait3A_586] : memref<10x128x16xf32, #tpu.memory_space<vmem>> -> memref<1x128x16xf32, #tpu.memory_space<vmem>>
      %dma_wait3A_588 = tpu.memref_squeeze %dma_wait3A_587 : memref<1x128x16xf32, #tpu.memory_space<vmem>> -> memref<128x16xf32, #tpu.memory_space<vmem>>
      %dma_wait3A_589 = arith.constant 0 : i32
      %dma_wait3A_590 = tpu.memref_slice %arg6[%dma_wait3A_582, %dma_wait3A_583, %dma_wait3A_589] : memref<2x10x128xi32, #tpu.memory_space<vmem>> -> memref<1x1x128xi32, #tpu.memory_space<vmem>>
      %dma_wait3A_591 = tpu.memref_squeeze %dma_wait3A_590 : memref<1x1x128xi32, #tpu.memory_space<vmem>> -> memref<128xi32, #tpu.memory_space<vmem>>
      %dma_wait3A_592 = arith.constant 0 : i32
      %dma_wait3A_593 = arith.constant 0 : i32
      %dma_wait3A_594 = tpu.memref_slice %arg3[%dma_wait3A_592, %dma_wait3A_593] : memref<100352x16xf32, #tpu.memory_space<hbm>> -> memref<100352x16xf32, #tpu.memory_space<hbm>>
      tpu.wait_indirect_dma semaphore(%arg11 : memref<!tpu.dma_semaphore, #tpu.memory_space<semaphore_mem>>) src(%dma_wait3A_594 : memref<100352x16xf32, #tpu.memory_space<hbm>>) dst(%dma_wait3A_588 : memref<128x16xf32, #tpu.memory_space<vmem>>)
      %dma_start3A_595 = arith.constant 9 : i32
      %dma_start3A_596 = arith.constant 0 : i32
      %dma_start3A_597 = arith.constant 9 : i32
      %dma_start3A_598 = arith.constant 0 : i32
      %dma_start3A_599 = arith.constant 0 : i32
      %dma_start3A_600 = tpu.memref_slice %arg8[%dma_start3A_595, %dma_start3A_598, %dma_start3A_599] : memref<10x128x16xf32, #tpu.memory_space<vmem>> -> memref<1x128x16xf32, #tpu.memory_space<vmem>>
      %dma_start3A_601 = tpu.memref_squeeze %dma_start3A_600 : memref<1x128x16xf32, #tpu.memory_space<vmem>> -> memref<128x16xf32, #tpu.memory_space<vmem>>
      %dma_start3A_602 = arith.constant 0 : i32
      %dma_start3A_603 = tpu.memref_slice %arg7[%dma_start3A_596, %dma_start3A_597, %dma_start3A_602] : memref<2x10x128xi32, #tpu.memory_space<vmem>> -> memref<1x1x128xi32, #tpu.memory_space<vmem>>
      %dma_start3A_604 = tpu.memref_squeeze %dma_start3A_603 : memref<1x1x128xi32, #tpu.memory_space<vmem>> -> memref<128xi32, #tpu.memory_space<vmem>>
      %dma_start3A_605 = arith.constant 0 : i32
      %dma_start3A_606 = arith.constant 0 : i32
      %dma_start3A_607 = tpu.memref_slice %arg10[%dma_start3A_605, %dma_start3A_606] : memref<100352x16xf32, #tpu.memory_space<vmem_shared>> -> memref<100352x16xf32, #tpu.memory_space<vmem_shared>>
      tpu.enqueue_indirect_dma source(%dma_start3A_601 : memref<128x16xf32, #tpu.memory_space<vmem>>) target(%dma_start3A_607 : memref<100352x16xf32, #tpu.memory_space<vmem_shared>>) offsets(%dma_start3A_604 : memref<128xi32, #tpu.memory_space<vmem>>) semaphore(%arg12 : memref<!tpu.dma_semaphore, #tpu.memory_space<semaphore_mem>>) {add = true}
    } else {
    }
    %while3A = arith.constant 1 : i32
    %while3A_26 = arith.constant 0 : i32
    %while3A_27 = arith.subi %add3A_12, %while3A : i32
    %while3A_28 = arith.addi %while3A, %while3A_27 : i32
    %while3A_29 = arith.constant 1 : i32
    %while3A_30 = arith.divsi %while3A_27, %while3A_29 : i32
    %while3A_31 = arith.muli %while3A_30, %while3A_29 : i32
    %while3A_32 = arith.addi %while3A, %while3A_31 : i32
    %while3A_33 = arith.constant 1 : i32
    %while3A_34 = scf.for %while3A_77 = %while3A to %while3A_32 step %while3A_33 iter_args(%while3A_78 = %while3A_26) -> (i32)  : i32 {
      %rem3A = arith.constant 2 : i32
      %rem3A_79 = arith.remsi %while3A_77, %rem3A : i32
      %mul3A_80 = arith.constant 10 : i32
      %mul3A_81 = arith.muli %while3A_77, %mul3A_80 : i32
      %add3A_82 = arith.addi %mul3A_18, %mul3A_81 : i32
      %dma_wait3A = arith.constant 0 : i32
      %dma_wait3A_83 = arith.constant 0 : i32
      %dma_wait3A_84 = arith.constant 0 : i32
      %dma_wait3A_85 = tpu.memref_slice %arg6[%rem3A_79, %dma_wait3A_83, %dma_wait3A_84] : memref<2x10x128xi32, #tpu.memory_space<vmem>> -> memref<1x10x128xi32, #tpu.memory_space<vmem>>
      %dma_wait3A_86 = tpu.memref_squeeze %dma_wait3A_85 : memref<1x10x128xi32, #tpu.memory_space<vmem>> -> memref<10x128xi32, #tpu.memory_space<vmem>>
      %dma_wait3A_87 = arith.constant 0 : i32
      %dma_wait3A_88 = tpu.memref_slice %arg2[%dma_wait3A, %add3A_82, %dma_wait3A_87] : memref<2x12500x128xi32, #tpu.memory_space<hbm>> -> memref<1x10x128xi32, #tpu.memory_space<hbm>>
      %dma_wait3A_89 = tpu.memref_squeeze %dma_wait3A_88 : memref<1x10x128xi32, #tpu.memory_space<hbm>> -> memref<10x128xi32, #tpu.memory_space<hbm>>
      %dma_wait3A_90 = arith.constant 0 : i32
      %dma_wait3A_91 = arith.constant 0 : i32
      %dma_wait3A_92 = tpu.memref_slice %arg6[%rem3A_79, %dma_wait3A_90, %dma_wait3A_91] : memref<2x10x128xi32, #tpu.memory_space<vmem>> -> memref<1x10x128xi32, #tpu.memory_space<vmem>>
      %dma_wait3A_93 = tpu.memref_squeeze %dma_wait3A_92 : memref<1x10x128xi32, #tpu.memory_space<vmem>> -> memref<10x128xi32, #tpu.memory_space<vmem>>
      %dma_wait3A_94 = arith.constant 0 : i32
      %dma_wait3A_95 = tpu.memref_slice %arg2[%dma_wait3A, %add3A_82, %dma_wait3A_94] : memref<2x12500x128xi32, #tpu.memory_space<hbm>> -> memref<1x10x128xi32, #tpu.memory_space<hbm>>
      %dma_wait3A_96 = tpu.memref_squeeze %dma_wait3A_95 : memref<1x10x128xi32, #tpu.memory_space<hbm>> -> memref<10x128xi32, #tpu.memory_space<hbm>>
      tpu.wait_dma2 semaphore(%arg13 : memref<!tpu.dma_semaphore, #tpu.memory_space<semaphore_mem>>) src(%dma_wait3A_96 : memref<10x128xi32, #tpu.memory_space<hbm>>) dst(%dma_wait3A_93 : memref<10x128xi32, #tpu.memory_space<vmem>>)
      %dma_wait3A_97 = arith.constant 1 : i32
      %dma_wait3A_98 = arith.constant 0 : i32
      %dma_wait3A_99 = arith.constant 0 : i32
      %dma_wait3A_100 = tpu.memref_slice %arg7[%rem3A_79, %dma_wait3A_98, %dma_wait3A_99] : memref<2x10x128xi32, #tpu.memory_space<vmem>> -> memref<1x10x128xi32, #tpu.memory_space<vmem>>
      %dma_wait3A_101 = tpu.memref_squeeze %dma_wait3A_100 : memref<1x10x128xi32, #tpu.memory_space<vmem>> -> memref<10x128xi32, #tpu.memory_space<vmem>>
      %dma_wait3A_102 = arith.constant 0 : i32
      %dma_wait3A_103 = tpu.memref_slice %arg2[%dma_wait3A_97, %add3A_82, %dma_wait3A_102] : memref<2x12500x128xi32, #tpu.memory_space<hbm>> -> memref<1x10x128xi32, #tpu.memory_space<hbm>>
      %dma_wait3A_104 = tpu.memref_squeeze %dma_wait3A_103 : memref<1x10x128xi32, #tpu.memory_space<hbm>> -> memref<10x128xi32, #tpu.memory_space<hbm>>
      %dma_wait3A_105 = arith.constant 0 : i32
      %dma_wait3A_106 = arith.constant 0 : i32
      %dma_wait3A_107 = tpu.memref_slice %arg7[%rem3A_79, %dma_wait3A_105, %dma_wait3A_106] : memref<2x10x128xi32, #tpu.memory_space<vmem>> -> memref<1x10x128xi32, #tpu.memory_space<vmem>>
      %dma_wait3A_108 = tpu.memref_squeeze %dma_wait3A_107 : memref<1x10x128xi32, #tpu.memory_space<vmem>> -> memref<10x128xi32, #tpu.memory_space<vmem>>
      %dma_wait3A_109 = arith.constant 0 : i32
      %dma_wait3A_110 = tpu.memref_slice %arg2[%dma_wait3A_97, %add3A_82, %dma_wait3A_109] : memref<2x12500x128xi32, #tpu.memory_space<hbm>> -> memref<1x10x128xi32, #tpu.memory_space<hbm>>
      %dma_wait3A_111 = tpu.memref_squeeze %dma_wait3A_110 : memref<1x10x128xi32, #tpu.memory_space<hbm>> -> memref<10x128xi32, #tpu.memory_space<hbm>>
      tpu.wait_dma2 semaphore(%arg13 : memref<!tpu.dma_semaphore, #tpu.memory_space<semaphore_mem>>) src(%dma_wait3A_111 : memref<10x128xi32, #tpu.memory_space<hbm>>) dst(%dma_wait3A_108 : memref<10x128xi32, #tpu.memory_space<vmem>>)
      %add3A_112 = arith.constant 1 : i32
      %add3A_113 = arith.addi %while3A_77, %add3A_112 : i32
      %lt3A_114 = arith.cmpi slt, %add3A_113, %add3A_12 : i32
      %convert_element_type3A_115 = arith.extui %lt3A_114 : i1 to i32
      %cond3A_116 = arith.constant 0 : i32
      %cond3A_117 = arith.cmpi ne, %convert_element_type3A_115, %cond3A_116 : i32
      scf.if %cond3A_117 {
        %add3A_598 = arith.constant 1 : i32
        %add3A_599 = arith.addi %while3A_77, %add3A_598 : i32
        %sub3A = arith.constant 1 : i32
        %sub3A_600 = arith.subi %sub3A, %rem3A_79 : i32
        %mul3A_601 = arith.constant 10 : i32
        %mul3A_602 = arith.muli %add3A_599, %mul3A_601 : i32
        %add3A_603 = arith.addi %mul3A_18, %mul3A_602 : i32
        %dma_start3A_604 = arith.constant 0 : i32
        %dma_start3A_605 = arith.constant 0 : i32
        %dma_start3A_606 = arith.constant 0 : i32
        %dma_start3A_607 = tpu.memref_slice %arg6[%sub3A_600, %dma_start3A_605, %dma_start3A_606] : memref<2x10x128xi32, #tpu.memory_space<vmem>> -> memref<1x10x128xi32, #tpu.memory_space<vmem>>
        %dma_start3A_608 = tpu.memref_squeeze %dma_start3A_607 : memref<1x10x128xi32, #tpu.memory_space<vmem>> -> memref<10x128xi32, #tpu.memory_space<vmem>>
        %dma_start3A_609 = arith.constant 0 : i32
        %dma_start3A_610 = tpu.memref_slice %arg2[%dma_start3A_604, %add3A_603, %dma_start3A_609] : memref<2x12500x128xi32, #tpu.memory_space<hbm>> -> memref<1x10x128xi32, #tpu.memory_space<hbm>>
        %dma_start3A_611 = tpu.memref_squeeze %dma_start3A_610 : memref<1x10x128xi32, #tpu.memory_space<hbm>> -> memref<10x128xi32, #tpu.memory_space<hbm>>
        %dma_start3A_612 = arith.constant 0 : i32
        %dma_start3A_613 = arith.constant 0 : i32
        %dma_start3A_614 = tpu.memref_slice %arg6[%sub3A_600, %dma_start3A_612, %dma_start3A_613] : memref<2x10x128xi32, #tpu.memory_space<vmem>> -> memref<1x10x128xi32, #tpu.memory_space<vmem>>
        %dma_start3A_615 = tpu.memref_squeeze %dma_start3A_614 : memref<1x10x128xi32, #tpu.memory_space<vmem>> -> memref<10x128xi32, #tpu.memory_space<vmem>>
        %dma_start3A_616 = arith.constant 0 : i32
        %dma_start3A_617 = tpu.memref_slice %arg2[%dma_start3A_604, %add3A_603, %dma_start3A_616] : memref<2x12500x128xi32, #tpu.memory_space<hbm>> -> memref<1x10x128xi32, #tpu.memory_space<hbm>>
        %dma_start3A_618 = tpu.memref_squeeze %dma_start3A_617 : memref<1x10x128xi32, #tpu.memory_space<hbm>> -> memref<10x128xi32, #tpu.memory_space<hbm>>
        tpu.enqueue_dma source(%dma_start3A_618 : memref<10x128xi32, #tpu.memory_space<hbm>>) target(%dma_start3A_615 : memref<10x128xi32, #tpu.memory_space<vmem>>) target_semaphore(%arg13 : memref<!tpu.dma_semaphore, #tpu.memory_space<semaphore_mem>>)
        %dma_start3A_619 = arith.constant 1 : i32
        %dma_start3A_620 = arith.constant 0 : i32
        %dma_start3A_621 = arith.constant 0 : i32
        %dma_start3A_622 = tpu.memref_slice %arg7[%sub3A_600, %dma_start3A_620, %dma_start3A_621] : memref<2x10x128xi32, #tpu.memory_space<vmem>> -> memref<1x10x128xi32, #tpu.memory_space<vmem>>
        %dma_start3A_623 = tpu.memref_squeeze %dma_start3A_622 : memref<1x10x128xi32, #tpu.memory_space<vmem>> -> memref<10x128xi32, #tpu.memory_space<vmem>>
        %dma_start3A_624 = arith.constant 0 : i32
        %dma_start3A_625 = tpu.memref_slice %arg2[%dma_start3A_619, %add3A_603, %dma_start3A_624] : memref<2x12500x128xi32, #tpu.memory_space<hbm>> -> memref<1x10x128xi32, #tpu.memory_space<hbm>>
        %dma_start3A_626 = tpu.memref_squeeze %dma_start3A_625 : memref<1x10x128xi32, #tpu.memory_space<hbm>> -> memref<10x128xi32, #tpu.memory_space<hbm>>
        %dma_start3A_627 = arith.constant 0 : i32
        %dma_start3A_628 = arith.constant 0 : i32
        %dma_start3A_629 = tpu.memref_slice %arg7[%sub3A_600, %dma_start3A_627, %dma_start3A_628] : memref<2x10x128xi32, #tpu.memory_space<vmem>> -> memref<1x10x128xi32, #tpu.memory_space<vmem>>
        %dma_start3A_630 = tpu.memref_squeeze %dma_start3A_629 : memref<1x10x128xi32, #tpu.memory_space<vmem>> -> memref<10x128xi32, #tpu.memory_space<vmem>>
        %dma_start3A_631 = arith.constant 0 : i32
        %dma_start3A_632 = tpu.memref_slice %arg2[%dma_start3A_619, %add3A_603, %dma_start3A_631] : memref<2x12500x128xi32, #tpu.memory_space<hbm>> -> memref<1x10x128xi32, #tpu.memory_space<hbm>>
        %dma_start3A_633 = tpu.memref_squeeze %dma_start3A_632 : memref<1x10x128xi32, #tpu.memory_space<hbm>> -> memref<10x128xi32, #tpu.memory_space<hbm>>
        tpu.enqueue_dma source(%dma_start3A_633 : memref<10x128xi32, #tpu.memory_space<hbm>>) target(%dma_start3A_630 : memref<10x128xi32, #tpu.memory_space<vmem>>) target_semaphore(%arg13 : memref<!tpu.dma_semaphore, #tpu.memory_space<semaphore_mem>>)
      } else {
      }
      %dma_start3A = arith.constant 0 : i32
      %dma_start3A_118 = arith.constant 0 : i32
      %dma_start3A_119 = arith.constant 0 : i32
      %dma_start3A_120 = arith.constant 0 : i32
      %dma_start3A_121 = tpu.memref_slice %arg8[%dma_start3A_118, %dma_start3A_119, %dma_start3A_120] : memref<10x128x16xf32, #tpu.memory_space<vmem>> -> memref<1x128x16xf32, #tpu.memory_space<vmem>>
      %dma_start3A_122 = tpu.memref_squeeze %dma_start3A_121 : memref<1x128x16xf32, #tpu.memory_space<vmem>> -> memref<128x16xf32, #tpu.memory_space<vmem>>
      %dma_start3A_123 = arith.constant 0 : i32
      %dma_start3A_124 = tpu.memref_slice %arg6[%rem3A_79, %dma_start3A, %dma_start3A_123] : memref<2x10x128xi32, #tpu.memory_space<vmem>> -> memref<1x1x128xi32, #tpu.memory_space<vmem>>
      %dma_start3A_125 = tpu.memref_squeeze %dma_start3A_124 : memref<1x1x128xi32, #tpu.memory_space<vmem>> -> memref<128xi32, #tpu.memory_space<vmem>>
      %dma_start3A_126 = arith.constant 0 : i32
      %dma_start3A_127 = arith.constant 0 : i32
      %dma_start3A_128 = tpu.memref_slice %arg3[%dma_start3A_126, %dma_start3A_127] : memref<100352x16xf32, #tpu.memory_space<hbm>> -> memref<100352x16xf32, #tpu.memory_space<hbm>>
      tpu.enqueue_indirect_dma source(%dma_start3A_128 : memref<100352x16xf32, #tpu.memory_space<hbm>>) target(%dma_start3A_122 : memref<128x16xf32, #tpu.memory_space<vmem>>) offsets(%dma_start3A_125 : memref<128xi32, #tpu.memory_space<vmem>>) semaphore(%arg11 : memref<!tpu.dma_semaphore, #tpu.memory_space<semaphore_mem>>)
      %dma_start3A_129 = arith.constant 1 : i32
      %dma_start3A_130 = arith.constant 1 : i32
      %dma_start3A_131 = arith.constant 0 : i32
      %dma_start3A_132 = arith.constant 0 : i32
      %dma_start3A_133 = tpu.memref_slice %arg8[%dma_start3A_130, %dma_start3A_131, %dma_start3A_132] : memref<10x128x16xf32, #tpu.memory_space<vmem>> -> memref<1x128x16xf32, #tpu.memory_space<vmem>>
      %dma_start3A_134 = tpu.memref_squeeze %dma_start3A_133 : memref<1x128x16xf32, #tpu.memory_space<vmem>> -> memref<128x16xf32, #tpu.memory_space<vmem>>
      %dma_start3A_135 = arith.constant 0 : i32
      %dma_start3A_136 = tpu.memref_slice %arg6[%rem3A_79, %dma_start3A_129, %dma_start3A_135] : memref<2x10x128xi32, #tpu.memory_space<vmem>> -> memref<1x1x128xi32, #tpu.memory_space<vmem>>
      %dma_start3A_137 = tpu.memref_squeeze %dma_start3A_136 : memref<1x1x128xi32, #tpu.memory_space<vmem>> -> memref<128xi32, #tpu.memory_space<vmem>>
      %dma_start3A_138 = arith.constant 0 : i32
      %dma_start3A_139 = arith.constant 0 : i32
      %dma_start3A_140 = tpu.memref_slice %arg3[%dma_start3A_138, %dma_start3A_139] : memref<100352x16xf32, #tpu.memory_space<hbm>> -> memref<100352x16xf32, #tpu.memory_space<hbm>>
      tpu.enqueue_indirect_dma source(%dma_start3A_140 : memref<100352x16xf32, #tpu.memory_space<hbm>>) target(%dma_start3A_134 : memref<128x16xf32, #tpu.memory_space<vmem>>) offsets(%dma_start3A_137 : memref<128xi32, #tpu.memory_space<vmem>>) semaphore(%arg11 : memref<!tpu.dma_semaphore, #tpu.memory_space<semaphore_mem>>)
      %dma_start3A_141 = arith.constant 2 : i32
      %dma_start3A_142 = arith.constant 2 : i32
      %dma_start3A_143 = arith.constant 0 : i32
      %dma_start3A_144 = arith.constant 0 : i32
      %dma_start3A_145 = tpu.memref_slice %arg8[%dma_start3A_142, %dma_start3A_143, %dma_start3A_144] : memref<10x128x16xf32, #tpu.memory_space<vmem>> -> memref<1x128x16xf32, #tpu.memory_space<vmem>>
      %dma_start3A_146 = tpu.memref_squeeze %dma_start3A_145 : memref<1x128x16xf32, #tpu.memory_space<vmem>> -> memref<128x16xf32, #tpu.memory_space<vmem>>
      %dma_start3A_147 = arith.constant 0 : i32
      %dma_start3A_148 = tpu.memref_slice %arg6[%rem3A_79, %dma_start3A_141, %dma_start3A_147] : memref<2x10x128xi32, #tpu.memory_space<vmem>> -> memref<1x1x128xi32, #tpu.memory_space<vmem>>
      %dma_start3A_149 = tpu.memref_squeeze %dma_start3A_148 : memref<1x1x128xi32, #tpu.memory_space<vmem>> -> memref<128xi32, #tpu.memory_space<vmem>>
      %dma_start3A_150 = arith.constant 0 : i32
      %dma_start3A_151 = arith.constant 0 : i32
      %dma_start3A_152 = tpu.memref_slice %arg3[%dma_start3A_150, %dma_start3A_151] : memref<100352x16xf32, #tpu.memory_space<hbm>> -> memref<100352x16xf32, #tpu.memory_space<hbm>>
      tpu.enqueue_indirect_dma source(%dma_start3A_152 : memref<100352x16xf32, #tpu.memory_space<hbm>>) target(%dma_start3A_146 : memref<128x16xf32, #tpu.memory_space<vmem>>) offsets(%dma_start3A_149 : memref<128xi32, #tpu.memory_space<vmem>>) semaphore(%arg11 : memref<!tpu.dma_semaphore, #tpu.memory_space<semaphore_mem>>)
      %dma_start3A_153 = arith.constant 3 : i32
      %dma_start3A_154 = arith.constant 3 : i32
      %dma_start3A_155 = arith.constant 0 : i32
      %dma_start3A_156 = arith.constant 0 : i32
      %dma_start3A_157 = tpu.memref_slice %arg8[%dma_start3A_154, %dma_start3A_155, %dma_start3A_156] : memref<10x128x16xf32, #tpu.memory_space<vmem>> -> memref<1x128x16xf32, #tpu.memory_space<vmem>>
      %dma_start3A_158 = tpu.memref_squeeze %dma_start3A_157 : memref<1x128x16xf32, #tpu.memory_space<vmem>> -> memref<128x16xf32, #tpu.memory_space<vmem>>
      %dma_start3A_159 = arith.constant 0 : i32
      %dma_start3A_160 = tpu.memref_slice %arg6[%rem3A_79, %dma_start3A_153, %dma_start3A_159] : memref<2x10x128xi32, #tpu.memory_space<vmem>> -> memref<1x1x128xi32, #tpu.memory_space<vmem>>
      %dma_start3A_161 = tpu.memref_squeeze %dma_start3A_160 : memref<1x1x128xi32, #tpu.memory_space<vmem>> -> memref<128xi32, #tpu.memory_space<vmem>>
      %dma_start3A_162 = arith.constant 0 : i32
      %dma_start3A_163 = arith.constant 0 : i32
      %dma_start3A_164 = tpu.memref_slice %arg3[%dma_start3A_162, %dma_start3A_163] : memref<100352x16xf32, #tpu.memory_space<hbm>> -> memref<100352x16xf32, #tpu.memory_space<hbm>>
      tpu.enqueue_indirect_dma source(%dma_start3A_164 : memref<100352x16xf32, #tpu.memory_space<hbm>>) target(%dma_start3A_158 : memref<128x16xf32, #tpu.memory_space<vmem>>) offsets(%dma_start3A_161 : memref<128xi32, #tpu.memory_space<vmem>>) semaphore(%arg11 : memref<!tpu.dma_semaphore, #tpu.memory_space<semaphore_mem>>)
      %dma_start3A_165 = arith.constant 4 : i32
      %dma_start3A_166 = arith.constant 4 : i32
      %dma_start3A_167 = arith.constant 0 : i32
      %dma_start3A_168 = arith.constant 0 : i32
      %dma_start3A_169 = tpu.memref_slice %arg8[%dma_start3A_166, %dma_start3A_167, %dma_start3A_168] : memref<10x128x16xf32, #tpu.memory_space<vmem>> -> memref<1x128x16xf32, #tpu.memory_space<vmem>>
      %dma_start3A_170 = tpu.memref_squeeze %dma_start3A_169 : memref<1x128x16xf32, #tpu.memory_space<vmem>> -> memref<128x16xf32, #tpu.memory_space<vmem>>
      %dma_start3A_171 = arith.constant 0 : i32
      %dma_start3A_172 = tpu.memref_slice %arg6[%rem3A_79, %dma_start3A_165, %dma_start3A_171] : memref<2x10x128xi32, #tpu.memory_space<vmem>> -> memref<1x1x128xi32, #tpu.memory_space<vmem>>
      %dma_start3A_173 = tpu.memref_squeeze %dma_start3A_172 : memref<1x1x128xi32, #tpu.memory_space<vmem>> -> memref<128xi32, #tpu.memory_space<vmem>>
      %dma_start3A_174 = arith.constant 0 : i32
      %dma_start3A_175 = arith.constant 0 : i32
      %dma_start3A_176 = tpu.memref_slice %arg3[%dma_start3A_174, %dma_start3A_175] : memref<100352x16xf32, #tpu.memory_space<hbm>> -> memref<100352x16xf32, #tpu.memory_space<hbm>>
      tpu.enqueue_indirect_dma source(%dma_start3A_176 : memref<100352x16xf32, #tpu.memory_space<hbm>>) target(%dma_start3A_170 : memref<128x16xf32, #tpu.memory_space<vmem>>) offsets(%dma_start3A_173 : memref<128xi32, #tpu.memory_space<vmem>>) semaphore(%arg11 : memref<!tpu.dma_semaphore, #tpu.memory_space<semaphore_mem>>)
      %dma_start3A_177 = arith.constant 5 : i32
      %dma_start3A_178 = arith.constant 5 : i32
      %dma_start3A_179 = arith.constant 0 : i32
      %dma_start3A_180 = arith.constant 0 : i32
      %dma_start3A_181 = tpu.memref_slice %arg8[%dma_start3A_178, %dma_start3A_179, %dma_start3A_180] : memref<10x128x16xf32, #tpu.memory_space<vmem>> -> memref<1x128x16xf32, #tpu.memory_space<vmem>>
      %dma_start3A_182 = tpu.memref_squeeze %dma_start3A_181 : memref<1x128x16xf32, #tpu.memory_space<vmem>> -> memref<128x16xf32, #tpu.memory_space<vmem>>
      %dma_start3A_183 = arith.constant 0 : i32
      %dma_start3A_184 = tpu.memref_slice %arg6[%rem3A_79, %dma_start3A_177, %dma_start3A_183] : memref<2x10x128xi32, #tpu.memory_space<vmem>> -> memref<1x1x128xi32, #tpu.memory_space<vmem>>
      %dma_start3A_185 = tpu.memref_squeeze %dma_start3A_184 : memref<1x1x128xi32, #tpu.memory_space<vmem>> -> memref<128xi32, #tpu.memory_space<vmem>>
      %dma_start3A_186 = arith.constant 0 : i32
      %dma_start3A_187 = arith.constant 0 : i32
      %dma_start3A_188 = tpu.memref_slice %arg3[%dma_start3A_186, %dma_start3A_187] : memref<100352x16xf32, #tpu.memory_space<hbm>> -> memref<100352x16xf32, #tpu.memory_space<hbm>>
      tpu.enqueue_indirect_dma source(%dma_start3A_188 : memref<100352x16xf32, #tpu.memory_space<hbm>>) target(%dma_start3A_182 : memref<128x16xf32, #tpu.memory_space<vmem>>) offsets(%dma_start3A_185 : memref<128xi32, #tpu.memory_space<vmem>>) semaphore(%arg11 : memref<!tpu.dma_semaphore, #tpu.memory_space<semaphore_mem>>)
      %dma_start3A_189 = arith.constant 6 : i32
      %dma_start3A_190 = arith.constant 6 : i32
      %dma_start3A_191 = arith.constant 0 : i32
      %dma_start3A_192 = arith.constant 0 : i32
      %dma_start3A_193 = tpu.memref_slice %arg8[%dma_start3A_190, %dma_start3A_191, %dma_start3A_192] : memref<10x128x16xf32, #tpu.memory_space<vmem>> -> memref<1x128x16xf32, #tpu.memory_space<vmem>>
      %dma_start3A_194 = tpu.memref_squeeze %dma_start3A_193 : memref<1x128x16xf32, #tpu.memory_space<vmem>> -> memref<128x16xf32, #tpu.memory_space<vmem>>
      %dma_start3A_195 = arith.constant 0 : i32
      %dma_start3A_196 = tpu.memref_slice %arg6[%rem3A_79, %dma_start3A_189, %dma_start3A_195] : memref<2x10x128xi32, #tpu.memory_space<vmem>> -> memref<1x1x128xi32, #tpu.memory_space<vmem>>
      %dma_start3A_197 = tpu.memref_squeeze %dma_start3A_196 : memref<1x1x128xi32, #tpu.memory_space<vmem>> -> memref<128xi32, #tpu.memory_space<vmem>>
      %dma_start3A_198 = arith.constant 0 : i32
      %dma_start3A_199 = arith.constant 0 : i32
      %dma_start3A_200 = tpu.memref_slice %arg3[%dma_start3A_198, %dma_start3A_199] : memref<100352x16xf32, #tpu.memory_space<hbm>> -> memref<100352x16xf32, #tpu.memory_space<hbm>>
      tpu.enqueue_indirect_dma source(%dma_start3A_200 : memref<100352x16xf32, #tpu.memory_space<hbm>>) target(%dma_start3A_194 : memref<128x16xf32, #tpu.memory_space<vmem>>) offsets(%dma_start3A_197 : memref<128xi32, #tpu.memory_space<vmem>>) semaphore(%arg11 : memref<!tpu.dma_semaphore, #tpu.memory_space<semaphore_mem>>)
      %dma_start3A_201 = arith.constant 7 : i32
      %dma_start3A_202 = arith.constant 7 : i32
      %dma_start3A_203 = arith.constant 0 : i32
      %dma_start3A_204 = arith.constant 0 : i32
      %dma_start3A_205 = tpu.memref_slice %arg8[%dma_start3A_202, %dma_start3A_203, %dma_start3A_204] : memref<10x128x16xf32, #tpu.memory_space<vmem>> -> memref<1x128x16xf32, #tpu.memory_space<vmem>>
      %dma_start3A_206 = tpu.memref_squeeze %dma_start3A_205 : memref<1x128x16xf32, #tpu.memory_space<vmem>> -> memref<128x16xf32, #tpu.memory_space<vmem>>
      %dma_start3A_207 = arith.constant 0 : i32
      %dma_start3A_208 = tpu.memref_slice %arg6[%rem3A_79, %dma_start3A_201, %dma_start3A_207] : memref<2x10x128xi32, #tpu.memory_space<vmem>> -> memref<1x1x128xi32, #tpu.memory_space<vmem>>
      %dma_start3A_209 = tpu.memref_squeeze %dma_start3A_208 : memref<1x1x128xi32, #tpu.memory_space<vmem>> -> memref<128xi32, #tpu.memory_space<vmem>>
      %dma_start3A_210 = arith.constant 0 : i32
      %dma_start3A_211 = arith.constant 0 : i32
      %dma_start3A_212 = tpu.memref_slice %arg3[%dma_start3A_210, %dma_start3A_211] : memref<100352x16xf32, #tpu.memory_space<hbm>> -> memref<100352x16xf32, #tpu.memory_space<hbm>>
      tpu.enqueue_indirect_dma source(%dma_start3A_212 : memref<100352x16xf32, #tpu.memory_space<hbm>>) target(%dma_start3A_206 : memref<128x16xf32, #tpu.memory_space<vmem>>) offsets(%dma_start3A_209 : memref<128xi32, #tpu.memory_space<vmem>>) semaphore(%arg11 : memref<!tpu.dma_semaphore, #tpu.memory_space<semaphore_mem>>)
      %dma_wait3A_213 = arith.constant 0 : i32
      %dma_wait3A_214 = arith.constant 0 : i32
      %dma_wait3A_215 = arith.constant 0 : i32
      %dma_wait3A_216 = arith.constant 0 : i32
      %dma_wait3A_217 = tpu.memref_slice %arg8[%dma_wait3A_213, %dma_wait3A_215, %dma_wait3A_216] : memref<10x128x16xf32, #tpu.memory_space<vmem>> -> memref<1x128x16xf32, #tpu.memory_space<vmem>>
      %dma_wait3A_218 = tpu.memref_squeeze %dma_wait3A_217 : memref<1x128x16xf32, #tpu.memory_space<vmem>> -> memref<128x16xf32, #tpu.memory_space<vmem>>
      %dma_wait3A_219 = arith.constant 0 : i32
      %dma_wait3A_220 = tpu.memref_slice %arg7[%rem3A_79, %dma_wait3A_214, %dma_wait3A_219] : memref<2x10x128xi32, #tpu.memory_space<vmem>> -> memref<1x1x128xi32, #tpu.memory_space<vmem>>
      %dma_wait3A_221 = tpu.memref_squeeze %dma_wait3A_220 : memref<1x1x128xi32, #tpu.memory_space<vmem>> -> memref<128xi32, #tpu.memory_space<vmem>>
      %dma_wait3A_222 = arith.constant 0 : i32
      %dma_wait3A_223 = arith.constant 0 : i32
      %dma_wait3A_224 = tpu.memref_slice %arg10[%dma_wait3A_222, %dma_wait3A_223] : memref<100352x16xf32, #tpu.memory_space<vmem_shared>> -> memref<100352x16xf32, #tpu.memory_space<vmem_shared>>
      tpu.wait_indirect_dma semaphore(%arg12 : memref<!tpu.dma_semaphore, #tpu.memory_space<semaphore_mem>>) src(%dma_wait3A_218 : memref<128x16xf32, #tpu.memory_space<vmem>>) dst(%dma_wait3A_224 : memref<100352x16xf32, #tpu.memory_space<vmem_shared>>)
      %dma_start3A_225 = arith.constant 8 : i32
      %dma_start3A_226 = arith.constant 8 : i32
      %dma_start3A_227 = arith.constant 0 : i32
      %dma_start3A_228 = arith.constant 0 : i32
      %dma_start3A_229 = tpu.memref_slice %arg8[%dma_start3A_226, %dma_start3A_227, %dma_start3A_228] : memref<10x128x16xf32, #tpu.memory_space<vmem>> -> memref<1x128x16xf32, #tpu.memory_space<vmem>>
      %dma_start3A_230 = tpu.memref_squeeze %dma_start3A_229 : memref<1x128x16xf32, #tpu.memory_space<vmem>> -> memref<128x16xf32, #tpu.memory_space<vmem>>
      %dma_start3A_231 = arith.constant 0 : i32
      %dma_start3A_232 = tpu.memref_slice %arg6[%rem3A_79, %dma_start3A_225, %dma_start3A_231] : memref<2x10x128xi32, #tpu.memory_space<vmem>> -> memref<1x1x128xi32, #tpu.memory_space<vmem>>
      %dma_start3A_233 = tpu.memref_squeeze %dma_start3A_232 : memref<1x1x128xi32, #tpu.memory_space<vmem>> -> memref<128xi32, #tpu.memory_space<vmem>>
      %dma_start3A_234 = arith.constant 0 : i32
      %dma_start3A_235 = arith.constant 0 : i32
      %dma_start3A_236 = tpu.memref_slice %arg3[%dma_start3A_234, %dma_start3A_235] : memref<100352x16xf32, #tpu.memory_space<hbm>> -> memref<100352x16xf32, #tpu.memory_space<hbm>>
      tpu.enqueue_indirect_dma source(%dma_start3A_236 : memref<100352x16xf32, #tpu.memory_space<hbm>>) target(%dma_start3A_230 : memref<128x16xf32, #tpu.memory_space<vmem>>) offsets(%dma_start3A_233 : memref<128xi32, #tpu.memory_space<vmem>>) semaphore(%arg11 : memref<!tpu.dma_semaphore, #tpu.memory_space<semaphore_mem>>)
      %dma_wait3A_237 = arith.constant 0 : i32
      %dma_wait3A_238 = arith.constant 0 : i32
      %dma_wait3A_239 = arith.constant 0 : i32
      %dma_wait3A_240 = arith.constant 0 : i32
      %dma_wait3A_241 = tpu.memref_slice %arg8[%dma_wait3A_238, %dma_wait3A_239, %dma_wait3A_240] : memref<10x128x16xf32, #tpu.memory_space<vmem>> -> memref<1x128x16xf32, #tpu.memory_space<vmem>>
      %dma_wait3A_242 = tpu.memref_squeeze %dma_wait3A_241 : memref<1x128x16xf32, #tpu.memory_space<vmem>> -> memref<128x16xf32, #tpu.memory_space<vmem>>
      %dma_wait3A_243 = arith.constant 0 : i32
      %dma_wait3A_244 = tpu.memref_slice %arg6[%rem3A_79, %dma_wait3A_237, %dma_wait3A_243] : memref<2x10x128xi32, #tpu.memory_space<vmem>> -> memref<1x1x128xi32, #tpu.memory_space<vmem>>
      %dma_wait3A_245 = tpu.memref_squeeze %dma_wait3A_244 : memref<1x1x128xi32, #tpu.memory_space<vmem>> -> memref<128xi32, #tpu.memory_space<vmem>>
      %dma_wait3A_246 = arith.constant 0 : i32
      %dma_wait3A_247 = arith.constant 0 : i32
      %dma_wait3A_248 = tpu.memref_slice %arg3[%dma_wait3A_246, %dma_wait3A_247] : memref<100352x16xf32, #tpu.memory_space<hbm>> -> memref<100352x16xf32, #tpu.memory_space<hbm>>
      tpu.wait_indirect_dma semaphore(%arg11 : memref<!tpu.dma_semaphore, #tpu.memory_space<semaphore_mem>>) src(%dma_wait3A_248 : memref<100352x16xf32, #tpu.memory_space<hbm>>) dst(%dma_wait3A_242 : memref<128x16xf32, #tpu.memory_space<vmem>>)
      %dma_start3A_249 = arith.constant 0 : i32
      %dma_start3A_250 = arith.constant 0 : i32
      %dma_start3A_251 = arith.constant 0 : i32
      %dma_start3A_252 = arith.constant 0 : i32
      %dma_start3A_253 = tpu.memref_slice %arg8[%dma_start3A_249, %dma_start3A_251, %dma_start3A_252] : memref<10x128x16xf32, #tpu.memory_space<vmem>> -> memref<1x128x16xf32, #tpu.memory_space<vmem>>
      %dma_start3A_254 = tpu.memref_squeeze %dma_start3A_253 : memref<1x128x16xf32, #tpu.memory_space<vmem>> -> memref<128x16xf32, #tpu.memory_space<vmem>>
      %dma_start3A_255 = arith.constant 0 : i32
      %dma_start3A_256 = tpu.memref_slice %arg7[%rem3A_79, %dma_start3A_250, %dma_start3A_255] : memref<2x10x128xi32, #tpu.memory_space<vmem>> -> memref<1x1x128xi32, #tpu.memory_space<vmem>>
      %dma_start3A_257 = tpu.memref_squeeze %dma_start3A_256 : memref<1x1x128xi32, #tpu.memory_space<vmem>> -> memref<128xi32, #tpu.memory_space<vmem>>
      %dma_start3A_258 = arith.constant 0 : i32
      %dma_start3A_259 = arith.constant 0 : i32
      %dma_start3A_260 = tpu.memref_slice %arg10[%dma_start3A_258, %dma_start3A_259] : memref<100352x16xf32, #tpu.memory_space<vmem_shared>> -> memref<100352x16xf32, #tpu.memory_space<vmem_shared>>
      tpu.enqueue_indirect_dma source(%dma_start3A_254 : memref<128x16xf32, #tpu.memory_space<vmem>>) target(%dma_start3A_260 : memref<100352x16xf32, #tpu.memory_space<vmem_shared>>) offsets(%dma_start3A_257 : memref<128xi32, #tpu.memory_space<vmem>>) semaphore(%arg12 : memref<!tpu.dma_semaphore, #tpu.memory_space<semaphore_mem>>) {add = true}
      %dma_wait3A_261 = arith.constant 0 : i32
      %dma_wait3A_262 = arith.constant 0 : i32
      %dma_wait3A_263 = arith.constant 0 : i32
      %dma_wait3A_264 = arith.constant 0 : i32
      %dma_wait3A_265 = tpu.memref_slice %arg8[%dma_wait3A_261, %dma_wait3A_263, %dma_wait3A_264] : memref<10x128x16xf32, #tpu.memory_space<vmem>> -> memref<1x128x16xf32, #tpu.memory_space<vmem>>
      %dma_wait3A_266 = tpu.memref_squeeze %dma_wait3A_265 : memref<1x128x16xf32, #tpu.memory_space<vmem>> -> memref<128x16xf32, #tpu.memory_space<vmem>>
      %dma_wait3A_267 = arith.constant 0 : i32
      %dma_wait3A_268 = tpu.memref_slice %arg7[%rem3A_79, %dma_wait3A_262, %dma_wait3A_267] : memref<2x10x128xi32, #tpu.memory_space<vmem>> -> memref<1x1x128xi32, #tpu.memory_space<vmem>>
      %dma_wait3A_269 = tpu.memref_squeeze %dma_wait3A_268 : memref<1x1x128xi32, #tpu.memory_space<vmem>> -> memref<128xi32, #tpu.memory_space<vmem>>
      %dma_wait3A_270 = arith.constant 0 : i32
      %dma_wait3A_271 = arith.constant 0 : i32
      %dma_wait3A_272 = tpu.memref_slice %arg10[%dma_wait3A_270, %dma_wait3A_271] : memref<100352x16xf32, #tpu.memory_space<vmem_shared>> -> memref<100352x16xf32, #tpu.memory_space<vmem_shared>>
      tpu.wait_indirect_dma semaphore(%arg12 : memref<!tpu.dma_semaphore, #tpu.memory_space<semaphore_mem>>) src(%dma_wait3A_266 : memref<128x16xf32, #tpu.memory_space<vmem>>) dst(%dma_wait3A_272 : memref<100352x16xf32, #tpu.memory_space<vmem_shared>>)
      %dma_start3A_273 = arith.constant 9 : i32
      %dma_start3A_274 = arith.constant 9 : i32
      %dma_start3A_275 = arith.constant 0 : i32
      %dma_start3A_276 = arith.constant 0 : i32
      %dma_start3A_277 = tpu.memref_slice %arg8[%dma_start3A_274, %dma_start3A_275, %dma_start3A_276] : memref<10x128x16xf32, #tpu.memory_space<vmem>> -> memref<1x128x16xf32, #tpu.memory_space<vmem>>
      %dma_start3A_278 = tpu.memref_squeeze %dma_start3A_277 : memref<1x128x16xf32, #tpu.memory_space<vmem>> -> memref<128x16xf32, #tpu.memory_space<vmem>>
      %dma_start3A_279 = arith.constant 0 : i32
      %dma_start3A_280 = tpu.memref_slice %arg6[%rem3A_79, %dma_start3A_273, %dma_start3A_279] : memref<2x10x128xi32, #tpu.memory_space<vmem>> -> memref<1x1x128xi32, #tpu.memory_space<vmem>>
      %dma_start3A_281 = tpu.memref_squeeze %dma_start3A_280 : memref<1x1x128xi32, #tpu.memory_space<vmem>> -> memref<128xi32, #tpu.memory_space<vmem>>
      %dma_start3A_282 = arith.constant 0 : i32
      %dma_start3A_283 = arith.constant 0 : i32
      %dma_start3A_284 = tpu.memref_slice %arg3[%dma_start3A_282, %dma_start3A_283] : memref<100352x16xf32, #tpu.memory_space<hbm>> -> memref<100352x16xf32, #tpu.memory_space<hbm>>
      tpu.enqueue_indirect_dma source(%dma_start3A_284 : memref<100352x16xf32, #tpu.memory_space<hbm>>) target(%dma_start3A_278 : memref<128x16xf32, #tpu.memory_space<vmem>>) offsets(%dma_start3A_281 : memref<128xi32, #tpu.memory_space<vmem>>) semaphore(%arg11 : memref<!tpu.dma_semaphore, #tpu.memory_space<semaphore_mem>>)
      %dma_wait3A_285 = arith.constant 1 : i32
      %dma_wait3A_286 = arith.constant 1 : i32
      %dma_wait3A_287 = arith.constant 0 : i32
      %dma_wait3A_288 = arith.constant 0 : i32
      %dma_wait3A_289 = tpu.memref_slice %arg8[%dma_wait3A_286, %dma_wait3A_287, %dma_wait3A_288] : memref<10x128x16xf32, #tpu.memory_space<vmem>> -> memref<1x128x16xf32, #tpu.memory_space<vmem>>
      %dma_wait3A_290 = tpu.memref_squeeze %dma_wait3A_289 : memref<1x128x16xf32, #tpu.memory_space<vmem>> -> memref<128x16xf32, #tpu.memory_space<vmem>>
      %dma_wait3A_291 = arith.constant 0 : i32
      %dma_wait3A_292 = tpu.memref_slice %arg6[%rem3A_79, %dma_wait3A_285, %dma_wait3A_291] : memref<2x10x128xi32, #tpu.memory_space<vmem>> -> memref<1x1x128xi32, #tpu.memory_space<vmem>>
      %dma_wait3A_293 = tpu.memref_squeeze %dma_wait3A_292 : memref<1x1x128xi32, #tpu.memory_space<vmem>> -> memref<128xi32, #tpu.memory_space<vmem>>
      %dma_wait3A_294 = arith.constant 0 : i32
      %dma_wait3A_295 = arith.constant 0 : i32
      %dma_wait3A_296 = tpu.memref_slice %arg3[%dma_wait3A_294, %dma_wait3A_295] : memref<100352x16xf32, #tpu.memory_space<hbm>> -> memref<100352x16xf32, #tpu.memory_space<hbm>>
      tpu.wait_indirect_dma semaphore(%arg11 : memref<!tpu.dma_semaphore, #tpu.memory_space<semaphore_mem>>) src(%dma_wait3A_296 : memref<100352x16xf32, #tpu.memory_space<hbm>>) dst(%dma_wait3A_290 : memref<128x16xf32, #tpu.memory_space<vmem>>)
      %dma_start3A_297 = arith.constant 1 : i32
      %dma_start3A_298 = arith.constant 1 : i32
      %dma_start3A_299 = arith.constant 0 : i32
      %dma_start3A_300 = arith.constant 0 : i32
      %dma_start3A_301 = tpu.memref_slice %arg8[%dma_start3A_297, %dma_start3A_299, %dma_start3A_300] : memref<10x128x16xf32, #tpu.memory_space<vmem>> -> memref<1x128x16xf32, #tpu.memory_space<vmem>>
      %dma_start3A_302 = tpu.memref_squeeze %dma_start3A_301 : memref<1x128x16xf32, #tpu.memory_space<vmem>> -> memref<128x16xf32, #tpu.memory_space<vmem>>
      %dma_start3A_303 = arith.constant 0 : i32
      %dma_start3A_304 = tpu.memref_slice %arg7[%rem3A_79, %dma_start3A_298, %dma_start3A_303] : memref<2x10x128xi32, #tpu.memory_space<vmem>> -> memref<1x1x128xi32, #tpu.memory_space<vmem>>
      %dma_start3A_305 = tpu.memref_squeeze %dma_start3A_304 : memref<1x1x128xi32, #tpu.memory_space<vmem>> -> memref<128xi32, #tpu.memory_space<vmem>>
      %dma_start3A_306 = arith.constant 0 : i32
      %dma_start3A_307 = arith.constant 0 : i32
      %dma_start3A_308 = tpu.memref_slice %arg10[%dma_start3A_306, %dma_start3A_307] : memref<100352x16xf32, #tpu.memory_space<vmem_shared>> -> memref<100352x16xf32, #tpu.memory_space<vmem_shared>>
      tpu.enqueue_indirect_dma source(%dma_start3A_302 : memref<128x16xf32, #tpu.memory_space<vmem>>) target(%dma_start3A_308 : memref<100352x16xf32, #tpu.memory_space<vmem_shared>>) offsets(%dma_start3A_305 : memref<128xi32, #tpu.memory_space<vmem>>) semaphore(%arg12 : memref<!tpu.dma_semaphore, #tpu.memory_space<semaphore_mem>>) {add = true}
      %dma_wait3A_309 = arith.constant 0 : i32
      %dma_wait3A_310 = arith.constant 0 : i32
      %dma_wait3A_311 = arith.constant 0 : i32
      %dma_wait3A_312 = arith.constant 0 : i32
      %dma_wait3A_313 = tpu.memref_slice %arg8[%dma_wait3A_309, %dma_wait3A_311, %dma_wait3A_312] : memref<10x128x16xf32, #tpu.memory_space<vmem>> -> memref<1x128x16xf32, #tpu.memory_space<vmem>>
      %dma_wait3A_314 = tpu.memref_squeeze %dma_wait3A_313 : memref<1x128x16xf32, #tpu.memory_space<vmem>> -> memref<128x16xf32, #tpu.memory_space<vmem>>
      %dma_wait3A_315 = arith.constant 0 : i32
      %dma_wait3A_316 = tpu.memref_slice %arg7[%rem3A_79, %dma_wait3A_310, %dma_wait3A_315] : memref<2x10x128xi32, #tpu.memory_space<vmem>> -> memref<1x1x128xi32, #tpu.memory_space<vmem>>
      %dma_wait3A_317 = tpu.memref_squeeze %dma_wait3A_316 : memref<1x1x128xi32, #tpu.memory_space<vmem>> -> memref<128xi32, #tpu.memory_space<vmem>>
      %dma_wait3A_318 = arith.constant 0 : i32
      %dma_wait3A_319 = arith.constant 0 : i32
      %dma_wait3A_320 = tpu.memref_slice %arg10[%dma_wait3A_318, %dma_wait3A_319] : memref<100352x16xf32, #tpu.memory_space<vmem_shared>> -> memref<100352x16xf32, #tpu.memory_space<vmem_shared>>
      tpu.wait_indirect_dma semaphore(%arg12 : memref<!tpu.dma_semaphore, #tpu.memory_space<semaphore_mem>>) src(%dma_wait3A_314 : memref<128x16xf32, #tpu.memory_space<vmem>>) dst(%dma_wait3A_320 : memref<100352x16xf32, #tpu.memory_space<vmem_shared>>)
      %dma_wait3A_321 = arith.constant 2 : i32
      %dma_wait3A_322 = arith.constant 2 : i32
      %dma_wait3A_323 = arith.constant 0 : i32
      %dma_wait3A_324 = arith.constant 0 : i32
      %dma_wait3A_325 = tpu.memref_slice %arg8[%dma_wait3A_322, %dma_wait3A_323, %dma_wait3A_324] : memref<10x128x16xf32, #tpu.memory_space<vmem>> -> memref<1x128x16xf32, #tpu.memory_space<vmem>>
      %dma_wait3A_326 = tpu.memref_squeeze %dma_wait3A_325 : memref<1x128x16xf32, #tpu.memory_space<vmem>> -> memref<128x16xf32, #tpu.memory_space<vmem>>
      %dma_wait3A_327 = arith.constant 0 : i32
      %dma_wait3A_328 = tpu.memref_slice %arg6[%rem3A_79, %dma_wait3A_321, %dma_wait3A_327] : memref<2x10x128xi32, #tpu.memory_space<vmem>> -> memref<1x1x128xi32, #tpu.memory_space<vmem>>
      %dma_wait3A_329 = tpu.memref_squeeze %dma_wait3A_328 : memref<1x1x128xi32, #tpu.memory_space<vmem>> -> memref<128xi32, #tpu.memory_space<vmem>>
      %dma_wait3A_330 = arith.constant 0 : i32
      %dma_wait3A_331 = arith.constant 0 : i32
      %dma_wait3A_332 = tpu.memref_slice %arg3[%dma_wait3A_330, %dma_wait3A_331] : memref<100352x16xf32, #tpu.memory_space<hbm>> -> memref<100352x16xf32, #tpu.memory_space<hbm>>
      tpu.wait_indirect_dma semaphore(%arg11 : memref<!tpu.dma_semaphore, #tpu.memory_space<semaphore_mem>>) src(%dma_wait3A_332 : memref<100352x16xf32, #tpu.memory_space<hbm>>) dst(%dma_wait3A_326 : memref<128x16xf32, #tpu.memory_space<vmem>>)
      %dma_start3A_333 = arith.constant 2 : i32
      %dma_start3A_334 = arith.constant 2 : i32
      %dma_start3A_335 = arith.constant 0 : i32
      %dma_start3A_336 = arith.constant 0 : i32
      %dma_start3A_337 = tpu.memref_slice %arg8[%dma_start3A_333, %dma_start3A_335, %dma_start3A_336] : memref<10x128x16xf32, #tpu.memory_space<vmem>> -> memref<1x128x16xf32, #tpu.memory_space<vmem>>
      %dma_start3A_338 = tpu.memref_squeeze %dma_start3A_337 : memref<1x128x16xf32, #tpu.memory_space<vmem>> -> memref<128x16xf32, #tpu.memory_space<vmem>>
      %dma_start3A_339 = arith.constant 0 : i32
      %dma_start3A_340 = tpu.memref_slice %arg7[%rem3A_79, %dma_start3A_334, %dma_start3A_339] : memref<2x10x128xi32, #tpu.memory_space<vmem>> -> memref<1x1x128xi32, #tpu.memory_space<vmem>>
      %dma_start3A_341 = tpu.memref_squeeze %dma_start3A_340 : memref<1x1x128xi32, #tpu.memory_space<vmem>> -> memref<128xi32, #tpu.memory_space<vmem>>
      %dma_start3A_342 = arith.constant 0 : i32
      %dma_start3A_343 = arith.constant 0 : i32
      %dma_start3A_344 = tpu.memref_slice %arg10[%dma_start3A_342, %dma_start3A_343] : memref<100352x16xf32, #tpu.memory_space<vmem_shared>> -> memref<100352x16xf32, #tpu.memory_space<vmem_shared>>
      tpu.enqueue_indirect_dma source(%dma_start3A_338 : memref<128x16xf32, #tpu.memory_space<vmem>>) target(%dma_start3A_344 : memref<100352x16xf32, #tpu.memory_space<vmem_shared>>) offsets(%dma_start3A_341 : memref<128xi32, #tpu.memory_space<vmem>>) semaphore(%arg12 : memref<!tpu.dma_semaphore, #tpu.memory_space<semaphore_mem>>) {add = true}
      %dma_wait3A_345 = arith.constant 0 : i32
      %dma_wait3A_346 = arith.constant 0 : i32
      %dma_wait3A_347 = arith.constant 0 : i32
      %dma_wait3A_348 = arith.constant 0 : i32
      %dma_wait3A_349 = tpu.memref_slice %arg8[%dma_wait3A_345, %dma_wait3A_347, %dma_wait3A_348] : memref<10x128x16xf32, #tpu.memory_space<vmem>> -> memref<1x128x16xf32, #tpu.memory_space<vmem>>
      %dma_wait3A_350 = tpu.memref_squeeze %dma_wait3A_349 : memref<1x128x16xf32, #tpu.memory_space<vmem>> -> memref<128x16xf32, #tpu.memory_space<vmem>>
      %dma_wait3A_351 = arith.constant 0 : i32
      %dma_wait3A_352 = tpu.memref_slice %arg7[%rem3A_79, %dma_wait3A_346, %dma_wait3A_351] : memref<2x10x128xi32, #tpu.memory_space<vmem>> -> memref<1x1x128xi32, #tpu.memory_space<vmem>>
      %dma_wait3A_353 = tpu.memref_squeeze %dma_wait3A_352 : memref<1x1x128xi32, #tpu.memory_space<vmem>> -> memref<128xi32, #tpu.memory_space<vmem>>
      %dma_wait3A_354 = arith.constant 0 : i32
      %dma_wait3A_355 = arith.constant 0 : i32
      %dma_wait3A_356 = tpu.memref_slice %arg10[%dma_wait3A_354, %dma_wait3A_355] : memref<100352x16xf32, #tpu.memory_space<vmem_shared>> -> memref<100352x16xf32, #tpu.memory_space<vmem_shared>>
      tpu.wait_indirect_dma semaphore(%arg12 : memref<!tpu.dma_semaphore, #tpu.memory_space<semaphore_mem>>) src(%dma_wait3A_350 : memref<128x16xf32, #tpu.memory_space<vmem>>) dst(%dma_wait3A_356 : memref<100352x16xf32, #tpu.memory_space<vmem_shared>>)
      %dma_wait3A_357 = arith.constant 3 : i32
      %dma_wait3A_358 = arith.constant 3 : i32
      %dma_wait3A_359 = arith.constant 0 : i32
      %dma_wait3A_360 = arith.constant 0 : i32
      %dma_wait3A_361 = tpu.memref_slice %arg8[%dma_wait3A_358, %dma_wait3A_359, %dma_wait3A_360] : memref<10x128x16xf32, #tpu.memory_space<vmem>> -> memref<1x128x16xf32, #tpu.memory_space<vmem>>
      %dma_wait3A_362 = tpu.memref_squeeze %dma_wait3A_361 : memref<1x128x16xf32, #tpu.memory_space<vmem>> -> memref<128x16xf32, #tpu.memory_space<vmem>>
      %dma_wait3A_363 = arith.constant 0 : i32
      %dma_wait3A_364 = tpu.memref_slice %arg6[%rem3A_79, %dma_wait3A_357, %dma_wait3A_363] : memref<2x10x128xi32, #tpu.memory_space<vmem>> -> memref<1x1x128xi32, #tpu.memory_space<vmem>>
      %dma_wait3A_365 = tpu.memref_squeeze %dma_wait3A_364 : memref<1x1x128xi32, #tpu.memory_space<vmem>> -> memref<128xi32, #tpu.memory_space<vmem>>
      %dma_wait3A_366 = arith.constant 0 : i32
      %dma_wait3A_367 = arith.constant 0 : i32
      %dma_wait3A_368 = tpu.memref_slice %arg3[%dma_wait3A_366, %dma_wait3A_367] : memref<100352x16xf32, #tpu.memory_space<hbm>> -> memref<100352x16xf32, #tpu.memory_space<hbm>>
      tpu.wait_indirect_dma semaphore(%arg11 : memref<!tpu.dma_semaphore, #tpu.memory_space<semaphore_mem>>) src(%dma_wait3A_368 : memref<100352x16xf32, #tpu.memory_space<hbm>>) dst(%dma_wait3A_362 : memref<128x16xf32, #tpu.memory_space<vmem>>)
      %dma_start3A_369 = arith.constant 3 : i32
      %dma_start3A_370 = arith.constant 3 : i32
      %dma_start3A_371 = arith.constant 0 : i32
      %dma_start3A_372 = arith.constant 0 : i32
      %dma_start3A_373 = tpu.memref_slice %arg8[%dma_start3A_369, %dma_start3A_371, %dma_start3A_372] : memref<10x128x16xf32, #tpu.memory_space<vmem>> -> memref<1x128x16xf32, #tpu.memory_space<vmem>>
      %dma_start3A_374 = tpu.memref_squeeze %dma_start3A_373 : memref<1x128x16xf32, #tpu.memory_space<vmem>> -> memref<128x16xf32, #tpu.memory_space<vmem>>
      %dma_start3A_375 = arith.constant 0 : i32
      %dma_start3A_376 = tpu.memref_slice %arg7[%rem3A_79, %dma_start3A_370, %dma_start3A_375] : memref<2x10x128xi32, #tpu.memory_space<vmem>> -> memref<1x1x128xi32, #tpu.memory_space<vmem>>
      %dma_start3A_377 = tpu.memref_squeeze %dma_start3A_376 : memref<1x1x128xi32, #tpu.memory_space<vmem>> -> memref<128xi32, #tpu.memory_space<vmem>>
      %dma_start3A_378 = arith.constant 0 : i32
      %dma_start3A_379 = arith.constant 0 : i32
      %dma_start3A_380 = tpu.memref_slice %arg10[%dma_start3A_378, %dma_start3A_379] : memref<100352x16xf32, #tpu.memory_space<vmem_shared>> -> memref<100352x16xf32, #tpu.memory_space<vmem_shared>>
      tpu.enqueue_indirect_dma source(%dma_start3A_374 : memref<128x16xf32, #tpu.memory_space<vmem>>) target(%dma_start3A_380 : memref<100352x16xf32, #tpu.memory_space<vmem_shared>>) offsets(%dma_start3A_377 : memref<128xi32, #tpu.memory_space<vmem>>) semaphore(%arg12 : memref<!tpu.dma_semaphore, #tpu.memory_space<semaphore_mem>>) {add = true}
      %dma_wait3A_381 = arith.constant 0 : i32
      %dma_wait3A_382 = arith.constant 0 : i32
      %dma_wait3A_383 = arith.constant 0 : i32
      %dma_wait3A_384 = arith.constant 0 : i32
      %dma_wait3A_385 = tpu.memref_slice %arg8[%dma_wait3A_381, %dma_wait3A_383, %dma_wait3A_384] : memref<10x128x16xf32, #tpu.memory_space<vmem>> -> memref<1x128x16xf32, #tpu.memory_space<vmem>>
      %dma_wait3A_386 = tpu.memref_squeeze %dma_wait3A_385 : memref<1x128x16xf32, #tpu.memory_space<vmem>> -> memref<128x16xf32, #tpu.memory_space<vmem>>
      %dma_wait3A_387 = arith.constant 0 : i32
      %dma_wait3A_388 = tpu.memref_slice %arg7[%rem3A_79, %dma_wait3A_382, %dma_wait3A_387] : memref<2x10x128xi32, #tpu.memory_space<vmem>> -> memref<1x1x128xi32, #tpu.memory_space<vmem>>
      %dma_wait3A_389 = tpu.memref_squeeze %dma_wait3A_388 : memref<1x1x128xi32, #tpu.memory_space<vmem>> -> memref<128xi32, #tpu.memory_space<vmem>>
      %dma_wait3A_390 = arith.constant 0 : i32
      %dma_wait3A_391 = arith.constant 0 : i32
      %dma_wait3A_392 = tpu.memref_slice %arg10[%dma_wait3A_390, %dma_wait3A_391] : memref<100352x16xf32, #tpu.memory_space<vmem_shared>> -> memref<100352x16xf32, #tpu.memory_space<vmem_shared>>
      tpu.wait_indirect_dma semaphore(%arg12 : memref<!tpu.dma_semaphore, #tpu.memory_space<semaphore_mem>>) src(%dma_wait3A_386 : memref<128x16xf32, #tpu.memory_space<vmem>>) dst(%dma_wait3A_392 : memref<100352x16xf32, #tpu.memory_space<vmem_shared>>)
      %dma_wait3A_393 = arith.constant 4 : i32
      %dma_wait3A_394 = arith.constant 4 : i32
      %dma_wait3A_395 = arith.constant 0 : i32
      %dma_wait3A_396 = arith.constant 0 : i32
      %dma_wait3A_397 = tpu.memref_slice %arg8[%dma_wait3A_394, %dma_wait3A_395, %dma_wait3A_396] : memref<10x128x16xf32, #tpu.memory_space<vmem>> -> memref<1x128x16xf32, #tpu.memory_space<vmem>>
      %dma_wait3A_398 = tpu.memref_squeeze %dma_wait3A_397 : memref<1x128x16xf32, #tpu.memory_space<vmem>> -> memref<128x16xf32, #tpu.memory_space<vmem>>
      %dma_wait3A_399 = arith.constant 0 : i32
      %dma_wait3A_400 = tpu.memref_slice %arg6[%rem3A_79, %dma_wait3A_393, %dma_wait3A_399] : memref<2x10x128xi32, #tpu.memory_space<vmem>> -> memref<1x1x128xi32, #tpu.memory_space<vmem>>
      %dma_wait3A_401 = tpu.memref_squeeze %dma_wait3A_400 : memref<1x1x128xi32, #tpu.memory_space<vmem>> -> memref<128xi32, #tpu.memory_space<vmem>>
      %dma_wait3A_402 = arith.constant 0 : i32
      %dma_wait3A_403 = arith.constant 0 : i32
      %dma_wait3A_404 = tpu.memref_slice %arg3[%dma_wait3A_402, %dma_wait3A_403] : memref<100352x16xf32, #tpu.memory_space<hbm>> -> memref<100352x16xf32, #tpu.memory_space<hbm>>
      tpu.wait_indirect_dma semaphore(%arg11 : memref<!tpu.dma_semaphore, #tpu.memory_space<semaphore_mem>>) src(%dma_wait3A_404 : memref<100352x16xf32, #tpu.memory_space<hbm>>) dst(%dma_wait3A_398 : memref<128x16xf32, #tpu.memory_space<vmem>>)
      %dma_start3A_405 = arith.constant 4 : i32
      %dma_start3A_406 = arith.constant 4 : i32
      %dma_start3A_407 = arith.constant 0 : i32
      %dma_start3A_408 = arith.constant 0 : i32
      %dma_start3A_409 = tpu.memref_slice %arg8[%dma_start3A_405, %dma_start3A_407, %dma_start3A_408] : memref<10x128x16xf32, #tpu.memory_space<vmem>> -> memref<1x128x16xf32, #tpu.memory_space<vmem>>
      %dma_start3A_410 = tpu.memref_squeeze %dma_start3A_409 : memref<1x128x16xf32, #tpu.memory_space<vmem>> -> memref<128x16xf32, #tpu.memory_space<vmem>>
      %dma_start3A_411 = arith.constant 0 : i32
      %dma_start3A_412 = tpu.memref_slice %arg7[%rem3A_79, %dma_start3A_406, %dma_start3A_411] : memref<2x10x128xi32, #tpu.memory_space<vmem>> -> memref<1x1x128xi32, #tpu.memory_space<vmem>>
      %dma_start3A_413 = tpu.memref_squeeze %dma_start3A_412 : memref<1x1x128xi32, #tpu.memory_space<vmem>> -> memref<128xi32, #tpu.memory_space<vmem>>
      %dma_start3A_414 = arith.constant 0 : i32
      %dma_start3A_415 = arith.constant 0 : i32
      %dma_start3A_416 = tpu.memref_slice %arg10[%dma_start3A_414, %dma_start3A_415] : memref<100352x16xf32, #tpu.memory_space<vmem_shared>> -> memref<100352x16xf32, #tpu.memory_space<vmem_shared>>
      tpu.enqueue_indirect_dma source(%dma_start3A_410 : memref<128x16xf32, #tpu.memory_space<vmem>>) target(%dma_start3A_416 : memref<100352x16xf32, #tpu.memory_space<vmem_shared>>) offsets(%dma_start3A_413 : memref<128xi32, #tpu.memory_space<vmem>>) semaphore(%arg12 : memref<!tpu.dma_semaphore, #tpu.memory_space<semaphore_mem>>) {add = true}
      %dma_wait3A_417 = arith.constant 0 : i32
      %dma_wait3A_418 = arith.constant 0 : i32
      %dma_wait3A_419 = arith.constant 0 : i32
      %dma_wait3A_420 = arith.constant 0 : i32
      %dma_wait3A_421 = tpu.memref_slice %arg8[%dma_wait3A_417, %dma_wait3A_419, %dma_wait3A_420] : memref<10x128x16xf32, #tpu.memory_space<vmem>> -> memref<1x128x16xf32, #tpu.memory_space<vmem>>
      %dma_wait3A_422 = tpu.memref_squeeze %dma_wait3A_421 : memref<1x128x16xf32, #tpu.memory_space<vmem>> -> memref<128x16xf32, #tpu.memory_space<vmem>>
      %dma_wait3A_423 = arith.constant 0 : i32
      %dma_wait3A_424 = tpu.memref_slice %arg7[%rem3A_79, %dma_wait3A_418, %dma_wait3A_423] : memref<2x10x128xi32, #tpu.memory_space<vmem>> -> memref<1x1x128xi32, #tpu.memory_space<vmem>>
      %dma_wait3A_425 = tpu.memref_squeeze %dma_wait3A_424 : memref<1x1x128xi32, #tpu.memory_space<vmem>> -> memref<128xi32, #tpu.memory_space<vmem>>
      %dma_wait3A_426 = arith.constant 0 : i32
      %dma_wait3A_427 = arith.constant 0 : i32
      %dma_wait3A_428 = tpu.memref_slice %arg10[%dma_wait3A_426, %dma_wait3A_427] : memref<100352x16xf32, #tpu.memory_space<vmem_shared>> -> memref<100352x16xf32, #tpu.memory_space<vmem_shared>>
      tpu.wait_indirect_dma semaphore(%arg12 : memref<!tpu.dma_semaphore, #tpu.memory_space<semaphore_mem>>) src(%dma_wait3A_422 : memref<128x16xf32, #tpu.memory_space<vmem>>) dst(%dma_wait3A_428 : memref<100352x16xf32, #tpu.memory_space<vmem_shared>>)
      %dma_wait3A_429 = arith.constant 5 : i32
      %dma_wait3A_430 = arith.constant 5 : i32
      %dma_wait3A_431 = arith.constant 0 : i32
      %dma_wait3A_432 = arith.constant 0 : i32
      %dma_wait3A_433 = tpu.memref_slice %arg8[%dma_wait3A_430, %dma_wait3A_431, %dma_wait3A_432] : memref<10x128x16xf32, #tpu.memory_space<vmem>> -> memref<1x128x16xf32, #tpu.memory_space<vmem>>
      %dma_wait3A_434 = tpu.memref_squeeze %dma_wait3A_433 : memref<1x128x16xf32, #tpu.memory_space<vmem>> -> memref<128x16xf32, #tpu.memory_space<vmem>>
      %dma_wait3A_435 = arith.constant 0 : i32
      %dma_wait3A_436 = tpu.memref_slice %arg6[%rem3A_79, %dma_wait3A_429, %dma_wait3A_435] : memref<2x10x128xi32, #tpu.memory_space<vmem>> -> memref<1x1x128xi32, #tpu.memory_space<vmem>>
      %dma_wait3A_437 = tpu.memref_squeeze %dma_wait3A_436 : memref<1x1x128xi32, #tpu.memory_space<vmem>> -> memref<128xi32, #tpu.memory_space<vmem>>
      %dma_wait3A_438 = arith.constant 0 : i32
      %dma_wait3A_439 = arith.constant 0 : i32
      %dma_wait3A_440 = tpu.memref_slice %arg3[%dma_wait3A_438, %dma_wait3A_439] : memref<100352x16xf32, #tpu.memory_space<hbm>> -> memref<100352x16xf32, #tpu.memory_space<hbm>>
      tpu.wait_indirect_dma semaphore(%arg11 : memref<!tpu.dma_semaphore, #tpu.memory_space<semaphore_mem>>) src(%dma_wait3A_440 : memref<100352x16xf32, #tpu.memory_space<hbm>>) dst(%dma_wait3A_434 : memref<128x16xf32, #tpu.memory_space<vmem>>)
      %dma_start3A_441 = arith.constant 5 : i32
      %dma_start3A_442 = arith.constant 5 : i32
      %dma_start3A_443 = arith.constant 0 : i32
      %dma_start3A_444 = arith.constant 0 : i32
      %dma_start3A_445 = tpu.memref_slice %arg8[%dma_start3A_441, %dma_start3A_443, %dma_start3A_444] : memref<10x128x16xf32, #tpu.memory_space<vmem>> -> memref<1x128x16xf32, #tpu.memory_space<vmem>>
      %dma_start3A_446 = tpu.memref_squeeze %dma_start3A_445 : memref<1x128x16xf32, #tpu.memory_space<vmem>> -> memref<128x16xf32, #tpu.memory_space<vmem>>
      %dma_start3A_447 = arith.constant 0 : i32
      %dma_start3A_448 = tpu.memref_slice %arg7[%rem3A_79, %dma_start3A_442, %dma_start3A_447] : memref<2x10x128xi32, #tpu.memory_space<vmem>> -> memref<1x1x128xi32, #tpu.memory_space<vmem>>
      %dma_start3A_449 = tpu.memref_squeeze %dma_start3A_448 : memref<1x1x128xi32, #tpu.memory_space<vmem>> -> memref<128xi32, #tpu.memory_space<vmem>>
      %dma_start3A_450 = arith.constant 0 : i32
      %dma_start3A_451 = arith.constant 0 : i32
      %dma_start3A_452 = tpu.memref_slice %arg10[%dma_start3A_450, %dma_start3A_451] : memref<100352x16xf32, #tpu.memory_space<vmem_shared>> -> memref<100352x16xf32, #tpu.memory_space<vmem_shared>>
      tpu.enqueue_indirect_dma source(%dma_start3A_446 : memref<128x16xf32, #tpu.memory_space<vmem>>) target(%dma_start3A_452 : memref<100352x16xf32, #tpu.memory_space<vmem_shared>>) offsets(%dma_start3A_449 : memref<128xi32, #tpu.memory_space<vmem>>) semaphore(%arg12 : memref<!tpu.dma_semaphore, #tpu.memory_space<semaphore_mem>>) {add = true}
      %dma_wait3A_453 = arith.constant 0 : i32
      %dma_wait3A_454 = arith.constant 0 : i32
      %dma_wait3A_455 = arith.constant 0 : i32
      %dma_wait3A_456 = arith.constant 0 : i32
      %dma_wait3A_457 = tpu.memref_slice %arg8[%dma_wait3A_453, %dma_wait3A_455, %dma_wait3A_456] : memref<10x128x16xf32, #tpu.memory_space<vmem>> -> memref<1x128x16xf32, #tpu.memory_space<vmem>>
      %dma_wait3A_458 = tpu.memref_squeeze %dma_wait3A_457 : memref<1x128x16xf32, #tpu.memory_space<vmem>> -> memref<128x16xf32, #tpu.memory_space<vmem>>
      %dma_wait3A_459 = arith.constant 0 : i32
      %dma_wait3A_460 = tpu.memref_slice %arg7[%rem3A_79, %dma_wait3A_454, %dma_wait3A_459] : memref<2x10x128xi32, #tpu.memory_space<vmem>> -> memref<1x1x128xi32, #tpu.memory_space<vmem>>
      %dma_wait3A_461 = tpu.memref_squeeze %dma_wait3A_460 : memref<1x1x128xi32, #tpu.memory_space<vmem>> -> memref<128xi32, #tpu.memory_space<vmem>>
      %dma_wait3A_462 = arith.constant 0 : i32
      %dma_wait3A_463 = arith.constant 0 : i32
      %dma_wait3A_464 = tpu.memref_slice %arg10[%dma_wait3A_462, %dma_wait3A_463] : memref<100352x16xf32, #tpu.memory_space<vmem_shared>> -> memref<100352x16xf32, #tpu.memory_space<vmem_shared>>
      tpu.wait_indirect_dma semaphore(%arg12 : memref<!tpu.dma_semaphore, #tpu.memory_space<semaphore_mem>>) src(%dma_wait3A_458 : memref<128x16xf32, #tpu.memory_space<vmem>>) dst(%dma_wait3A_464 : memref<100352x16xf32, #tpu.memory_space<vmem_shared>>)
      %dma_wait3A_465 = arith.constant 6 : i32
      %dma_wait3A_466 = arith.constant 6 : i32
      %dma_wait3A_467 = arith.constant 0 : i32
      %dma_wait3A_468 = arith.constant 0 : i32
      %dma_wait3A_469 = tpu.memref_slice %arg8[%dma_wait3A_466, %dma_wait3A_467, %dma_wait3A_468] : memref<10x128x16xf32, #tpu.memory_space<vmem>> -> memref<1x128x16xf32, #tpu.memory_space<vmem>>
      %dma_wait3A_470 = tpu.memref_squeeze %dma_wait3A_469 : memref<1x128x16xf32, #tpu.memory_space<vmem>> -> memref<128x16xf32, #tpu.memory_space<vmem>>
      %dma_wait3A_471 = arith.constant 0 : i32
      %dma_wait3A_472 = tpu.memref_slice %arg6[%rem3A_79, %dma_wait3A_465, %dma_wait3A_471] : memref<2x10x128xi32, #tpu.memory_space<vmem>> -> memref<1x1x128xi32, #tpu.memory_space<vmem>>
      %dma_wait3A_473 = tpu.memref_squeeze %dma_wait3A_472 : memref<1x1x128xi32, #tpu.memory_space<vmem>> -> memref<128xi32, #tpu.memory_space<vmem>>
      %dma_wait3A_474 = arith.constant 0 : i32
      %dma_wait3A_475 = arith.constant 0 : i32
      %dma_wait3A_476 = tpu.memref_slice %arg3[%dma_wait3A_474, %dma_wait3A_475] : memref<100352x16xf32, #tpu.memory_space<hbm>> -> memref<100352x16xf32, #tpu.memory_space<hbm>>
      tpu.wait_indirect_dma semaphore(%arg11 : memref<!tpu.dma_semaphore, #tpu.memory_space<semaphore_mem>>) src(%dma_wait3A_476 : memref<100352x16xf32, #tpu.memory_space<hbm>>) dst(%dma_wait3A_470 : memref<128x16xf32, #tpu.memory_space<vmem>>)
      %dma_start3A_477 = arith.constant 6 : i32
      %dma_start3A_478 = arith.constant 6 : i32
      %dma_start3A_479 = arith.constant 0 : i32
      %dma_start3A_480 = arith.constant 0 : i32
      %dma_start3A_481 = tpu.memref_slice %arg8[%dma_start3A_477, %dma_start3A_479, %dma_start3A_480] : memref<10x128x16xf32, #tpu.memory_space<vmem>> -> memref<1x128x16xf32, #tpu.memory_space<vmem>>
      %dma_start3A_482 = tpu.memref_squeeze %dma_start3A_481 : memref<1x128x16xf32, #tpu.memory_space<vmem>> -> memref<128x16xf32, #tpu.memory_space<vmem>>
      %dma_start3A_483 = arith.constant 0 : i32
      %dma_start3A_484 = tpu.memref_slice %arg7[%rem3A_79, %dma_start3A_478, %dma_start3A_483] : memref<2x10x128xi32, #tpu.memory_space<vmem>> -> memref<1x1x128xi32, #tpu.memory_space<vmem>>
      %dma_start3A_485 = tpu.memref_squeeze %dma_start3A_484 : memref<1x1x128xi32, #tpu.memory_space<vmem>> -> memref<128xi32, #tpu.memory_space<vmem>>
      %dma_start3A_486 = arith.constant 0 : i32
      %dma_start3A_487 = arith.constant 0 : i32
      %dma_start3A_488 = tpu.memref_slice %arg10[%dma_start3A_486, %dma_start3A_487] : memref<100352x16xf32, #tpu.memory_space<vmem_shared>> -> memref<100352x16xf32, #tpu.memory_space<vmem_shared>>
      tpu.enqueue_indirect_dma source(%dma_start3A_482 : memref<128x16xf32, #tpu.memory_space<vmem>>) target(%dma_start3A_488 : memref<100352x16xf32, #tpu.memory_space<vmem_shared>>) offsets(%dma_start3A_485 : memref<128xi32, #tpu.memory_space<vmem>>) semaphore(%arg12 : memref<!tpu.dma_semaphore, #tpu.memory_space<semaphore_mem>>) {add = true}
      %dma_wait3A_489 = arith.constant 0 : i32
      %dma_wait3A_490 = arith.constant 0 : i32
      %dma_wait3A_491 = arith.constant 0 : i32
      %dma_wait3A_492 = arith.constant 0 : i32
      %dma_wait3A_493 = tpu.memref_slice %arg8[%dma_wait3A_489, %dma_wait3A_491, %dma_wait3A_492] : memref<10x128x16xf32, #tpu.memory_space<vmem>> -> memref<1x128x16xf32, #tpu.memory_space<vmem>>
      %dma_wait3A_494 = tpu.memref_squeeze %dma_wait3A_493 : memref<1x128x16xf32, #tpu.memory_space<vmem>> -> memref<128x16xf32, #tpu.memory_space<vmem>>
      %dma_wait3A_495 = arith.constant 0 : i32
      %dma_wait3A_496 = tpu.memref_slice %arg7[%rem3A_79, %dma_wait3A_490, %dma_wait3A_495] : memref<2x10x128xi32, #tpu.memory_space<vmem>> -> memref<1x1x128xi32, #tpu.memory_space<vmem>>
      %dma_wait3A_497 = tpu.memref_squeeze %dma_wait3A_496 : memref<1x1x128xi32, #tpu.memory_space<vmem>> -> memref<128xi32, #tpu.memory_space<vmem>>
      %dma_wait3A_498 = arith.constant 0 : i32
      %dma_wait3A_499 = arith.constant 0 : i32
      %dma_wait3A_500 = tpu.memref_slice %arg10[%dma_wait3A_498, %dma_wait3A_499] : memref<100352x16xf32, #tpu.memory_space<vmem_shared>> -> memref<100352x16xf32, #tpu.memory_space<vmem_shared>>
      tpu.wait_indirect_dma semaphore(%arg12 : memref<!tpu.dma_semaphore, #tpu.memory_space<semaphore_mem>>) src(%dma_wait3A_494 : memref<128x16xf32, #tpu.memory_space<vmem>>) dst(%dma_wait3A_500 : memref<100352x16xf32, #tpu.memory_space<vmem_shared>>)
      %dma_wait3A_501 = arith.constant 7 : i32
      %dma_wait3A_502 = arith.constant 7 : i32
      %dma_wait3A_503 = arith.constant 0 : i32
      %dma_wait3A_504 = arith.constant 0 : i32
      %dma_wait3A_505 = tpu.memref_slice %arg8[%dma_wait3A_502, %dma_wait3A_503, %dma_wait3A_504] : memref<10x128x16xf32, #tpu.memory_space<vmem>> -> memref<1x128x16xf32, #tpu.memory_space<vmem>>
      %dma_wait3A_506 = tpu.memref_squeeze %dma_wait3A_505 : memref<1x128x16xf32, #tpu.memory_space<vmem>> -> memref<128x16xf32, #tpu.memory_space<vmem>>
      %dma_wait3A_507 = arith.constant 0 : i32
      %dma_wait3A_508 = tpu.memref_slice %arg6[%rem3A_79, %dma_wait3A_501, %dma_wait3A_507] : memref<2x10x128xi32, #tpu.memory_space<vmem>> -> memref<1x1x128xi32, #tpu.memory_space<vmem>>
      %dma_wait3A_509 = tpu.memref_squeeze %dma_wait3A_508 : memref<1x1x128xi32, #tpu.memory_space<vmem>> -> memref<128xi32, #tpu.memory_space<vmem>>
      %dma_wait3A_510 = arith.constant 0 : i32
      %dma_wait3A_511 = arith.constant 0 : i32
      %dma_wait3A_512 = tpu.memref_slice %arg3[%dma_wait3A_510, %dma_wait3A_511] : memref<100352x16xf32, #tpu.memory_space<hbm>> -> memref<100352x16xf32, #tpu.memory_space<hbm>>
      tpu.wait_indirect_dma semaphore(%arg11 : memref<!tpu.dma_semaphore, #tpu.memory_space<semaphore_mem>>) src(%dma_wait3A_512 : memref<100352x16xf32, #tpu.memory_space<hbm>>) dst(%dma_wait3A_506 : memref<128x16xf32, #tpu.memory_space<vmem>>)
      %dma_start3A_513 = arith.constant 7 : i32
      %dma_start3A_514 = arith.constant 7 : i32
      %dma_start3A_515 = arith.constant 0 : i32
      %dma_start3A_516 = arith.constant 0 : i32
      %dma_start3A_517 = tpu.memref_slice %arg8[%dma_start3A_513, %dma_start3A_515, %dma_start3A_516] : memref<10x128x16xf32, #tpu.memory_space<vmem>> -> memref<1x128x16xf32, #tpu.memory_space<vmem>>
      %dma_start3A_518 = tpu.memref_squeeze %dma_start3A_517 : memref<1x128x16xf32, #tpu.memory_space<vmem>> -> memref<128x16xf32, #tpu.memory_space<vmem>>
      %dma_start3A_519 = arith.constant 0 : i32
      %dma_start3A_520 = tpu.memref_slice %arg7[%rem3A_79, %dma_start3A_514, %dma_start3A_519] : memref<2x10x128xi32, #tpu.memory_space<vmem>> -> memref<1x1x128xi32, #tpu.memory_space<vmem>>
      %dma_start3A_521 = tpu.memref_squeeze %dma_start3A_520 : memref<1x1x128xi32, #tpu.memory_space<vmem>> -> memref<128xi32, #tpu.memory_space<vmem>>
      %dma_start3A_522 = arith.constant 0 : i32
      %dma_start3A_523 = arith.constant 0 : i32
      %dma_start3A_524 = tpu.memref_slice %arg10[%dma_start3A_522, %dma_start3A_523] : memref<100352x16xf32, #tpu.memory_space<vmem_shared>> -> memref<100352x16xf32, #tpu.memory_space<vmem_shared>>
      tpu.enqueue_indirect_dma source(%dma_start3A_518 : memref<128x16xf32, #tpu.memory_space<vmem>>) target(%dma_start3A_524 : memref<100352x16xf32, #tpu.memory_space<vmem_shared>>) offsets(%dma_start3A_521 : memref<128xi32, #tpu.memory_space<vmem>>) semaphore(%arg12 : memref<!tpu.dma_semaphore, #tpu.memory_space<semaphore_mem>>) {add = true}
      %dma_wait3A_525 = arith.constant 0 : i32
      %dma_wait3A_526 = arith.constant 0 : i32
      %dma_wait3A_527 = arith.constant 0 : i32
      %dma_wait3A_528 = arith.constant 0 : i32
      %dma_wait3A_529 = tpu.memref_slice %arg8[%dma_wait3A_525, %dma_wait3A_527, %dma_wait3A_528] : memref<10x128x16xf32, #tpu.memory_space<vmem>> -> memref<1x128x16xf32, #tpu.memory_space<vmem>>
      %dma_wait3A_530 = tpu.memref_squeeze %dma_wait3A_529 : memref<1x128x16xf32, #tpu.memory_space<vmem>> -> memref<128x16xf32, #tpu.memory_space<vmem>>
      %dma_wait3A_531 = arith.constant 0 : i32
      %dma_wait3A_532 = tpu.memref_slice %arg7[%rem3A_79, %dma_wait3A_526, %dma_wait3A_531] : memref<2x10x128xi32, #tpu.memory_space<vmem>> -> memref<1x1x128xi32, #tpu.memory_space<vmem>>
      %dma_wait3A_533 = tpu.memref_squeeze %dma_wait3A_532 : memref<1x1x128xi32, #tpu.memory_space<vmem>> -> memref<128xi32, #tpu.memory_space<vmem>>
      %dma_wait3A_534 = arith.constant 0 : i32
      %dma_wait3A_535 = arith.constant 0 : i32
      %dma_wait3A_536 = tpu.memref_slice %arg10[%dma_wait3A_534, %dma_wait3A_535] : memref<100352x16xf32, #tpu.memory_space<vmem_shared>> -> memref<100352x16xf32, #tpu.memory_space<vmem_shared>>
      tpu.wait_indirect_dma semaphore(%arg12 : memref<!tpu.dma_semaphore, #tpu.memory_space<semaphore_mem>>) src(%dma_wait3A_530 : memref<128x16xf32, #tpu.memory_space<vmem>>) dst(%dma_wait3A_536 : memref<100352x16xf32, #tpu.memory_space<vmem_shared>>)
      %dma_wait3A_537 = arith.constant 8 : i32
      %dma_wait3A_538 = arith.constant 8 : i32
      %dma_wait3A_539 = arith.constant 0 : i32
      %dma_wait3A_540 = arith.constant 0 : i32
      %dma_wait3A_541 = tpu.memref_slice %arg8[%dma_wait3A_538, %dma_wait3A_539, %dma_wait3A_540] : memref<10x128x16xf32, #tpu.memory_space<vmem>> -> memref<1x128x16xf32, #tpu.memory_space<vmem>>
      %dma_wait3A_542 = tpu.memref_squeeze %dma_wait3A_541 : memref<1x128x16xf32, #tpu.memory_space<vmem>> -> memref<128x16xf32, #tpu.memory_space<vmem>>
      %dma_wait3A_543 = arith.constant 0 : i32
      %dma_wait3A_544 = tpu.memref_slice %arg6[%rem3A_79, %dma_wait3A_537, %dma_wait3A_543] : memref<2x10x128xi32, #tpu.memory_space<vmem>> -> memref<1x1x128xi32, #tpu.memory_space<vmem>>
      %dma_wait3A_545 = tpu.memref_squeeze %dma_wait3A_544 : memref<1x1x128xi32, #tpu.memory_space<vmem>> -> memref<128xi32, #tpu.memory_space<vmem>>
      %dma_wait3A_546 = arith.constant 0 : i32
      %dma_wait3A_547 = arith.constant 0 : i32
      %dma_wait3A_548 = tpu.memref_slice %arg3[%dma_wait3A_546, %dma_wait3A_547] : memref<100352x16xf32, #tpu.memory_space<hbm>> -> memref<100352x16xf32, #tpu.memory_space<hbm>>
      tpu.wait_indirect_dma semaphore(%arg11 : memref<!tpu.dma_semaphore, #tpu.memory_space<semaphore_mem>>) src(%dma_wait3A_548 : memref<100352x16xf32, #tpu.memory_space<hbm>>) dst(%dma_wait3A_542 : memref<128x16xf32, #tpu.memory_space<vmem>>)
      %dma_start3A_549 = arith.constant 8 : i32
      %dma_start3A_550 = arith.constant 8 : i32
      %dma_start3A_551 = arith.constant 0 : i32
      %dma_start3A_552 = arith.constant 0 : i32
      %dma_start3A_553 = tpu.memref_slice %arg8[%dma_start3A_549, %dma_start3A_551, %dma_start3A_552] : memref<10x128x16xf32, #tpu.memory_space<vmem>> -> memref<1x128x16xf32, #tpu.memory_space<vmem>>
      %dma_start3A_554 = tpu.memref_squeeze %dma_start3A_553 : memref<1x128x16xf32, #tpu.memory_space<vmem>> -> memref<128x16xf32, #tpu.memory_space<vmem>>
      %dma_start3A_555 = arith.constant 0 : i32
      %dma_start3A_556 = tpu.memref_slice %arg7[%rem3A_79, %dma_start3A_550, %dma_start3A_555] : memref<2x10x128xi32, #tpu.memory_space<vmem>> -> memref<1x1x128xi32, #tpu.memory_space<vmem>>
      %dma_start3A_557 = tpu.memref_squeeze %dma_start3A_556 : memref<1x1x128xi32, #tpu.memory_space<vmem>> -> memref<128xi32, #tpu.memory_space<vmem>>
      %dma_start3A_558 = arith.constant 0 : i32
      %dma_start3A_559 = arith.constant 0 : i32
      %dma_start3A_560 = tpu.memref_slice %arg10[%dma_start3A_558, %dma_start3A_559] : memref<100352x16xf32, #tpu.memory_space<vmem_shared>> -> memref<100352x16xf32, #tpu.memory_space<vmem_shared>>
      tpu.enqueue_indirect_dma source(%dma_start3A_554 : memref<128x16xf32, #tpu.memory_space<vmem>>) target(%dma_start3A_560 : memref<100352x16xf32, #tpu.memory_space<vmem_shared>>) offsets(%dma_start3A_557 : memref<128xi32, #tpu.memory_space<vmem>>) semaphore(%arg12 : memref<!tpu.dma_semaphore, #tpu.memory_space<semaphore_mem>>) {add = true}
      %dma_wait3A_561 = arith.constant 0 : i32
      %dma_wait3A_562 = arith.constant 0 : i32
      %dma_wait3A_563 = arith.constant 0 : i32
      %dma_wait3A_564 = arith.constant 0 : i32
      %dma_wait3A_565 = tpu.memref_slice %arg8[%dma_wait3A_561, %dma_wait3A_563, %dma_wait3A_564] : memref<10x128x16xf32, #tpu.memory_space<vmem>> -> memref<1x128x16xf32, #tpu.memory_space<vmem>>
      %dma_wait3A_566 = tpu.memref_squeeze %dma_wait3A_565 : memref<1x128x16xf32, #tpu.memory_space<vmem>> -> memref<128x16xf32, #tpu.memory_space<vmem>>
      %dma_wait3A_567 = arith.constant 0 : i32
      %dma_wait3A_568 = tpu.memref_slice %arg7[%rem3A_79, %dma_wait3A_562, %dma_wait3A_567] : memref<2x10x128xi32, #tpu.memory_space<vmem>> -> memref<1x1x128xi32, #tpu.memory_space<vmem>>
      %dma_wait3A_569 = tpu.memref_squeeze %dma_wait3A_568 : memref<1x1x128xi32, #tpu.memory_space<vmem>> -> memref<128xi32, #tpu.memory_space<vmem>>
      %dma_wait3A_570 = arith.constant 0 : i32
      %dma_wait3A_571 = arith.constant 0 : i32
      %dma_wait3A_572 = tpu.memref_slice %arg10[%dma_wait3A_570, %dma_wait3A_571] : memref<100352x16xf32, #tpu.memory_space<vmem_shared>> -> memref<100352x16xf32, #tpu.memory_space<vmem_shared>>
      tpu.wait_indirect_dma semaphore(%arg12 : memref<!tpu.dma_semaphore, #tpu.memory_space<semaphore_mem>>) src(%dma_wait3A_566 : memref<128x16xf32, #tpu.memory_space<vmem>>) dst(%dma_wait3A_572 : memref<100352x16xf32, #tpu.memory_space<vmem_shared>>)
      %dma_wait3A_573 = arith.constant 9 : i32
      %dma_wait3A_574 = arith.constant 9 : i32
      %dma_wait3A_575 = arith.constant 0 : i32
      %dma_wait3A_576 = arith.constant 0 : i32
      %dma_wait3A_577 = tpu.memref_slice %arg8[%dma_wait3A_574, %dma_wait3A_575, %dma_wait3A_576] : memref<10x128x16xf32, #tpu.memory_space<vmem>> -> memref<1x128x16xf32, #tpu.memory_space<vmem>>
      %dma_wait3A_578 = tpu.memref_squeeze %dma_wait3A_577 : memref<1x128x16xf32, #tpu.memory_space<vmem>> -> memref<128x16xf32, #tpu.memory_space<vmem>>
      %dma_wait3A_579 = arith.constant 0 : i32
      %dma_wait3A_580 = tpu.memref_slice %arg6[%rem3A_79, %dma_wait3A_573, %dma_wait3A_579] : memref<2x10x128xi32, #tpu.memory_space<vmem>> -> memref<1x1x128xi32, #tpu.memory_space<vmem>>
      %dma_wait3A_581 = tpu.memref_squeeze %dma_wait3A_580 : memref<1x1x128xi32, #tpu.memory_space<vmem>> -> memref<128xi32, #tpu.memory_space<vmem>>
      %dma_wait3A_582 = arith.constant 0 : i32
      %dma_wait3A_583 = arith.constant 0 : i32
      %dma_wait3A_584 = tpu.memref_slice %arg3[%dma_wait3A_582, %dma_wait3A_583] : memref<100352x16xf32, #tpu.memory_space<hbm>> -> memref<100352x16xf32, #tpu.memory_space<hbm>>
      tpu.wait_indirect_dma semaphore(%arg11 : memref<!tpu.dma_semaphore, #tpu.memory_space<semaphore_mem>>) src(%dma_wait3A_584 : memref<100352x16xf32, #tpu.memory_space<hbm>>) dst(%dma_wait3A_578 : memref<128x16xf32, #tpu.memory_space<vmem>>)
      %dma_start3A_585 = arith.constant 9 : i32
      %dma_start3A_586 = arith.constant 9 : i32
      %dma_start3A_587 = arith.constant 0 : i32
      %dma_start3A_588 = arith.constant 0 : i32
      %dma_start3A_589 = tpu.memref_slice %arg8[%dma_start3A_585, %dma_start3A_587, %dma_start3A_588] : memref<10x128x16xf32, #tpu.memory_space<vmem>> -> memref<1x128x16xf32, #tpu.memory_space<vmem>>
      %dma_start3A_590 = tpu.memref_squeeze %dma_start3A_589 : memref<1x128x16xf32, #tpu.memory_space<vmem>> -> memref<128x16xf32, #tpu.memory_space<vmem>>
      %dma_start3A_591 = arith.constant 0 : i32
      %dma_start3A_592 = tpu.memref_slice %arg7[%rem3A_79, %dma_start3A_586, %dma_start3A_591] : memref<2x10x128xi32, #tpu.memory_space<vmem>> -> memref<1x1x128xi32, #tpu.memory_space<vmem>>
      %dma_start3A_593 = tpu.memref_squeeze %dma_start3A_592 : memref<1x1x128xi32, #tpu.memory_space<vmem>> -> memref<128xi32, #tpu.memory_space<vmem>>
      %dma_start3A_594 = arith.constant 0 : i32
      %dma_start3A_595 = arith.constant 0 : i32
      %dma_start3A_596 = tpu.memref_slice %arg10[%dma_start3A_594, %dma_start3A_595] : memref<100352x16xf32, #tpu.memory_space<vmem_shared>> -> memref<100352x16xf32, #tpu.memory_space<vmem_shared>>
      tpu.enqueue_indirect_dma source(%dma_start3A_590 : memref<128x16xf32, #tpu.memory_space<vmem>>) target(%dma_start3A_596 : memref<100352x16xf32, #tpu.memory_space<vmem_shared>>) offsets(%dma_start3A_593 : memref<128xi32, #tpu.memory_space<vmem>>) semaphore(%arg12 : memref<!tpu.dma_semaphore, #tpu.memory_space<semaphore_mem>>) {add = true}
      %while3A_597 = arith.constant 0 : i32
      scf.yield %while3A_597 : i32
    }
    %while3A_35 = arith.constant 1 : i32
    %while3A_36 = scf.for %while3A_77 = %while3A_32 to %while3A_28 step %while3A_35 iter_args(%while3A_78 = %while3A_34) -> (i32)  : i32 {
      %rem3A = arith.constant 2 : i32
      %rem3A_79 = arith.remsi %while3A_77, %rem3A : i32
      %mul3A_80 = arith.constant 10 : i32
      %mul3A_81 = arith.muli %while3A_77, %mul3A_80 : i32
      %add3A_82 = arith.addi %mul3A_18, %mul3A_81 : i32
      %dma_wait3A = arith.constant 0 : i32
      %dma_wait3A_83 = arith.constant 0 : i32
      %dma_wait3A_84 = arith.constant 0 : i32
      %dma_wait3A_85 = tpu.memref_slice %arg6[%rem3A_79, %dma_wait3A_83, %dma_wait3A_84] : memref<2x10x128xi32, #tpu.memory_space<vmem>> -> memref<1x10x128xi32, #tpu.memory_space<vmem>>
      %dma_wait3A_86 = tpu.memref_squeeze %dma_wait3A_85 : memref<1x10x128xi32, #tpu.memory_space<vmem>> -> memref<10x128xi32, #tpu.memory_space<vmem>>
      %dma_wait3A_87 = arith.constant 0 : i32
      %dma_wait3A_88 = tpu.memref_slice %arg2[%dma_wait3A, %add3A_82, %dma_wait3A_87] : memref<2x12500x128xi32, #tpu.memory_space<hbm>> -> memref<1x10x128xi32, #tpu.memory_space<hbm>>
      %dma_wait3A_89 = tpu.memref_squeeze %dma_wait3A_88 : memref<1x10x128xi32, #tpu.memory_space<hbm>> -> memref<10x128xi32, #tpu.memory_space<hbm>>
      %dma_wait3A_90 = arith.constant 0 : i32
      %dma_wait3A_91 = arith.constant 0 : i32
      %dma_wait3A_92 = tpu.memref_slice %arg6[%rem3A_79, %dma_wait3A_90, %dma_wait3A_91] : memref<2x10x128xi32, #tpu.memory_space<vmem>> -> memref<1x10x128xi32, #tpu.memory_space<vmem>>
      %dma_wait3A_93 = tpu.memref_squeeze %dma_wait3A_92 : memref<1x10x128xi32, #tpu.memory_space<vmem>> -> memref<10x128xi32, #tpu.memory_space<vmem>>
      %dma_wait3A_94 = arith.constant 0 : i32
      %dma_wait3A_95 = tpu.memref_slice %arg2[%dma_wait3A, %add3A_82, %dma_wait3A_94] : memref<2x12500x128xi32, #tpu.memory_space<hbm>> -> memref<1x10x128xi32, #tpu.memory_space<hbm>>
      %dma_wait3A_96 = tpu.memref_squeeze %dma_wait3A_95 : memref<1x10x128xi32, #tpu.memory_space<hbm>> -> memref<10x128xi32, #tpu.memory_space<hbm>>
      tpu.wait_dma2 semaphore(%arg13 : memref<!tpu.dma_semaphore, #tpu.memory_space<semaphore_mem>>) src(%dma_wait3A_96 : memref<10x128xi32, #tpu.memory_space<hbm>>) dst(%dma_wait3A_93 : memref<10x128xi32, #tpu.memory_space<vmem>>)
      %dma_wait3A_97 = arith.constant 1 : i32
      %dma_wait3A_98 = arith.constant 0 : i32
      %dma_wait3A_99 = arith.constant 0 : i32
      %dma_wait3A_100 = tpu.memref_slice %arg7[%rem3A_79, %dma_wait3A_98, %dma_wait3A_99] : memref<2x10x128xi32, #tpu.memory_space<vmem>> -> memref<1x10x128xi32, #tpu.memory_space<vmem>>
      %dma_wait3A_101 = tpu.memref_squeeze %dma_wait3A_100 : memref<1x10x128xi32, #tpu.memory_space<vmem>> -> memref<10x128xi32, #tpu.memory_space<vmem>>
      %dma_wait3A_102 = arith.constant 0 : i32
      %dma_wait3A_103 = tpu.memref_slice %arg2[%dma_wait3A_97, %add3A_82, %dma_wait3A_102] : memref<2x12500x128xi32, #tpu.memory_space<hbm>> -> memref<1x10x128xi32, #tpu.memory_space<hbm>>
      %dma_wait3A_104 = tpu.memref_squeeze %dma_wait3A_103 : memref<1x10x128xi32, #tpu.memory_space<hbm>> -> memref<10x128xi32, #tpu.memory_space<hbm>>
      %dma_wait3A_105 = arith.constant 0 : i32
      %dma_wait3A_106 = arith.constant 0 : i32
      %dma_wait3A_107 = tpu.memref_slice %arg7[%rem3A_79, %dma_wait3A_105, %dma_wait3A_106] : memref<2x10x128xi32, #tpu.memory_space<vmem>> -> memref<1x10x128xi32, #tpu.memory_space<vmem>>
      %dma_wait3A_108 = tpu.memref_squeeze %dma_wait3A_107 : memref<1x10x128xi32, #tpu.memory_space<vmem>> -> memref<10x128xi32, #tpu.memory_space<vmem>>
      %dma_wait3A_109 = arith.constant 0 : i32
      %dma_wait3A_110 = tpu.memref_slice %arg2[%dma_wait3A_97, %add3A_82, %dma_wait3A_109] : memref<2x12500x128xi32, #tpu.memory_space<hbm>> -> memref<1x10x128xi32, #tpu.memory_space<hbm>>
      %dma_wait3A_111 = tpu.memref_squeeze %dma_wait3A_110 : memref<1x10x128xi32, #tpu.memory_space<hbm>> -> memref<10x128xi32, #tpu.memory_space<hbm>>
      tpu.wait_dma2 semaphore(%arg13 : memref<!tpu.dma_semaphore, #tpu.memory_space<semaphore_mem>>) src(%dma_wait3A_111 : memref<10x128xi32, #tpu.memory_space<hbm>>) dst(%dma_wait3A_108 : memref<10x128xi32, #tpu.memory_space<vmem>>)
      %add3A_112 = arith.constant 1 : i32
      %add3A_113 = arith.addi %while3A_77, %add3A_112 : i32
      %lt3A_114 = arith.cmpi slt, %add3A_113, %add3A_12 : i32
      %convert_element_type3A_115 = arith.extui %lt3A_114 : i1 to i32
      %cond3A_116 = arith.constant 0 : i32
      %cond3A_117 = arith.cmpi ne, %convert_element_type3A_115, %cond3A_116 : i32
      scf.if %cond3A_117 {
        %add3A_598 = arith.constant 1 : i32
        %add3A_599 = arith.addi %while3A_77, %add3A_598 : i32
        %sub3A = arith.constant 1 : i32
        %sub3A_600 = arith.subi %sub3A, %rem3A_79 : i32
        %mul3A_601 = arith.constant 10 : i32
        %mul3A_602 = arith.muli %add3A_599, %mul3A_601 : i32
        %add3A_603 = arith.addi %mul3A_18, %mul3A_602 : i32
        %dma_start3A_604 = arith.constant 0 : i32
        %dma_start3A_605 = arith.constant 0 : i32
        %dma_start3A_606 = arith.constant 0 : i32
        %dma_start3A_607 = tpu.memref_slice %arg6[%sub3A_600, %dma_start3A_605, %dma_start3A_606] : memref<2x10x128xi32, #tpu.memory_space<vmem>> -> memref<1x10x128xi32, #tpu.memory_space<vmem>>
        %dma_start3A_608 = tpu.memref_squeeze %dma_start3A_607 : memref<1x10x128xi32, #tpu.memory_space<vmem>> -> memref<10x128xi32, #tpu.memory_space<vmem>>
        %dma_start3A_609 = arith.constant 0 : i32
        %dma_start3A_610 = tpu.memref_slice %arg2[%dma_start3A_604, %add3A_603, %dma_start3A_609] : memref<2x12500x128xi32, #tpu.memory_space<hbm>> -> memref<1x10x128xi32, #tpu.memory_space<hbm>>
        %dma_start3A_611 = tpu.memref_squeeze %dma_start3A_610 : memref<1x10x128xi32, #tpu.memory_space<hbm>> -> memref<10x128xi32, #tpu.memory_space<hbm>>
        %dma_start3A_612 = arith.constant 0 : i32
        %dma_start3A_613 = arith.constant 0 : i32
        %dma_start3A_614 = tpu.memref_slice %arg6[%sub3A_600, %dma_start3A_612, %dma_start3A_613] : memref<2x10x128xi32, #tpu.memory_space<vmem>> -> memref<1x10x128xi32, #tpu.memory_space<vmem>>
        %dma_start3A_615 = tpu.memref_squeeze %dma_start3A_614 : memref<1x10x128xi32, #tpu.memory_space<vmem>> -> memref<10x128xi32, #tpu.memory_space<vmem>>
        %dma_start3A_616 = arith.constant 0 : i32
        %dma_start3A_617 = tpu.memref_slice %arg2[%dma_start3A_604, %add3A_603, %dma_start3A_616] : memref<2x12500x128xi32, #tpu.memory_space<hbm>> -> memref<1x10x128xi32, #tpu.memory_space<hbm>>
        %dma_start3A_618 = tpu.memref_squeeze %dma_start3A_617 : memref<1x10x128xi32, #tpu.memory_space<hbm>> -> memref<10x128xi32, #tpu.memory_space<hbm>>
        tpu.enqueue_dma source(%dma_start3A_618 : memref<10x128xi32, #tpu.memory_space<hbm>>) target(%dma_start3A_615 : memref<10x128xi32, #tpu.memory_space<vmem>>) target_semaphore(%arg13 : memref<!tpu.dma_semaphore, #tpu.memory_space<semaphore_mem>>)
        %dma_start3A_619 = arith.constant 1 : i32
        %dma_start3A_620 = arith.constant 0 : i32
        %dma_start3A_621 = arith.constant 0 : i32
        %dma_start3A_622 = tpu.memref_slice %arg7[%sub3A_600, %dma_start3A_620, %dma_start3A_621] : memref<2x10x128xi32, #tpu.memory_space<vmem>> -> memref<1x10x128xi32, #tpu.memory_space<vmem>>
        %dma_start3A_623 = tpu.memref_squeeze %dma_start3A_622 : memref<1x10x128xi32, #tpu.memory_space<vmem>> -> memref<10x128xi32, #tpu.memory_space<vmem>>
        %dma_start3A_624 = arith.constant 0 : i32
        %dma_start3A_625 = tpu.memref_slice %arg2[%dma_start3A_619, %add3A_603, %dma_start3A_624] : memref<2x12500x128xi32, #tpu.memory_space<hbm>> -> memref<1x10x128xi32, #tpu.memory_space<hbm>>
        %dma_start3A_626 = tpu.memref_squeeze %dma_start3A_625 : memref<1x10x128xi32, #tpu.memory_space<hbm>> -> memref<10x128xi32, #tpu.memory_space<hbm>>
        %dma_start3A_627 = arith.constant 0 : i32
        %dma_start3A_628 = arith.constant 0 : i32
        %dma_start3A_629 = tpu.memref_slice %arg7[%sub3A_600, %dma_start3A_627, %dma_start3A_628] : memref<2x10x128xi32, #tpu.memory_space<vmem>> -> memref<1x10x128xi32, #tpu.memory_space<vmem>>
        %dma_start3A_630 = tpu.memref_squeeze %dma_start3A_629 : memref<1x10x128xi32, #tpu.memory_space<vmem>> -> memref<10x128xi32, #tpu.memory_space<vmem>>
        %dma_start3A_631 = arith.constant 0 : i32
        %dma_start3A_632 = tpu.memref_slice %arg2[%dma_start3A_619, %add3A_603, %dma_start3A_631] : memref<2x12500x128xi32, #tpu.memory_space<hbm>> -> memref<1x10x128xi32, #tpu.memory_space<hbm>>
        %dma_start3A_633 = tpu.memref_squeeze %dma_start3A_632 : memref<1x10x128xi32, #tpu.memory_space<hbm>> -> memref<10x128xi32, #tpu.memory_space<hbm>>
        tpu.enqueue_dma source(%dma_start3A_633 : memref<10x128xi32, #tpu.memory_space<hbm>>) target(%dma_start3A_630 : memref<10x128xi32, #tpu.memory_space<vmem>>) target_semaphore(%arg13 : memref<!tpu.dma_semaphore, #tpu.memory_space<semaphore_mem>>)
      } else {
      }
      %dma_start3A = arith.constant 0 : i32
      %dma_start3A_118 = arith.constant 0 : i32
      %dma_start3A_119 = arith.constant 0 : i32
      %dma_start3A_120 = arith.constant 0 : i32
      %dma_start3A_121 = tpu.memref_slice %arg8[%dma_start3A_118, %dma_start3A_119, %dma_start3A_120] : memref<10x128x16xf32, #tpu.memory_space<vmem>> -> memref<1x128x16xf32, #tpu.memory_space<vmem>>
      %dma_start3A_122 = tpu.memref_squeeze %dma_start3A_121 : memref<1x128x16xf32, #tpu.memory_space<vmem>> -> memref<128x16xf32, #tpu.memory_space<vmem>>
      %dma_start3A_123 = arith.constant 0 : i32
      %dma_start3A_124 = tpu.memref_slice %arg6[%rem3A_79, %dma_start3A, %dma_start3A_123] : memref<2x10x128xi32, #tpu.memory_space<vmem>> -> memref<1x1x128xi32, #tpu.memory_space<vmem>>
      %dma_start3A_125 = tpu.memref_squeeze %dma_start3A_124 : memref<1x1x128xi32, #tpu.memory_space<vmem>> -> memref<128xi32, #tpu.memory_space<vmem>>
      %dma_start3A_126 = arith.constant 0 : i32
      %dma_start3A_127 = arith.constant 0 : i32
      %dma_start3A_128 = tpu.memref_slice %arg3[%dma_start3A_126, %dma_start3A_127] : memref<100352x16xf32, #tpu.memory_space<hbm>> -> memref<100352x16xf32, #tpu.memory_space<hbm>>
      tpu.enqueue_indirect_dma source(%dma_start3A_128 : memref<100352x16xf32, #tpu.memory_space<hbm>>) target(%dma_start3A_122 : memref<128x16xf32, #tpu.memory_space<vmem>>) offsets(%dma_start3A_125 : memref<128xi32, #tpu.memory_space<vmem>>) semaphore(%arg11 : memref<!tpu.dma_semaphore, #tpu.memory_space<semaphore_mem>>)
      %dma_start3A_129 = arith.constant 1 : i32
      %dma_start3A_130 = arith.constant 1 : i32
      %dma_start3A_131 = arith.constant 0 : i32
      %dma_start3A_132 = arith.constant 0 : i32
      %dma_start3A_133 = tpu.memref_slice %arg8[%dma_start3A_130, %dma_start3A_131, %dma_start3A_132] : memref<10x128x16xf32, #tpu.memory_space<vmem>> -> memref<1x128x16xf32, #tpu.memory_space<vmem>>
      %dma_start3A_134 = tpu.memref_squeeze %dma_start3A_133 : memref<1x128x16xf32, #tpu.memory_space<vmem>> -> memref<128x16xf32, #tpu.memory_space<vmem>>
      %dma_start3A_135 = arith.constant 0 : i32
      %dma_start3A_136 = tpu.memref_slice %arg6[%rem3A_79, %dma_start3A_129, %dma_start3A_135] : memref<2x10x128xi32, #tpu.memory_space<vmem>> -> memref<1x1x128xi32, #tpu.memory_space<vmem>>
      %dma_start3A_137 = tpu.memref_squeeze %dma_start3A_136 : memref<1x1x128xi32, #tpu.memory_space<vmem>> -> memref<128xi32, #tpu.memory_space<vmem>>
      %dma_start3A_138 = arith.constant 0 : i32
      %dma_start3A_139 = arith.constant 0 : i32
      %dma_start3A_140 = tpu.memref_slice %arg3[%dma_start3A_138, %dma_start3A_139] : memref<100352x16xf32, #tpu.memory_space<hbm>> -> memref<100352x16xf32, #tpu.memory_space<hbm>>
      tpu.enqueue_indirect_dma source(%dma_start3A_140 : memref<100352x16xf32, #tpu.memory_space<hbm>>) target(%dma_start3A_134 : memref<128x16xf32, #tpu.memory_space<vmem>>) offsets(%dma_start3A_137 : memref<128xi32, #tpu.memory_space<vmem>>) semaphore(%arg11 : memref<!tpu.dma_semaphore, #tpu.memory_space<semaphore_mem>>)
      %dma_start3A_141 = arith.constant 2 : i32
      %dma_start3A_142 = arith.constant 2 : i32
      %dma_start3A_143 = arith.constant 0 : i32
      %dma_start3A_144 = arith.constant 0 : i32
      %dma_start3A_145 = tpu.memref_slice %arg8[%dma_start3A_142, %dma_start3A_143, %dma_start3A_144] : memref<10x128x16xf32, #tpu.memory_space<vmem>> -> memref<1x128x16xf32, #tpu.memory_space<vmem>>
      %dma_start3A_146 = tpu.memref_squeeze %dma_start3A_145 : memref<1x128x16xf32, #tpu.memory_space<vmem>> -> memref<128x16xf32, #tpu.memory_space<vmem>>
      %dma_start3A_147 = arith.constant 0 : i32
      %dma_start3A_148 = tpu.memref_slice %arg6[%rem3A_79, %dma_start3A_141, %dma_start3A_147] : memref<2x10x128xi32, #tpu.memory_space<vmem>> -> memref<1x1x128xi32, #tpu.memory_space<vmem>>
      %dma_start3A_149 = tpu.memref_squeeze %dma_start3A_148 : memref<1x1x128xi32, #tpu.memory_space<vmem>> -> memref<128xi32, #tpu.memory_space<vmem>>
      %dma_start3A_150 = arith.constant 0 : i32
      %dma_start3A_151 = arith.constant 0 : i32
      %dma_start3A_152 = tpu.memref_slice %arg3[%dma_start3A_150, %dma_start3A_151] : memref<100352x16xf32, #tpu.memory_space<hbm>> -> memref<100352x16xf32, #tpu.memory_space<hbm>>
      tpu.enqueue_indirect_dma source(%dma_start3A_152 : memref<100352x16xf32, #tpu.memory_space<hbm>>) target(%dma_start3A_146 : memref<128x16xf32, #tpu.memory_space<vmem>>) offsets(%dma_start3A_149 : memref<128xi32, #tpu.memory_space<vmem>>) semaphore(%arg11 : memref<!tpu.dma_semaphore, #tpu.memory_space<semaphore_mem>>)
      %dma_start3A_153 = arith.constant 3 : i32
      %dma_start3A_154 = arith.constant 3 : i32
      %dma_start3A_155 = arith.constant 0 : i32
      %dma_start3A_156 = arith.constant 0 : i32
      %dma_start3A_157 = tpu.memref_slice %arg8[%dma_start3A_154, %dma_start3A_155, %dma_start3A_156] : memref<10x128x16xf32, #tpu.memory_space<vmem>> -> memref<1x128x16xf32, #tpu.memory_space<vmem>>
      %dma_start3A_158 = tpu.memref_squeeze %dma_start3A_157 : memref<1x128x16xf32, #tpu.memory_space<vmem>> -> memref<128x16xf32, #tpu.memory_space<vmem>>
      %dma_start3A_159 = arith.constant 0 : i32
      %dma_start3A_160 = tpu.memref_slice %arg6[%rem3A_79, %dma_start3A_153, %dma_start3A_159] : memref<2x10x128xi32, #tpu.memory_space<vmem>> -> memref<1x1x128xi32, #tpu.memory_space<vmem>>
      %dma_start3A_161 = tpu.memref_squeeze %dma_start3A_160 : memref<1x1x128xi32, #tpu.memory_space<vmem>> -> memref<128xi32, #tpu.memory_space<vmem>>
      %dma_start3A_162 = arith.constant 0 : i32
      %dma_start3A_163 = arith.constant 0 : i32
      %dma_start3A_164 = tpu.memref_slice %arg3[%dma_start3A_162, %dma_start3A_163] : memref<100352x16xf32, #tpu.memory_space<hbm>> -> memref<100352x16xf32, #tpu.memory_space<hbm>>
      tpu.enqueue_indirect_dma source(%dma_start3A_164 : memref<100352x16xf32, #tpu.memory_space<hbm>>) target(%dma_start3A_158 : memref<128x16xf32, #tpu.memory_space<vmem>>) offsets(%dma_start3A_161 : memref<128xi32, #tpu.memory_space<vmem>>) semaphore(%arg11 : memref<!tpu.dma_semaphore, #tpu.memory_space<semaphore_mem>>)
      %dma_start3A_165 = arith.constant 4 : i32
      %dma_start3A_166 = arith.constant 4 : i32
      %dma_start3A_167 = arith.constant 0 : i32
      %dma_start3A_168 = arith.constant 0 : i32
      %dma_start3A_169 = tpu.memref_slice %arg8[%dma_start3A_166, %dma_start3A_167, %dma_start3A_168] : memref<10x128x16xf32, #tpu.memory_space<vmem>> -> memref<1x128x16xf32, #tpu.memory_space<vmem>>
      %dma_start3A_170 = tpu.memref_squeeze %dma_start3A_169 : memref<1x128x16xf32, #tpu.memory_space<vmem>> -> memref<128x16xf32, #tpu.memory_space<vmem>>
      %dma_start3A_171 = arith.constant 0 : i32
      %dma_start3A_172 = tpu.memref_slice %arg6[%rem3A_79, %dma_start3A_165, %dma_start3A_171] : memref<2x10x128xi32, #tpu.memory_space<vmem>> -> memref<1x1x128xi32, #tpu.memory_space<vmem>>
      %dma_start3A_173 = tpu.memref_squeeze %dma_start3A_172 : memref<1x1x128xi32, #tpu.memory_space<vmem>> -> memref<128xi32, #tpu.memory_space<vmem>>
      %dma_start3A_174 = arith.constant 0 : i32
      %dma_start3A_175 = arith.constant 0 : i32
      %dma_start3A_176 = tpu.memref_slice %arg3[%dma_start3A_174, %dma_start3A_175] : memref<100352x16xf32, #tpu.memory_space<hbm>> -> memref<100352x16xf32, #tpu.memory_space<hbm>>
      tpu.enqueue_indirect_dma source(%dma_start3A_176 : memref<100352x16xf32, #tpu.memory_space<hbm>>) target(%dma_start3A_170 : memref<128x16xf32, #tpu.memory_space<vmem>>) offsets(%dma_start3A_173 : memref<128xi32, #tpu.memory_space<vmem>>) semaphore(%arg11 : memref<!tpu.dma_semaphore, #tpu.memory_space<semaphore_mem>>)
      %dma_start3A_177 = arith.constant 5 : i32
      %dma_start3A_178 = arith.constant 5 : i32
      %dma_start3A_179 = arith.constant 0 : i32
      %dma_start3A_180 = arith.constant 0 : i32
      %dma_start3A_181 = tpu.memref_slice %arg8[%dma_start3A_178, %dma_start3A_179, %dma_start3A_180] : memref<10x128x16xf32, #tpu.memory_space<vmem>> -> memref<1x128x16xf32, #tpu.memory_space<vmem>>
      %dma_start3A_182 = tpu.memref_squeeze %dma_start3A_181 : memref<1x128x16xf32, #tpu.memory_space<vmem>> -> memref<128x16xf32, #tpu.memory_space<vmem>>
      %dma_start3A_183 = arith.constant 0 : i32
      %dma_start3A_184 = tpu.memref_slice %arg6[%rem3A_79, %dma_start3A_177, %dma_start3A_183] : memref<2x10x128xi32, #tpu.memory_space<vmem>> -> memref<1x1x128xi32, #tpu.memory_space<vmem>>
      %dma_start3A_185 = tpu.memref_squeeze %dma_start3A_184 : memref<1x1x128xi32, #tpu.memory_space<vmem>> -> memref<128xi32, #tpu.memory_space<vmem>>
      %dma_start3A_186 = arith.constant 0 : i32
      %dma_start3A_187 = arith.constant 0 : i32
      %dma_start3A_188 = tpu.memref_slice %arg3[%dma_start3A_186, %dma_start3A_187] : memref<100352x16xf32, #tpu.memory_space<hbm>> -> memref<100352x16xf32, #tpu.memory_space<hbm>>
      tpu.enqueue_indirect_dma source(%dma_start3A_188 : memref<100352x16xf32, #tpu.memory_space<hbm>>) target(%dma_start3A_182 : memref<128x16xf32, #tpu.memory_space<vmem>>) offsets(%dma_start3A_185 : memref<128xi32, #tpu.memory_space<vmem>>) semaphore(%arg11 : memref<!tpu.dma_semaphore, #tpu.memory_space<semaphore_mem>>)
      %dma_start3A_189 = arith.constant 6 : i32
      %dma_start3A_190 = arith.constant 6 : i32
      %dma_start3A_191 = arith.constant 0 : i32
      %dma_start3A_192 = arith.constant 0 : i32
      %dma_start3A_193 = tpu.memref_slice %arg8[%dma_start3A_190, %dma_start3A_191, %dma_start3A_192] : memref<10x128x16xf32, #tpu.memory_space<vmem>> -> memref<1x128x16xf32, #tpu.memory_space<vmem>>
      %dma_start3A_194 = tpu.memref_squeeze %dma_start3A_193 : memref<1x128x16xf32, #tpu.memory_space<vmem>> -> memref<128x16xf32, #tpu.memory_space<vmem>>
      %dma_start3A_195 = arith.constant 0 : i32
      %dma_start3A_196 = tpu.memref_slice %arg6[%rem3A_79, %dma_start3A_189, %dma_start3A_195] : memref<2x10x128xi32, #tpu.memory_space<vmem>> -> memref<1x1x128xi32, #tpu.memory_space<vmem>>
      %dma_start3A_197 = tpu.memref_squeeze %dma_start3A_196 : memref<1x1x128xi32, #tpu.memory_space<vmem>> -> memref<128xi32, #tpu.memory_space<vmem>>
      %dma_start3A_198 = arith.constant 0 : i32
      %dma_start3A_199 = arith.constant 0 : i32
      %dma_start3A_200 = tpu.memref_slice %arg3[%dma_start3A_198, %dma_start3A_199] : memref<100352x16xf32, #tpu.memory_space<hbm>> -> memref<100352x16xf32, #tpu.memory_space<hbm>>
      tpu.enqueue_indirect_dma source(%dma_start3A_200 : memref<100352x16xf32, #tpu.memory_space<hbm>>) target(%dma_start3A_194 : memref<128x16xf32, #tpu.memory_space<vmem>>) offsets(%dma_start3A_197 : memref<128xi32, #tpu.memory_space<vmem>>) semaphore(%arg11 : memref<!tpu.dma_semaphore, #tpu.memory_space<semaphore_mem>>)
      %dma_start3A_201 = arith.constant 7 : i32
      %dma_start3A_202 = arith.constant 7 : i32
      %dma_start3A_203 = arith.constant 0 : i32
      %dma_start3A_204 = arith.constant 0 : i32
      %dma_start3A_205 = tpu.memref_slice %arg8[%dma_start3A_202, %dma_start3A_203, %dma_start3A_204] : memref<10x128x16xf32, #tpu.memory_space<vmem>> -> memref<1x128x16xf32, #tpu.memory_space<vmem>>
      %dma_start3A_206 = tpu.memref_squeeze %dma_start3A_205 : memref<1x128x16xf32, #tpu.memory_space<vmem>> -> memref<128x16xf32, #tpu.memory_space<vmem>>
      %dma_start3A_207 = arith.constant 0 : i32
      %dma_start3A_208 = tpu.memref_slice %arg6[%rem3A_79, %dma_start3A_201, %dma_start3A_207] : memref<2x10x128xi32, #tpu.memory_space<vmem>> -> memref<1x1x128xi32, #tpu.memory_space<vmem>>
      %dma_start3A_209 = tpu.memref_squeeze %dma_start3A_208 : memref<1x1x128xi32, #tpu.memory_space<vmem>> -> memref<128xi32, #tpu.memory_space<vmem>>
      %dma_start3A_210 = arith.constant 0 : i32
      %dma_start3A_211 = arith.constant 0 : i32
      %dma_start3A_212 = tpu.memref_slice %arg3[%dma_start3A_210, %dma_start3A_211] : memref<100352x16xf32, #tpu.memory_space<hbm>> -> memref<100352x16xf32, #tpu.memory_space<hbm>>
      tpu.enqueue_indirect_dma source(%dma_start3A_212 : memref<100352x16xf32, #tpu.memory_space<hbm>>) target(%dma_start3A_206 : memref<128x16xf32, #tpu.memory_space<vmem>>) offsets(%dma_start3A_209 : memref<128xi32, #tpu.memory_space<vmem>>) semaphore(%arg11 : memref<!tpu.dma_semaphore, #tpu.memory_space<semaphore_mem>>)
      %dma_wait3A_213 = arith.constant 0 : i32
      %dma_wait3A_214 = arith.constant 0 : i32
      %dma_wait3A_215 = arith.constant 0 : i32
      %dma_wait3A_216 = arith.constant 0 : i32
      %dma_wait3A_217 = tpu.memref_slice %arg8[%dma_wait3A_213, %dma_wait3A_215, %dma_wait3A_216] : memref<10x128x16xf32, #tpu.memory_space<vmem>> -> memref<1x128x16xf32, #tpu.memory_space<vmem>>
      %dma_wait3A_218 = tpu.memref_squeeze %dma_wait3A_217 : memref<1x128x16xf32, #tpu.memory_space<vmem>> -> memref<128x16xf32, #tpu.memory_space<vmem>>
      %dma_wait3A_219 = arith.constant 0 : i32
      %dma_wait3A_220 = tpu.memref_slice %arg7[%rem3A_79, %dma_wait3A_214, %dma_wait3A_219] : memref<2x10x128xi32, #tpu.memory_space<vmem>> -> memref<1x1x128xi32, #tpu.memory_space<vmem>>
      %dma_wait3A_221 = tpu.memref_squeeze %dma_wait3A_220 : memref<1x1x128xi32, #tpu.memory_space<vmem>> -> memref<128xi32, #tpu.memory_space<vmem>>
      %dma_wait3A_222 = arith.constant 0 : i32
      %dma_wait3A_223 = arith.constant 0 : i32
      %dma_wait3A_224 = tpu.memref_slice %arg10[%dma_wait3A_222, %dma_wait3A_223] : memref<100352x16xf32, #tpu.memory_space<vmem_shared>> -> memref<100352x16xf32, #tpu.memory_space<vmem_shared>>
      tpu.wait_indirect_dma semaphore(%arg12 : memref<!tpu.dma_semaphore, #tpu.memory_space<semaphore_mem>>) src(%dma_wait3A_218 : memref<128x16xf32, #tpu.memory_space<vmem>>) dst(%dma_wait3A_224 : memref<100352x16xf32, #tpu.memory_space<vmem_shared>>)
      %dma_start3A_225 = arith.constant 8 : i32
      %dma_start3A_226 = arith.constant 8 : i32
      %dma_start3A_227 = arith.constant 0 : i32
      %dma_start3A_228 = arith.constant 0 : i32
      %dma_start3A_229 = tpu.memref_slice %arg8[%dma_start3A_226, %dma_start3A_227, %dma_start3A_228] : memref<10x128x16xf32, #tpu.memory_space<vmem>> -> memref<1x128x16xf32, #tpu.memory_space<vmem>>
      %dma_start3A_230 = tpu.memref_squeeze %dma_start3A_229 : memref<1x128x16xf32, #tpu.memory_space<vmem>> -> memref<128x16xf32, #tpu.memory_space<vmem>>
      %dma_start3A_231 = arith.constant 0 : i32
      %dma_start3A_232 = tpu.memref_slice %arg6[%rem3A_79, %dma_start3A_225, %dma_start3A_231] : memref<2x10x128xi32, #tpu.memory_space<vmem>> -> memref<1x1x128xi32, #tpu.memory_space<vmem>>
      %dma_start3A_233 = tpu.memref_squeeze %dma_start3A_232 : memref<1x1x128xi32, #tpu.memory_space<vmem>> -> memref<128xi32, #tpu.memory_space<vmem>>
      %dma_start3A_234 = arith.constant 0 : i32
      %dma_start3A_235 = arith.constant 0 : i32
      %dma_start3A_236 = tpu.memref_slice %arg3[%dma_start3A_234, %dma_start3A_235] : memref<100352x16xf32, #tpu.memory_space<hbm>> -> memref<100352x16xf32, #tpu.memory_space<hbm>>
      tpu.enqueue_indirect_dma source(%dma_start3A_236 : memref<100352x16xf32, #tpu.memory_space<hbm>>) target(%dma_start3A_230 : memref<128x16xf32, #tpu.memory_space<vmem>>) offsets(%dma_start3A_233 : memref<128xi32, #tpu.memory_space<vmem>>) semaphore(%arg11 : memref<!tpu.dma_semaphore, #tpu.memory_space<semaphore_mem>>)
      %dma_wait3A_237 = arith.constant 0 : i32
      %dma_wait3A_238 = arith.constant 0 : i32
      %dma_wait3A_239 = arith.constant 0 : i32
      %dma_wait3A_240 = arith.constant 0 : i32
      %dma_wait3A_241 = tpu.memref_slice %arg8[%dma_wait3A_238, %dma_wait3A_239, %dma_wait3A_240] : memref<10x128x16xf32, #tpu.memory_space<vmem>> -> memref<1x128x16xf32, #tpu.memory_space<vmem>>
      %dma_wait3A_242 = tpu.memref_squeeze %dma_wait3A_241 : memref<1x128x16xf32, #tpu.memory_space<vmem>> -> memref<128x16xf32, #tpu.memory_space<vmem>>
      %dma_wait3A_243 = arith.constant 0 : i32
      %dma_wait3A_244 = tpu.memref_slice %arg6[%rem3A_79, %dma_wait3A_237, %dma_wait3A_243] : memref<2x10x128xi32, #tpu.memory_space<vmem>> -> memref<1x1x128xi32, #tpu.memory_space<vmem>>
      %dma_wait3A_245 = tpu.memref_squeeze %dma_wait3A_244 : memref<1x1x128xi32, #tpu.memory_space<vmem>> -> memref<128xi32, #tpu.memory_space<vmem>>
      %dma_wait3A_246 = arith.constant 0 : i32
      %dma_wait3A_247 = arith.constant 0 : i32
      %dma_wait3A_248 = tpu.memref_slice %arg3[%dma_wait3A_246, %dma_wait3A_247] : memref<100352x16xf32, #tpu.memory_space<hbm>> -> memref<100352x16xf32, #tpu.memory_space<hbm>>
      tpu.wait_indirect_dma semaphore(%arg11 : memref<!tpu.dma_semaphore, #tpu.memory_space<semaphore_mem>>) src(%dma_wait3A_248 : memref<100352x16xf32, #tpu.memory_space<hbm>>) dst(%dma_wait3A_242 : memref<128x16xf32, #tpu.memory_space<vmem>>)
      %dma_start3A_249 = arith.constant 0 : i32
      %dma_start3A_250 = arith.constant 0 : i32
      %dma_start3A_251 = arith.constant 0 : i32
      %dma_start3A_252 = arith.constant 0 : i32
      %dma_start3A_253 = tpu.memref_slice %arg8[%dma_start3A_249, %dma_start3A_251, %dma_start3A_252] : memref<10x128x16xf32, #tpu.memory_space<vmem>> -> memref<1x128x16xf32, #tpu.memory_space<vmem>>
      %dma_start3A_254 = tpu.memref_squeeze %dma_start3A_253 : memref<1x128x16xf32, #tpu.memory_space<vmem>> -> memref<128x16xf32, #tpu.memory_space<vmem>>
      %dma_start3A_255 = arith.constant 0 : i32
      %dma_start3A_256 = tpu.memref_slice %arg7[%rem3A_79, %dma_start3A_250, %dma_start3A_255] : memref<2x10x128xi32, #tpu.memory_space<vmem>> -> memref<1x1x128xi32, #tpu.memory_space<vmem>>
      %dma_start3A_257 = tpu.memref_squeeze %dma_start3A_256 : memref<1x1x128xi32, #tpu.memory_space<vmem>> -> memref<128xi32, #tpu.memory_space<vmem>>
      %dma_start3A_258 = arith.constant 0 : i32
      %dma_start3A_259 = arith.constant 0 : i32
      %dma_start3A_260 = tpu.memref_slice %arg10[%dma_start3A_258, %dma_start3A_259] : memref<100352x16xf32, #tpu.memory_space<vmem_shared>> -> memref<100352x16xf32, #tpu.memory_space<vmem_shared>>
      tpu.enqueue_indirect_dma source(%dma_start3A_254 : memref<128x16xf32, #tpu.memory_space<vmem>>) target(%dma_start3A_260 : memref<100352x16xf32, #tpu.memory_space<vmem_shared>>) offsets(%dma_start3A_257 : memref<128xi32, #tpu.memory_space<vmem>>) semaphore(%arg12 : memref<!tpu.dma_semaphore, #tpu.memory_space<semaphore_mem>>) {add = true}
      %dma_wait3A_261 = arith.constant 0 : i32
      %dma_wait3A_262 = arith.constant 0 : i32
      %dma_wait3A_263 = arith.constant 0 : i32
      %dma_wait3A_264 = arith.constant 0 : i32
      %dma_wait3A_265 = tpu.memref_slice %arg8[%dma_wait3A_261, %dma_wait3A_263, %dma_wait3A_264] : memref<10x128x16xf32, #tpu.memory_space<vmem>> -> memref<1x128x16xf32, #tpu.memory_space<vmem>>
      %dma_wait3A_266 = tpu.memref_squeeze %dma_wait3A_265 : memref<1x128x16xf32, #tpu.memory_space<vmem>> -> memref<128x16xf32, #tpu.memory_space<vmem>>
      %dma_wait3A_267 = arith.constant 0 : i32
      %dma_wait3A_268 = tpu.memref_slice %arg7[%rem3A_79, %dma_wait3A_262, %dma_wait3A_267] : memref<2x10x128xi32, #tpu.memory_space<vmem>> -> memref<1x1x128xi32, #tpu.memory_space<vmem>>
      %dma_wait3A_269 = tpu.memref_squeeze %dma_wait3A_268 : memref<1x1x128xi32, #tpu.memory_space<vmem>> -> memref<128xi32, #tpu.memory_space<vmem>>
      %dma_wait3A_270 = arith.constant 0 : i32
      %dma_wait3A_271 = arith.constant 0 : i32
      %dma_wait3A_272 = tpu.memref_slice %arg10[%dma_wait3A_270, %dma_wait3A_271] : memref<100352x16xf32, #tpu.memory_space<vmem_shared>> -> memref<100352x16xf32, #tpu.memory_space<vmem_shared>>
      tpu.wait_indirect_dma semaphore(%arg12 : memref<!tpu.dma_semaphore, #tpu.memory_space<semaphore_mem>>) src(%dma_wait3A_266 : memref<128x16xf32, #tpu.memory_space<vmem>>) dst(%dma_wait3A_272 : memref<100352x16xf32, #tpu.memory_space<vmem_shared>>)
      %dma_start3A_273 = arith.constant 9 : i32
      %dma_start3A_274 = arith.constant 9 : i32
      %dma_start3A_275 = arith.constant 0 : i32
      %dma_start3A_276 = arith.constant 0 : i32
      %dma_start3A_277 = tpu.memref_slice %arg8[%dma_start3A_274, %dma_start3A_275, %dma_start3A_276] : memref<10x128x16xf32, #tpu.memory_space<vmem>> -> memref<1x128x16xf32, #tpu.memory_space<vmem>>
      %dma_start3A_278 = tpu.memref_squeeze %dma_start3A_277 : memref<1x128x16xf32, #tpu.memory_space<vmem>> -> memref<128x16xf32, #tpu.memory_space<vmem>>
      %dma_start3A_279 = arith.constant 0 : i32
      %dma_start3A_280 = tpu.memref_slice %arg6[%rem3A_79, %dma_start3A_273, %dma_start3A_279] : memref<2x10x128xi32, #tpu.memory_space<vmem>> -> memref<1x1x128xi32, #tpu.memory_space<vmem>>
      %dma_start3A_281 = tpu.memref_squeeze %dma_start3A_280 : memref<1x1x128xi32, #tpu.memory_space<vmem>> -> memref<128xi32, #tpu.memory_space<vmem>>
      %dma_start3A_282 = arith.constant 0 : i32
      %dma_start3A_283 = arith.constant 0 : i32
      %dma_start3A_284 = tpu.memref_slice %arg3[%dma_start3A_282, %dma_start3A_283] : memref<100352x16xf32, #tpu.memory_space<hbm>> -> memref<100352x16xf32, #tpu.memory_space<hbm>>
      tpu.enqueue_indirect_dma source(%dma_start3A_284 : memref<100352x16xf32, #tpu.memory_space<hbm>>) target(%dma_start3A_278 : memref<128x16xf32, #tpu.memory_space<vmem>>) offsets(%dma_start3A_281 : memref<128xi32, #tpu.memory_space<vmem>>) semaphore(%arg11 : memref<!tpu.dma_semaphore, #tpu.memory_space<semaphore_mem>>)
      %dma_wait3A_285 = arith.constant 1 : i32
      %dma_wait3A_286 = arith.constant 1 : i32
      %dma_wait3A_287 = arith.constant 0 : i32
      %dma_wait3A_288 = arith.constant 0 : i32
      %dma_wait3A_289 = tpu.memref_slice %arg8[%dma_wait3A_286, %dma_wait3A_287, %dma_wait3A_288] : memref<10x128x16xf32, #tpu.memory_space<vmem>> -> memref<1x128x16xf32, #tpu.memory_space<vmem>>
      %dma_wait3A_290 = tpu.memref_squeeze %dma_wait3A_289 : memref<1x128x16xf32, #tpu.memory_space<vmem>> -> memref<128x16xf32, #tpu.memory_space<vmem>>
      %dma_wait3A_291 = arith.constant 0 : i32
      %dma_wait3A_292 = tpu.memref_slice %arg6[%rem3A_79, %dma_wait3A_285, %dma_wait3A_291] : memref<2x10x128xi32, #tpu.memory_space<vmem>> -> memref<1x1x128xi32, #tpu.memory_space<vmem>>
      %dma_wait3A_293 = tpu.memref_squeeze %dma_wait3A_292 : memref<1x1x128xi32, #tpu.memory_space<vmem>> -> memref<128xi32, #tpu.memory_space<vmem>>
      %dma_wait3A_294 = arith.constant 0 : i32
      %dma_wait3A_295 = arith.constant 0 : i32
      %dma_wait3A_296 = tpu.memref_slice %arg3[%dma_wait3A_294, %dma_wait3A_295] : memref<100352x16xf32, #tpu.memory_space<hbm>> -> memref<100352x16xf32, #tpu.memory_space<hbm>>
      tpu.wait_indirect_dma semaphore(%arg11 : memref<!tpu.dma_semaphore, #tpu.memory_space<semaphore_mem>>) src(%dma_wait3A_296 : memref<100352x16xf32, #tpu.memory_space<hbm>>) dst(%dma_wait3A_290 : memref<128x16xf32, #tpu.memory_space<vmem>>)
      %dma_start3A_297 = arith.constant 1 : i32
      %dma_start3A_298 = arith.constant 1 : i32
      %dma_start3A_299 = arith.constant 0 : i32
      %dma_start3A_300 = arith.constant 0 : i32
      %dma_start3A_301 = tpu.memref_slice %arg8[%dma_start3A_297, %dma_start3A_299, %dma_start3A_300] : memref<10x128x16xf32, #tpu.memory_space<vmem>> -> memref<1x128x16xf32, #tpu.memory_space<vmem>>
      %dma_start3A_302 = tpu.memref_squeeze %dma_start3A_301 : memref<1x128x16xf32, #tpu.memory_space<vmem>> -> memref<128x16xf32, #tpu.memory_space<vmem>>
      %dma_start3A_303 = arith.constant 0 : i32
      %dma_start3A_304 = tpu.memref_slice %arg7[%rem3A_79, %dma_start3A_298, %dma_start3A_303] : memref<2x10x128xi32, #tpu.memory_space<vmem>> -> memref<1x1x128xi32, #tpu.memory_space<vmem>>
      %dma_start3A_305 = tpu.memref_squeeze %dma_start3A_304 : memref<1x1x128xi32, #tpu.memory_space<vmem>> -> memref<128xi32, #tpu.memory_space<vmem>>
      %dma_start3A_306 = arith.constant 0 : i32
      %dma_start3A_307 = arith.constant 0 : i32
      %dma_start3A_308 = tpu.memref_slice %arg10[%dma_start3A_306, %dma_start3A_307] : memref<100352x16xf32, #tpu.memory_space<vmem_shared>> -> memref<100352x16xf32, #tpu.memory_space<vmem_shared>>
      tpu.enqueue_indirect_dma source(%dma_start3A_302 : memref<128x16xf32, #tpu.memory_space<vmem>>) target(%dma_start3A_308 : memref<100352x16xf32, #tpu.memory_space<vmem_shared>>) offsets(%dma_start3A_305 : memref<128xi32, #tpu.memory_space<vmem>>) semaphore(%arg12 : memref<!tpu.dma_semaphore, #tpu.memory_space<semaphore_mem>>) {add = true}
      %dma_wait3A_309 = arith.constant 0 : i32
      %dma_wait3A_310 = arith.constant 0 : i32
      %dma_wait3A_311 = arith.constant 0 : i32
      %dma_wait3A_312 = arith.constant 0 : i32
      %dma_wait3A_313 = tpu.memref_slice %arg8[%dma_wait3A_309, %dma_wait3A_311, %dma_wait3A_312] : memref<10x128x16xf32, #tpu.memory_space<vmem>> -> memref<1x128x16xf32, #tpu.memory_space<vmem>>
      %dma_wait3A_314 = tpu.memref_squeeze %dma_wait3A_313 : memref<1x128x16xf32, #tpu.memory_space<vmem>> -> memref<128x16xf32, #tpu.memory_space<vmem>>
      %dma_wait3A_315 = arith.constant 0 : i32
      %dma_wait3A_316 = tpu.memref_slice %arg7[%rem3A_79, %dma_wait3A_310, %dma_wait3A_315] : memref<2x10x128xi32, #tpu.memory_space<vmem>> -> memref<1x1x128xi32, #tpu.memory_space<vmem>>
      %dma_wait3A_317 = tpu.memref_squeeze %dma_wait3A_316 : memref<1x1x128xi32, #tpu.memory_space<vmem>> -> memref<128xi32, #tpu.memory_space<vmem>>
      %dma_wait3A_318 = arith.constant 0 : i32
      %dma_wait3A_319 = arith.constant 0 : i32
      %dma_wait3A_320 = tpu.memref_slice %arg10[%dma_wait3A_318, %dma_wait3A_319] : memref<100352x16xf32, #tpu.memory_space<vmem_shared>> -> memref<100352x16xf32, #tpu.memory_space<vmem_shared>>
      tpu.wait_indirect_dma semaphore(%arg12 : memref<!tpu.dma_semaphore, #tpu.memory_space<semaphore_mem>>) src(%dma_wait3A_314 : memref<128x16xf32, #tpu.memory_space<vmem>>) dst(%dma_wait3A_320 : memref<100352x16xf32, #tpu.memory_space<vmem_shared>>)
      %dma_wait3A_321 = arith.constant 2 : i32
      %dma_wait3A_322 = arith.constant 2 : i32
      %dma_wait3A_323 = arith.constant 0 : i32
      %dma_wait3A_324 = arith.constant 0 : i32
      %dma_wait3A_325 = tpu.memref_slice %arg8[%dma_wait3A_322, %dma_wait3A_323, %dma_wait3A_324] : memref<10x128x16xf32, #tpu.memory_space<vmem>> -> memref<1x128x16xf32, #tpu.memory_space<vmem>>
      %dma_wait3A_326 = tpu.memref_squeeze %dma_wait3A_325 : memref<1x128x16xf32, #tpu.memory_space<vmem>> -> memref<128x16xf32, #tpu.memory_space<vmem>>
      %dma_wait3A_327 = arith.constant 0 : i32
      %dma_wait3A_328 = tpu.memref_slice %arg6[%rem3A_79, %dma_wait3A_321, %dma_wait3A_327] : memref<2x10x128xi32, #tpu.memory_space<vmem>> -> memref<1x1x128xi32, #tpu.memory_space<vmem>>
      %dma_wait3A_329 = tpu.memref_squeeze %dma_wait3A_328 : memref<1x1x128xi32, #tpu.memory_space<vmem>> -> memref<128xi32, #tpu.memory_space<vmem>>
      %dma_wait3A_330 = arith.constant 0 : i32
      %dma_wait3A_331 = arith.constant 0 : i32
      %dma_wait3A_332 = tpu.memref_slice %arg3[%dma_wait3A_330, %dma_wait3A_331] : memref<100352x16xf32, #tpu.memory_space<hbm>> -> memref<100352x16xf32, #tpu.memory_space<hbm>>
      tpu.wait_indirect_dma semaphore(%arg11 : memref<!tpu.dma_semaphore, #tpu.memory_space<semaphore_mem>>) src(%dma_wait3A_332 : memref<100352x16xf32, #tpu.memory_space<hbm>>) dst(%dma_wait3A_326 : memref<128x16xf32, #tpu.memory_space<vmem>>)
      %dma_start3A_333 = arith.constant 2 : i32
      %dma_start3A_334 = arith.constant 2 : i32
      %dma_start3A_335 = arith.constant 0 : i32
      %dma_start3A_336 = arith.constant 0 : i32
      %dma_start3A_337 = tpu.memref_slice %arg8[%dma_start3A_333, %dma_start3A_335, %dma_start3A_336] : memref<10x128x16xf32, #tpu.memory_space<vmem>> -> memref<1x128x16xf32, #tpu.memory_space<vmem>>
      %dma_start3A_338 = tpu.memref_squeeze %dma_start3A_337 : memref<1x128x16xf32, #tpu.memory_space<vmem>> -> memref<128x16xf32, #tpu.memory_space<vmem>>
      %dma_start3A_339 = arith.constant 0 : i32
      %dma_start3A_340 = tpu.memref_slice %arg7[%rem3A_79, %dma_start3A_334, %dma_start3A_339] : memref<2x10x128xi32, #tpu.memory_space<vmem>> -> memref<1x1x128xi32, #tpu.memory_space<vmem>>
      %dma_start3A_341 = tpu.memref_squeeze %dma_start3A_340 : memref<1x1x128xi32, #tpu.memory_space<vmem>> -> memref<128xi32, #tpu.memory_space<vmem>>
      %dma_start3A_342 = arith.constant 0 : i32
      %dma_start3A_343 = arith.constant 0 : i32
      %dma_start3A_344 = tpu.memref_slice %arg10[%dma_start3A_342, %dma_start3A_343] : memref<100352x16xf32, #tpu.memory_space<vmem_shared>> -> memref<100352x16xf32, #tpu.memory_space<vmem_shared>>
      tpu.enqueue_indirect_dma source(%dma_start3A_338 : memref<128x16xf32, #tpu.memory_space<vmem>>) target(%dma_start3A_344 : memref<100352x16xf32, #tpu.memory_space<vmem_shared>>) offsets(%dma_start3A_341 : memref<128xi32, #tpu.memory_space<vmem>>) semaphore(%arg12 : memref<!tpu.dma_semaphore, #tpu.memory_space<semaphore_mem>>) {add = true}
      %dma_wait3A_345 = arith.constant 0 : i32
      %dma_wait3A_346 = arith.constant 0 : i32
      %dma_wait3A_347 = arith.constant 0 : i32
      %dma_wait3A_348 = arith.constant 0 : i32
      %dma_wait3A_349 = tpu.memref_slice %arg8[%dma_wait3A_345, %dma_wait3A_347, %dma_wait3A_348] : memref<10x128x16xf32, #tpu.memory_space<vmem>> -> memref<1x128x16xf32, #tpu.memory_space<vmem>>
      %dma_wait3A_350 = tpu.memref_squeeze %dma_wait3A_349 : memref<1x128x16xf32, #tpu.memory_space<vmem>> -> memref<128x16xf32, #tpu.memory_space<vmem>>
      %dma_wait3A_351 = arith.constant 0 : i32
      %dma_wait3A_352 = tpu.memref_slice %arg7[%rem3A_79, %dma_wait3A_346, %dma_wait3A_351] : memref<2x10x128xi32, #tpu.memory_space<vmem>> -> memref<1x1x128xi32, #tpu.memory_space<vmem>>
      %dma_wait3A_353 = tpu.memref_squeeze %dma_wait3A_352 : memref<1x1x128xi32, #tpu.memory_space<vmem>> -> memref<128xi32, #tpu.memory_space<vmem>>
      %dma_wait3A_354 = arith.constant 0 : i32
      %dma_wait3A_355 = arith.constant 0 : i32
      %dma_wait3A_356 = tpu.memref_slice %arg10[%dma_wait3A_354, %dma_wait3A_355] : memref<100352x16xf32, #tpu.memory_space<vmem_shared>> -> memref<100352x16xf32, #tpu.memory_space<vmem_shared>>
      tpu.wait_indirect_dma semaphore(%arg12 : memref<!tpu.dma_semaphore, #tpu.memory_space<semaphore_mem>>) src(%dma_wait3A_350 : memref<128x16xf32, #tpu.memory_space<vmem>>) dst(%dma_wait3A_356 : memref<100352x16xf32, #tpu.memory_space<vmem_shared>>)
      %dma_wait3A_357 = arith.constant 3 : i32
      %dma_wait3A_358 = arith.constant 3 : i32
      %dma_wait3A_359 = arith.constant 0 : i32
      %dma_wait3A_360 = arith.constant 0 : i32
      %dma_wait3A_361 = tpu.memref_slice %arg8[%dma_wait3A_358, %dma_wait3A_359, %dma_wait3A_360] : memref<10x128x16xf32, #tpu.memory_space<vmem>> -> memref<1x128x16xf32, #tpu.memory_space<vmem>>
      %dma_wait3A_362 = tpu.memref_squeeze %dma_wait3A_361 : memref<1x128x16xf32, #tpu.memory_space<vmem>> -> memref<128x16xf32, #tpu.memory_space<vmem>>
      %dma_wait3A_363 = arith.constant 0 : i32
      %dma_wait3A_364 = tpu.memref_slice %arg6[%rem3A_79, %dma_wait3A_357, %dma_wait3A_363] : memref<2x10x128xi32, #tpu.memory_space<vmem>> -> memref<1x1x128xi32, #tpu.memory_space<vmem>>
      %dma_wait3A_365 = tpu.memref_squeeze %dma_wait3A_364 : memref<1x1x128xi32, #tpu.memory_space<vmem>> -> memref<128xi32, #tpu.memory_space<vmem>>
      %dma_wait3A_366 = arith.constant 0 : i32
      %dma_wait3A_367 = arith.constant 0 : i32
      %dma_wait3A_368 = tpu.memref_slice %arg3[%dma_wait3A_366, %dma_wait3A_367] : memref<100352x16xf32, #tpu.memory_space<hbm>> -> memref<100352x16xf32, #tpu.memory_space<hbm>>
      tpu.wait_indirect_dma semaphore(%arg11 : memref<!tpu.dma_semaphore, #tpu.memory_space<semaphore_mem>>) src(%dma_wait3A_368 : memref<100352x16xf32, #tpu.memory_space<hbm>>) dst(%dma_wait3A_362 : memref<128x16xf32, #tpu.memory_space<vmem>>)
      %dma_start3A_369 = arith.constant 3 : i32
      %dma_start3A_370 = arith.constant 3 : i32
      %dma_start3A_371 = arith.constant 0 : i32
      %dma_start3A_372 = arith.constant 0 : i32
      %dma_start3A_373 = tpu.memref_slice %arg8[%dma_start3A_369, %dma_start3A_371, %dma_start3A_372] : memref<10x128x16xf32, #tpu.memory_space<vmem>> -> memref<1x128x16xf32, #tpu.memory_space<vmem>>
      %dma_start3A_374 = tpu.memref_squeeze %dma_start3A_373 : memref<1x128x16xf32, #tpu.memory_space<vmem>> -> memref<128x16xf32, #tpu.memory_space<vmem>>
      %dma_start3A_375 = arith.constant 0 : i32
      %dma_start3A_376 = tpu.memref_slice %arg7[%rem3A_79, %dma_start3A_370, %dma_start3A_375] : memref<2x10x128xi32, #tpu.memory_space<vmem>> -> memref<1x1x128xi32, #tpu.memory_space<vmem>>
      %dma_start3A_377 = tpu.memref_squeeze %dma_start3A_376 : memref<1x1x128xi32, #tpu.memory_space<vmem>> -> memref<128xi32, #tpu.memory_space<vmem>>
      %dma_start3A_378 = arith.constant 0 : i32
      %dma_start3A_379 = arith.constant 0 : i32
      %dma_start3A_380 = tpu.memref_slice %arg10[%dma_start3A_378, %dma_start3A_379] : memref<100352x16xf32, #tpu.memory_space<vmem_shared>> -> memref<100352x16xf32, #tpu.memory_space<vmem_shared>>
      tpu.enqueue_indirect_dma source(%dma_start3A_374 : memref<128x16xf32, #tpu.memory_space<vmem>>) target(%dma_start3A_380 : memref<100352x16xf32, #tpu.memory_space<vmem_shared>>) offsets(%dma_start3A_377 : memref<128xi32, #tpu.memory_space<vmem>>) semaphore(%arg12 : memref<!tpu.dma_semaphore, #tpu.memory_space<semaphore_mem>>) {add = true}
      %dma_wait3A_381 = arith.constant 0 : i32
      %dma_wait3A_382 = arith.constant 0 : i32
      %dma_wait3A_383 = arith.constant 0 : i32
      %dma_wait3A_384 = arith.constant 0 : i32
      %dma_wait3A_385 = tpu.memref_slice %arg8[%dma_wait3A_381, %dma_wait3A_383, %dma_wait3A_384] : memref<10x128x16xf32, #tpu.memory_space<vmem>> -> memref<1x128x16xf32, #tpu.memory_space<vmem>>
      %dma_wait3A_386 = tpu.memref_squeeze %dma_wait3A_385 : memref<1x128x16xf32, #tpu.memory_space<vmem>> -> memref<128x16xf32, #tpu.memory_space<vmem>>
      %dma_wait3A_387 = arith.constant 0 : i32
      %dma_wait3A_388 = tpu.memref_slice %arg7[%rem3A_79, %dma_wait3A_382, %dma_wait3A_387] : memref<2x10x128xi32, #tpu.memory_space<vmem>> -> memref<1x1x128xi32, #tpu.memory_space<vmem>>
      %dma_wait3A_389 = tpu.memref_squeeze %dma_wait3A_388 : memref<1x1x128xi32, #tpu.memory_space<vmem>> -> memref<128xi32, #tpu.memory_space<vmem>>
      %dma_wait3A_390 = arith.constant 0 : i32
      %dma_wait3A_391 = arith.constant 0 : i32
      %dma_wait3A_392 = tpu.memref_slice %arg10[%dma_wait3A_390, %dma_wait3A_391] : memref<100352x16xf32, #tpu.memory_space<vmem_shared>> -> memref<100352x16xf32, #tpu.memory_space<vmem_shared>>
      tpu.wait_indirect_dma semaphore(%arg12 : memref<!tpu.dma_semaphore, #tpu.memory_space<semaphore_mem>>) src(%dma_wait3A_386 : memref<128x16xf32, #tpu.memory_space<vmem>>) dst(%dma_wait3A_392 : memref<100352x16xf32, #tpu.memory_space<vmem_shared>>)
      %dma_wait3A_393 = arith.constant 4 : i32
      %dma_wait3A_394 = arith.constant 4 : i32
      %dma_wait3A_395 = arith.constant 0 : i32
      %dma_wait3A_396 = arith.constant 0 : i32
      %dma_wait3A_397 = tpu.memref_slice %arg8[%dma_wait3A_394, %dma_wait3A_395, %dma_wait3A_396] : memref<10x128x16xf32, #tpu.memory_space<vmem>> -> memref<1x128x16xf32, #tpu.memory_space<vmem>>
      %dma_wait3A_398 = tpu.memref_squeeze %dma_wait3A_397 : memref<1x128x16xf32, #tpu.memory_space<vmem>> -> memref<128x16xf32, #tpu.memory_space<vmem>>
      %dma_wait3A_399 = arith.constant 0 : i32
      %dma_wait3A_400 = tpu.memref_slice %arg6[%rem3A_79, %dma_wait3A_393, %dma_wait3A_399] : memref<2x10x128xi32, #tpu.memory_space<vmem>> -> memref<1x1x128xi32, #tpu.memory_space<vmem>>
      %dma_wait3A_401 = tpu.memref_squeeze %dma_wait3A_400 : memref<1x1x128xi32, #tpu.memory_space<vmem>> -> memref<128xi32, #tpu.memory_space<vmem>>
      %dma_wait3A_402 = arith.constant 0 : i32
      %dma_wait3A_403 = arith.constant 0 : i32
      %dma_wait3A_404 = tpu.memref_slice %arg3[%dma_wait3A_402, %dma_wait3A_403] : memref<100352x16xf32, #tpu.memory_space<hbm>> -> memref<100352x16xf32, #tpu.memory_space<hbm>>
      tpu.wait_indirect_dma semaphore(%arg11 : memref<!tpu.dma_semaphore, #tpu.memory_space<semaphore_mem>>) src(%dma_wait3A_404 : memref<100352x16xf32, #tpu.memory_space<hbm>>) dst(%dma_wait3A_398 : memref<128x16xf32, #tpu.memory_space<vmem>>)
      %dma_start3A_405 = arith.constant 4 : i32
      %dma_start3A_406 = arith.constant 4 : i32
      %dma_start3A_407 = arith.constant 0 : i32
      %dma_start3A_408 = arith.constant 0 : i32
      %dma_start3A_409 = tpu.memref_slice %arg8[%dma_start3A_405, %dma_start3A_407, %dma_start3A_408] : memref<10x128x16xf32, #tpu.memory_space<vmem>> -> memref<1x128x16xf32, #tpu.memory_space<vmem>>
      %dma_start3A_410 = tpu.memref_squeeze %dma_start3A_409 : memref<1x128x16xf32, #tpu.memory_space<vmem>> -> memref<128x16xf32, #tpu.memory_space<vmem>>
      %dma_start3A_411 = arith.constant 0 : i32
      %dma_start3A_412 = tpu.memref_slice %arg7[%rem3A_79, %dma_start3A_406, %dma_start3A_411] : memref<2x10x128xi32, #tpu.memory_space<vmem>> -> memref<1x1x128xi32, #tpu.memory_space<vmem>>
      %dma_start3A_413 = tpu.memref_squeeze %dma_start3A_412 : memref<1x1x128xi32, #tpu.memory_space<vmem>> -> memref<128xi32, #tpu.memory_space<vmem>>
      %dma_start3A_414 = arith.constant 0 : i32
      %dma_start3A_415 = arith.constant 0 : i32
      %dma_start3A_416 = tpu.memref_slice %arg10[%dma_start3A_414, %dma_start3A_415] : memref<100352x16xf32, #tpu.memory_space<vmem_shared>> -> memref<100352x16xf32, #tpu.memory_space<vmem_shared>>
      tpu.enqueue_indirect_dma source(%dma_start3A_410 : memref<128x16xf32, #tpu.memory_space<vmem>>) target(%dma_start3A_416 : memref<100352x16xf32, #tpu.memory_space<vmem_shared>>) offsets(%dma_start3A_413 : memref<128xi32, #tpu.memory_space<vmem>>) semaphore(%arg12 : memref<!tpu.dma_semaphore, #tpu.memory_space<semaphore_mem>>) {add = true}
      %dma_wait3A_417 = arith.constant 0 : i32
      %dma_wait3A_418 = arith.constant 0 : i32
      %dma_wait3A_419 = arith.constant 0 : i32
      %dma_wait3A_420 = arith.constant 0 : i32
      %dma_wait3A_421 = tpu.memref_slice %arg8[%dma_wait3A_417, %dma_wait3A_419, %dma_wait3A_420] : memref<10x128x16xf32, #tpu.memory_space<vmem>> -> memref<1x128x16xf32, #tpu.memory_space<vmem>>
      %dma_wait3A_422 = tpu.memref_squeeze %dma_wait3A_421 : memref<1x128x16xf32, #tpu.memory_space<vmem>> -> memref<128x16xf32, #tpu.memory_space<vmem>>
      %dma_wait3A_423 = arith.constant 0 : i32
      %dma_wait3A_424 = tpu.memref_slice %arg7[%rem3A_79, %dma_wait3A_418, %dma_wait3A_423] : memref<2x10x128xi32, #tpu.memory_space<vmem>> -> memref<1x1x128xi32, #tpu.memory_space<vmem>>
      %dma_wait3A_425 = tpu.memref_squeeze %dma_wait3A_424 : memref<1x1x128xi32, #tpu.memory_space<vmem>> -> memref<128xi32, #tpu.memory_space<vmem>>
      %dma_wait3A_426 = arith.constant 0 : i32
      %dma_wait3A_427 = arith.constant 0 : i32
      %dma_wait3A_428 = tpu.memref_slice %arg10[%dma_wait3A_426, %dma_wait3A_427] : memref<100352x16xf32, #tpu.memory_space<vmem_shared>> -> memref<100352x16xf32, #tpu.memory_space<vmem_shared>>
      tpu.wait_indirect_dma semaphore(%arg12 : memref<!tpu.dma_semaphore, #tpu.memory_space<semaphore_mem>>) src(%dma_wait3A_422 : memref<128x16xf32, #tpu.memory_space<vmem>>) dst(%dma_wait3A_428 : memref<100352x16xf32, #tpu.memory_space<vmem_shared>>)
      %dma_wait3A_429 = arith.constant 5 : i32
      %dma_wait3A_430 = arith.constant 5 : i32
      %dma_wait3A_431 = arith.constant 0 : i32
      %dma_wait3A_432 = arith.constant 0 : i32
      %dma_wait3A_433 = tpu.memref_slice %arg8[%dma_wait3A_430, %dma_wait3A_431, %dma_wait3A_432] : memref<10x128x16xf32, #tpu.memory_space<vmem>> -> memref<1x128x16xf32, #tpu.memory_space<vmem>>
      %dma_wait3A_434 = tpu.memref_squeeze %dma_wait3A_433 : memref<1x128x16xf32, #tpu.memory_space<vmem>> -> memref<128x16xf32, #tpu.memory_space<vmem>>
      %dma_wait3A_435 = arith.constant 0 : i32
      %dma_wait3A_436 = tpu.memref_slice %arg6[%rem3A_79, %dma_wait3A_429, %dma_wait3A_435] : memref<2x10x128xi32, #tpu.memory_space<vmem>> -> memref<1x1x128xi32, #tpu.memory_space<vmem>>
      %dma_wait3A_437 = tpu.memref_squeeze %dma_wait3A_436 : memref<1x1x128xi32, #tpu.memory_space<vmem>> -> memref<128xi32, #tpu.memory_space<vmem>>
      %dma_wait3A_438 = arith.constant 0 : i32
      %dma_wait3A_439 = arith.constant 0 : i32
      %dma_wait3A_440 = tpu.memref_slice %arg3[%dma_wait3A_438, %dma_wait3A_439] : memref<100352x16xf32, #tpu.memory_space<hbm>> -> memref<100352x16xf32, #tpu.memory_space<hbm>>
      tpu.wait_indirect_dma semaphore(%arg11 : memref<!tpu.dma_semaphore, #tpu.memory_space<semaphore_mem>>) src(%dma_wait3A_440 : memref<100352x16xf32, #tpu.memory_space<hbm>>) dst(%dma_wait3A_434 : memref<128x16xf32, #tpu.memory_space<vmem>>)
      %dma_start3A_441 = arith.constant 5 : i32
      %dma_start3A_442 = arith.constant 5 : i32
      %dma_start3A_443 = arith.constant 0 : i32
      %dma_start3A_444 = arith.constant 0 : i32
      %dma_start3A_445 = tpu.memref_slice %arg8[%dma_start3A_441, %dma_start3A_443, %dma_start3A_444] : memref<10x128x16xf32, #tpu.memory_space<vmem>> -> memref<1x128x16xf32, #tpu.memory_space<vmem>>
      %dma_start3A_446 = tpu.memref_squeeze %dma_start3A_445 : memref<1x128x16xf32, #tpu.memory_space<vmem>> -> memref<128x16xf32, #tpu.memory_space<vmem>>
      %dma_start3A_447 = arith.constant 0 : i32
      %dma_start3A_448 = tpu.memref_slice %arg7[%rem3A_79, %dma_start3A_442, %dma_start3A_447] : memref<2x10x128xi32, #tpu.memory_space<vmem>> -> memref<1x1x128xi32, #tpu.memory_space<vmem>>
      %dma_start3A_449 = tpu.memref_squeeze %dma_start3A_448 : memref<1x1x128xi32, #tpu.memory_space<vmem>> -> memref<128xi32, #tpu.memory_space<vmem>>
      %dma_start3A_450 = arith.constant 0 : i32
      %dma_start3A_451 = arith.constant 0 : i32
      %dma_start3A_452 = tpu.memref_slice %arg10[%dma_start3A_450, %dma_start3A_451] : memref<100352x16xf32, #tpu.memory_space<vmem_shared>> -> memref<100352x16xf32, #tpu.memory_space<vmem_shared>>
      tpu.enqueue_indirect_dma source(%dma_start3A_446 : memref<128x16xf32, #tpu.memory_space<vmem>>) target(%dma_start3A_452 : memref<100352x16xf32, #tpu.memory_space<vmem_shared>>) offsets(%dma_start3A_449 : memref<128xi32, #tpu.memory_space<vmem>>) semaphore(%arg12 : memref<!tpu.dma_semaphore, #tpu.memory_space<semaphore_mem>>) {add = true}
      %dma_wait3A_453 = arith.constant 0 : i32
      %dma_wait3A_454 = arith.constant 0 : i32
      %dma_wait3A_455 = arith.constant 0 : i32
      %dma_wait3A_456 = arith.constant 0 : i32
      %dma_wait3A_457 = tpu.memref_slice %arg8[%dma_wait3A_453, %dma_wait3A_455, %dma_wait3A_456] : memref<10x128x16xf32, #tpu.memory_space<vmem>> -> memref<1x128x16xf32, #tpu.memory_space<vmem>>
      %dma_wait3A_458 = tpu.memref_squeeze %dma_wait3A_457 : memref<1x128x16xf32, #tpu.memory_space<vmem>> -> memref<128x16xf32, #tpu.memory_space<vmem>>
      %dma_wait3A_459 = arith.constant 0 : i32
      %dma_wait3A_460 = tpu.memref_slice %arg7[%rem3A_79, %dma_wait3A_454, %dma_wait3A_459] : memref<2x10x128xi32, #tpu.memory_space<vmem>> -> memref<1x1x128xi32, #tpu.memory_space<vmem>>
      %dma_wait3A_461 = tpu.memref_squeeze %dma_wait3A_460 : memref<1x1x128xi32, #tpu.memory_space<vmem>> -> memref<128xi32, #tpu.memory_space<vmem>>
      %dma_wait3A_462 = arith.constant 0 : i32
      %dma_wait3A_463 = arith.constant 0 : i32
      %dma_wait3A_464 = tpu.memref_slice %arg10[%dma_wait3A_462, %dma_wait3A_463] : memref<100352x16xf32, #tpu.memory_space<vmem_shared>> -> memref<100352x16xf32, #tpu.memory_space<vmem_shared>>
      tpu.wait_indirect_dma semaphore(%arg12 : memref<!tpu.dma_semaphore, #tpu.memory_space<semaphore_mem>>) src(%dma_wait3A_458 : memref<128x16xf32, #tpu.memory_space<vmem>>) dst(%dma_wait3A_464 : memref<100352x16xf32, #tpu.memory_space<vmem_shared>>)
      %dma_wait3A_465 = arith.constant 6 : i32
      %dma_wait3A_466 = arith.constant 6 : i32
      %dma_wait3A_467 = arith.constant 0 : i32
      %dma_wait3A_468 = arith.constant 0 : i32
      %dma_wait3A_469 = tpu.memref_slice %arg8[%dma_wait3A_466, %dma_wait3A_467, %dma_wait3A_468] : memref<10x128x16xf32, #tpu.memory_space<vmem>> -> memref<1x128x16xf32, #tpu.memory_space<vmem>>
      %dma_wait3A_470 = tpu.memref_squeeze %dma_wait3A_469 : memref<1x128x16xf32, #tpu.memory_space<vmem>> -> memref<128x16xf32, #tpu.memory_space<vmem>>
      %dma_wait3A_471 = arith.constant 0 : i32
      %dma_wait3A_472 = tpu.memref_slice %arg6[%rem3A_79, %dma_wait3A_465, %dma_wait3A_471] : memref<2x10x128xi32, #tpu.memory_space<vmem>> -> memref<1x1x128xi32, #tpu.memory_space<vmem>>
      %dma_wait3A_473 = tpu.memref_squeeze %dma_wait3A_472 : memref<1x1x128xi32, #tpu.memory_space<vmem>> -> memref<128xi32, #tpu.memory_space<vmem>>
      %dma_wait3A_474 = arith.constant 0 : i32
      %dma_wait3A_475 = arith.constant 0 : i32
      %dma_wait3A_476 = tpu.memref_slice %arg3[%dma_wait3A_474, %dma_wait3A_475] : memref<100352x16xf32, #tpu.memory_space<hbm>> -> memref<100352x16xf32, #tpu.memory_space<hbm>>
      tpu.wait_indirect_dma semaphore(%arg11 : memref<!tpu.dma_semaphore, #tpu.memory_space<semaphore_mem>>) src(%dma_wait3A_476 : memref<100352x16xf32, #tpu.memory_space<hbm>>) dst(%dma_wait3A_470 : memref<128x16xf32, #tpu.memory_space<vmem>>)
      %dma_start3A_477 = arith.constant 6 : i32
      %dma_start3A_478 = arith.constant 6 : i32
      %dma_start3A_479 = arith.constant 0 : i32
      %dma_start3A_480 = arith.constant 0 : i32
      %dma_start3A_481 = tpu.memref_slice %arg8[%dma_start3A_477, %dma_start3A_479, %dma_start3A_480] : memref<10x128x16xf32, #tpu.memory_space<vmem>> -> memref<1x128x16xf32, #tpu.memory_space<vmem>>
      %dma_start3A_482 = tpu.memref_squeeze %dma_start3A_481 : memref<1x128x16xf32, #tpu.memory_space<vmem>> -> memref<128x16xf32, #tpu.memory_space<vmem>>
      %dma_start3A_483 = arith.constant 0 : i32
      %dma_start3A_484 = tpu.memref_slice %arg7[%rem3A_79, %dma_start3A_478, %dma_start3A_483] : memref<2x10x128xi32, #tpu.memory_space<vmem>> -> memref<1x1x128xi32, #tpu.memory_space<vmem>>
      %dma_start3A_485 = tpu.memref_squeeze %dma_start3A_484 : memref<1x1x128xi32, #tpu.memory_space<vmem>> -> memref<128xi32, #tpu.memory_space<vmem>>
      %dma_start3A_486 = arith.constant 0 : i32
      %dma_start3A_487 = arith.constant 0 : i32
      %dma_start3A_488 = tpu.memref_slice %arg10[%dma_start3A_486, %dma_start3A_487] : memref<100352x16xf32, #tpu.memory_space<vmem_shared>> -> memref<100352x16xf32, #tpu.memory_space<vmem_shared>>
      tpu.enqueue_indirect_dma source(%dma_start3A_482 : memref<128x16xf32, #tpu.memory_space<vmem>>) target(%dma_start3A_488 : memref<100352x16xf32, #tpu.memory_space<vmem_shared>>) offsets(%dma_start3A_485 : memref<128xi32, #tpu.memory_space<vmem>>) semaphore(%arg12 : memref<!tpu.dma_semaphore, #tpu.memory_space<semaphore_mem>>) {add = true}
      %dma_wait3A_489 = arith.constant 0 : i32
      %dma_wait3A_490 = arith.constant 0 : i32
      %dma_wait3A_491 = arith.constant 0 : i32
      %dma_wait3A_492 = arith.constant 0 : i32
      %dma_wait3A_493 = tpu.memref_slice %arg8[%dma_wait3A_489, %dma_wait3A_491, %dma_wait3A_492] : memref<10x128x16xf32, #tpu.memory_space<vmem>> -> memref<1x128x16xf32, #tpu.memory_space<vmem>>
      %dma_wait3A_494 = tpu.memref_squeeze %dma_wait3A_493 : memref<1x128x16xf32, #tpu.memory_space<vmem>> -> memref<128x16xf32, #tpu.memory_space<vmem>>
      %dma_wait3A_495 = arith.constant 0 : i32
      %dma_wait3A_496 = tpu.memref_slice %arg7[%rem3A_79, %dma_wait3A_490, %dma_wait3A_495] : memref<2x10x128xi32, #tpu.memory_space<vmem>> -> memref<1x1x128xi32, #tpu.memory_space<vmem>>
      %dma_wait3A_497 = tpu.memref_squeeze %dma_wait3A_496 : memref<1x1x128xi32, #tpu.memory_space<vmem>> -> memref<128xi32, #tpu.memory_space<vmem>>
      %dma_wait3A_498 = arith.constant 0 : i32
      %dma_wait3A_499 = arith.constant 0 : i32
      %dma_wait3A_500 = tpu.memref_slice %arg10[%dma_wait3A_498, %dma_wait3A_499] : memref<100352x16xf32, #tpu.memory_space<vmem_shared>> -> memref<100352x16xf32, #tpu.memory_space<vmem_shared>>
      tpu.wait_indirect_dma semaphore(%arg12 : memref<!tpu.dma_semaphore, #tpu.memory_space<semaphore_mem>>) src(%dma_wait3A_494 : memref<128x16xf32, #tpu.memory_space<vmem>>) dst(%dma_wait3A_500 : memref<100352x16xf32, #tpu.memory_space<vmem_shared>>)
      %dma_wait3A_501 = arith.constant 7 : i32
      %dma_wait3A_502 = arith.constant 7 : i32
      %dma_wait3A_503 = arith.constant 0 : i32
      %dma_wait3A_504 = arith.constant 0 : i32
      %dma_wait3A_505 = tpu.memref_slice %arg8[%dma_wait3A_502, %dma_wait3A_503, %dma_wait3A_504] : memref<10x128x16xf32, #tpu.memory_space<vmem>> -> memref<1x128x16xf32, #tpu.memory_space<vmem>>
      %dma_wait3A_506 = tpu.memref_squeeze %dma_wait3A_505 : memref<1x128x16xf32, #tpu.memory_space<vmem>> -> memref<128x16xf32, #tpu.memory_space<vmem>>
      %dma_wait3A_507 = arith.constant 0 : i32
      %dma_wait3A_508 = tpu.memref_slice %arg6[%rem3A_79, %dma_wait3A_501, %dma_wait3A_507] : memref<2x10x128xi32, #tpu.memory_space<vmem>> -> memref<1x1x128xi32, #tpu.memory_space<vmem>>
      %dma_wait3A_509 = tpu.memref_squeeze %dma_wait3A_508 : memref<1x1x128xi32, #tpu.memory_space<vmem>> -> memref<128xi32, #tpu.memory_space<vmem>>
      %dma_wait3A_510 = arith.constant 0 : i32
      %dma_wait3A_511 = arith.constant 0 : i32
      %dma_wait3A_512 = tpu.memref_slice %arg3[%dma_wait3A_510, %dma_wait3A_511] : memref<100352x16xf32, #tpu.memory_space<hbm>> -> memref<100352x16xf32, #tpu.memory_space<hbm>>
      tpu.wait_indirect_dma semaphore(%arg11 : memref<!tpu.dma_semaphore, #tpu.memory_space<semaphore_mem>>) src(%dma_wait3A_512 : memref<100352x16xf32, #tpu.memory_space<hbm>>) dst(%dma_wait3A_506 : memref<128x16xf32, #tpu.memory_space<vmem>>)
      %dma_start3A_513 = arith.constant 7 : i32
      %dma_start3A_514 = arith.constant 7 : i32
      %dma_start3A_515 = arith.constant 0 : i32
      %dma_start3A_516 = arith.constant 0 : i32
      %dma_start3A_517 = tpu.memref_slice %arg8[%dma_start3A_513, %dma_start3A_515, %dma_start3A_516] : memref<10x128x16xf32, #tpu.memory_space<vmem>> -> memref<1x128x16xf32, #tpu.memory_space<vmem>>
      %dma_start3A_518 = tpu.memref_squeeze %dma_start3A_517 : memref<1x128x16xf32, #tpu.memory_space<vmem>> -> memref<128x16xf32, #tpu.memory_space<vmem>>
      %dma_start3A_519 = arith.constant 0 : i32
      %dma_start3A_520 = tpu.memref_slice %arg7[%rem3A_79, %dma_start3A_514, %dma_start3A_519] : memref<2x10x128xi32, #tpu.memory_space<vmem>> -> memref<1x1x128xi32, #tpu.memory_space<vmem>>
      %dma_start3A_521 = tpu.memref_squeeze %dma_start3A_520 : memref<1x1x128xi32, #tpu.memory_space<vmem>> -> memref<128xi32, #tpu.memory_space<vmem>>
      %dma_start3A_522 = arith.constant 0 : i32
      %dma_start3A_523 = arith.constant 0 : i32
      %dma_start3A_524 = tpu.memref_slice %arg10[%dma_start3A_522, %dma_start3A_523] : memref<100352x16xf32, #tpu.memory_space<vmem_shared>> -> memref<100352x16xf32, #tpu.memory_space<vmem_shared>>
      tpu.enqueue_indirect_dma source(%dma_start3A_518 : memref<128x16xf32, #tpu.memory_space<vmem>>) target(%dma_start3A_524 : memref<100352x16xf32, #tpu.memory_space<vmem_shared>>) offsets(%dma_start3A_521 : memref<128xi32, #tpu.memory_space<vmem>>) semaphore(%arg12 : memref<!tpu.dma_semaphore, #tpu.memory_space<semaphore_mem>>) {add = true}
      %dma_wait3A_525 = arith.constant 0 : i32
      %dma_wait3A_526 = arith.constant 0 : i32
      %dma_wait3A_527 = arith.constant 0 : i32
      %dma_wait3A_528 = arith.constant 0 : i32
      %dma_wait3A_529 = tpu.memref_slice %arg8[%dma_wait3A_525, %dma_wait3A_527, %dma_wait3A_528] : memref<10x128x16xf32, #tpu.memory_space<vmem>> -> memref<1x128x16xf32, #tpu.memory_space<vmem>>
      %dma_wait3A_530 = tpu.memref_squeeze %dma_wait3A_529 : memref<1x128x16xf32, #tpu.memory_space<vmem>> -> memref<128x16xf32, #tpu.memory_space<vmem>>
      %dma_wait3A_531 = arith.constant 0 : i32
      %dma_wait3A_532 = tpu.memref_slice %arg7[%rem3A_79, %dma_wait3A_526, %dma_wait3A_531] : memref<2x10x128xi32, #tpu.memory_space<vmem>> -> memref<1x1x128xi32, #tpu.memory_space<vmem>>
      %dma_wait3A_533 = tpu.memref_squeeze %dma_wait3A_532 : memref<1x1x128xi32, #tpu.memory_space<vmem>> -> memref<128xi32, #tpu.memory_space<vmem>>
      %dma_wait3A_534 = arith.constant 0 : i32
      %dma_wait3A_535 = arith.constant 0 : i32
      %dma_wait3A_536 = tpu.memref_slice %arg10[%dma_wait3A_534, %dma_wait3A_535] : memref<100352x16xf32, #tpu.memory_space<vmem_shared>> -> memref<100352x16xf32, #tpu.memory_space<vmem_shared>>
      tpu.wait_indirect_dma semaphore(%arg12 : memref<!tpu.dma_semaphore, #tpu.memory_space<semaphore_mem>>) src(%dma_wait3A_530 : memref<128x16xf32, #tpu.memory_space<vmem>>) dst(%dma_wait3A_536 : memref<100352x16xf32, #tpu.memory_space<vmem_shared>>)
      %dma_wait3A_537 = arith.constant 8 : i32
      %dma_wait3A_538 = arith.constant 8 : i32
      %dma_wait3A_539 = arith.constant 0 : i32
      %dma_wait3A_540 = arith.constant 0 : i32
      %dma_wait3A_541 = tpu.memref_slice %arg8[%dma_wait3A_538, %dma_wait3A_539, %dma_wait3A_540] : memref<10x128x16xf32, #tpu.memory_space<vmem>> -> memref<1x128x16xf32, #tpu.memory_space<vmem>>
      %dma_wait3A_542 = tpu.memref_squeeze %dma_wait3A_541 : memref<1x128x16xf32, #tpu.memory_space<vmem>> -> memref<128x16xf32, #tpu.memory_space<vmem>>
      %dma_wait3A_543 = arith.constant 0 : i32
      %dma_wait3A_544 = tpu.memref_slice %arg6[%rem3A_79, %dma_wait3A_537, %dma_wait3A_543] : memref<2x10x128xi32, #tpu.memory_space<vmem>> -> memref<1x1x128xi32, #tpu.memory_space<vmem>>
      %dma_wait3A_545 = tpu.memref_squeeze %dma_wait3A_544 : memref<1x1x128xi32, #tpu.memory_space<vmem>> -> memref<128xi32, #tpu.memory_space<vmem>>
      %dma_wait3A_546 = arith.constant 0 : i32
      %dma_wait3A_547 = arith.constant 0 : i32
      %dma_wait3A_548 = tpu.memref_slice %arg3[%dma_wait3A_546, %dma_wait3A_547] : memref<100352x16xf32, #tpu.memory_space<hbm>> -> memref<100352x16xf32, #tpu.memory_space<hbm>>
      tpu.wait_indirect_dma semaphore(%arg11 : memref<!tpu.dma_semaphore, #tpu.memory_space<semaphore_mem>>) src(%dma_wait3A_548 : memref<100352x16xf32, #tpu.memory_space<hbm>>) dst(%dma_wait3A_542 : memref<128x16xf32, #tpu.memory_space<vmem>>)
      %dma_start3A_549 = arith.constant 8 : i32
      %dma_start3A_550 = arith.constant 8 : i32
      %dma_start3A_551 = arith.constant 0 : i32
      %dma_start3A_552 = arith.constant 0 : i32
      %dma_start3A_553 = tpu.memref_slice %arg8[%dma_start3A_549, %dma_start3A_551, %dma_start3A_552] : memref<10x128x16xf32, #tpu.memory_space<vmem>> -> memref<1x128x16xf32, #tpu.memory_space<vmem>>
      %dma_start3A_554 = tpu.memref_squeeze %dma_start3A_553 : memref<1x128x16xf32, #tpu.memory_space<vmem>> -> memref<128x16xf32, #tpu.memory_space<vmem>>
      %dma_start3A_555 = arith.constant 0 : i32
      %dma_start3A_556 = tpu.memref_slice %arg7[%rem3A_79, %dma_start3A_550, %dma_start3A_555] : memref<2x10x128xi32, #tpu.memory_space<vmem>> -> memref<1x1x128xi32, #tpu.memory_space<vmem>>
      %dma_start3A_557 = tpu.memref_squeeze %dma_start3A_556 : memref<1x1x128xi32, #tpu.memory_space<vmem>> -> memref<128xi32, #tpu.memory_space<vmem>>
      %dma_start3A_558 = arith.constant 0 : i32
      %dma_start3A_559 = arith.constant 0 : i32
      %dma_start3A_560 = tpu.memref_slice %arg10[%dma_start3A_558, %dma_start3A_559] : memref<100352x16xf32, #tpu.memory_space<vmem_shared>> -> memref<100352x16xf32, #tpu.memory_space<vmem_shared>>
      tpu.enqueue_indirect_dma source(%dma_start3A_554 : memref<128x16xf32, #tpu.memory_space<vmem>>) target(%dma_start3A_560 : memref<100352x16xf32, #tpu.memory_space<vmem_shared>>) offsets(%dma_start3A_557 : memref<128xi32, #tpu.memory_space<vmem>>) semaphore(%arg12 : memref<!tpu.dma_semaphore, #tpu.memory_space<semaphore_mem>>) {add = true}
      %dma_wait3A_561 = arith.constant 0 : i32
      %dma_wait3A_562 = arith.constant 0 : i32
      %dma_wait3A_563 = arith.constant 0 : i32
      %dma_wait3A_564 = arith.constant 0 : i32
      %dma_wait3A_565 = tpu.memref_slice %arg8[%dma_wait3A_561, %dma_wait3A_563, %dma_wait3A_564] : memref<10x128x16xf32, #tpu.memory_space<vmem>> -> memref<1x128x16xf32, #tpu.memory_space<vmem>>
      %dma_wait3A_566 = tpu.memref_squeeze %dma_wait3A_565 : memref<1x128x16xf32, #tpu.memory_space<vmem>> -> memref<128x16xf32, #tpu.memory_space<vmem>>
      %dma_wait3A_567 = arith.constant 0 : i32
      %dma_wait3A_568 = tpu.memref_slice %arg7[%rem3A_79, %dma_wait3A_562, %dma_wait3A_567] : memref<2x10x128xi32, #tpu.memory_space<vmem>> -> memref<1x1x128xi32, #tpu.memory_space<vmem>>
      %dma_wait3A_569 = tpu.memref_squeeze %dma_wait3A_568 : memref<1x1x128xi32, #tpu.memory_space<vmem>> -> memref<128xi32, #tpu.memory_space<vmem>>
      %dma_wait3A_570 = arith.constant 0 : i32
      %dma_wait3A_571 = arith.constant 0 : i32
      %dma_wait3A_572 = tpu.memref_slice %arg10[%dma_wait3A_570, %dma_wait3A_571] : memref<100352x16xf32, #tpu.memory_space<vmem_shared>> -> memref<100352x16xf32, #tpu.memory_space<vmem_shared>>
      tpu.wait_indirect_dma semaphore(%arg12 : memref<!tpu.dma_semaphore, #tpu.memory_space<semaphore_mem>>) src(%dma_wait3A_566 : memref<128x16xf32, #tpu.memory_space<vmem>>) dst(%dma_wait3A_572 : memref<100352x16xf32, #tpu.memory_space<vmem_shared>>)
      %dma_wait3A_573 = arith.constant 9 : i32
      %dma_wait3A_574 = arith.constant 9 : i32
      %dma_wait3A_575 = arith.constant 0 : i32
      %dma_wait3A_576 = arith.constant 0 : i32
      %dma_wait3A_577 = tpu.memref_slice %arg8[%dma_wait3A_574, %dma_wait3A_575, %dma_wait3A_576] : memref<10x128x16xf32, #tpu.memory_space<vmem>> -> memref<1x128x16xf32, #tpu.memory_space<vmem>>
      %dma_wait3A_578 = tpu.memref_squeeze %dma_wait3A_577 : memref<1x128x16xf32, #tpu.memory_space<vmem>> -> memref<128x16xf32, #tpu.memory_space<vmem>>
      %dma_wait3A_579 = arith.constant 0 : i32
      %dma_wait3A_580 = tpu.memref_slice %arg6[%rem3A_79, %dma_wait3A_573, %dma_wait3A_579] : memref<2x10x128xi32, #tpu.memory_space<vmem>> -> memref<1x1x128xi32, #tpu.memory_space<vmem>>
      %dma_wait3A_581 = tpu.memref_squeeze %dma_wait3A_580 : memref<1x1x128xi32, #tpu.memory_space<vmem>> -> memref<128xi32, #tpu.memory_space<vmem>>
      %dma_wait3A_582 = arith.constant 0 : i32
      %dma_wait3A_583 = arith.constant 0 : i32
      %dma_wait3A_584 = tpu.memref_slice %arg3[%dma_wait3A_582, %dma_wait3A_583] : memref<100352x16xf32, #tpu.memory_space<hbm>> -> memref<100352x16xf32, #tpu.memory_space<hbm>>
      tpu.wait_indirect_dma semaphore(%arg11 : memref<!tpu.dma_semaphore, #tpu.memory_space<semaphore_mem>>) src(%dma_wait3A_584 : memref<100352x16xf32, #tpu.memory_space<hbm>>) dst(%dma_wait3A_578 : memref<128x16xf32, #tpu.memory_space<vmem>>)
      %dma_start3A_585 = arith.constant 9 : i32
      %dma_start3A_586 = arith.constant 9 : i32
      %dma_start3A_587 = arith.constant 0 : i32
      %dma_start3A_588 = arith.constant 0 : i32
      %dma_start3A_589 = tpu.memref_slice %arg8[%dma_start3A_585, %dma_start3A_587, %dma_start3A_588] : memref<10x128x16xf32, #tpu.memory_space<vmem>> -> memref<1x128x16xf32, #tpu.memory_space<vmem>>
      %dma_start3A_590 = tpu.memref_squeeze %dma_start3A_589 : memref<1x128x16xf32, #tpu.memory_space<vmem>> -> memref<128x16xf32, #tpu.memory_space<vmem>>
      %dma_start3A_591 = arith.constant 0 : i32
      %dma_start3A_592 = tpu.memref_slice %arg7[%rem3A_79, %dma_start3A_586, %dma_start3A_591] : memref<2x10x128xi32, #tpu.memory_space<vmem>> -> memref<1x1x128xi32, #tpu.memory_space<vmem>>
      %dma_start3A_593 = tpu.memref_squeeze %dma_start3A_592 : memref<1x1x128xi32, #tpu.memory_space<vmem>> -> memref<128xi32, #tpu.memory_space<vmem>>
      %dma_start3A_594 = arith.constant 0 : i32
      %dma_start3A_595 = arith.constant 0 : i32
      %dma_start3A_596 = tpu.memref_slice %arg10[%dma_start3A_594, %dma_start3A_595] : memref<100352x16xf32, #tpu.memory_space<vmem_shared>> -> memref<100352x16xf32, #tpu.memory_space<vmem_shared>>
      tpu.enqueue_indirect_dma source(%dma_start3A_590 : memref<128x16xf32, #tpu.memory_space<vmem>>) target(%dma_start3A_596 : memref<100352x16xf32, #tpu.memory_space<vmem_shared>>) offsets(%dma_start3A_593 : memref<128xi32, #tpu.memory_space<vmem>>) semaphore(%arg12 : memref<!tpu.dma_semaphore, #tpu.memory_space<semaphore_mem>>) {add = true}
      %while3A_597 = arith.constant 0 : i32
      scf.yield %while3A_597 : i32
    }
    %mul3A_37 = arith.constant 10 : i32
    %mul3A_38 = arith.muli %add3A_12, %mul3A_37 : i32
    %min3A_39 = arith.constant 2 : i32
    %min3A_40 = arith.minsi %min3A_39, %mul3A_38 : i32
    %while3A_41 = arith.constant 0 : i32
    %while3A_42 = arith.constant 0 : i32
    %while3A_43 = arith.subi %min3A_40, %while3A_41 : i32
    %while3A_44 = arith.addi %while3A_41, %while3A_43 : i32
    %while3A_45 = arith.constant 1 : i32
    %while3A_46 = arith.divsi %while3A_43, %while3A_45 : i32
    %while3A_47 = arith.muli %while3A_46, %while3A_45 : i32
    %while3A_48 = arith.addi %while3A_41, %while3A_47 : i32
    %while3A_49 = arith.constant 1 : i32
    %while3A_50 = scf.for %while3A_77 = %while3A_41 to %while3A_48 step %while3A_49 iter_args(%while3A_78 = %while3A_42) -> (i32)  : i32 {
      %dma_wait3A = arith.constant 0 : i32
      %dma_wait3A_79 = arith.constant 0 : i32
      %dma_wait3A_80 = arith.constant 0 : i32
      %dma_wait3A_81 = arith.constant 0 : i32
      %dma_wait3A_82 = arith.constant 0 : i32
      %dma_wait3A_83 = tpu.memref_slice %arg8[%dma_wait3A, %dma_wait3A_81, %dma_wait3A_82] : memref<10x128x16xf32, #tpu.memory_space<vmem>> -> memref<1x128x16xf32, #tpu.memory_space<vmem>>
      %dma_wait3A_84 = tpu.memref_squeeze %dma_wait3A_83 : memref<1x128x16xf32, #tpu.memory_space<vmem>> -> memref<128x16xf32, #tpu.memory_space<vmem>>
      %dma_wait3A_85 = arith.constant 0 : i32
      %dma_wait3A_86 = tpu.memref_slice %arg7[%dma_wait3A_79, %dma_wait3A_80, %dma_wait3A_85] : memref<2x10x128xi32, #tpu.memory_space<vmem>> -> memref<1x1x128xi32, #tpu.memory_space<vmem>>
      %dma_wait3A_87 = tpu.memref_squeeze %dma_wait3A_86 : memref<1x1x128xi32, #tpu.memory_space<vmem>> -> memref<128xi32, #tpu.memory_space<vmem>>
      %dma_wait3A_88 = arith.constant 0 : i32
      %dma_wait3A_89 = arith.constant 0 : i32
      %dma_wait3A_90 = tpu.memref_slice %arg10[%dma_wait3A_88, %dma_wait3A_89] : memref<100352x16xf32, #tpu.memory_space<vmem_shared>> -> memref<100352x16xf32, #tpu.memory_space<vmem_shared>>
      tpu.wait_indirect_dma semaphore(%arg12 : memref<!tpu.dma_semaphore, #tpu.memory_space<semaphore_mem>>) src(%dma_wait3A_84 : memref<128x16xf32, #tpu.memory_space<vmem>>) dst(%dma_wait3A_90 : memref<100352x16xf32, #tpu.memory_space<vmem_shared>>)
      %while3A_91 = arith.constant 0 : i32
      scf.yield %while3A_91 : i32
    }
    %while3A_51 = arith.constant 1 : i32
    %while3A_52 = scf.for %while3A_77 = %while3A_48 to %while3A_44 step %while3A_51 iter_args(%while3A_78 = %while3A_50) -> (i32)  : i32 {
      %dma_wait3A = arith.constant 0 : i32
      %dma_wait3A_79 = arith.constant 0 : i32
      %dma_wait3A_80 = arith.constant 0 : i32
      %dma_wait3A_81 = arith.constant 0 : i32
      %dma_wait3A_82 = arith.constant 0 : i32
      %dma_wait3A_83 = tpu.memref_slice %arg8[%dma_wait3A, %dma_wait3A_81, %dma_wait3A_82] : memref<10x128x16xf32, #tpu.memory_space<vmem>> -> memref<1x128x16xf32, #tpu.memory_space<vmem>>
      %dma_wait3A_84 = tpu.memref_squeeze %dma_wait3A_83 : memref<1x128x16xf32, #tpu.memory_space<vmem>> -> memref<128x16xf32, #tpu.memory_space<vmem>>
      %dma_wait3A_85 = arith.constant 0 : i32
      %dma_wait3A_86 = tpu.memref_slice %arg7[%dma_wait3A_79, %dma_wait3A_80, %dma_wait3A_85] : memref<2x10x128xi32, #tpu.memory_space<vmem>> -> memref<1x1x128xi32, #tpu.memory_space<vmem>>
      %dma_wait3A_87 = tpu.memref_squeeze %dma_wait3A_86 : memref<1x1x128xi32, #tpu.memory_space<vmem>> -> memref<128xi32, #tpu.memory_space<vmem>>
      %dma_wait3A_88 = arith.constant 0 : i32
      %dma_wait3A_89 = arith.constant 0 : i32
      %dma_wait3A_90 = tpu.memref_slice %arg10[%dma_wait3A_88, %dma_wait3A_89] : memref<100352x16xf32, #tpu.memory_space<vmem_shared>> -> memref<100352x16xf32, #tpu.memory_space<vmem_shared>>
      tpu.wait_indirect_dma semaphore(%arg12 : memref<!tpu.dma_semaphore, #tpu.memory_space<semaphore_mem>>) src(%dma_wait3A_84 : memref<128x16xf32, #tpu.memory_space<vmem>>) dst(%dma_wait3A_90 : memref<100352x16xf32, #tpu.memory_space<vmem_shared>>)
      %while3A_91 = arith.constant 0 : i32
      scf.yield %while3A_91 : i32
    }
    %eq3A = arith.constant 31 : i32
    %eq3A_53 = arith.cmpi eq, %add3A, %eq3A : i32
    %jit3A_54 = arith.constant 0 : i32
    %jit3A_55 = arith.constant 0 : i32
    %select_n3A_56 = arith.select %eq3A_53, %jit3A_54, %jit3A_55 : i32
    %while3A_57 = arith.constant 0 : i32
    %while3A_58 = arith.constant 0 : i32
    %while3A_59 = arith.subi %select_n3A_56, %while3A_57 : i32
    %while3A_60 = arith.addi %while3A_57, %while3A_59 : i32
    %while3A_61 = arith.constant 1 : i32
    %while3A_62 = arith.divsi %while3A_59, %while3A_61 : i32
    %while3A_63 = arith.muli %while3A_62, %while3A_61 : i32
    %while3A_64 = arith.addi %while3A_57, %while3A_63 : i32
    %while3A_65 = arith.constant 1 : i32
    %while3A_66 = scf.for %while3A_77 = %while3A_57 to %while3A_64 step %while3A_65 iter_args(%while3A_78 = %while3A_58) -> (i32)  : i32 {
      %add3A_79 = arith.constant 12500 : i32
      %add3A_80 = arith.addi %add3A_79, %while3A_77 : i32
      %run_scoped3A = arith.constant 0 : i32
      %run_scoped3A_81 = arith.constant 0 : i32
      "tpu.region"() ({
        %run_scoped3A_112 = tpu.sem_alloc : memref<!tpu.dma_semaphore, #tpu.memory_space<semaphore_mem>>
        %dma_start3A_113 = arith.constant 0 : i32
        %dma_start3A_114 = arith.constant 0 : i32
        %dma_start3A_115 = tpu.memref_slice %arg6[%run_scoped3A_81, %dma_start3A_113, %dma_start3A_114] : memref<2x10x128xi32, #tpu.memory_space<vmem>> -> memref<1x10x128xi32, #tpu.memory_space<vmem>>
        %dma_start3A_116 = tpu.memref_squeeze %dma_start3A_115 : memref<1x10x128xi32, #tpu.memory_space<vmem>> -> memref<10x128xi32, #tpu.memory_space<vmem>>
        %dma_start3A_117 = arith.constant 0 : i32
        %dma_start3A_118 = arith.constant 0 : i32
        %dma_start3A_119 = tpu.memref_slice %dma_start3A_116[%dma_start3A_117, %dma_start3A_118] : memref<10x128xi32, #tpu.memory_space<vmem>> -> memref<1x128xi32, #tpu.memory_space<vmem>>
        %dma_start3A_120 = arith.constant 0 : i32
        %dma_start3A_121 = tpu.memref_slice %arg2[%run_scoped3A, %add3A_80, %dma_start3A_120] : memref<2x12500x128xi32, #tpu.memory_space<hbm>> -> memref<1x1x128xi32, #tpu.memory_space<hbm>>
        %dma_start3A_122 = tpu.memref_squeeze %dma_start3A_121 : memref<1x1x128xi32, #tpu.memory_space<hbm>> -> memref<1x128xi32, #tpu.memory_space<hbm>>
        %dma_start3A_123 = arith.constant 0 : i32
        %dma_start3A_124 = arith.constant 0 : i32
        %dma_start3A_125 = tpu.memref_slice %arg6[%run_scoped3A_81, %dma_start3A_123, %dma_start3A_124] : memref<2x10x128xi32, #tpu.memory_space<vmem>> -> memref<1x10x128xi32, #tpu.memory_space<vmem>>
        %dma_start3A_126 = tpu.memref_squeeze %dma_start3A_125 : memref<1x10x128xi32, #tpu.memory_space<vmem>> -> memref<10x128xi32, #tpu.memory_space<vmem>>
        %dma_start3A_127 = arith.constant 0 : i32
        %dma_start3A_128 = arith.constant 0 : i32
        %dma_start3A_129 = tpu.memref_slice %dma_start3A_126[%dma_start3A_127, %dma_start3A_128] : memref<10x128xi32, #tpu.memory_space<vmem>> -> memref<1x128xi32, #tpu.memory_space<vmem>>
        %dma_start3A_130 = arith.constant 0 : i32
        %dma_start3A_131 = tpu.memref_slice %arg2[%run_scoped3A, %add3A_80, %dma_start3A_130] : memref<2x12500x128xi32, #tpu.memory_space<hbm>> -> memref<1x1x128xi32, #tpu.memory_space<hbm>>
        %dma_start3A_132 = tpu.memref_squeeze %dma_start3A_131 : memref<1x1x128xi32, #tpu.memory_space<hbm>> -> memref<1x128xi32, #tpu.memory_space<hbm>>
        tpu.enqueue_dma source(%dma_start3A_132 : memref<1x128xi32, #tpu.memory_space<hbm>>) target(%dma_start3A_129 : memref<1x128xi32, #tpu.memory_space<vmem>>) target_semaphore(%run_scoped3A_112 : memref<!tpu.dma_semaphore, #tpu.memory_space<semaphore_mem>>)
        %dma_wait3A_133 = arith.constant 0 : i32
        %dma_wait3A_134 = arith.constant 0 : i32
        %dma_wait3A_135 = tpu.memref_slice %arg6[%run_scoped3A_81, %dma_wait3A_133, %dma_wait3A_134] : memref<2x10x128xi32, #tpu.memory_space<vmem>> -> memref<1x10x128xi32, #tpu.memory_space<vmem>>
        %dma_wait3A_136 = tpu.memref_squeeze %dma_wait3A_135 : memref<1x10x128xi32, #tpu.memory_space<vmem>> -> memref<10x128xi32, #tpu.memory_space<vmem>>
        %dma_wait3A_137 = arith.constant 0 : i32
        %dma_wait3A_138 = arith.constant 0 : i32
        %dma_wait3A_139 = tpu.memref_slice %dma_wait3A_136[%dma_wait3A_137, %dma_wait3A_138] : memref<10x128xi32, #tpu.memory_space<vmem>> -> memref<1x128xi32, #tpu.memory_space<vmem>>
        %dma_wait3A_140 = arith.constant 0 : i32
        %dma_wait3A_141 = tpu.memref_slice %arg2[%run_scoped3A, %add3A_80, %dma_wait3A_140] : memref<2x12500x128xi32, #tpu.memory_space<hbm>> -> memref<1x1x128xi32, #tpu.memory_space<hbm>>
        %dma_wait3A_142 = tpu.memref_squeeze %dma_wait3A_141 : memref<1x1x128xi32, #tpu.memory_space<hbm>> -> memref<1x128xi32, #tpu.memory_space<hbm>>
        %dma_wait3A_143 = arith.constant 0 : i32
        %dma_wait3A_144 = arith.constant 0 : i32
        %dma_wait3A_145 = tpu.memref_slice %arg6[%run_scoped3A_81, %dma_wait3A_143, %dma_wait3A_144] : memref<2x10x128xi32, #tpu.memory_space<vmem>> -> memref<1x10x128xi32, #tpu.memory_space<vmem>>
        %dma_wait3A_146 = tpu.memref_squeeze %dma_wait3A_145 : memref<1x10x128xi32, #tpu.memory_space<vmem>> -> memref<10x128xi32, #tpu.memory_space<vmem>>
        %dma_wait3A_147 = arith.constant 0 : i32
        %dma_wait3A_148 = arith.constant 0 : i32
        %dma_wait3A_149 = tpu.memref_slice %dma_wait3A_146[%dma_wait3A_147, %dma_wait3A_148] : memref<10x128xi32, #tpu.memory_space<vmem>> -> memref<1x128xi32, #tpu.memory_space<vmem>>
        %dma_wait3A_150 = arith.constant 0 : i32
        %dma_wait3A_151 = tpu.memref_slice %arg2[%run_scoped3A, %add3A_80, %dma_wait3A_150] : memref<2x12500x128xi32, #tpu.memory_space<hbm>> -> memref<1x1x128xi32, #tpu.memory_space<hbm>>
        %dma_wait3A_152 = tpu.memref_squeeze %dma_wait3A_151 : memref<1x1x128xi32, #tpu.memory_space<hbm>> -> memref<1x128xi32, #tpu.memory_space<hbm>>
        tpu.wait_dma2 semaphore(%run_scoped3A_112 : memref<!tpu.dma_semaphore, #tpu.memory_space<semaphore_mem>>) src(%dma_wait3A_152 : memref<1x128xi32, #tpu.memory_space<hbm>>) dst(%dma_wait3A_149 : memref<1x128xi32, #tpu.memory_space<vmem>>)
        tpu.yield
      }) : () -> ()
      %run_scoped3A_82 = arith.constant 1 : i32
      %run_scoped3A_83 = arith.constant 0 : i32
      "tpu.region"() ({
        %run_scoped3A_112 = tpu.sem_alloc : memref<!tpu.dma_semaphore, #tpu.memory_space<semaphore_mem>>
        %dma_start3A_113 = arith.constant 0 : i32
        %dma_start3A_114 = arith.constant 0 : i32
        %dma_start3A_115 = tpu.memref_slice %arg7[%run_scoped3A_83, %dma_start3A_113, %dma_start3A_114] : memref<2x10x128xi32, #tpu.memory_space<vmem>> -> memref<1x10x128xi32, #tpu.memory_space<vmem>>
        %dma_start3A_116 = tpu.memref_squeeze %dma_start3A_115 : memref<1x10x128xi32, #tpu.memory_space<vmem>> -> memref<10x128xi32, #tpu.memory_space<vmem>>
        %dma_start3A_117 = arith.constant 0 : i32
        %dma_start3A_118 = arith.constant 0 : i32
        %dma_start3A_119 = tpu.memref_slice %dma_start3A_116[%dma_start3A_117, %dma_start3A_118] : memref<10x128xi32, #tpu.memory_space<vmem>> -> memref<1x128xi32, #tpu.memory_space<vmem>>
        %dma_start3A_120 = arith.constant 0 : i32
        %dma_start3A_121 = tpu.memref_slice %arg2[%run_scoped3A_82, %add3A_80, %dma_start3A_120] : memref<2x12500x128xi32, #tpu.memory_space<hbm>> -> memref<1x1x128xi32, #tpu.memory_space<hbm>>
        %dma_start3A_122 = tpu.memref_squeeze %dma_start3A_121 : memref<1x1x128xi32, #tpu.memory_space<hbm>> -> memref<1x128xi32, #tpu.memory_space<hbm>>
        %dma_start3A_123 = arith.constant 0 : i32
        %dma_start3A_124 = arith.constant 0 : i32
        %dma_start3A_125 = tpu.memref_slice %arg7[%run_scoped3A_83, %dma_start3A_123, %dma_start3A_124] : memref<2x10x128xi32, #tpu.memory_space<vmem>> -> memref<1x10x128xi32, #tpu.memory_space<vmem>>
        %dma_start3A_126 = tpu.memref_squeeze %dma_start3A_125 : memref<1x10x128xi32, #tpu.memory_space<vmem>> -> memref<10x128xi32, #tpu.memory_space<vmem>>
        %dma_start3A_127 = arith.constant 0 : i32
        %dma_start3A_128 = arith.constant 0 : i32
        %dma_start3A_129 = tpu.memref_slice %dma_start3A_126[%dma_start3A_127, %dma_start3A_128] : memref<10x128xi32, #tpu.memory_space<vmem>> -> memref<1x128xi32, #tpu.memory_space<vmem>>
        %dma_start3A_130 = arith.constant 0 : i32
        %dma_start3A_131 = tpu.memref_slice %arg2[%run_scoped3A_82, %add3A_80, %dma_start3A_130] : memref<2x12500x128xi32, #tpu.memory_space<hbm>> -> memref<1x1x128xi32, #tpu.memory_space<hbm>>
        %dma_start3A_132 = tpu.memref_squeeze %dma_start3A_131 : memref<1x1x128xi32, #tpu.memory_space<hbm>> -> memref<1x128xi32, #tpu.memory_space<hbm>>
        tpu.enqueue_dma source(%dma_start3A_132 : memref<1x128xi32, #tpu.memory_space<hbm>>) target(%dma_start3A_129 : memref<1x128xi32, #tpu.memory_space<vmem>>) target_semaphore(%run_scoped3A_112 : memref<!tpu.dma_semaphore, #tpu.memory_space<semaphore_mem>>)
        %dma_wait3A_133 = arith.constant 0 : i32
        %dma_wait3A_134 = arith.constant 0 : i32
        %dma_wait3A_135 = tpu.memref_slice %arg7[%run_scoped3A_83, %dma_wait3A_133, %dma_wait3A_134] : memref<2x10x128xi32, #tpu.memory_space<vmem>> -> memref<1x10x128xi32, #tpu.memory_space<vmem>>
        %dma_wait3A_136 = tpu.memref_squeeze %dma_wait3A_135 : memref<1x10x128xi32, #tpu.memory_space<vmem>> -> memref<10x128xi32, #tpu.memory_space<vmem>>
        %dma_wait3A_137 = arith.constant 0 : i32
        %dma_wait3A_138 = arith.constant 0 : i32
        %dma_wait3A_139 = tpu.memref_slice %dma_wait3A_136[%dma_wait3A_137, %dma_wait3A_138] : memref<10x128xi32, #tpu.memory_space<vmem>> -> memref<1x128xi32, #tpu.memory_space<vmem>>
        %dma_wait3A_140 = arith.constant 0 : i32
        %dma_wait3A_141 = tpu.memref_slice %arg2[%run_scoped3A_82, %add3A_80, %dma_wait3A_140] : memref<2x12500x128xi32, #tpu.memory_space<hbm>> -> memref<1x1x128xi32, #tpu.memory_space<hbm>>
        %dma_wait3A_142 = tpu.memref_squeeze %dma_wait3A_141 : memref<1x1x128xi32, #tpu.memory_space<hbm>> -> memref<1x128xi32, #tpu.memory_space<hbm>>
        %dma_wait3A_143 = arith.constant 0 : i32
        %dma_wait3A_144 = arith.constant 0 : i32
        %dma_wait3A_145 = tpu.memref_slice %arg7[%run_scoped3A_83, %dma_wait3A_143, %dma_wait3A_144] : memref<2x10x128xi32, #tpu.memory_space<vmem>> -> memref<1x10x128xi32, #tpu.memory_space<vmem>>
        %dma_wait3A_146 = tpu.memref_squeeze %dma_wait3A_145 : memref<1x10x128xi32, #tpu.memory_space<vmem>> -> memref<10x128xi32, #tpu.memory_space<vmem>>
        %dma_wait3A_147 = arith.constant 0 : i32
        %dma_wait3A_148 = arith.constant 0 : i32
        %dma_wait3A_149 = tpu.memref_slice %dma_wait3A_146[%dma_wait3A_147, %dma_wait3A_148] : memref<10x128xi32, #tpu.memory_space<vmem>> -> memref<1x128xi32, #tpu.memory_space<vmem>>
        %dma_wait3A_150 = arith.constant 0 : i32
        %dma_wait3A_151 = tpu.memref_slice %arg2[%run_scoped3A_82, %add3A_80, %dma_wait3A_150] : memref<2x12500x128xi32, #tpu.memory_space<hbm>> -> memref<1x1x128xi32, #tpu.memory_space<hbm>>
        %dma_wait3A_152 = tpu.memref_squeeze %dma_wait3A_151 : memref<1x1x128xi32, #tpu.memory_space<hbm>> -> memref<1x128xi32, #tpu.memory_space<hbm>>
        tpu.wait_dma2 semaphore(%run_scoped3A_112 : memref<!tpu.dma_semaphore, #tpu.memory_space<semaphore_mem>>) src(%dma_wait3A_152 : memref<1x128xi32, #tpu.memory_space<hbm>>) dst(%dma_wait3A_149 : memref<1x128xi32, #tpu.memory_space<vmem>>)
        tpu.yield
      }) : () -> ()
      %dma_start3A = arith.constant 0 : i32
      %dma_start3A_84 = arith.constant 0 : i32
      %dma_start3A_85 = arith.constant 0 : i32
      %dma_start3A_86 = arith.constant 0 : i32
      %dma_start3A_87 = arith.constant 0 : i32
      %dma_start3A_88 = tpu.memref_slice %arg8[%dma_start3A_85, %dma_start3A_86, %dma_start3A_87] : memref<10x128x16xf32, #tpu.memory_space<vmem>> -> memref<1x128x16xf32, #tpu.memory_space<vmem>>
      %dma_start3A_89 = tpu.memref_squeeze %dma_start3A_88 : memref<1x128x16xf32, #tpu.memory_space<vmem>> -> memref<128x16xf32, #tpu.memory_space<vmem>>
      %dma_start3A_90 = arith.constant 0 : i32
      %dma_start3A_91 = tpu.memref_slice %arg6[%dma_start3A, %dma_start3A_84, %dma_start3A_90] : memref<2x10x128xi32, #tpu.memory_space<vmem>> -> memref<1x1x128xi32, #tpu.memory_space<vmem>>
      %dma_start3A_92 = tpu.memref_squeeze %dma_start3A_91 : memref<1x1x128xi32, #tpu.memory_space<vmem>> -> memref<128xi32, #tpu.memory_space<vmem>>
      %dma_start3A_93 = arith.constant 0 : i32
      %dma_start3A_94 = arith.constant 0 : i32
      %dma_start3A_95 = tpu.memref_slice %arg3[%dma_start3A_93, %dma_start3A_94] : memref<100352x16xf32, #tpu.memory_space<hbm>> -> memref<100352x16xf32, #tpu.memory_space<hbm>>
      tpu.enqueue_indirect_dma source(%dma_start3A_95 : memref<100352x16xf32, #tpu.memory_space<hbm>>) target(%dma_start3A_89 : memref<128x16xf32, #tpu.memory_space<vmem>>) offsets(%dma_start3A_92 : memref<128xi32, #tpu.memory_space<vmem>>) semaphore(%arg11 : memref<!tpu.dma_semaphore, #tpu.memory_space<semaphore_mem>>)
      %dma_wait3A = arith.constant 0 : i32
      %dma_wait3A_96 = arith.constant 0 : i32
      %dma_wait3A_97 = arith.constant 0 : i32
      %dma_wait3A_98 = arith.constant 0 : i32
      %dma_wait3A_99 = arith.constant 0 : i32
      %dma_wait3A_100 = tpu.memref_slice %arg8[%dma_wait3A_97, %dma_wait3A_98, %dma_wait3A_99] : memref<10x128x16xf32, #tpu.memory_space<vmem>> -> memref<1x128x16xf32, #tpu.memory_space<vmem>>
      %dma_wait3A_101 = tpu.memref_squeeze %dma_wait3A_100 : memref<1x128x16xf32, #tpu.memory_space<vmem>> -> memref<128x16xf32, #tpu.memory_space<vmem>>
      %dma_wait3A_102 = arith.constant 0 : i32
      %dma_wait3A_103 = tpu.memref_slice %arg6[%dma_wait3A, %dma_wait3A_96, %dma_wait3A_102] : memref<2x10x128xi32, #tpu.memory_space<vmem>> -> memref<1x1x128xi32, #tpu.memory_space<vmem>>
      %dma_wait3A_104 = tpu.memref_squeeze %dma_wait3A_103 : memref<1x1x128xi32, #tpu.memory_space<vmem>> -> memref<128xi32, #tpu.memory_space<vmem>>
      %dma_wait3A_105 = arith.constant 0 : i32
      %dma_wait3A_106 = arith.constant 0 : i32
      %dma_wait3A_107 = tpu.memref_slice %arg3[%dma_wait3A_105, %dma_wait3A_106] : memref<100352x16xf32, #tpu.memory_space<hbm>> -> memref<100352x16xf32, #tpu.memory_space<hbm>>
      tpu.wait_indirect_dma semaphore(%arg11 : memref<!tpu.dma_semaphore, #tpu.memory_space<semaphore_mem>>) src(%dma_wait3A_107 : memref<100352x16xf32, #tpu.memory_space<hbm>>) dst(%dma_wait3A_101 : memref<128x16xf32, #tpu.memory_space<vmem>>)
      %run_scoped3A_108 = arith.constant 0 : i32
      %run_scoped3A_109 = arith.constant 0 : i32
      %run_scoped3A_110 = arith.constant 0 : i32
      "tpu.region"() ({
        %run_scoped3A_112 = tpu.sem_alloc : memref<!tpu.dma_semaphore, #tpu.memory_space<semaphore_mem>>
        %dma_start3A_113 = arith.constant 0 : i32
        %dma_start3A_114 = arith.constant 0 : i32
        %dma_start3A_115 = tpu.memref_slice %arg8[%run_scoped3A_108, %dma_start3A_113, %dma_start3A_114] : memref<10x128x16xf32, #tpu.memory_space<vmem>> -> memref<1x128x16xf32, #tpu.memory_space<vmem>>
        %dma_start3A_116 = tpu.memref_squeeze %dma_start3A_115 : memref<1x128x16xf32, #tpu.memory_space<vmem>> -> memref<128x16xf32, #tpu.memory_space<vmem>>
        %dma_start3A_117 = arith.constant 0 : i32
        %dma_start3A_118 = tpu.memref_slice %arg7[%run_scoped3A_109, %run_scoped3A_110, %dma_start3A_117] : memref<2x10x128xi32, #tpu.memory_space<vmem>> -> memref<1x1x128xi32, #tpu.memory_space<vmem>>
        %dma_start3A_119 = tpu.memref_squeeze %dma_start3A_118 : memref<1x1x128xi32, #tpu.memory_space<vmem>> -> memref<128xi32, #tpu.memory_space<vmem>>
        %dma_start3A_120 = arith.constant 0 : i32
        %dma_start3A_121 = arith.constant 0 : i32
        %dma_start3A_122 = tpu.memref_slice %arg10[%dma_start3A_120, %dma_start3A_121] : memref<100352x16xf32, #tpu.memory_space<vmem_shared>> -> memref<100352x16xf32, #tpu.memory_space<vmem_shared>>
        tpu.enqueue_indirect_dma source(%dma_start3A_116 : memref<128x16xf32, #tpu.memory_space<vmem>>) target(%dma_start3A_122 : memref<100352x16xf32, #tpu.memory_space<vmem_shared>>) offsets(%dma_start3A_119 : memref<128xi32, #tpu.memory_space<vmem>>) semaphore(%run_scoped3A_112 : memref<!tpu.dma_semaphore, #tpu.memory_space<semaphore_mem>>) {add = true}
        %dma_wait3A_123 = arith.constant 0 : i32
        %dma_wait3A_124 = arith.constant 0 : i32
        %dma_wait3A_125 = tpu.memref_slice %arg8[%run_scoped3A_108, %dma_wait3A_123, %dma_wait3A_124] : memref<10x128x16xf32, #tpu.memory_space<vmem>> -> memref<1x128x16xf32, #tpu.memory_space<vmem>>
        %dma_wait3A_126 = tpu.memref_squeeze %dma_wait3A_125 : memref<1x128x16xf32, #tpu.memory_space<vmem>> -> memref<128x16xf32, #tpu.memory_space<vmem>>
        %dma_wait3A_127 = arith.constant 0 : i32
        %dma_wait3A_128 = tpu.memref_slice %arg7[%run_scoped3A_109, %run_scoped3A_110, %dma_wait3A_127] : memref<2x10x128xi32, #tpu.memory_space<vmem>> -> memref<1x1x128xi32, #tpu.memory_space<vmem>>
        %dma_wait3A_129 = tpu.memref_squeeze %dma_wait3A_128 : memref<1x1x128xi32, #tpu.memory_space<vmem>> -> memref<128xi32, #tpu.memory_space<vmem>>
        %dma_wait3A_130 = arith.constant 0 : i32
        %dma_wait3A_131 = arith.constant 0 : i32
        %dma_wait3A_132 = tpu.memref_slice %arg10[%dma_wait3A_130, %dma_wait3A_131] : memref<100352x16xf32, #tpu.memory_space<vmem_shared>> -> memref<100352x16xf32, #tpu.memory_space<vmem_shared>>
        tpu.wait_indirect_dma semaphore(%run_scoped3A_112 : memref<!tpu.dma_semaphore, #tpu.memory_space<semaphore_mem>>) src(%dma_wait3A_126 : memref<128x16xf32, #tpu.memory_space<vmem>>) dst(%dma_wait3A_132 : memref<100352x16xf32, #tpu.memory_space<vmem_shared>>)
        tpu.yield
      }) : () -> ()
      %while3A_111 = arith.constant 0 : i32
      scf.yield %while3A_111 : i32
    }
    %while3A_67 = arith.constant 1 : i32
    %while3A_68 = scf.for %while3A_77 = %while3A_64 to %while3A_60 step %while3A_67 iter_args(%while3A_78 = %while3A_66) -> (i32)  : i32 {
      %add3A_79 = arith.constant 12500 : i32
      %add3A_80 = arith.addi %add3A_79, %while3A_77 : i32
      %run_scoped3A = arith.constant 0 : i32
      %run_scoped3A_81 = arith.constant 0 : i32
      "tpu.region"() ({
        %run_scoped3A_112 = tpu.sem_alloc : memref<!tpu.dma_semaphore, #tpu.memory_space<semaphore_mem>>
        %dma_start3A_113 = arith.constant 0 : i32
        %dma_start3A_114 = arith.constant 0 : i32
        %dma_start3A_115 = tpu.memref_slice %arg6[%run_scoped3A_81, %dma_start3A_113, %dma_start3A_114] : memref<2x10x128xi32, #tpu.memory_space<vmem>> -> memref<1x10x128xi32, #tpu.memory_space<vmem>>
        %dma_start3A_116 = tpu.memref_squeeze %dma_start3A_115 : memref<1x10x128xi32, #tpu.memory_space<vmem>> -> memref<10x128xi32, #tpu.memory_space<vmem>>
        %dma_start3A_117 = arith.constant 0 : i32
        %dma_start3A_118 = arith.constant 0 : i32
        %dma_start3A_119 = tpu.memref_slice %dma_start3A_116[%dma_start3A_117, %dma_start3A_118] : memref<10x128xi32, #tpu.memory_space<vmem>> -> memref<1x128xi32, #tpu.memory_space<vmem>>
        %dma_start3A_120 = arith.constant 0 : i32
        %dma_start3A_121 = tpu.memref_slice %arg2[%run_scoped3A, %add3A_80, %dma_start3A_120] : memref<2x12500x128xi32, #tpu.memory_space<hbm>> -> memref<1x1x128xi32, #tpu.memory_space<hbm>>
        %dma_start3A_122 = tpu.memref_squeeze %dma_start3A_121 : memref<1x1x128xi32, #tpu.memory_space<hbm>> -> memref<1x128xi32, #tpu.memory_space<hbm>>
        %dma_start3A_123 = arith.constant 0 : i32
        %dma_start3A_124 = arith.constant 0 : i32
        %dma_start3A_125 = tpu.memref_slice %arg6[%run_scoped3A_81, %dma_start3A_123, %dma_start3A_124] : memref<2x10x128xi32, #tpu.memory_space<vmem>> -> memref<1x10x128xi32, #tpu.memory_space<vmem>>
        %dma_start3A_126 = tpu.memref_squeeze %dma_start3A_125 : memref<1x10x128xi32, #tpu.memory_space<vmem>> -> memref<10x128xi32, #tpu.memory_space<vmem>>
        %dma_start3A_127 = arith.constant 0 : i32
        %dma_start3A_128 = arith.constant 0 : i32
        %dma_start3A_129 = tpu.memref_slice %dma_start3A_126[%dma_start3A_127, %dma_start3A_128] : memref<10x128xi32, #tpu.memory_space<vmem>> -> memref<1x128xi32, #tpu.memory_space<vmem>>
        %dma_start3A_130 = arith.constant 0 : i32
        %dma_start3A_131 = tpu.memref_slice %arg2[%run_scoped3A, %add3A_80, %dma_start3A_130] : memref<2x12500x128xi32, #tpu.memory_space<hbm>> -> memref<1x1x128xi32, #tpu.memory_space<hbm>>
        %dma_start3A_132 = tpu.memref_squeeze %dma_start3A_131 : memref<1x1x128xi32, #tpu.memory_space<hbm>> -> memref<1x128xi32, #tpu.memory_space<hbm>>
        tpu.enqueue_dma source(%dma_start3A_132 : memref<1x128xi32, #tpu.memory_space<hbm>>) target(%dma_start3A_129 : memref<1x128xi32, #tpu.memory_space<vmem>>) target_semaphore(%run_scoped3A_112 : memref<!tpu.dma_semaphore, #tpu.memory_space<semaphore_mem>>)
        %dma_wait3A_133 = arith.constant 0 : i32
        %dma_wait3A_134 = arith.constant 0 : i32
        %dma_wait3A_135 = tpu.memref_slice %arg6[%run_scoped3A_81, %dma_wait3A_133, %dma_wait3A_134] : memref<2x10x128xi32, #tpu.memory_space<vmem>> -> memref<1x10x128xi32, #tpu.memory_space<vmem>>
        %dma_wait3A_136 = tpu.memref_squeeze %dma_wait3A_135 : memref<1x10x128xi32, #tpu.memory_space<vmem>> -> memref<10x128xi32, #tpu.memory_space<vmem>>
        %dma_wait3A_137 = arith.constant 0 : i32
        %dma_wait3A_138 = arith.constant 0 : i32
        %dma_wait3A_139 = tpu.memref_slice %dma_wait3A_136[%dma_wait3A_137, %dma_wait3A_138] : memref<10x128xi32, #tpu.memory_space<vmem>> -> memref<1x128xi32, #tpu.memory_space<vmem>>
        %dma_wait3A_140 = arith.constant 0 : i32
        %dma_wait3A_141 = tpu.memref_slice %arg2[%run_scoped3A, %add3A_80, %dma_wait3A_140] : memref<2x12500x128xi32, #tpu.memory_space<hbm>> -> memref<1x1x128xi32, #tpu.memory_space<hbm>>
        %dma_wait3A_142 = tpu.memref_squeeze %dma_wait3A_141 : memref<1x1x128xi32, #tpu.memory_space<hbm>> -> memref<1x128xi32, #tpu.memory_space<hbm>>
        %dma_wait3A_143 = arith.constant 0 : i32
        %dma_wait3A_144 = arith.constant 0 : i32
        %dma_wait3A_145 = tpu.memref_slice %arg6[%run_scoped3A_81, %dma_wait3A_143, %dma_wait3A_144] : memref<2x10x128xi32, #tpu.memory_space<vmem>> -> memref<1x10x128xi32, #tpu.memory_space<vmem>>
        %dma_wait3A_146 = tpu.memref_squeeze %dma_wait3A_145 : memref<1x10x128xi32, #tpu.memory_space<vmem>> -> memref<10x128xi32, #tpu.memory_space<vmem>>
        %dma_wait3A_147 = arith.constant 0 : i32
        %dma_wait3A_148 = arith.constant 0 : i32
        %dma_wait3A_149 = tpu.memref_slice %dma_wait3A_146[%dma_wait3A_147, %dma_wait3A_148] : memref<10x128xi32, #tpu.memory_space<vmem>> -> memref<1x128xi32, #tpu.memory_space<vmem>>
        %dma_wait3A_150 = arith.constant 0 : i32
        %dma_wait3A_151 = tpu.memref_slice %arg2[%run_scoped3A, %add3A_80, %dma_wait3A_150] : memref<2x12500x128xi32, #tpu.memory_space<hbm>> -> memref<1x1x128xi32, #tpu.memory_space<hbm>>
        %dma_wait3A_152 = tpu.memref_squeeze %dma_wait3A_151 : memref<1x1x128xi32, #tpu.memory_space<hbm>> -> memref<1x128xi32, #tpu.memory_space<hbm>>
        tpu.wait_dma2 semaphore(%run_scoped3A_112 : memref<!tpu.dma_semaphore, #tpu.memory_space<semaphore_mem>>) src(%dma_wait3A_152 : memref<1x128xi32, #tpu.memory_space<hbm>>) dst(%dma_wait3A_149 : memref<1x128xi32, #tpu.memory_space<vmem>>)
        tpu.yield
      }) : () -> ()
      %run_scoped3A_82 = arith.constant 1 : i32
      %run_scoped3A_83 = arith.constant 0 : i32
      "tpu.region"() ({
        %run_scoped3A_112 = tpu.sem_alloc : memref<!tpu.dma_semaphore, #tpu.memory_space<semaphore_mem>>
        %dma_start3A_113 = arith.constant 0 : i32
        %dma_start3A_114 = arith.constant 0 : i32
        %dma_start3A_115 = tpu.memref_slice %arg7[%run_scoped3A_83, %dma_start3A_113, %dma_start3A_114] : memref<2x10x128xi32, #tpu.memory_space<vmem>> -> memref<1x10x128xi32, #tpu.memory_space<vmem>>
        %dma_start3A_116 = tpu.memref_squeeze %dma_start3A_115 : memref<1x10x128xi32, #tpu.memory_space<vmem>> -> memref<10x128xi32, #tpu.memory_space<vmem>>
        %dma_start3A_117 = arith.constant 0 : i32
        %dma_start3A_118 = arith.constant 0 : i32
        %dma_start3A_119 = tpu.memref_slice %dma_start3A_116[%dma_start3A_117, %dma_start3A_118] : memref<10x128xi32, #tpu.memory_space<vmem>> -> memref<1x128xi32, #tpu.memory_space<vmem>>
        %dma_start3A_120 = arith.constant 0 : i32
        %dma_start3A_121 = tpu.memref_slice %arg2[%run_scoped3A_82, %add3A_80, %dma_start3A_120] : memref<2x12500x128xi32, #tpu.memory_space<hbm>> -> memref<1x1x128xi32, #tpu.memory_space<hbm>>
        %dma_start3A_122 = tpu.memref_squeeze %dma_start3A_121 : memref<1x1x128xi32, #tpu.memory_space<hbm>> -> memref<1x128xi32, #tpu.memory_space<hbm>>
        %dma_start3A_123 = arith.constant 0 : i32
        %dma_start3A_124 = arith.constant 0 : i32
        %dma_start3A_125 = tpu.memref_slice %arg7[%run_scoped3A_83, %dma_start3A_123, %dma_start3A_124] : memref<2x10x128xi32, #tpu.memory_space<vmem>> -> memref<1x10x128xi32, #tpu.memory_space<vmem>>
        %dma_start3A_126 = tpu.memref_squeeze %dma_start3A_125 : memref<1x10x128xi32, #tpu.memory_space<vmem>> -> memref<10x128xi32, #tpu.memory_space<vmem>>
        %dma_start3A_127 = arith.constant 0 : i32
        %dma_start3A_128 = arith.constant 0 : i32
        %dma_start3A_129 = tpu.memref_slice %dma_start3A_126[%dma_start3A_127, %dma_start3A_128] : memref<10x128xi32, #tpu.memory_space<vmem>> -> memref<1x128xi32, #tpu.memory_space<vmem>>
        %dma_start3A_130 = arith.constant 0 : i32
        %dma_start3A_131 = tpu.memref_slice %arg2[%run_scoped3A_82, %add3A_80, %dma_start3A_130] : memref<2x12500x128xi32, #tpu.memory_space<hbm>> -> memref<1x1x128xi32, #tpu.memory_space<hbm>>
        %dma_start3A_132 = tpu.memref_squeeze %dma_start3A_131 : memref<1x1x128xi32, #tpu.memory_space<hbm>> -> memref<1x128xi32, #tpu.memory_space<hbm>>
        tpu.enqueue_dma source(%dma_start3A_132 : memref<1x128xi32, #tpu.memory_space<hbm>>) target(%dma_start3A_129 : memref<1x128xi32, #tpu.memory_space<vmem>>) target_semaphore(%run_scoped3A_112 : memref<!tpu.dma_semaphore, #tpu.memory_space<semaphore_mem>>)
        %dma_wait3A_133 = arith.constant 0 : i32
        %dma_wait3A_134 = arith.constant 0 : i32
        %dma_wait3A_135 = tpu.memref_slice %arg7[%run_scoped3A_83, %dma_wait3A_133, %dma_wait3A_134] : memref<2x10x128xi32, #tpu.memory_space<vmem>> -> memref<1x10x128xi32, #tpu.memory_space<vmem>>
        %dma_wait3A_136 = tpu.memref_squeeze %dma_wait3A_135 : memref<1x10x128xi32, #tpu.memory_space<vmem>> -> memref<10x128xi32, #tpu.memory_space<vmem>>
        %dma_wait3A_137 = arith.constant 0 : i32
        %dma_wait3A_138 = arith.constant 0 : i32
        %dma_wait3A_139 = tpu.memref_slice %dma_wait3A_136[%dma_wait3A_137, %dma_wait3A_138] : memref<10x128xi32, #tpu.memory_space<vmem>> -> memref<1x128xi32, #tpu.memory_space<vmem>>
        %dma_wait3A_140 = arith.constant 0 : i32
        %dma_wait3A_141 = tpu.memref_slice %arg2[%run_scoped3A_82, %add3A_80, %dma_wait3A_140] : memref<2x12500x128xi32, #tpu.memory_space<hbm>> -> memref<1x1x128xi32, #tpu.memory_space<hbm>>
        %dma_wait3A_142 = tpu.memref_squeeze %dma_wait3A_141 : memref<1x1x128xi32, #tpu.memory_space<hbm>> -> memref<1x128xi32, #tpu.memory_space<hbm>>
        %dma_wait3A_143 = arith.constant 0 : i32
        %dma_wait3A_144 = arith.constant 0 : i32
        %dma_wait3A_145 = tpu.memref_slice %arg7[%run_scoped3A_83, %dma_wait3A_143, %dma_wait3A_144] : memref<2x10x128xi32, #tpu.memory_space<vmem>> -> memref<1x10x128xi32, #tpu.memory_space<vmem>>
        %dma_wait3A_146 = tpu.memref_squeeze %dma_wait3A_145 : memref<1x10x128xi32, #tpu.memory_space<vmem>> -> memref<10x128xi32, #tpu.memory_space<vmem>>
        %dma_wait3A_147 = arith.constant 0 : i32
        %dma_wait3A_148 = arith.constant 0 : i32
        %dma_wait3A_149 = tpu.memref_slice %dma_wait3A_146[%dma_wait3A_147, %dma_wait3A_148] : memref<10x128xi32, #tpu.memory_space<vmem>> -> memref<1x128xi32, #tpu.memory_space<vmem>>
        %dma_wait3A_150 = arith.constant 0 : i32
        %dma_wait3A_151 = tpu.memref_slice %arg2[%run_scoped3A_82, %add3A_80, %dma_wait3A_150] : memref<2x12500x128xi32, #tpu.memory_space<hbm>> -> memref<1x1x128xi32, #tpu.memory_space<hbm>>
        %dma_wait3A_152 = tpu.memref_squeeze %dma_wait3A_151 : memref<1x1x128xi32, #tpu.memory_space<hbm>> -> memref<1x128xi32, #tpu.memory_space<hbm>>
        tpu.wait_dma2 semaphore(%run_scoped3A_112 : memref<!tpu.dma_semaphore, #tpu.memory_space<semaphore_mem>>) src(%dma_wait3A_152 : memref<1x128xi32, #tpu.memory_space<hbm>>) dst(%dma_wait3A_149 : memref<1x128xi32, #tpu.memory_space<vmem>>)
        tpu.yield
      }) : () -> ()
      %dma_start3A = arith.constant 0 : i32
      %dma_start3A_84 = arith.constant 0 : i32
      %dma_start3A_85 = arith.constant 0 : i32
      %dma_start3A_86 = arith.constant 0 : i32
      %dma_start3A_87 = arith.constant 0 : i32
      %dma_start3A_88 = tpu.memref_slice %arg8[%dma_start3A_85, %dma_start3A_86, %dma_start3A_87] : memref<10x128x16xf32, #tpu.memory_space<vmem>> -> memref<1x128x16xf32, #tpu.memory_space<vmem>>
      %dma_start3A_89 = tpu.memref_squeeze %dma_start3A_88 : memref<1x128x16xf32, #tpu.memory_space<vmem>> -> memref<128x16xf32, #tpu.memory_space<vmem>>
      %dma_start3A_90 = arith.constant 0 : i32
      %dma_start3A_91 = tpu.memref_slice %arg6[%dma_start3A, %dma_start3A_84, %dma_start3A_90] : memref<2x10x128xi32, #tpu.memory_space<vmem>> -> memref<1x1x128xi32, #tpu.memory_space<vmem>>
      %dma_start3A_92 = tpu.memref_squeeze %dma_start3A_91 : memref<1x1x128xi32, #tpu.memory_space<vmem>> -> memref<128xi32, #tpu.memory_space<vmem>>
      %dma_start3A_93 = arith.constant 0 : i32
      %dma_start3A_94 = arith.constant 0 : i32
      %dma_start3A_95 = tpu.memref_slice %arg3[%dma_start3A_93, %dma_start3A_94] : memref<100352x16xf32, #tpu.memory_space<hbm>> -> memref<100352x16xf32, #tpu.memory_space<hbm>>
      tpu.enqueue_indirect_dma source(%dma_start3A_95 : memref<100352x16xf32, #tpu.memory_space<hbm>>) target(%dma_start3A_89 : memref<128x16xf32, #tpu.memory_space<vmem>>) offsets(%dma_start3A_92 : memref<128xi32, #tpu.memory_space<vmem>>) semaphore(%arg11 : memref<!tpu.dma_semaphore, #tpu.memory_space<semaphore_mem>>)
      %dma_wait3A = arith.constant 0 : i32
      %dma_wait3A_96 = arith.constant 0 : i32
      %dma_wait3A_97 = arith.constant 0 : i32
      %dma_wait3A_98 = arith.constant 0 : i32
      %dma_wait3A_99 = arith.constant 0 : i32
      %dma_wait3A_100 = tpu.memref_slice %arg8[%dma_wait3A_97, %dma_wait3A_98, %dma_wait3A_99] : memref<10x128x16xf32, #tpu.memory_space<vmem>> -> memref<1x128x16xf32, #tpu.memory_space<vmem>>
      %dma_wait3A_101 = tpu.memref_squeeze %dma_wait3A_100 : memref<1x128x16xf32, #tpu.memory_space<vmem>> -> memref<128x16xf32, #tpu.memory_space<vmem>>
      %dma_wait3A_102 = arith.constant 0 : i32
      %dma_wait3A_103 = tpu.memref_slice %arg6[%dma_wait3A, %dma_wait3A_96, %dma_wait3A_102] : memref<2x10x128xi32, #tpu.memory_space<vmem>> -> memref<1x1x128xi32, #tpu.memory_space<vmem>>
      %dma_wait3A_104 = tpu.memref_squeeze %dma_wait3A_103 : memref<1x1x128xi32, #tpu.memory_space<vmem>> -> memref<128xi32, #tpu.memory_space<vmem>>
      %dma_wait3A_105 = arith.constant 0 : i32
      %dma_wait3A_106 = arith.constant 0 : i32
      %dma_wait3A_107 = tpu.memref_slice %arg3[%dma_wait3A_105, %dma_wait3A_106] : memref<100352x16xf32, #tpu.memory_space<hbm>> -> memref<100352x16xf32, #tpu.memory_space<hbm>>
      tpu.wait_indirect_dma semaphore(%arg11 : memref<!tpu.dma_semaphore, #tpu.memory_space<semaphore_mem>>) src(%dma_wait3A_107 : memref<100352x16xf32, #tpu.memory_space<hbm>>) dst(%dma_wait3A_101 : memref<128x16xf32, #tpu.memory_space<vmem>>)
      %run_scoped3A_108 = arith.constant 0 : i32
      %run_scoped3A_109 = arith.constant 0 : i32
      %run_scoped3A_110 = arith.constant 0 : i32
      "tpu.region"() ({
        %run_scoped3A_112 = tpu.sem_alloc : memref<!tpu.dma_semaphore, #tpu.memory_space<semaphore_mem>>
        %dma_start3A_113 = arith.constant 0 : i32
        %dma_start3A_114 = arith.constant 0 : i32
        %dma_start3A_115 = tpu.memref_slice %arg8[%run_scoped3A_108, %dma_start3A_113, %dma_start3A_114] : memref<10x128x16xf32, #tpu.memory_space<vmem>> -> memref<1x128x16xf32, #tpu.memory_space<vmem>>
        %dma_start3A_116 = tpu.memref_squeeze %dma_start3A_115 : memref<1x128x16xf32, #tpu.memory_space<vmem>> -> memref<128x16xf32, #tpu.memory_space<vmem>>
        %dma_start3A_117 = arith.constant 0 : i32
        %dma_start3A_118 = tpu.memref_slice %arg7[%run_scoped3A_109, %run_scoped3A_110, %dma_start3A_117] : memref<2x10x128xi32, #tpu.memory_space<vmem>> -> memref<1x1x128xi32, #tpu.memory_space<vmem>>
        %dma_start3A_119 = tpu.memref_squeeze %dma_start3A_118 : memref<1x1x128xi32, #tpu.memory_space<vmem>> -> memref<128xi32, #tpu.memory_space<vmem>>
        %dma_start3A_120 = arith.constant 0 : i32
        %dma_start3A_121 = arith.constant 0 : i32
        %dma_start3A_122 = tpu.memref_slice %arg10[%dma_start3A_120, %dma_start3A_121] : memref<100352x16xf32, #tpu.memory_space<vmem_shared>> -> memref<100352x16xf32, #tpu.memory_space<vmem_shared>>
        tpu.enqueue_indirect_dma source(%dma_start3A_116 : memref<128x16xf32, #tpu.memory_space<vmem>>) target(%dma_start3A_122 : memref<100352x16xf32, #tpu.memory_space<vmem_shared>>) offsets(%dma_start3A_119 : memref<128xi32, #tpu.memory_space<vmem>>) semaphore(%run_scoped3A_112 : memref<!tpu.dma_semaphore, #tpu.memory_space<semaphore_mem>>) {add = true}
        %dma_wait3A_123 = arith.constant 0 : i32
        %dma_wait3A_124 = arith.constant 0 : i32
        %dma_wait3A_125 = tpu.memref_slice %arg8[%run_scoped3A_108, %dma_wait3A_123, %dma_wait3A_124] : memref<10x128x16xf32, #tpu.memory_space<vmem>> -> memref<1x128x16xf32, #tpu.memory_space<vmem>>
        %dma_wait3A_126 = tpu.memref_squeeze %dma_wait3A_125 : memref<1x128x16xf32, #tpu.memory_space<vmem>> -> memref<128x16xf32, #tpu.memory_space<vmem>>
        %dma_wait3A_127 = arith.constant 0 : i32
        %dma_wait3A_128 = tpu.memref_slice %arg7[%run_scoped3A_109, %run_scoped3A_110, %dma_wait3A_127] : memref<2x10x128xi32, #tpu.memory_space<vmem>> -> memref<1x1x128xi32, #tpu.memory_space<vmem>>
        %dma_wait3A_129 = tpu.memref_squeeze %dma_wait3A_128 : memref<1x1x128xi32, #tpu.memory_space<vmem>> -> memref<128xi32, #tpu.memory_space<vmem>>
        %dma_wait3A_130 = arith.constant 0 : i32
        %dma_wait3A_131 = arith.constant 0 : i32
        %dma_wait3A_132 = tpu.memref_slice %arg10[%dma_wait3A_130, %dma_wait3A_131] : memref<100352x16xf32, #tpu.memory_space<vmem_shared>> -> memref<100352x16xf32, #tpu.memory_space<vmem_shared>>
        tpu.wait_indirect_dma semaphore(%run_scoped3A_112 : memref<!tpu.dma_semaphore, #tpu.memory_space<semaphore_mem>>) src(%dma_wait3A_126 : memref<128x16xf32, #tpu.memory_space<vmem>>) dst(%dma_wait3A_132 : memref<100352x16xf32, #tpu.memory_space<vmem_shared>>)
        tpu.yield
      }) : () -> ()
      %while3A_111 = arith.constant 0 : i32
      scf.yield %while3A_111 : i32
    }
    %barrier3A_69 = arith.constant 0 : index
    tpu.barrier barrier_id(%barrier3A_69)
    %scan3A_70 = arith.constant 0 : i32
    %scan3A_71 = arith.constant 0 : i32
    %scan3A_72 = arith.constant 32 : i32
    %scan3A_73 = arith.addi %scan3A_71, %scan3A_72 : i32
    %scan3A_74 = arith.constant 1 : i32
    %scan3A_75 = scf.for %scan3A_77 = %scan3A_71 to %scan3A_73 step %scan3A_74 iter_args(%scan3A_78 = %scan3A_70) -> (i32)  : i32 {
      %mul3A_79 = arith.constant 196 : i32
      %mul3A_80 = arith.muli %scan3A_77, %mul3A_79 : i32
      %add3A_81 = arith.addi %mul3A_2, %mul3A_80 : i32
      "tpu.region"() ({
        %run_scoped3A = tpu.sem_alloc : memref<!tpu.dma_semaphore, #tpu.memory_space<semaphore_mem>>
        %dma_start3A = arith.constant 0 : i32
        %dma_start3A_83 = tpu.memref_slice %arg10[%add3A_81, %dma_start3A] : memref<100352x16xf32, #tpu.memory_space<vmem_shared>> -> memref<196x16xf32, #tpu.memory_space<vmem_shared>>
        %dma_start3A_84 = arith.constant 0 : i32
        %dma_start3A_85 = tpu.memref_slice %arg10[%add3A_81, %dma_start3A_84] : memref<100352x16xf32, #tpu.memory_space<vmem_shared>> -> memref<196x16xf32, #tpu.memory_space<vmem_shared>>
        tpu.enqueue_dma source(%dma_start3A_85 : memref<196x16xf32, #tpu.memory_space<vmem_shared>>) target(%arg9 : memref<196x16xf32, #tpu.memory_space<vmem>>) target_semaphore(%run_scoped3A : memref<!tpu.dma_semaphore, #tpu.memory_space<semaphore_mem>>)
        %dma_wait3A = arith.constant 0 : i32
        %dma_wait3A_86 = tpu.memref_slice %arg10[%add3A_81, %dma_wait3A] : memref<100352x16xf32, #tpu.memory_space<vmem_shared>> -> memref<196x16xf32, #tpu.memory_space<vmem_shared>>
        %dma_wait3A_87 = arith.constant 0 : i32
        %dma_wait3A_88 = tpu.memref_slice %arg10[%add3A_81, %dma_wait3A_87] : memref<100352x16xf32, #tpu.memory_space<vmem_shared>> -> memref<196x16xf32, #tpu.memory_space<vmem_shared>>
        tpu.wait_dma2 semaphore(%run_scoped3A : memref<!tpu.dma_semaphore, #tpu.memory_space<semaphore_mem>>) src(%dma_wait3A_88 : memref<196x16xf32, #tpu.memory_space<vmem_shared>>) dst(%arg9 : memref<196x16xf32, #tpu.memory_space<vmem>>)
        tpu.yield
      }) : () -> ()
      "tpu.region"() ({
        %run_scoped3A = tpu.sem_alloc : memref<!tpu.dma_semaphore, #tpu.memory_space<semaphore_mem>>
        %dma_start3A = arith.constant 0 : i32
        %dma_start3A_83 = tpu.memref_slice %arg5[%arg0, %add3A_81, %dma_start3A] : memref<2x100352x16xf32, #tpu.memory_space<hbm>> -> memref<1x196x16xf32, #tpu.memory_space<hbm>>
        %dma_start3A_84 = tpu.memref_squeeze %dma_start3A_83 : memref<1x196x16xf32, #tpu.memory_space<hbm>> -> memref<196x16xf32, #tpu.memory_space<hbm>>
        %dma_start3A_85 = arith.constant 0 : i32
        %dma_start3A_86 = tpu.memref_slice %arg5[%arg0, %add3A_81, %dma_start3A_85] : memref<2x100352x16xf32, #tpu.memory_space<hbm>> -> memref<1x196x16xf32, #tpu.memory_space<hbm>>
        %dma_start3A_87 = tpu.memref_squeeze %dma_start3A_86 : memref<1x196x16xf32, #tpu.memory_space<hbm>> -> memref<196x16xf32, #tpu.memory_space<hbm>>
        tpu.enqueue_dma source(%arg9 : memref<196x16xf32, #tpu.memory_space<vmem>>) target(%dma_start3A_87 : memref<196x16xf32, #tpu.memory_space<hbm>>) target_semaphore(%run_scoped3A : memref<!tpu.dma_semaphore, #tpu.memory_space<semaphore_mem>>)
        %dma_wait3A = arith.constant 0 : i32
        %dma_wait3A_88 = tpu.memref_slice %arg5[%arg0, %add3A_81, %dma_wait3A] : memref<2x100352x16xf32, #tpu.memory_space<hbm>> -> memref<1x196x16xf32, #tpu.memory_space<hbm>>
        %dma_wait3A_89 = tpu.memref_squeeze %dma_wait3A_88 : memref<1x196x16xf32, #tpu.memory_space<hbm>> -> memref<196x16xf32, #tpu.memory_space<hbm>>
        %dma_wait3A_90 = arith.constant 0 : i32
        %dma_wait3A_91 = tpu.memref_slice %arg5[%arg0, %add3A_81, %dma_wait3A_90] : memref<2x100352x16xf32, #tpu.memory_space<hbm>> -> memref<1x196x16xf32, #tpu.memory_space<hbm>>
        %dma_wait3A_92 = tpu.memref_squeeze %dma_wait3A_91 : memref<1x196x16xf32, #tpu.memory_space<hbm>> -> memref<196x16xf32, #tpu.memory_space<hbm>>
        tpu.wait_dma2 semaphore(%run_scoped3A : memref<!tpu.dma_semaphore, #tpu.memory_space<semaphore_mem>>) src(%arg9 : memref<196x16xf32, #tpu.memory_space<vmem>>) dst(%dma_wait3A_92 : memref<196x16xf32, #tpu.memory_space<hbm>>)
        tpu.yield
      }) : () -> ()
      %scan3A_82 = arith.constant 0 : i32
      scf.yield %scan3A_82 : i32
    }
    %scan3A_76 = arith.constant 32 : i32
    return
  }
}

module attributes {stable_mosaic.version = 14 : i64} {
  func.func @_feat_body(%arg0: i32, %arg1: memref<3200x64xf32, #tpu.memory_space<vmem>>, %arg2: memref<320x128xf32, #tpu.memory_space<vmem>>, %arg3: memref<64x128xf32, #tpu.memory_space<vmem>>, %arg4: memref<3200x128xf32, #tpu.memory_space<vmem>>) attributes {dimension_semantics = [#tpu.dimension_semantics<arbitrary>], iteration_bounds = array<i64: 4>, scalar_prefetch = 0 : i64, scratch_operands = 0 : i64, tpu.core_type = #tpu.core_type<tc>, window_params = [{transform_indices = @transform_0, window_bounds = array<i64: 3200, 64>}, {pipeline_mode = #tpu.pipeline_mode<synchronous>, transform_indices = @transform_1, window_bounds = array<i64: 320, 128>}, {pipeline_mode = #tpu.pipeline_mode<synchronous>, transform_indices = @transform_2, window_bounds = array<i64: 64, 128>}, {transform_indices = @transform_3, window_bounds = array<i64: 3200, 128>}]} {
    %get3A = arith.constant 0 : index
    %get3A_0 = arith.constant 0 : index
    %get3A_1 = vector.load %arg1[%get3A, %get3A_0] : memref<3200x64xf32, #tpu.memory_space<vmem>>, vector<3200x64xf32>
    %mul3A = arith.mulf %get3A_1, %get3A_1 : vector<3200x64xf32>
    %get3A_2 = arith.constant 0 : index
    %get3A_3 = arith.constant 0 : index
    %get3A_4 = vector.load %arg3[%get3A_2, %get3A_3] : memref<64x128xf32, #tpu.memory_space<vmem>>, vector<64x128xf32>
    %dot_general3A = arith.constant dense<0.000000e+00> : vector<3200x128xf32>
    %dot_general3A_5 = tpu.matmul %mul3A, %get3A_4, %dot_general3A {dimension_numbers = #tpu.dot_dimension_numbers<[1], [0], [0], [1], [0, 0, 1, 1], [], []>, transpose_lhs_hint = false} : vector<3200x64xf32>, vector<64x128xf32>, vector<3200x128xf32> -> vector<3200x128xf32>
    %get3A_6 = arith.constant 0 : index
    %get3A_7 = arith.constant 0 : index
    %get3A_8 = vector.load %arg2[%get3A_6, %get3A_7] : memref<320x128xf32, #tpu.memory_space<vmem>>, vector<320x128xf32>
    %slice3A = vector.extract_strided_slice %get3A_8 {offsets = [0, 0], sizes = [64, 128], strides = [1, 1]} : vector<320x128xf32> to vector<64x128xf32>
    %dot_general3A_9 = arith.constant dense<0.000000e+00> : vector<3200x128xf32>
    %dot_general3A_10 = tpu.matmul %get3A_1, %slice3A, %dot_general3A_9 {dimension_numbers = #tpu.dot_dimension_numbers<[1], [0], [0], [1], [0, 0, 1, 1], [], []>, transpose_lhs_hint = false} : vector<3200x64xf32>, vector<64x128xf32>, vector<3200x128xf32> -> vector<3200x128xf32>
    %slice3A_11 = vector.extract_strided_slice %get3A_8 {offsets = [64, 0], sizes = [64, 128], strides = [1, 1]} : vector<320x128xf32> to vector<64x128xf32>
    %dot_general3A_12 = arith.constant dense<0.000000e+00> : vector<3200x128xf32>
    %dot_general3A_13 = tpu.matmul %get3A_1, %slice3A_11, %dot_general3A_12 {dimension_numbers = #tpu.dot_dimension_numbers<[1], [0], [0], [1], [0, 0, 1, 1], [], []>, transpose_lhs_hint = false} : vector<3200x64xf32>, vector<64x128xf32>, vector<3200x128xf32> -> vector<3200x128xf32>
    %min3A = arith.minimumf %dot_general3A_10, %dot_general3A_13 : vector<3200x128xf32>
    %slice3A_14 = vector.extract_strided_slice %get3A_8 {offsets = [128, 0], sizes = [64, 128], strides = [1, 1]} : vector<320x128xf32> to vector<64x128xf32>
    %dot_general3A_15 = arith.constant dense<0.000000e+00> : vector<3200x128xf32>
    %dot_general3A_16 = tpu.matmul %get3A_1, %slice3A_14, %dot_general3A_15 {dimension_numbers = #tpu.dot_dimension_numbers<[1], [0], [0], [1], [0, 0, 1, 1], [], []>, transpose_lhs_hint = false} : vector<3200x64xf32>, vector<64x128xf32>, vector<3200x128xf32> -> vector<3200x128xf32>
    %min3A_17 = arith.minimumf %min3A, %dot_general3A_16 : vector<3200x128xf32>
    %slice3A_18 = vector.extract_strided_slice %get3A_8 {offsets = [192, 0], sizes = [64, 128], strides = [1, 1]} : vector<320x128xf32> to vector<64x128xf32>
    %dot_general3A_19 = arith.constant dense<0.000000e+00> : vector<3200x128xf32>
    %dot_general3A_20 = tpu.matmul %get3A_1, %slice3A_18, %dot_general3A_19 {dimension_numbers = #tpu.dot_dimension_numbers<[1], [0], [0], [1], [0, 0, 1, 1], [], []>, transpose_lhs_hint = false} : vector<3200x64xf32>, vector<64x128xf32>, vector<3200x128xf32> -> vector<3200x128xf32>
    %min3A_21 = arith.minimumf %min3A_17, %dot_general3A_20 : vector<3200x128xf32>
    %slice3A_22 = vector.extract_strided_slice %get3A_8 {offsets = [256, 0], sizes = [64, 128], strides = [1, 1]} : vector<320x128xf32> to vector<64x128xf32>
    %dot_general3A_23 = arith.constant dense<0.000000e+00> : vector<3200x128xf32>
    %dot_general3A_24 = tpu.matmul %get3A_1, %slice3A_22, %dot_general3A_23 {dimension_numbers = #tpu.dot_dimension_numbers<[1], [0], [0], [1], [0, 0, 1, 1], [], []>, transpose_lhs_hint = false} : vector<3200x64xf32>, vector<64x128xf32>, vector<3200x128xf32> -> vector<3200x128xf32>
    %min3A_25 = arith.minimumf %min3A_21, %dot_general3A_24 : vector<3200x128xf32>
    %add3A = arith.addf %min3A_25, %dot_general3A_5 : vector<3200x128xf32>
    %iota3A = tpu.iota {dimensions = array<i32: 1>} : vector<1x128xi32>
    %jit3A = arith.constant 16 : i32
    %eq3A = arith.constant 0 : i32
    %eq3A_26 = arith.cmpi eq, %jit3A, %eq3A : i32
    %jit3A_27 = arith.constant 1 : i32
    %select_n3A = arith.select %eq3A_26, %jit3A_27, %jit3A : i32
    %rem3A = vector.broadcast %select_n3A : i32 to vector<1x128xi32>
    %rem3A_28 = arith.remsi %iota3A, %rem3A : vector<1x128xi32>
    %ne3A = arith.constant 0 : i32
    %ne3A_29 = vector.broadcast %ne3A : i32 to vector<1x128xi32>
    %ne3A_30 = arith.cmpi ne, %rem3A_28, %ne3A_29 : vector<1x128xi32>
    %lt3A = arith.constant 0 : i32
    %lt3A_31 = vector.broadcast %lt3A : i32 to vector<1x128xi32>
    %lt3A_32 = arith.cmpi slt, %rem3A_28, %lt3A_31 : vector<1x128xi32>
    %lt3A_33 = arith.constant 0 : i32
    %lt3A_34 = arith.cmpi slt, %select_n3A, %lt3A_33 : i32
    %ne3A_35 = vector.broadcast %lt3A_34 : i1 to vector<1x128xi1>
    %ne3A_36 = vector.broadcast %ne3A_35 : vector<1x128xi1> to vector<1x128xi1>
    %ne3A_37 = arith.xori %lt3A_32, %ne3A_36 : vector<1x128xi1>
    %and3A = arith.andi %ne3A_37, %ne3A_30 : vector<1x128xi1>
    %add3A_38 = vector.broadcast %select_n3A : i32 to vector<1x128xi32>
    %add3A_39 = arith.addi %rem3A_28, %add3A_38 : vector<1x128xi32>
    %select_n3A_40 = arith.select %and3A, %add3A_39, %rem3A_28 : vector<1x128xi1>, vector<1x128xi32>
    %eq3A_41 = arith.constant 10 : i32
    %eq3A_42 = vector.broadcast %eq3A_41 : i32 to vector<1x128xi32>
    %eq3A_43 = arith.cmpi eq, %select_n3A_40, %eq3A_42 : vector<1x128xi32>
    %lt3A_44 = arith.constant 10 : i32
    %lt3A_45 = vector.broadcast %lt3A_44 : i32 to vector<1x128xi32>
    %lt3A_46 = arith.cmpi slt, %select_n3A_40, %lt3A_45 : vector<1x128xi32>
    %jit3A_47 = arith.constant 0.000000e+00 : f32
    %broadcast_in_dim3A = vector.shape_cast %lt3A_46 : vector<1x128xi1> to vector<1x128xi1>
    %broadcast_in_dim3A_48 = vector.broadcast %broadcast_in_dim3A : vector<1x128xi1> to vector<3200x128xi1>
    %broadcast_in_dim3A_49 = vector.broadcast %jit3A_47 : f32 to vector<3200x128xf32>
    %select_n3A_50 = arith.select %broadcast_in_dim3A_48, %add3A, %broadcast_in_dim3A_49 : vector<3200x128xi1>, vector<3200x128xf32>
    %jit3A_51 = arith.constant 1.000000e+00 : f32
    %broadcast_in_dim3A_52 = vector.shape_cast %eq3A_43 : vector<1x128xi1> to vector<1x128xi1>
    %broadcast_in_dim3A_53 = vector.broadcast %broadcast_in_dim3A_52 : vector<1x128xi1> to vector<3200x128xi1>
    %broadcast_in_dim3A_54 = vector.broadcast %jit3A_51 : f32 to vector<3200x128xf32>
    %select_n3A_55 = arith.select %broadcast_in_dim3A_53, %broadcast_in_dim3A_54, %select_n3A_50 : vector<3200x128xi1>, vector<3200x128xf32>
    %swap3A = arith.constant 0 : index
    %swap3A_56 = arith.constant 0 : index
    %swap3A_57 = vector.load %arg4[%swap3A, %swap3A_56] : memref<3200x128xf32, #tpu.memory_space<vmem>>, vector<3200x128xf32>
    tpu.vector_store %arg4[%swap3A, %swap3A_56], %select_n3A_55 {strides = array<i32>} : memref<3200x128xf32, #tpu.memory_space<vmem>>, vector<3200x128xf32>,
    return
  }
  func.func @transform_0(%arg0: i32) -> (i32, i32) {
    %c0_i32 = arith.constant 0 : i32
    %c0_i32_0 = arith.constant 0 : i32
    return %arg0, %c0_i32 : i32, i32
  }
  func.func @transform_1(%arg0: i32) -> (i32, i32) {
    %c0_i32 = arith.constant 0 : i32
    %c0_i32_0 = arith.constant 0 : i32
    %c0_i32_1 = arith.constant 0 : i32
    return %c0_i32, %c0_i32_0 : i32, i32
  }
  func.func @transform_2(%arg0: i32) -> (i32, i32) {
    %c0_i32 = arith.constant 0 : i32
    %c0_i32_0 = arith.constant 0 : i32
    %c0_i32_1 = arith.constant 0 : i32
    return %c0_i32, %c0_i32_0 : i32, i32
  }
  func.func @transform_3(%arg0: i32) -> (i32, i32) {
    %c0_i32 = arith.constant 0 : i32
    %c0_i32_0 = arith.constant 0 : i32
    return %arg0, %c0_i32 : i32, i32
  }
}

module attributes {stable_mosaic.version = 14 : i64} {
  func.func @_final_body(%arg0: i32, %arg1: memref<12544x128xf32, #tpu.memory_space<vmem>>, %arg2: memref<2x12544x128xf32, #tpu.memory_space<vmem>>, %arg3: memref<128x128xf32, #tpu.memory_space<vmem>>, %arg4: memref<128x32xf32, #tpu.memory_space<vmem>>, %arg5: memref<1x128xf32, #tpu.memory_space<vmem>>, %arg6: memref<1x32xf32, #tpu.memory_space<vmem>>, %arg7: memref<12500x32xf32, #tpu.memory_space<vmem>>) attributes {dimension_semantics = [#tpu.dimension_semantics<arbitrary>], iteration_bounds = array<i64: 1>, scalar_prefetch = 0 : i64, scratch_operands = 0 : i64, tpu.core_type = #tpu.core_type<tc>, window_params = [{pipeline_mode = #tpu.pipeline_mode<synchronous>, transform_indices = @transform_0, window_bounds = array<i64: 12544, 128>}, {pipeline_mode = #tpu.pipeline_mode<synchronous>, transform_indices = @transform_1, window_bounds = array<i64: 2, 12544, 128>}, {pipeline_mode = #tpu.pipeline_mode<synchronous>, transform_indices = @transform_2, window_bounds = array<i64: 128, 128>}, {pipeline_mode = #tpu.pipeline_mode<synchronous>, transform_indices = @transform_3, window_bounds = array<i64: 128, 32>}, {pipeline_mode = #tpu.pipeline_mode<synchronous>, transform_indices = @transform_4, window_bounds = array<i64: 1, 128>}, {pipeline_mode = #tpu.pipeline_mode<synchronous>, transform_indices = @transform_5, window_bounds = array<i64: 1, 32>}, {pipeline_mode = #tpu.pipeline_mode<synchronous>, transform_indices = @transform_6, window_bounds = array<i64: 12500, 32>}]} {
    %get3A = arith.constant 0 : index
    %get3A_0 = arith.constant 0 : index
    %get3A_1 = arith.constant 0 : index
    %get3A_2 = vector.load %arg2[%get3A, %get3A_0, %get3A_1] : memref<2x12544x128xf32, #tpu.memory_space<vmem>>, vector<1x12544x128xf32>
    %get3A_3 = vector.shape_cast %get3A_2 : vector<1x12544x128xf32> to vector<12544x128xf32>
    %get3A_4 = arith.constant 1 : index
    %get3A_5 = arith.constant 0 : index
    %get3A_6 = arith.constant 0 : index
    %get3A_7 = vector.load %arg2[%get3A_4, %get3A_5, %get3A_6] : memref<2x12544x128xf32, #tpu.memory_space<vmem>>, vector<1x12544x128xf32>
    %get3A_8 = vector.shape_cast %get3A_7 : vector<1x12544x128xf32> to vector<12544x128xf32>
    %add3A = arith.addf %get3A_3, %get3A_8 : vector<12544x128xf32>
    %get3A_9 = arith.constant 0 : index
    %get3A_10 = arith.constant 0 : index
    %get3A_11 = vector.load %arg3[%get3A_9, %get3A_10] : memref<128x128xf32, #tpu.memory_space<vmem>>, vector<128x128xf32>
    %dot_general3A = arith.constant dense<0.000000e+00> : vector<12544x128xf32>
    %dot_general3A_12 = tpu.matmul %add3A, %get3A_11, %dot_general3A {dimension_numbers = #tpu.dot_dimension_numbers<[1], [0], [0], [1], [0, 0, 1, 1], [], []>, transpose_lhs_hint = false} : vector<12544x128xf32>, vector<128x128xf32>, vector<12544x128xf32> -> vector<12544x128xf32>
    %max3A = arith.constant 1.000000e+00 : f32
    %max3A_13 = vector.broadcast %max3A : f32 to vector<12544x128xf32>
    %max3A_14 = arith.maximumf %dot_general3A_12, %max3A_13 : vector<12544x128xf32>
    %div3A = arith.constant 1.000000e+00 : f32
    %div3A_15 = vector.broadcast %div3A : f32 to vector<12544x128xf32>
    %div3A_16 = arith.divf %div3A_15, %max3A_14 : vector<12544x128xf32>
    %get3A_17 = arith.constant 0 : index
    %get3A_18 = arith.constant 0 : index
    %get3A_19 = vector.load %arg1[%get3A_17, %get3A_18] : memref<12544x128xf32, #tpu.memory_space<vmem>>, vector<12544x128xf32>
    %mul3A = arith.mulf %add3A, %div3A_16 : vector<12544x128xf32>
    %add3A_20 = arith.addf %get3A_19, %mul3A : vector<12544x128xf32>
    %mul3A_21 = arith.constant 5.000000e-01 : f32
    %mul3A_22 = vector.broadcast %mul3A_21 : f32 to vector<12544x128xf32>
    %mul3A_23 = arith.mulf %mul3A_22, %add3A_20 : vector<12544x128xf32>
    %get3A_24 = arith.constant 0 : index
    %get3A_25 = arith.constant 0 : index
    %get3A_26 = vector.load %arg5[%get3A_24, %get3A_25] : memref<1x128xf32, #tpu.memory_space<vmem>>, vector<1x128xf32>
    %add3A_27 = vector.broadcast %get3A_26 : vector<1x128xf32> to vector<12544x128xf32>
    %add3A_28 = arith.addf %mul3A_23, %add3A_27 : vector<12544x128xf32>
    %get3A_29 = arith.constant 0 : index
    %get3A_30 = arith.constant 0 : index
    %get3A_31 = vector.load %arg4[%get3A_29, %get3A_30] : memref<128x32xf32, #tpu.memory_space<vmem>>, vector<128x32xf32>
    %dot_general3A_32 = arith.constant dense<0.000000e+00> : vector<12544x32xf32>
    %dot_general3A_33 = tpu.matmul %add3A_28, %get3A_31, %dot_general3A_32 {dimension_numbers = #tpu.dot_dimension_numbers<[1], [0], [0], [1], [0, 0, 1, 1], [], []>, transpose_lhs_hint = false} : vector<12544x128xf32>, vector<128x32xf32>, vector<12544x32xf32> -> vector<12544x32xf32>
    %get3A_34 = arith.constant 0 : index
    %get3A_35 = arith.constant 0 : index
    %get3A_36 = vector.load %arg6[%get3A_34, %get3A_35] : memref<1x32xf32, #tpu.memory_space<vmem>>, vector<1x32xf32>
    %add3A_37 = vector.broadcast %get3A_36 : vector<1x32xf32> to vector<12544x32xf32>
    %add3A_38 = arith.addf %dot_general3A_33, %add3A_37 : vector<12544x32xf32>
    %slice3A = vector.extract_strided_slice %add3A_38 {offsets = [0, 0], sizes = [12500, 32], strides = [1, 1]} : vector<12544x32xf32> to vector<12500x32xf32>
    %swap3A = arith.constant 0 : index
    %swap3A_39 = arith.constant 0 : index
    %swap3A_40 = vector.load %arg7[%swap3A, %swap3A_39] : memref<12500x32xf32, #tpu.memory_space<vmem>>, vector<12500x32xf32>
    tpu.vector_store %arg7[%swap3A, %swap3A_39], %slice3A {strides = array<i32>} : memref<12500x32xf32, #tpu.memory_space<vmem>>, vector<12500x32xf32>,
    return
  }
  func.func @transform_0(%arg0: i32) -> (i32, i32) {
    %c0_i32 = arith.constant 0 : i32
    %c0_i32_0 = arith.constant 0 : i32
    %c0_i32_1 = arith.constant 0 : i32
    return %c0_i32, %c0_i32_0 : i32, i32
  }
  func.func @transform_1(%arg0: i32) -> (i32, i32, i32) {
    %c0_i32 = arith.constant 0 : i32
    %c0_i32_0 = arith.constant 0 : i32
    %c0_i32_1 = arith.constant 0 : i32
    %c0_i32_2 = arith.constant 0 : i32
    return %c0_i32, %c0_i32_0, %c0_i32_1 : i32, i32, i32
  }
  func.func @transform_2(%arg0: i32) -> (i32, i32) {
    %c0_i32 = arith.constant 0 : i32
    %c0_i32_0 = arith.constant 0 : i32
    %c0_i32_1 = arith.constant 0 : i32
    return %c0_i32, %c0_i32_0 : i32, i32
  }
  func.func @transform_3(%arg0: i32) -> (i32, i32) {
    %c0_i32 = arith.constant 0 : i32
    %c0_i32_0 = arith.constant 0 : i32
    %c0_i32_1 = arith.constant 0 : i32
    return %c0_i32, %c0_i32_0 : i32, i32
  }
  func.func @transform_4(%arg0: i32) -> (i32, i32) {
    %c0_i32 = arith.constant 0 : i32
    %c0_i32_0 = arith.constant 0 : i32
    %c0_i32_1 = arith.constant 0 : i32
    return %c0_i32, %c0_i32_0 : i32, i32
  }
  func.func @transform_5(%arg0: i32) -> (i32, i32) {
    %c0_i32 = arith.constant 0 : i32
    %c0_i32_0 = arith.constant 0 : i32
    %c0_i32_1 = arith.constant 0 : i32
    return %c0_i32, %c0_i32_0 : i32, i32
  }
  func.func @transform_6(%arg0: i32) -> (i32, i32) {
    %c0_i32 = arith.constant 0 : i32
    %c0_i32_0 = arith.constant 0 : i32
    %c0_i32_1 = arith.constant 0 : i32
    return %c0_i32, %c0_i32_0 : i32, i32
  }
}

</mosaic_0001>

<sc_bundles>
// kernel: kernel.5.cloned.1.call-start
scs
__scs_entry_jumppad:
0x0: {  	(pc) =	sbr.rel $0x88, $3  }
0x1: {  	(tag) =	ssettag $0x0;
	lr =	simm.s32 $0x1  }
0x2: {  	[smem:$0x3F9B] =	sst lr;
	_ =	strace $0xD0000000  }
0x3: {  	_ = 	snop  }
0x4: {  	_ = 	snop  }
0x5: {  	_ = 	snop  }
0x6: {  	_ = 	snop  }
0x7: {  	_ = 	snop  }
__scs_overlays_trampoline_lowered:
0x8: {  	[smem:$0x3FAA] =	sst s0  }
0x9: {  	[smem:$0x3FAB] =	sst s1  }
0xa: {  	[smem:$0x3FAC] =	sst s2  }
0xb: {  	[smem:$0x3FAD] =	sst s3  }
0xc: {  	[smem:$0x3FAE] =	sst s4  }
0xd: {  	[smem:$0x3FAF] =	sst s5  }
0xe: {  	[smem:$0x3FB0] =	sst s6  }
0xf: {  	[smem:$0x3FB1] =	sst s7  }
0x10: {  	[smem:$0x3FB2] =	sst s8  }
0x11: {  	[smem:$0x3FB3] =	sst s9;
	s0 =	simm.s32 @!p0 $0x0  }
0x12: {  	s1 =	sld [smem:$0x3F99];
	s0 =	simm.s32 @p0 $0x1  }
0x13: {  	[smem:$0x3FB4] =	sst s0;
	s0 =	simm.s32 @!p1 $0x0  }
0x14: {  	s2 =	sld [smem:$0x3F98];
	s0 =	simm.s32 @p1 $0x1  }
0x15: {  	[smem:$0x3FB5] =	sst s0;
	s0 =	simm.s32 @!p2 $0x0  }
0x16: {  	s3 =	sld [smem:$0x3FDB];
	s0 =	simm.s32 @p2 $0x1  }
0x17: {  	s4 =	simm.s32 $0x1BF5;
	[smem:$0x3FB7] =	sst s0  }
0x18: {  	s0 =	sld [smem:$0x3F9A];
	_ =	swait.ge [sflag:s4], $0x0  }
0x19: {  	s7 =	sld [smem:$0x3F9B]  }
0x1a: {  	s8 =	sadd.s32 $0xFFFFE003, lr  }
0x1b: {  	s9 =	sadd.s32 $0xFFFFFEF7, lr;
	s5 =	simm.s32 $0xFFFFFFFF;
	p2 =	slt.u32 s8, $0xFFFFF086  }
0x1c: {  	p1 =	slt.u32 s9, $0xF7A;
	s5 =	simm.s32 @!p2 $0x0  }
0x1d: {  	s5 =	simm.s32 @p1 $0x1;
	p0 =	seq.s32 s7, s2  }
0x1e: {  	s7 =	smul.u32 @!p0 $0xF7A, s2;
	p2 =	seq.s32 @!p0 s5, $0x0  }
0x1f: {  	s9 =	smul.u32 $0xF7A, s1;
	s8 =	simm.s32 @!p0 $0x1BF5;
	p2 =	por !p2, p0  }
0x20: {  	[sflag:s8] =	ssyncset.s32 @!p0 $0xFFFFF086;
	s6 =	sadd.s32 @!p0 s3, s7;
	s7 =	simm.s32 @!p0 $0x108  }
0x21: {  	s3 =	sadd.s32 s3, s9;
	s6 =	sadd.s32 @!p0 $0x88, s6;
	s7 =	simm.s32 @p2 $0x1082  }
0x22: {  	[simem:s7], [sflag:s8] =	dma.local @!p0 [hbm:s6], $0xF7A  }
0x23: {  	s9 =	sor.u32 $0xD0000000, s2;
	s6 =	simm.s32 $0x108;
	_ =	swait.ge @!p0 [sflag:s8], $0x0  }
0x24: {  	s3 =	sadd.s32 $0x88, s3;
	s6 =	simm.s32 @!p1 $0x1082;
	[sflag:s4] =	ssyncset.s32 $0xFFFFF086  }
0x25: {  	[simem:s6], [sflag:s4] =	dma.local [hbm:s3], $0xF7A  }
0x26: {  	[smem:$0x3F9B] =	sst s1;
	(tag) =	ssettag s2;
	_ =	strace s9  }
0x27: {  	s1 =	sld [smem:$0x3FAB]  }
0x28: {  	s2 =	sld [smem:$0x3FAC]  }
0x29: {  	s4 =	sld [smem:$0x3FAE]  }
0x2a: {  	p0 =	seq.s32 s5, $0x0;
	s5 =	sld [smem:$0x3FAF]  }
0x2b: {  	s6 =	sld [smem:$0x3FB0]  }
0x2c: {  	s7 =	sld [smem:$0x3FB1]  }
0x2d: {  	s3 =	simm.s32 $0x108;
	s8 =	sld [smem:$0x3FB2]  }
0x2e: {  	s3 =	simm.s32 @!p0 $0x1082;
	s9 =	sld [smem:$0x3FB3]  }
0x2f: {  	lr =	sadd.s32 s0, s3;
	s0 =	sld [smem:$0x3FAA]  }
0x30: {  	s3 =	sld [smem:$0x3FAD]  }
0x31: {  	[smem:$0x3FB6] =	sst s10  }
0x32: {  	s10 =	sld [smem:$0x3FB4];
	_ =	sdelay $0x3  }
0x33: {  	p0 =	seq.s32 s10, $0x1;
	s10 =	sld [smem:$0x3FB6];
	_ =	sdelay $0x3  }
0x34: {  	[smem:$0x3FB6] =	sst s10  }
0x35: {  	s10 =	sld [smem:$0x3FB5];
	_ =	sdelay $0x3  }
0x36: {  	p1 =	seq.s32 s10, $0x1;
	s10 =	sld [smem:$0x3FB6];
	_ =	sdelay $0x3  }
0x37: {  	[smem:$0x3FB6] =	sst s10  }
0x38: {  	s10 =	sld [smem:$0x3FB7]  }
0x39: {  	_ = 	snop;
	(pc) =	sbr.ind lr, $3  }
0x3a: {  	_ = 	snop  }
0x3b: {  	_ = 	snop  }
0x3c: {  	p2 =	seq.s32 s10, $0x1;
	s10 =	sld [smem:$0x3FB6]  }
0x3d: {  	_ =	shalt  }
0x3e: {  	_ =	shalt  }
0x3f: {  	_ =	shalt  }
0x40: {  	_ =	shalt  }
0x41: {  	_ =	shalt  }
0x42: {  	_ =	shalt  }
0x43: {  	_ =	shalt  }
0x44: {  	_ =	shalt  }
0x45: {  	_ =	shalt  }
0x46: {  	_ =	shalt  }
0x47: {  	_ =	shalt  }
0x48: {  	_ =	shalt  }
0x49: {  	_ =	shalt  }
0x4a: {  	_ =	shalt  }
0x4b: {  	_ =	shalt  }
0x4c: {  	_ =	shalt  }
0x4d: {  	_ =	shalt  }
0x4e: {  	_ =	shalt  }
0x4f: {  	_ =	shalt  }
0x50: {  	_ =	shalt  }
0x51: {  	_ =	shalt  }
0x52: {  	_ =	shalt  }
0x53: {  	_ =	shalt  }
0x54: {  	_ =	shalt  }
0x55: {  	_ =	shalt  }
0x56: {  	_ =	shalt  }
0x57: {  	_ =	shalt  }
0x58: {  	_ =	shalt  }
0x59: {  	_ =	shalt  }
0x5a: {  	_ =	shalt  }
0x5b: {  	_ =	shalt  }
0x5c: {  	_ =	shalt  }
0x5d: {  	_ =	shalt  }
0x5e: {  	_ =	shalt  }
0x5f: {  	_ =	shalt  }
0x60: {  	_ =	shalt  }
0x61: {  	_ =	shalt  }
0x62: {  	_ =	shalt  }
0x63: {  	_ =	shalt  }
0x64: {  	_ =	shalt  }
0x65: {  	_ =	shalt  }
0x66: {  	_ =	shalt  }
0x67: {  	_ =	shalt  }
0x68: {  	_ =	shalt  }
0x69: {  	_ =	shalt  }
0x6a: {  	_ =	shalt  }
0x6b: {  	_ =	shalt  }
0x6c: {  	_ =	shalt  }
0x6d: {  	_ =	shalt  }
0x6e: {  	_ =	shalt  }
0x6f: {  	_ =	shalt  }
0x70: {  	_ =	shalt  }
0x71: {  	_ =	shalt  }
0x72: {  	_ =	shalt  }
0x73: {  	_ =	shalt  }
0x74: {  	_ =	shalt  }
0x75: {  	_ =	shalt  }
0x76: {  	_ =	shalt  }
0x77: {  	_ =	shalt  }
0x78: {  	_ =	shalt  }
0x79: {  	_ =	shalt  }
0x7a: {  	_ =	shalt  }
0x7b: {  	_ =	shalt  }
0x7c: {  	_ =	shalt  }
0x7d: {  	_ =	shalt  }
0x7e: {  	_ =	shalt  }
0x7f: {  	_ =	shalt  }
0x80: {  	_ =	shalt  }
0x81: {  	_ =	shalt  }
0x82: {  	_ =	shalt  }
0x83: {  	_ =	shalt  }
0x84: {  	_ =	shalt  }
0x85: {  	_ =	shalt  }
0x86: {  	_ =	shalt  }
0x87: {  	_ =	shalt  }
.Lfunc_end0:
.L_simem_size_0:
called_computation_lowered:
.L_overlay_start_0:
0x88: {  	s2 =	sld [smem:$0x3FD9]  }
0x89: {  	s3 =	sld [smem:$0x3FFE];
	_ =	sdelay $0x1  }
0x8a: {  	s1 =	srdreg.scid  }
0x8b: {  	s0 =	sand.u32 $0x1, s1  }
0x8c: {  	s17 =	sshll.u32 s0, $0xA;
	s2 =	sadd.s32 s3, s2  }
0x8d: {  	s2 =	sadd.s32 s2, s17  }
0x8e: {  	[smem:$0x3FC2] =	sst s2  }
0x8f: {  	_ = 	snop  }
0x90: {  	s2 =	sld [smem:$0x3FD0];
	(tm) =	ssettm $0x1  }
0x91: {  	s18 =	sld [smem:$0x3FFB];
	_ =	sdelay $0x3  }
0x92: {  	_ =	strace s18  }
0x93: {  	s3 =	sld [smem:$0x3FFC];
	_ =	sdelay $0x3  }
0x94: {  	_ =	strace s3  }
0x95: {  	s3 =	sld [smem:$0x3FFD];
	_ =	sdelay $0x3  }
0x96: {  	_ =	strace s3  }
0x97: {  	_ =	strace $0x8FFFFFFF  }
0x98: {  	s19 =	sld [smem:$0x3FDB];
	_ =	sdelay $0x1  }
0x99: {  	s4 =	simm.s32 $_scs_section_size  }
0x9a: {  	s5 =	simm.s32 $_size__tile_overlayer_lowered;
	s6 =	simm.s32 $_tile_overlayer_lowered  }
0x9b: {  	s22 =	simm.s32 $0x1BFF;
	s21 =	sshll.u32 s6, $0x1;
	s3 =	sadd.s32 s4, s19  }
0x9c: {  	s7 =	simm.s32 $0x0;
	s20 =	sshll.u32 s5, $0x1;
	s5 =	sadd.s32 s21, s3  }
0x9d: {  	[timem:s7], [sflag:s22] =	dma.local [hbm:s5], s20  }
0x9e: {  	_ =	swait.ge [sflag:s22], s20  }
0x9f: {  	s4 =	ssub.s32 $0x0, s20;
	[sflag:s22] =	ssyncset.done $0x0  }
0xa0: {  	[sflag:s22] =	ssyncadd.s32 s4;
	_ =	sdelay $0x1  }
0xa1: {  	s23 =	simm.s32 $0x1B8B  }
0xa2: {  	_ =	swait.ge [sflag:s23], $0x1  }
0xa3: {  	[sflag:s23] =	ssyncset.done $0x0  }
0xa4: {  	s25 =	simm.s32 $0x1B8E;
	s24 =	sld [smem:$0x3FFE];
	[sflag:s23] =	ssyncadd.s32 $0xFFFFFFFF  }
0xa5: {  	s26 =	simm.s32 $execute0_lowered;
	[smem:$0x3FD2] =	sst s25  }
0xa6: {  	s5 =	sshll.u32 s26, $0x1;
	_ =	strace $0x80000046;
	[dreg:$0x1] =	wrdreg $0xFFFFFFFF  }
0xa7: {  	s28 =	simm.s32 $_size_execute0_lowered;
	s3 =	sadd.s32 s3, s5;
	[dreg:$0x0] =	wrdreg $0x0  }
0xa8: {  	s5 =	sshll.u32 s28, $0x1;
	[dreg:$0x2] =	wrdreg s3  }
0xa9: {  	[dreg:$0x3] =	wrdreg s5  }
0xaa: {  	[dreg:$0x4] =	wrdreg $0xC0  }
0xab: {  	_ =	task [dreg:s7], $0x5FFFF  }
0xac: {  	[dreg:$0x1] =	wrdreg $0xFFFFFFFF  }
0xad: {  	[dreg:$0x0] =	wrdreg $0x60  }
0xae: {  	[dreg:$0x2] =	wrdreg s24  }
0xaf: {  	[dreg:$0x3] =	wrdreg s2  }
0xb0: {  	[dreg:$0x4] =	wrdreg $0x70400  }
0xb1: {  	[dreg:$0x5] =	wrdreg $0x9  }
0xb2: {  	_ =	task.clear_ibuf [dreg:s7], $0x6FFFF;
	_ =	strace $0x90000046  }
0xb3: {  	s29 =	simm.s32 $0x9;
	_ =	strace $0x80000048  }
0xb4: {  	_ =	swait.ge [sflag:s29], $0x1  }
0xb5: {  	[sflag:s29] =	ssyncadd.s32 $0xFFFFFFFF  }
0xb6: {  	_ =	strace $0x90000048  }
0xb7: {  	_ =	sfence  }
0xb8: {  	s30 =	sld [smem:$0x0];
	_ =	sdelay $0x2  }
0xb9: {  	s31 =	sshll.u32 s1, $0xD;
	s1 =	sshrl.u32 s1, $0x2  }
0xba: {  	s3 =	sand.u32 $0x4000, s31;
	s1 =	sadd.s32 s1, s30  }
0xbb: {  	s0 =	sor.u32 s3, s0;
	s1 =	sshll.u32 s1, $0x11  }
0xbc: {  	s0 =	sor.u32 s1, s0  }
0xbd: {  	s0 =	sadd.s32 $0x8F2B, s0  }
0xbe: {  	[sflag:s0] =	ssyncadd.remote.s32 $0x1  }
0xbf: {  	_ =	sfence.sel $0xFFFF  }
0xc0: {  	[dreg:$0x0] =	wrdreg $0xFFFFFFFF;
	(pc) =	sbr.abs _section_cstart, $3  }
0xc1: {  	[dreg:$0x1] =	wrdreg $0xFFFFFFFF  }
0xc2: {  	_ =	task.clear_ibuf [dreg:s7], $0x2FFFF;
	_ =	strace $0x9FFFFFFF  }
0xc3: {  	(tm) =	ssettm $0x7FFFFFFF  }
tec
execute0_lowered:
.L_overlay_start_1:
0x0: {  	(tag) =	ssettag $0x1  }
0x1: {  	s0 =	rddreg [dreg:$0x0]  }
0x2: {  	s2 =	rddreg [dreg:$0x2]  }
0x3: {  	s1 =	srdreg.scid;
	s4 =	simm.s32 $0x0;
	s14 =	stileid.u32  }
0x4: {  	s16 =	simm.s32 $0x6400;
	s17 =	simm.s32 $0x4;
	s6 =	smul.u32 $0x18800, s14  }
0x5: {  	s29 =	simm.s32 $0x2C00;
	s31 =	simm.s32 $0x3400;
	s11 =	smul.u32 $0x62000, s14  }
0x6: {  	s30 =	simm.s32 $0x5400;
	s28 =	simm.s32 $0x2;
	s12 =	smul.u32 $0xC300, s14  }
0x7: {  	s1 =	sand.u32 $0x1, s1;
	[smem:$0x7FF] =	sst s4;
	s26 =	smul.u32 $0x1860, s14  }
0x8: {  	s8 =	sadd.s32 $0x1400, s0;
	s3 =	smul.u32 $0x188000, s1;
	s5 =	sshll.u32 s1, $0x4  }
0x9: {  	_ =	strace $0x80000047;
	s19 =	ssub.s32 $0x2, s1;
	s22 =	smul.u32 $0xC3000, s1  }
0xa: {  	s1 =	smul.u32 $0x18600, s1;
	s7 =	sor.u32 s14, s5;
	s5 =	sadd.s32 $0x63000, s0  }
0xb: {  	s20 =	sshrl.u32 s19, $0x1;
	s11 =	sshrl.u32 s11, $0x2;
	s9 =	smul.u32 $0x27, s7  }
0xc: {  	s3 =	sadd.s32 s6, s3;
	s10 =	smin.u32 s7, $0x2;
	p0 =	slt.u32 s7, $0x2  }
0xd: {  	s6 =	simm.s32 $0x28;
	s1 =	sadd.s32 s1, s8;
	s3 =	sshrl.u32 s3, $0x3  }
0xe: {  	s6 =	simm.s32 @!p0 $0x27;
	s24 =	smul.u32 $0x500, s10;
	s1 =	sadd.s32 s26, s1  }
0xf: {  	s26 =	simm.s32 $0x2400;
	s9 =	sadd.s32 s10, s9;
	s0 =	sadd.s32 s3, s0  }
0x10: {  	s3 =	ssub.s32 s19, s20;
	s10 =	smul.u32 $0xA0, s10;
	s19 =	simm.s32 $0x3  }
0x11: {  	s20 =	simm.s32 $0x4400;
	s9 =	smul.u32 $0x500, s9;
	s3 =	smax.u32 s3, $0x1  }
0x12: {  	s15 =	sadd.s32 $0x94000, s0;
	s0 =	simm.s32 $0x1;
	[dreg:$0x8] =	wrdreg s3  }
0x13: {  	s1 =	sadd.s32 s10, s1;
	s21 =	sshrl.u32 s9, $0x3;
	s9 =	sadd.s32 s12, s22  }
0x14: {  	s12 =	sadd.s32 s11, s2;
	s14 =	sadd.s32 $0x140, s1;
	s22 =	simm.s32 $0x80  }
0x15: {  	s1 =	simm.s32 $0x5C00;
	s7 =	sadd.s32 s8, s21;
	s25 =	sadd.s32 s24, s9  }
0x16: {  	s24 =	simm.s32 $0x1C00;
	s13 =	sadd.s32 $0x30D40, s7;
	[dreg:$0x4] =	wrdreg s7  }
0x17: {  	s21 =	simm.s32 $0x0;
	s23 =	sadd.s32 $0xA0, s7;
	[dreg:$0x5] =	wrdreg s13  }
0x18: {  	s7 =	sadd.s32 $0x30DE0, s7;
	s3 =	sadd.s32 $0x187400, s25;
	[dreg:$0x6] =	wrdreg s23  }
0x19: {  	s25 =	simm.s32 $0x4C00;
	[dreg:$0x7] =	wrdreg s7;
	s3 =	sshrl.u32 s3, $0x3  }
0x1a: {  	s23 =	simm.s32 $0x1400;
	s13 =	sadd.s32 s3, s8;
	s3 =	simm.s32 $0x3C00  }
.LBB2_1:
0x1b: {  	s7 =	rddreg [dreg:$0x1]  }
0x1c: {  	[tilespmem:s16], [sflag:$0x4] =	stream.linear.gather [hbm4b:s7+s4], $0xC40, $0x38;
	[tilespmem:$0x1F840] =	vst v63  }
0x1d: {  	_ =	swait.ge [sflag:s17], $0xC40  }
0x1e: {  	[sflag:s17] =	ssyncset.done $0x0  }
0x1f: {  	s8 =	sadd.s32 $0x0, s12;
	[sflag:s17] =	ssyncadd.s32 $0xFFFFF3C0  }
0x20: {  	[spmem:s8] =	stream.linear.scatter [tilespmem:s16], [sflag:$0x4], $0xC40, $0x38;
	[tilespmem:$0x1F840] =	vst v63  }
0x21: {  	s8 =	simm.s32 $0x3100;
	_ =	swait.ge [sflag:s17], $0xC40  }
.LBB2_2:
0x22: {  	s9 =	sshra.s32 s8, $0x2;
	[sflag:s17] =	ssyncset.done $0x0;
	p0 =	sne.s32 s8, $0x5EF00  }
.Ltmp0:
0x23: {  	s9 =	sadd.s32 s9, s12;
	[sflag:s17] =	ssyncadd.s32 $0xFFFFF3C0;
	(pc) =	sbr.rel @p0 .LBB2_2-.Ltmp0, $3  }
0x24: {  	[spmem:s9] =	stream.linear.scatter [tilespmem:s16], [sflag:$0x4], $0xC40, $0x38;
	[tilespmem:$0x1F840] =	vst v63  }
0x25: {  	s8 =	sadd.s32 $0x3100, s8;
	_ =	sdelay $0x1  }
0x26: {  	_ =	swait.ge [sflag:s17], $0xC40  }
0x27: {  	[sflag:s17] =	ssyncset.done $0x0  }
0x28: {  	[sflag:s17] =	ssyncadd.s32 $0xFFFFF3C0  }
0x29: {  	[bflag:$0x0] =	sbarrier.arrive $0xFFFF  }
0x2a: {  	s7 =	rddreg [dreg:$0x4]  }
0x2b: {  	[tilespmem:s4], [sflag:$0x3] =	stream.linear.gather [hbm4b:s7+s4], $0x500, $0x38;
	[tilespmem:$0x1F840] =	vst v63  }
0x2c: {  	s9 =	simm.s32 $0xA00;
	s11 =	rddreg [dreg:$0x5]  }
0x2d: {  	[tilespmem:s9], [sflag:$0x3] =	stream.linear.gather [hbm4b:s11+s4], $0x500, $0x38;
	[tilespmem:$0x1F840] =	vst v63  }
0x2e: {  	_ =	swait.ge [sflag:s19], $0x500  }
0x2f: {  	[sflag:s19] =	ssyncset.done $0x0  }
0x30: {  	[sflag:s19] =	ssyncadd.s32 $0xFFFFFB00  }
0x31: {  	_ =	swait.ge [sflag:s19], $0x500  }
0x32: {  	[sflag:s19] =	ssyncset.done $0x0  }
0x33: {  	s8 =	simm.s32 $0x500;
	s18 =	rddreg [dreg:$0x6];
	[sflag:s19] =	ssyncadd.s32 $0xFFFFFB00  }
0x34: {  	[tilespmem:s8], [sflag:$0x3] =	stream.linear.gather [hbm4b:s18+s4], $0x500, $0x38;
	[tilespmem:$0x1F840] =	vst v63  }
0x35: {  	s10 =	simm.s32 $0xF00;
	s8 =	rddreg [dreg:$0x7]  }
0x36: {  	[tilespmem:s10], [sflag:$0x3] =	stream.linear.gather [hbm4b:s8+s4], $0x500, $0x38;
	[tilespmem:$0x1F840] =	vst v63  }
0x37: {  	_ = 	snop  }
0x38: {  	[tilespmem:s23], [sflag:$0x1] =	stream.indirect.gather [hbm4b:s5+s22], $0x10, s4, s22, $0xb8;
	[tilespmem:$0x1F840] =	vst v63  }
0x39: {  	_ = 	snop  }
0x3a: {  	[tilespmem:s24], [sflag:$0x1] =	stream.indirect.gather [hbm4b:s5+s22], $0x10, s22, s22, $0xb8;
	[tilespmem:$0x1F840] =	vst v63  }
0x3b: {  	s11 =	simm.s32 $0x100  }
0x3c: {  	[tilespmem:s26], [sflag:$0x1] =	stream.indirect.gather [hbm4b:s5+s22], $0x10, s11, s22, $0xb8;
	[tilespmem:$0x1F840] =	vst v63  }
0x3d: {  	s18 =	simm.s32 $0x180  }
0x3e: {  	[tilespmem:s29], [sflag:$0x1] =	stream.indirect.gather [hbm4b:s5+s22], $0x10, s18, s22, $0xb8;
	[tilespmem:$0x1F840] =	vst v63  }
0x3f: {  	s8 =	simm.s32 $0x200  }
0x40: {  	[tilespmem:s31], [sflag:$0x1] =	stream.indirect.gather [hbm4b:s5+s22], $0x10, s8, s22, $0xb8;
	[tilespmem:$0x1F840] =	vst v63  }
0x41: {  	s10 =	simm.s32 $0x280  }
0x42: {  	[tilespmem:s3], [sflag:$0x1] =	stream.indirect.gather [hbm4b:s5+s22], $0x10, s10, s22, $0xb8;
	[tilespmem:$0x1F840] =	vst v63  }
0x43: {  	s11 =	simm.s32 $0x300  }
0x44: {  	[tilespmem:s20], [sflag:$0x1] =	stream.indirect.gather [hbm4b:s5+s22], $0x10, s11, s22, $0xb8;
	[tilespmem:$0x1F840] =	vst v63  }
0x45: {  	s18 =	simm.s32 $0x380  }
0x46: {  	[tilespmem:s25], [sflag:$0x1] =	stream.indirect.gather [hbm4b:s5+s22], $0x10, s18, s22, $0xb8;
	[tilespmem:$0x1F840] =	vst v63  }
0x47: {  	s8 =	simm.s32 $0x400  }
0x48: {  	[tilespmem:s30], [sflag:$0x1] =	stream.indirect.gather [hbm4b:s5+s22], $0x10, s8, s22, $0xb8;
	[tilespmem:$0x1F840] =	vst v63  }
0x49: {  	s8 =	simm.s32 $0x1  }
0x4a: {  	_ =	swait.ge [sflag:s8], $0x800  }
0x4b: {  	[sflag:s8] =	ssyncset.done $0x0  }
0x4c: {  	[sflag:s8] =	ssyncadd.s32 $0xFFFFF800  }
0x4d: {  	[spmem:s2] =	stream.indirect.scatter.add.f32 [tilespmem:s23], [sflag:$0x2], $0x10, s9, s22, $0xb8;
	[tilespmem:$0x1F840] =	vst v63  }
0x4e: {  	s10 =	simm.s32 $0x480  }
0x4f: {  	[tilespmem:s1], [sflag:$0x1] =	stream.indirect.gather [hbm4b:s5+s22], $0x10, s10, s22, $0xb8;
	[tilespmem:$0x1F840] =	vst v63  }
0x50: {  	_ =	swait.ge [sflag:s8], $0x800  }
0x51: {  	[sflag:s8] =	ssyncset.done $0x0  }
0x52: {  	s11 =	simm.s32 $0xA80;
	[sflag:s8] =	ssyncadd.s32 $0xFFFFF800  }
0x53: {  	[spmem:s2] =	stream.indirect.scatter.add.f32 [tilespmem:s24], [sflag:$0x2], $0x10, s11, s22, $0xb8;
	[tilespmem:$0x1F840] =	vst v63  }
0x54: {  	_ =	swait.ge [sflag:s28], $0x800  }
0x55: {  	[sflag:s28] =	ssyncset.done $0x0  }
0x56: {  	[sflag:s28] =	ssyncadd.s32 $0xFFFFF800  }
0x57: {  	_ =	swait.ge [sflag:s8], $0x800  }
0x58: {  	[sflag:s8] =	ssyncset.done $0x0  }
0x59: {  	s18 =	simm.s32 $0xB00;
	[sflag:s8] =	ssyncadd.s32 $0xFFFFF800  }
0x5a: {  	[spmem:s2] =	stream.indirect.scatter.add.f32 [tilespmem:s26], [sflag:$0x2], $0x10, s18, s22, $0xb8;
	[tilespmem:$0x1F840] =	vst v63  }
0x5b: {  	_ =	swait.ge [sflag:s28], $0x800  }
0x5c: {  	[sflag:s28] =	ssyncset.done $0x0  }
0x5d: {  	[sflag:s28] =	ssyncadd.s32 $0xFFFFF800  }
0x5e: {  	_ =	swait.ge [sflag:s8], $0x800  }
0x5f: {  	[sflag:s8] =	ssyncset.done $0x0  }
0x60: {  	s9 =	simm.s32 $0xB80;
	[sflag:s8] =	ssyncadd.s32 $0xFFFFF800  }
0x61: {  	[spmem:s2] =	stream.indirect.scatter.add.f32 [tilespmem:s29], [sflag:$0x2], $0x10, s9, s22, $0xb8;
	[tilespmem:$0x1F840] =	vst v63  }
0x62: {  	_ =	swait.ge [sflag:s28], $0x800  }
0x63: {  	[sflag:s28] =	ssyncset.done $0x0  }
0x64: {  	[sflag:s28] =	ssyncadd.s32 $0xFFFFF800  }
0x65: {  	_ =	swait.ge [sflag:s8], $0x800  }
0x66: {  	[sflag:s8] =	ssyncset.done $0x0  }
0x67: {  	s10 =	simm.s32 $0xC00;
	[sflag:s8] =	ssyncadd.s32 $0xFFFFF800  }
0x68: {  	[spmem:s2] =	stream.indirect.scatter.add.f32 [tilespmem:s31], [sflag:$0x2], $0x10, s10, s22, $0xb8;
	[tilespmem:$0x1F840] =	vst v63  }
0x69: {  	_ =	swait.ge [sflag:s28], $0x800  }
0x6a: {  	[sflag:s28] =	ssyncset.done $0x0  }
0x6b: {  	[sflag:s28] =	ssyncadd.s32 $0xFFFFF800  }
0x6c: {  	_ =	swait.ge [sflag:s8], $0x800  }
0x6d: {  	[sflag:s8] =	ssyncset.done $0x0  }
0x6e: {  	s11 =	simm.s32 $0xC80;
	[sflag:s8] =	ssyncadd.s32 $0xFFFFF800  }
0x6f: {  	[spmem:s2] =	stream.indirect.scatter.add.f32 [tilespmem:s3], [sflag:$0x2], $0x10, s11, s22, $0xb8;
	[tilespmem:$0x1F840] =	vst v63  }
0x70: {  	_ =	swait.ge [sflag:s28], $0x800  }
0x71: {  	[sflag:s28] =	ssyncset.done $0x0  }
0x72: {  	[sflag:s28] =	ssyncadd.s32 $0xFFFFF800  }
0x73: {  	_ =	swait.ge [sflag:s8], $0x800  }
0x74: {  	[sflag:s8] =	ssyncset.done $0x0  }
0x75: {  	s18 =	simm.s32 $0xD00;
	[sflag:s8] =	ssyncadd.s32 $0xFFFFF800  }
0x76: {  	[spmem:s2] =	stream.indirect.scatter.add.f32 [tilespmem:s20], [sflag:$0x2], $0x10, s18, s22, $0xb8;
	[tilespmem:$0x1F840] =	vst v63  }
0x77: {  	_ =	swait.ge [sflag:s28], $0x800  }
0x78: {  	[sflag:s28] =	ssyncset.done $0x0  }
0x79: {  	[sflag:s28] =	ssyncadd.s32 $0xFFFFF800  }
0x7a: {  	_ =	swait.ge [sflag:s8], $0x800  }
0x7b: {  	[sflag:s8] =	ssyncset.done $0x0  }
0x7c: {  	s9 =	simm.s32 $0xD80;
	[sflag:s8] =	ssyncadd.s32 $0xFFFFF800  }
0x7d: {  	[spmem:s2] =	stream.indirect.scatter.add.f32 [tilespmem:s25], [sflag:$0x2], $0x10, s9, s22, $0xb8;
	[tilespmem:$0x1F840] =	vst v63  }
0x7e: {  	_ =	swait.ge [sflag:s28], $0x800  }
0x7f: {  	[sflag:s28] =	ssyncset.done $0x0  }
0x80: {  	[sflag:s28] =	ssyncadd.s32 $0xFFFFF800  }
0x81: {  	_ =	swait.ge [sflag:s8], $0x800  }
0x82: {  	[sflag:s8] =	ssyncset.done $0x0  }
0x83: {  	s10 =	simm.s32 $0xE00;
	[sflag:s8] =	ssyncadd.s32 $0xFFFFF800  }
0x84: {  	[spmem:s2] =	stream.indirect.scatter.add.f32 [tilespmem:s30], [sflag:$0x2], $0x10, s10, s22, $0xb8;
	[tilespmem:$0x1F840] =	vst v63  }
0x85: {  	_ =	swait.ge [sflag:s28], $0x800  }
0x86: {  	[sflag:s28] =	ssyncset.done $0x0  }
0x87: {  	[sflag:s28] =	ssyncadd.s32 $0xFFFFF800  }
0x88: {  	_ =	swait.ge [sflag:s8], $0x800  }
0x89: {  	[sflag:s8] =	ssyncset.done $0x0  }
0x8a: {  	s11 =	simm.s32 $0xE80;
	[sflag:s8] =	ssyncadd.s32 $0xFFFFF800  }
0x8b: {  	[spmem:s2] =	stream.indirect.scatter.add.f32 [tilespmem:s1], [sflag:$0x2], $0x10, s11, s22, $0xb8;
	[tilespmem:$0x1F840] =	vst v63  }
0x8c: {  	_ =	swait.ge [sflag:s19], $0x500  }
0x8d: {  	[sflag:s19] =	ssyncset.done $0x0  }
0x8e: {  	p0 =	sle.u32 s6, $0x2;
	s8 =	sand.u32 $0x1, s8;
	[sflag:s19] =	ssyncadd.s32 $0xFFFFFB00  }
0x8f: {  	s9 =	sxor.u32 @!p0 $0x1, s8;
	_ =	swait.ge [sflag:s19], $0x500  }
0x90: {  	s9 =	smul.u32 @!p0 $0x500, s9;
	[sflag:s19] =	ssyncset.done $0x0  }
0x91: {  	s11 =	simm.s32 @!p0 $0x0;
	[sflag:s19] =	ssyncadd.s32 $0xFFFFFB00  }
0x92: {  	[tilespmem:s9], [sflag:$0x3] =	stream.linear.gather @!p0 [hbm4b:s14+s11], $0x500, $0x38;
	[tilespmem:$0x1F840] =	vst v63  }
0x93: {  	s10 =	smul.u32 $0x500, s8;
	s9 =	sadd.s32 @!p0 $0xA00, s9  }
0x94: {  	[tilespmem:s9], [sflag:$0x3] =	stream.linear.gather @!p0 [hbm4b:s13+s11], $0x500, $0x38;
	[tilespmem:$0x1F840] =	vst v63  }
0x95: {  	_ = 	snop  }
0x96: {  	[tilespmem:s23], [sflag:$0x1] =	stream.indirect.gather [hbm4b:s5+s22], $0x10, s10, s22, $0xb8;
	[tilespmem:$0x1F840] =	vst v63  }
0x97: {  	s8 =	sor.u32 $0x80, s10  }
0x98: {  	[tilespmem:s24], [sflag:$0x1] =	stream.indirect.gather [hbm4b:s5+s22], $0x10, s8, s22, $0xb8;
	[tilespmem:$0x1F840] =	vst v63  }
0x99: {  	s18 =	sadd.s32 $0x100, s10  }
0x9a: {  	[tilespmem:s26], [sflag:$0x1] =	stream.indirect.gather [hbm4b:s5+s22], $0x10, s18, s22, $0xb8;
	[tilespmem:$0x1F840] =	vst v63  }
0x9b: {  	s7 =	sadd.s32 $0x180, s10  }
0x9c: {  	[tilespmem:s29], [sflag:$0x1] =	stream.indirect.gather [hbm4b:s5+s22], $0x10, s7, s22, $0xb8;
	[tilespmem:$0x1F840] =	vst v63  }
0x9d: {  	s9 =	sadd.s32 $0x200, s10  }
0x9e: {  	[tilespmem:s31], [sflag:$0x1] =	stream.indirect.gather [hbm4b:s5+s22], $0x10, s9, s22, $0xb8;
	[tilespmem:$0x1F840] =	vst v63  }
0x9f: {  	s11 =	sadd.s32 $0x280, s10  }
0xa0: {  	[tilespmem:s3], [sflag:$0x1] =	stream.indirect.gather [hbm4b:s5+s22], $0x10, s11, s22, $0xb8;
	[tilespmem:$0x1F840] =	vst v63  }
0xa1: {  	s18 =	sadd.s32 $0x300, s10  }
0xa2: {  	[tilespmem:s20], [sflag:$0x1] =	stream.indirect.gather [hbm4b:s5+s22], $0x10, s18, s22, $0xb8;
	[tilespmem:$0x1F840] =	vst v63  }
0xa3: {  	s7 =	sadd.s32 $0x380, s10  }
0xa4: {  	[tilespmem:s25], [sflag:$0x1] =	stream.indirect.gather [hbm4b:s5+s22], $0x10, s7, s22, $0xb8;
	[tilespmem:$0x1F840] =	vst v63  }
0xa5: {  	_ =	swait.ge [sflag:s28], $0x800  }
0xa6: {  	[sflag:s28] =	ssyncset.done $0x0  }
0xa7: {  	s9 =	sadd.s32 $0x400, s10;
	[sflag:s28] =	ssyncadd.s32 $0xFFFFF800  }
0xa8: {  	[tilespmem:s30], [sflag:$0x1] =	stream.indirect.gather [hbm4b:s5+s22], $0x10, s9, s22, $0xb8;
	[tilespmem:$0x1F840] =	vst v63  }
0xa9: {  	_ =	swait.ge [sflag:s0], $0x800  }
0xaa: {  	[sflag:s0] =	ssyncset.done $0x0  }
0xab: {  	s11 =	sadd.s32 $0xA00, s10;
	[sflag:s0] =	ssyncadd.s32 $0xFFFFF800  }
0xac: {  	[spmem:s2] =	stream.indirect.scatter.add.f32 [tilespmem:s23], [sflag:$0x2], $0x10, s11, s22, $0xb8;
	[tilespmem:$0x1F840] =	vst v63  }
0xad: {  	_ =	swait.ge [sflag:s28], $0x800  }
0xae: {  	[sflag:s28] =	ssyncset.done $0x0  }
0xaf: {  	s18 =	sadd.s32 $0x480, s10;
	[sflag:s28] =	ssyncadd.s32 $0xFFFFF800  }
0xb0: {  	[tilespmem:s1], [sflag:$0x1] =	stream.indirect.gather [hbm4b:s5+s22], $0x10, s18, s22, $0xb8;
	[tilespmem:$0x1F840] =	vst v63  }
0xb1: {  	_ =	swait.ge [sflag:s0], $0x800  }
0xb2: {  	[sflag:s0] =	ssyncset.done $0x0  }
0xb3: {  	s7 =	sadd.s32 $0xA80, s10;
	[sflag:s0] =	ssyncadd.s32 $0xFFFFF800  }
0xb4: {  	[spmem:s2] =	stream.indirect.scatter.add.f32 [tilespmem:s24], [sflag:$0x2], $0x10, s7, s22, $0xb8;
	[tilespmem:$0x1F840] =	vst v63  }
0xb5: {  	_ =	swait.ge [sflag:s28], $0x800  }
0xb6: {  	[sflag:s28] =	ssyncset.done $0x0  }
0xb7: {  	[sflag:s28] =	ssyncadd.s32 $0xFFFFF800  }
0xb8: {  	_ =	swait.ge [sflag:s0], $0x800  }
0xb9: {  	[sflag:s0] =	ssyncset.done $0x0  }
0xba: {  	s9 =	sadd.s32 $0xB00, s10;
	[sflag:s0] =	ssyncadd.s32 $0xFFFFF800  }
0xbb: {  	[spmem:s2] =	stream.indirect.scatter.add.f32 [tilespmem:s26], [sflag:$0x2], $0x10, s9, s22, $0xb8;
	[tilespmem:$0x1F840] =	vst v63  }
0xbc: {  	_ =	swait.ge [sflag:s28], $0x800  }
0xbd: {  	[sflag:s28] =	ssyncset.done $0x0  }
0xbe: {  	[sflag:s28] =	ssyncadd.s32 $0xFFFFF800  }
0xbf: {  	_ =	swait.ge [sflag:s0], $0x800  }
0xc0: {  	[sflag:s0] =	ssyncset.done $0x0  }
0xc1: {  	s11 =	sadd.s32 $0xB80, s10;
	[sflag:s0] =	ssyncadd.s32 $0xFFFFF800  }
0xc2: {  	[spmem:s2] =	stream.indirect.scatter.add.f32 [tilespmem:s29], [sflag:$0x2], $0x10, s11, s22, $0xb8;
	[tilespmem:$0x1F840] =	vst v63  }
0xc3: {  	_ =	swait.ge [sflag:s28], $0x800  }
0xc4: {  	[sflag:s28] =	ssyncset.done $0x0  }
0xc5: {  	[sflag:s28] =	ssyncadd.s32 $0xFFFFF800  }
0xc6: {  	_ =	swait.ge [sflag:s0], $0x800  }
0xc7: {  	[sflag:s0] =	ssyncset.done $0x0  }
0xc8: {  	s18 =	sadd.s32 $0xC00, s10;
	[sflag:s0] =	ssyncadd.s32 $0xFFFFF800  }
0xc9: {  	[spmem:s2] =	stream.indirect.scatter.add.f32 [tilespmem:s31], [sflag:$0x2], $0x10, s18, s22, $0xb8;
	[tilespmem:$0x1F840] =	vst v63  }
0xca: {  	_ =	swait.ge [sflag:s28], $0x800  }
0xcb: {  	[sflag:s28] =	ssyncset.done $0x0  }
0xcc: {  	[sflag:s28] =	ssyncadd.s32 $0xFFFFF800  }
0xcd: {  	_ =	swait.ge [sflag:s0], $0x800  }
0xce: {  	[sflag:s0] =	ssyncset.done $0x0  }
0xcf: {  	s7 =	sadd.s32 $0xC80, s10;
	[sflag:s0] =	ssyncadd.s32 $0xFFFFF800  }
0xd0: {  	[spmem:s2] =	stream.indirect.scatter.add.f32 [tilespmem:s3], [sflag:$0x2], $0x10, s7, s22, $0xb8;
	[tilespmem:$0x1F840] =	vst v63  }
0xd1: {  	_ =	swait.ge [sflag:s28], $0x800  }
0xd2: {  	[sflag:s28] =	ssyncset.done $0x0  }
0xd3: {  	[sflag:s28] =	ssyncadd.s32 $0xFFFFF800  }
0xd4: {  	_ =	swait.ge [sflag:s0], $0x800  }
0xd5: {  	[sflag:s0] =	ssyncset.done $0x0  }
0xd6: {  	s9 =	sadd.s32 $0xD00, s10;
	[sflag:s0] =	ssyncadd.s32 $0xFFFFF800  }
0xd7: {  	[spmem:s2] =	stream.indirect.scatter.add.f32 [tilespmem:s20], [sflag:$0x2], $0x10, s9, s22, $0xb8;
	[tilespmem:$0x1F840] =	vst v63  }
0xd8: {  	_ =	swait.ge [sflag:s28], $0x800  }
0xd9: {  	[sflag:s28] =	ssyncset.done $0x0  }
0xda: {  	[sflag:s28] =	ssyncadd.s32 $0xFFFFF800  }
0xdb: {  	_ =	swait.ge [sflag:s0], $0x800  }
0xdc: {  	[sflag:s0] =	ssyncset.done $0x0  }
0xdd: {  	s11 =	sadd.s32 $0xD80, s10;
	[sflag:s0] =	ssyncadd.s32 $0xFFFFF800  }
0xde: {  	[spmem:s2] =	stream.indirect.scatter.add.f32 [tilespmem:s25], [sflag:$0x2], $0x10, s11, s22, $0xb8;
	[tilespmem:$0x1F840] =	vst v63  }
0xdf: {  	_ =	swait.ge [sflag:s28], $0x800  }
0xe0: {  	[sflag:s28] =	ssyncset.done $0x0  }
0xe1: {  	[sflag:s28] =	ssyncadd.s32 $0xFFFFF800  }
0xe2: {  	_ =	swait.ge [sflag:s0], $0x800  }
0xe3: {  	[sflag:s0] =	ssyncset.done $0x0  }
0xe4: {  	s18 =	sadd.s32 $0xE00, s10;
	[sflag:s0] =	ssyncadd.s32 $0xFFFFF800  }
0xe5: {  	[spmem:s2] =	stream.indirect.scatter.add.f32 [tilespmem:s30], [sflag:$0x2], $0x10, s18, s22, $0xb8;
	[tilespmem:$0x1F840] =	vst v63  }
0xe6: {  	p0 =	sne.s32 s6, $0x2;
	_ =	swait.ge [sflag:s28], $0x800  }
.Ltmp1:
0xe7: {  	[sflag:s28] =	ssyncset.done $0x0;
	(pc) =	sbr.rel @!p0 .LBB2_5-.Ltmp1, $4  }
0xe8: {  	[sflag:s28] =	ssyncadd.s32 $0xFFFFF800  }
0xe9: {  	_ =	swait.ge [sflag:s0], $0x800  }
0xea: {  	s8 =	simm.s32 $0x2;
	s9 =	sadd.s32 $0xA0, s14;
	[sflag:s0] =	ssyncset.done $0x0  }
0xeb: {  	s11 =	sadd.s32 $0xE80, s10;
	s10 =	sadd.s32 $0xA0, s13;
	[sflag:s0] =	ssyncadd.s32 $0xFFFFF800  }
.LBB2_4:
0xec: {  	[spmem:s2] =	stream.indirect.scatter.add.f32 [tilespmem:s1], [sflag:$0x2], $0x10, s11, s22, $0xb8;
	[tilespmem:$0x1F840] =	vst v63  }
0xed: {  	s11 =	smov.u32 s8;
	s8 =	sadd.s32 $0x1, s8;
	_ =	swait.ge [sflag:s19], $0x500  }
0xee: {  	p0 =	sne.s32 s6, s8;
	[sflag:s19] =	ssyncset.done $0x0  }
0xef: {  	s11 =	sand.u32 $0x1, s11;
	p1 =	sge.u32 s8, s6;
	[sflag:s19] =	ssyncadd.s32 $0xFFFFFB00  }
0xf0: {  	s18 =	sxor.u32 @!p1 $0x1, s11;
	_ =	swait.ge [sflag:s19], $0x500  }
0xf1: {  	s18 =	smul.u32 @!p1 $0x500, s18;
	[sflag:s19] =	ssyncset.done $0x0  }
0xf2: {  	s7 =	simm.s32 @!p1 $0x0;
	[sflag:s19] =	ssyncadd.s32 $0xFFFFFB00  }
0xf3: {  	[tilespmem:s18], [sflag:$0x3] =	stream.linear.gather @!p1 [hbm4b:s9+s7], $0x500, $0x38;
	[tilespmem:$0x1F840] =	vst v63  }
0xf4: {  	s11 =	smul.u32 $0x500, s11;
	s18 =	sadd.s32 @!p1 $0xA00, s18  }
0xf5: {  	[tilespmem:s18], [sflag:$0x3] =	stream.linear.gather @!p1 [hbm4b:s10+s7], $0x500, $0x38;
	[tilespmem:$0x1F840] =	vst v63  }
0xf6: {  	_ = 	snop  }
0xf7: {  	[tilespmem:s23], [sflag:$0x1] =	stream.indirect.gather [hbm4b:s5+s22], $0x10, s11, s22, $0xb8;
	[tilespmem:$0x1F840] =	vst v63  }
0xf8: {  	s7 =	sor.u32 $0x80, s11  }
0xf9: {  	[tilespmem:s24], [sflag:$0x1] =	stream.indirect.gather [hbm4b:s5+s22], $0x10, s7, s22, $0xb8;
	[tilespmem:$0x1F840] =	vst v63  }
0xfa: {  	s7 =	sadd.s32 $0x100, s11  }
0xfb: {  	[tilespmem:s26], [sflag:$0x1] =	stream.indirect.gather [hbm4b:s5+s22], $0x10, s7, s22, $0xb8;
	[tilespmem:$0x1F840] =	vst v63  }
0xfc: {  	s7 =	sadd.s32 $0x180, s11  }
0xfd: {  	[tilespmem:s29], [sflag:$0x1] =	stream.indirect.gather [hbm4b:s5+s22], $0x10, s7, s22, $0xb8;
	[tilespmem:$0x1F840] =	vst v63  }
0xfe: {  	s7 =	sadd.s32 $0x200, s11  }
0xff: {  	[tilespmem:s31], [sflag:$0x1] =	stream.indirect.gather [hbm4b:s5+s22], $0x10, s7, s22, $0xb8;
	[tilespmem:$0x1F840] =	vst v63  }
0x100: {  	s7 =	sadd.s32 $0x280, s11  }
0x101: {  	[tilespmem:s3], [sflag:$0x1] =	stream.indirect.gather [hbm4b:s5+s22], $0x10, s7, s22, $0xb8;
	[tilespmem:$0x1F840] =	vst v63  }
0x102: {  	s7 =	sadd.s32 $0x300, s11  }
0x103: {  	[tilespmem:s20], [sflag:$0x1] =	stream.indirect.gather [hbm4b:s5+s22], $0x10, s7, s22, $0xb8;
	[tilespmem:$0x1F840] =	vst v63  }
0x104: {  	s7 =	sadd.s32 $0x380, s11  }
0x105: {  	[tilespmem:s25], [sflag:$0x1] =	stream.indirect.gather [hbm4b:s5+s22], $0x10, s7, s22, $0xb8;
	[tilespmem:$0x1F840] =	vst v63  }
0x106: {  	_ =	swait.ge [sflag:s28], $0x800  }
0x107: {  	[sflag:s28] =	ssyncset.done $0x0  }
0x108: {  	s7 =	sadd.s32 $0x400, s11;
	[sflag:s28] =	ssyncadd.s32 $0xFFFFF800  }
0x109: {  	[tilespmem:s30], [sflag:$0x1] =	stream.indirect.gather [hbm4b:s5+s22], $0x10, s7, s22, $0xb8;
	[tilespmem:$0x1F840] =	vst v63  }
0x10a: {  	_ =	swait.ge [sflag:s0], $0x800  }
0x10b: {  	[sflag:s0] =	ssyncset.done $0x0  }
0x10c: {  	s7 =	sadd.s32 $0xA00, s11;
	[sflag:s0] =	ssyncadd.s32 $0xFFFFF800  }
0x10d: {  	[spmem:s2] =	stream.indirect.scatter.add.f32 [tilespmem:s23], [sflag:$0x2], $0x10, s7, s22, $0xb8;
	[tilespmem:$0x1F840] =	vst v63  }
0x10e: {  	_ =	swait.ge [sflag:s28], $0x800  }
0x10f: {  	[sflag:s28] =	ssyncset.done $0x0  }
0x110: {  	s7 =	sadd.s32 $0x480, s11;
	[sflag:s28] =	ssyncadd.s32 $0xFFFFF800  }
0x111: {  	[tilespmem:s1], [sflag:$0x1] =	stream.indirect.gather [hbm4b:s5+s22], $0x10, s7, s22, $0xb8;
	[tilespmem:$0x1F840] =	vst v63  }
0x112: {  	_ =	swait.ge [sflag:s0], $0x800  }
0x113: {  	[sflag:s0] =	ssyncset.done $0x0  }
0x114: {  	s7 =	sadd.s32 $0xA80, s11;
	[sflag:s0] =	ssyncadd.s32 $0xFFFFF800  }
0x115: {  	[spmem:s2] =	stream.indirect.scatter.add.f32 [tilespmem:s24], [sflag:$0x2], $0x10, s7, s22, $0xb8;
	[tilespmem:$0x1F840] =	vst v63  }
0x116: {  	_ =	swait.ge [sflag:s28], $0x800  }
0x117: {  	[sflag:s28] =	ssyncset.done $0x0  }
0x118: {  	[sflag:s28] =	ssyncadd.s32 $0xFFFFF800  }
0x119: {  	_ =	swait.ge [sflag:s0], $0x800  }
0x11a: {  	[sflag:s0] =	ssyncset.done $0x0  }
0x11b: {  	s7 =	sadd.s32 $0xB00, s11;
	[sflag:s0] =	ssyncadd.s32 $0xFFFFF800  }
0x11c: {  	[spmem:s2] =	stream.indirect.scatter.add.f32 [tilespmem:s26], [sflag:$0x2], $0x10, s7, s22, $0xb8;
	[tilespmem:$0x1F840] =	vst v63  }
0x11d: {  	_ =	swait.ge [sflag:s28], $0x800  }
0x11e: {  	[sflag:s28] =	ssyncset.done $0x0  }
0x11f: {  	[sflag:s28] =	ssyncadd.s32 $0xFFFFF800  }
0x120: {  	_ =	swait.ge [sflag:s0], $0x800  }
0x121: {  	[sflag:s0] =	ssyncset.done $0x0  }
0x122: {  	s7 =	sadd.s32 $0xB80, s11;
	[sflag:s0] =	ssyncadd.s32 $0xFFFFF800  }
0x123: {  	[spmem:s2] =	stream.indirect.scatter.add.f32 [tilespmem:s29], [sflag:$0x2], $0x10, s7, s22, $0xb8;
	[tilespmem:$0x1F840] =	vst v63  }
0x124: {  	_ =	swait.ge [sflag:s28], $0x800  }
0x125: {  	[sflag:s28] =	ssyncset.done $0x0  }
0x126: {  	[sflag:s28] =	ssyncadd.s32 $0xFFFFF800  }
0x127: {  	_ =	swait.ge [sflag:s0], $0x800  }
0x128: {  	[sflag:s0] =	ssyncset.done $0x0  }
0x129: {  	s7 =	sadd.s32 $0xC00, s11;
	[sflag:s0] =	ssyncadd.s32 $0xFFFFF800  }
0x12a: {  	[spmem:s2] =	stream.indirect.scatter.add.f32 [tilespmem:s31], [sflag:$0x2], $0x10, s7, s22, $0xb8;
	[tilespmem:$0x1F840] =	vst v63  }
0x12b: {  	_ =	swait.ge [sflag:s28], $0x800  }
0x12c: {  	[sflag:s28] =	ssyncset.done $0x0  }
0x12d: {  	[sflag:s28] =	ssyncadd.s32 $0xFFFFF800  }
0x12e: {  	_ =	swait.ge [sflag:s0], $0x800  }
0x12f: {  	[sflag:s0] =	ssyncset.done $0x0  }
0x130: {  	s7 =	sadd.s32 $0xC80, s11;
	[sflag:s0] =	ssyncadd.s32 $0xFFFFF800  }
0x131: {  	[spmem:s2] =	stream.indirect.scatter.add.f32 [tilespmem:s3], [sflag:$0x2], $0x10, s7, s22, $0xb8;
	[tilespmem:$0x1F840] =	vst v63  }
0x132: {  	_ =	swait.ge [sflag:s28], $0x800  }
0x133: {  	[sflag:s28] =	ssyncset.done $0x0  }
0x134: {  	[sflag:s28] =	ssyncadd.s32 $0xFFFFF800  }
0x135: {  	_ =	swait.ge [sflag:s0], $0x800  }
0x136: {  	[sflag:s0] =	ssyncset.done $0x0  }
0x137: {  	s7 =	sadd.s32 $0xD00, s11;
	[sflag:s0] =	ssyncadd.s32 $0xFFFFF800  }
0x138: {  	[spmem:s2] =	stream.indirect.scatter.add.f32 [tilespmem:s20], [sflag:$0x2], $0x10, s7, s22, $0xb8;
	[tilespmem:$0x1F840] =	vst v63  }
0x139: {  	_ =	swait.ge [sflag:s28], $0x800  }
0x13a: {  	[sflag:s28] =	ssyncset.done $0x0  }
0x13b: {  	[sflag:s28] =	ssyncadd.s32 $0xFFFFF800  }
0x13c: {  	_ =	swait.ge [sflag:s0], $0x800  }
0x13d: {  	[sflag:s0] =	ssyncset.done $0x0  }
0x13e: {  	s7 =	sadd.s32 $0xD80, s11;
	[sflag:s0] =	ssyncadd.s32 $0xFFFFF800  }
0x13f: {  	[spmem:s2] =	stream.indirect.scatter.add.f32 [tilespmem:s25], [sflag:$0x2], $0x10, s7, s22, $0xb8;
	[tilespmem:$0x1F840] =	vst v63  }
0x140: {  	_ =	swait.ge [sflag:s28], $0x800  }
0x141: {  	[sflag:s28] =	ssyncset.done $0x0  }
0x142: {  	[sflag:s28] =	ssyncadd.s32 $0xFFFFF800  }
0x143: {  	_ =	swait.ge [sflag:s0], $0x800  }
0x144: {  	[sflag:s0] =	ssyncset.done $0x0  }
0x145: {  	s7 =	sadd.s32 $0xE00, s11;
	[sflag:s0] =	ssyncadd.s32 $0xFFFFF800  }
0x146: {  	[spmem:s2] =	stream.indirect.scatter.add.f32 [tilespmem:s30], [sflag:$0x2], $0x10, s7, s22, $0xb8;
	[tilespmem:$0x1F840] =	vst v63  }
0x147: {  	_ =	swait.ge [sflag:s28], $0x800  }
.Ltmp2:
0x148: {  	[sflag:s28] =	ssyncset.done $0x0;
	(pc) =	sbr.rel @p0 .LBB2_4-.Ltmp2, $4  }
0x149: {  	[sflag:s28] =	ssyncadd.s32 $0xFFFFF800  }
0x14a: {  	_ =	swait.ge [sflag:s0], $0x800  }
0x14b: {  	s9 =	sadd.s32 $0xA0, s9;
	[sflag:s0] =	ssyncset.done $0x0  }
0x14c: {  	s10 =	sadd.s32 $0xA0, s10;
	s11 =	sadd.s32 $0xE80, s11;
	[sflag:s0] =	ssyncadd.s32 $0xFFFFF800  }
.LBB2_5:
0x14d: {  	[spmem:s2] =	stream.indirect.scatter.add.f32 [tilespmem:s1], [sflag:$0x2], $0x10, s11, s22, $0xb8;
	[tilespmem:$0x1F840] =	vst v63  }
0x14e: {  	_ =	swait.ge [sflag:s28], $0x800  }
0x14f: {  	[sflag:s28] =	ssyncset.done $0x0  }
0x150: {  	[sflag:s28] =	ssyncadd.s32 $0xFFFFF800  }
0x151: {  	_ =	swait.ge [sflag:s28], $0x800  }
0x152: {  	[sflag:s28] =	ssyncset.done $0x0  }
0x153: {  	[sflag:s28] =	ssyncadd.s32 $0xFFFFF800  }
0x154: {  	[bflag:$0x0] =	sbarrier.arrive $0xFFFF  }
0x155: {  	[tilespmem:s16], [sflag:$0x4] =	stream.linear.gather [spmem:s12], $0xC40, $0x38;
	[tilespmem:$0x1F840] =	vst v63  }
0x156: {  	_ =	swait.ge [sflag:s17], $0xC40  }
0x157: {  	[sflag:s17] =	ssyncset.done $0x0  }
0x158: {  	s7 =	sadd.s32 $0x0, s15;
	[sflag:s17] =	ssyncadd.s32 $0xFFFFF3C0  }
0x159: {  	[hbm4b:s7+s4] =	stream.linear.scatter [tilespmem:s16], [sflag:$0x4], $0xC40, $0x38;
	[tilespmem:$0x1F840] =	vst v63  }
0x15a: {  	_ =	swait.ge [sflag:s17], $0xC40  }
0x15b: {  	s8 =	simm.s32 $0x188;
	s9 =	smov.u32 s12;
	[sflag:s17] =	ssyncset.done $0x0  }
.LBB2_6:
0x15c: {  	p0 =	sne.s32 s8, $0x2F78;
	[sflag:s17] =	ssyncadd.s32 $0xFFFFF3C0;
	s9 =	sadd.s32 $0xC40, s9  }
0x15d: {  	[tilespmem:s16], [sflag:$0x4] =	stream.linear.gather [spmem:s9], $0xC40, $0x38;
	[tilespmem:$0x1F840] =	vst v63  }
0x15e: {  	s7 =	smov.u32 s8;
	s8 =	sadd.s32 $0x188, s8;
	_ =	swait.ge [sflag:s17], $0xC40  }
.Ltmp3:
0x15f: {  	[sflag:s17] =	ssyncset.done $0x0;
	(pc) =	sbr.rel @p0 .LBB2_6-.Ltmp3, $4  }
0x160: {  	s7 =	sadd.s32 s7, s15;
	[sflag:s17] =	ssyncadd.s32 $0xFFFFF3C0  }
0x161: {  	[hbm4b:s7+s4] =	stream.linear.scatter [tilespmem:s16], [sflag:$0x4], $0xC40, $0x38;
	[tilespmem:$0x1F840] =	vst v63  }
0x162: {  	_ =	swait.ge [sflag:s17], $0xC40  }
0x163: {  	[sflag:s17] =	ssyncset.done $0x0  }
0x164: {  	s21 =	sadd.s32 $0x1, s21;
	s7 =	rddreg [dreg:$0x8]  }
0x165: {  	p0 =	sne.s32 s21, s7  }
.Ltmp4:
0x166: {  	_ = 	snop;
	(pc) =	sbr.rel @p0 .LBB2_1-.Ltmp4, $2  }
0x167: {  	_ =	sdelay $0x2  }
0x168: {  	[sflag:s17] =	ssyncadd.s32 $0xFFFFF3C0  }
0x169: {  	_ =	sfence.sel $0x180000  }
0x16a: {  	[bflag:$0x0] =	sbarrier.arrive $0xFFFF  }
0x16b: {  	_ =	strace $0x90000047  }
0x16c: {  	s0 =	stileid.u32;
	[bflag:$0x2] =	sbarrier.arrive $0xFFFF  }
0x16d: {  	p0 =	sne.s32 s0, $0x0;
	s0 =	rddreg [dreg:$0x3]  }
0x16e: {  	s0 =	sadd.s32 @!p0 $0x100000, s0  }
0x16f: {  	[sflag:s0] =	ssyncadd.tile.s32 @!p0 $0x1;
	_ =	shalt  }
.Lfunc_end2:
_tile_overlayer_lowered:
.L_overlay_start_2:
0x170: {  	(tag) =	ssettag $0x2  }
0x171: {  	s0 =	rddreg [dreg:$0x0];
	s2 =	stileid.u32  }
0x172: {  	s1 =	rddreg [dreg:$0x1];
	p0 =	sne.s32 s2, $0x0  }
0x173: {  	s3 =	rddreg [dreg:$0x2];
	[bflag:$0x3] =	sbarrier.arrive $0xFFFF;
	s2 =	simm.s32 @!p0 $0x1C04  }
0x174: {  	[timem:s3], [sflag:s2] =	dma.local @!p0 [hbm:s0], s1  }
0x175: {  	s0 =	simm.s32 @!p0 $0x4  }
0x176: {  	_ =	swait.ge @!p0 [sflag:s0], s1  }
0x177: {  	s1 =	ssub.s32 @!p0 $0x0, s1;
	[sflag:s0] =	ssyncset.done @!p0 $0x0  }
0x178: {  	[sflag:s0] =	ssyncadd.s32 @!p0 s1  }
0x179: {  	[bflag:$0x3] =	sbarrier.arrive $0xFFFF  }
0x17a: {  	_ =	shalt  }

</sc_bundles>
